<compile_context>
chip_gen: v7x
topology: tpu7x:2x2x1
jax: 0.10.2.dev20260603
libtpu: 0.0.44.dev20260713+nightly
codegen_flags: <defaults>
</compile_context>

<pallas_src>
import functools

import jax
import jax.numpy as jnp
from jax import lax
from jax.experimental import pallas as pl
from jax.experimental.pallas import tpu as pltpu
from jax.experimental.pallas import tpu_sc as plsc

N = 10000
E = 320000
D = 128
HD = D // 2
NC = 2
NS = 16
NW = NC * NS
EPW = E // NW
C = 80
KC = EPW // C



def _pack_bf16(h):
    lo = lax.bitcast_convert_type(h[:, :HD].astype(jnp.bfloat16),
                                  jnp.uint16).astype(jnp.uint32)
    hi = lax.bitcast_convert_type(h[:, HD:].astype(jnp.bfloat16),
                                  jnp.uint16).astype(jnp.uint32)
    return lax.bitcast_convert_type(lo | (hi << 16), jnp.int32)


def _mm_body(a_ref, w_ref, o_ref):
    o_ref[...] = jnp.dot(a_ref[...], w_ref[...],
                         preferred_element_type=jnp.float32)


def _mm(a, w, blk):
    r = a.shape[0]
    return pl.pallas_call(
        _mm_body,
        grid=(r // blk,),
        in_specs=[pl.BlockSpec((blk, D), lambda i: (i, 0)),
                  pl.BlockSpec((D, D), lambda i: (0, 0))],
        out_specs=pl.BlockSpec((blk, D), lambda i: (i, 0)),
        out_shape=jax.ShapeDtypeStruct((r, D), jnp.float32),
    )(a, w)


def _mmh_body(a_ref, w_ref, o_ref):
    h = jnp.dot(a_ref[...], w_ref[...], preferred_element_type=jnp.float32)
    o_ref[...] = _pack_bf16(h)


def _mmh(a, w, blk):
    r = a.shape[0]
    return pl.pallas_call(
        _mmh_body,
        grid=(r // blk,),
        in_specs=[pl.BlockSpec((blk, D), lambda i: (i, 0)),
                  pl.BlockSpec((D, D), lambda i: (0, 0))],
        out_specs=pl.BlockSpec((blk, HD), lambda i: (i, 0)),
        out_shape=jax.ShapeDtypeStruct((r, HD), jnp.int32),
    )(a, w)


def _h2_mm_body(ea_ref, m_ref, w_ref, o_ref):
    pv = ea_ref[...] + m_ref[...]
    h = jnp.dot(pv, w_ref[...], preferred_element_type=jnp.float32)
    o_ref[...] = _pack_bf16(h)


def _h2_mm(ea, m, w, blk):
    return pl.pallas_call(
        _h2_mm_body,
        grid=(ea.shape[0] // blk,),
        in_specs=[pl.BlockSpec((blk, D), lambda i: (i, 0)),
                  pl.BlockSpec((blk, D), lambda i: (i, 0)),
                  pl.BlockSpec((D, D), lambda i: (0, 0))],
        out_specs=pl.BlockSpec((blk, HD), lambda i: (i, 0)),
        out_shape=jax.ShapeDtypeStruct((ea.shape[0], HD), jnp.int32),
    )(ea, m, w)


def _upd_body(x_ref, agg_ref, bgg_ref, wu_ref, b_ref, wm_ref, xo_ref, yo_ref):
    agg = (agg_ref[0] + agg_ref[1]) + (bgg_ref[0] + bgg_ref[1])
    xn = x_ref[...] + jnp.maximum(
        jnp.dot(agg, wu_ref[...], preferred_element_type=jnp.float32)
        + b_ref[...], 0.0)
    xo_ref[...] = xn
    yo_ref[...] = jnp.dot(xn, wm_ref[...], preferred_element_type=jnp.float32)


def _update(x, agga, aggb, wu, b2, wm, blk=2000):
    return pl.pallas_call(
        _upd_body,
        grid=(N // blk,),
        in_specs=[pl.BlockSpec((blk, D), lambda i: (i, 0)),
                  pl.BlockSpec((2, blk, D), lambda i: (0, i, 0)),
                  pl.BlockSpec((2, blk, D), lambda i: (0, i, 0)),
                  pl.BlockSpec((D, D), lambda i: (0, 0)),
                  pl.BlockSpec((1, D), lambda i: (0, 0)),
                  pl.BlockSpec((D, D), lambda i: (0, 0))],
        out_specs=[pl.BlockSpec((blk, D), lambda i: (i, 0)),
                   pl.BlockSpec((blk, D), lambda i: (i, 0))],
        out_shape=[jax.ShapeDtypeStruct((N, D), jnp.float32),
                   jax.ShapeDtypeStruct((N, D), jnp.float32)],
    )(x, agga, aggb, wu, b2, wm)



def _sc_body(with_m, EW, KCk, *refs):
    if with_m:
        (y_hbm, h_hbm, src_hbm, dst_hbm, z_hbm,
         agg_hbm, m_hbm,
         srci, dsti, gv, hv, aggsh, si, sg, sh, sa, sm) = refs
    else:
        (y_hbm, h_hbm, src_hbm, dst_hbm, z_hbm,
         agg_hbm,
         srci, dsti, gv, hv, aggsh, si, sg, sh, sa, sm) = refs
        m_hbm = None

    c = lax.axis_index("c")
    s = lax.axis_index("s")
    w = c * NS + s

    @pl.when(s == 0)
    def _zero():
        pltpu.sync_copy(z_hbm, aggsh)
    plsc.subcore_barrier()

    def issue_idx(k):
        p = jnp.bitwise_and(k, 3)
        pltpu.async_copy(src_hbm.at[w, k], srci.at[p], si.at[p])
        pltpu.async_copy(dst_hbm.at[w, k], dsti.at[p], si.at[p])

    def issue_in(k):
        p = jnp.bitwise_and(k, 1)
        pi = jnp.bitwise_and(k, 3)
        base = w * EW + k * C
        pltpu.async_copy(y_hbm.at[srci.at[pi]], gv.at[p], sg.at[p])
        pltpu.async_copy(h_hbm.at[pl.ds(base, C), :], hv.at[p], sh.at[p])

    def _drain(sem, dummy_src, dst):
        pltpu.make_async_copy(dummy_src, dst, sem).wait()

    pltpu.sync_copy(src_hbm.at[w, 0], srci.at[0])
    pltpu.sync_copy(dst_hbm.at[w, 0], dsti.at[0])
    issue_in(0)
    issue_idx(1)

    def body(k, carry):
        p = jnp.bitwise_and(k, 1)
        q = jnp.bitwise_and(k + 1, 1)
        pi = jnp.bitwise_and(k, 3)
        qi = jnp.bitwise_and(k + 1, 3)

        @pl.when(k < KCk - 1)
        def _():
            _drain(si.at[qi], src_hbm.at[w, 0], srci.at[qi])
            _drain(si.at[qi], src_hbm.at[w, 0], dsti.at[qi])

            @pl.when(k > 0)
            def _():
                _drain(sa.at[q], z_hbm.at[pl.ds(0, C), :], gv.at[q])
                if with_m:
                    _drain(sm.at[q], z_hbm.at[pl.ds(0, C), :], gv.at[q])
            issue_in(k + 1)
        _drain(sg.at[p], z_hbm.at[pl.ds(0, C), :], gv.at[p])
        _drain(sh.at[p], h_hbm.at[pl.ds(0, C), :], hv.at[p])

        def row(r, cr):
            for j in range(HD // 16):
                sl = pl.ds(j * 16, 16)
                sh_ = pl.ds(HD + j * 16, 16)
                vi = hv[p, r, sl]
                flo = lax.bitcast_convert_type(vi << 16, jnp.float32)
                fhi = lax.bitcast_convert_type(
                    jnp.bitwise_and(vi, jnp.int32(-65536)), jnp.float32)
                gv[p, r, sl] = jnp.maximum(gv[p, r, sl] + flo, 0.0)
                gv[p, r, sh_] = jnp.maximum(gv[p, r, sh_] + fhi, 0.0)
            return cr
        lax.fori_loop(0, C, row, 0, unroll=2)

        pltpu.async_copy(gv.at[p], aggsh.at[dsti.at[pi]], sa.at[p], add=True)
        if with_m:
            pltpu.async_copy(gv.at[p], m_hbm.at[pl.ds(w * EW + k * C, C), :],
                             sm.at[p])

        @pl.when(k < KCk - 2)
        def _():
            issue_idx(k + 2)
        return carry

    lax.fori_loop(0, KCk, body, 0)
    for slot in (0, 1):
        _drain(sa.at[slot], z_hbm.at[pl.ds(0, C), :], gv.at[slot])
        if with_m:
            _drain(sm.at[slot], z_hbm.at[pl.ds(0, C), :], gv.at[slot])
    plsc.subcore_barrier()

    @pl.when(s < NS - 1)
    def _dump_main():
        pltpu.sync_copy(aggsh.at[pl.ds(s * 640, 640), :],
                        agg_hbm.at[c, pl.ds(s * 640, 640), :])

    @pl.when(s == NS - 1)
    def _dump_tail():
        pltpu.sync_copy(aggsh.at[pl.ds(9600, 400), :],
                        agg_hbm.at[c, pl.ds(9600, 400), :])


_MESH = plsc.VectorSubcoreMesh(core_axis_name="c", subcore_axis_name="s",
                               num_cores=NC, num_subcores=NS)

_SC_SCRATCH = (
    [pltpu.VMEM((4, C), jnp.int32)] * 2
    + [pltpu.VMEM((2, C, D), jnp.float32)]
    + [pltpu.VMEM((2, C, HD), jnp.int32)]
    + [pltpu.VMEM_SHARED((N, D), jnp.float32)]
    + [pltpu.SemaphoreType.DMA((4,))]
    + [pltpu.SemaphoreType.DMA((2,))] * 4
)

_SC_PARAMS = pltpu.CompilerParams(use_tc_tiling_on_sc=False,
                                  internal_scratch_in_bytes=128 * 1024)

def _make_sc(with_m, ec):
    ew = ec // NW
    kck = ew // C
    out = jax.ShapeDtypeStruct((NC, N, D), jnp.float32)
    if with_m:
        out = [out, jax.ShapeDtypeStruct((ec, D), jnp.float32)]
    return pl.kernel(
        functools.partial(_sc_body, with_m, ew, kck),
        out_type=out,
        mesh=_MESH,
        scratch_types=_SC_SCRATCH,
        compiler_params=_SC_PARAMS,
    )


EA = 153600
EB = E - EA

_sc_m_a = _make_sc(True, EA)
_sc_m_b = _make_sc(True, EB)
_sc_nom_a = _make_sc(False, EA)
_sc_nom_b = _make_sc(False, EB)


def kernel(x, edge_index, edge_attr, W_msg, W_edge, W_upd, b_upd):
    src = edge_index[0].astype(jnp.int32)
    dst = edge_index[1].astype(jnp.int32)
    srca = src[:EA].reshape(NW, EA // NW // C, C)
    dsta = dst[:EA].reshape(NW, EA // NW // C, C)
    srcb = src[EA:].reshape(NW, EB // NW // C, C)
    dstb = dst[EA:].reshape(NW, EB // NW // C, C)
    eaa = edge_attr[:EA]
    eab = edge_attr[EA:]
    zeros = jnp.zeros((N, D), jnp.float32)
    b2 = b_upd.reshape(1, D)

    y1 = _mm(x, W_msg, 2000)
    h1a = _mmh(eaa, W_edge, 3200)
    agg1a, m1a = _sc_m_a(y1, h1a, srca, dsta, zeros)
    h1b = _mmh(eab, W_edge, 3200)
    agg1b, m1b = _sc_m_b(y1, h1b, srcb, dstb, zeros)
    h2a = _h2_mm(eaa, m1a, W_edge, 3200)
    x1, y2 = _update(x, agg1a, agg1b, W_upd, b2, W_msg)

    agg2a = _sc_nom_a(y2, h2a, srca, dsta, zeros)
    h2b = _h2_mm(eab, m1b, W_edge, 3200)
    agg2b = _sc_nom_b(y2, h2b, srcb, dstb, zeros)
    x2, _ = _update(x1, agg2a, agg2b, W_upd, b2, W_msg)
    return x2

# --- scband reference (transcript-rebuilt; emitter-appended) ---
"""Pipeline reference for scband-initial-layer-52278341927409 (READ-ONLY COPY).

The authoritative reference and input builder live on the scoring server;
editing this copy changes nothing except your own understanding.
"""

import jax, jax.numpy as jnp
import numpy as np

HIDDEN_DIM = 128
REPEATS = 2
N_NODES = 10000
N_EDGES = 320000


def setup_inputs(seed: int = 0) -> dict:
    key = jax.random.key(seed)
    ks = jax.random.split(key, 8)
    x = jax.random.normal(ks[0], (N_NODES, HIDDEN_DIM), dtype=jnp.float32)
    edge_index = jax.random.randint(ks[1], (2, N_EDGES), 0, N_NODES, dtype=jnp.int64)
    edge_attr = jax.random.normal(ks[2], (N_EDGES, HIDDEN_DIM), dtype=jnp.float32)
    W_msg = jax.random.normal(ks[3], (HIDDEN_DIM, HIDDEN_DIM), dtype=jnp.float32) * 0.05
    W_edge = jax.random.normal(ks[4], (HIDDEN_DIM, HIDDEN_DIM), dtype=jnp.float32) * 0.05
    W_upd = jax.random.normal(ks[5], (HIDDEN_DIM, HIDDEN_DIM), dtype=jnp.float32) * 0.05
    b_upd = jnp.zeros((HIDDEN_DIM,), dtype=jnp.float32)
    return {"x": x, "edge_index": edge_index, "edge_attr": edge_attr,
            "W_msg": W_msg, "W_edge": W_edge, "W_upd": W_upd, "b_upd": b_upd}


def reference(x, edge_index, edge_attr, W_msg, W_edge, W_upd, b_upd):
    # InitialLayer.forward: poly_val = edge_attr; poly_idx = edge_index; run
    # GseMessagingBlock (repeated message passing over hidden_dim node and
    # edge features); edge_attr = poly_val at the end.
    src = edge_index[0]
    dst = edge_index[1]
    poly_val = edge_attr
    n = x.shape[0]
    for _ in range(REPEATS):
        # message: gather source node features + edge features, project, nonlinearity
        m = jax.nn.relu(jnp.take(x, src, axis=0) @ W_msg + poly_val @ W_edge)
        # aggregate messages at destination nodes (scatter-add)
        agg = jax.ops.segment_sum(m, dst, num_segments=n)
        # node update with residual
        x = x + jax.nn.relu(agg @ W_upd + b_upd)
        # edge (poly_val) update with residual
        poly_val = poly_val + m
    return x

if __name__ == "__main__":
    import jax
    _d = setup_inputs()
    print(jax.jit(kernel)(*tuple(_d.values())))

</pallas_src>

<mosaic_0001>
#map = affine_map<(d0, d1) -> (0, 0)>
#map1 = affine_map<(d0, d1) -> (0, 0, 0)>
module attributes {stable_mosaic.version = 14 : i64} {
  func.func @_sc_body(%arg0: i32, %arg1: i32, %arg2: memref<10000x128xf32, #tpu.memory_space<hbm>>, %arg3: memref<153600x64xi32, #tpu.memory_space<hbm>>, %arg4: memref<32x60x80xi32, #tpu.memory_space<hbm>>, %arg5: memref<32x60x80xi32, #tpu.memory_space<hbm>>, %arg6: memref<10000x128xf32, #tpu.memory_space<hbm>>, %arg7: memref<2x10000x128xf32, #tpu.memory_space<hbm>>, %arg8: memref<4x80xi32, #tpu.memory_space<vmem>>, %arg9: memref<4x80xi32, #tpu.memory_space<vmem>>, %arg10: memref<2x80x128xf32, #tpu.memory_space<vmem>>, %arg11: memref<2x80x64xi32, #tpu.memory_space<vmem>>, %arg12: memref<10000x128xf32, #tpu.memory_space<vmem_shared>>, %arg13: memref<4x!tpu.dma_semaphore, #tpu.memory_space<semaphore_mem>>, %arg14: memref<2x!tpu.dma_semaphore, #tpu.memory_space<semaphore_mem>>, %arg15: memref<2x!tpu.dma_semaphore, #tpu.memory_space<semaphore_mem>>, %arg16: memref<2x!tpu.dma_semaphore, #tpu.memory_space<semaphore_mem>>, %arg17: memref<2x!tpu.dma_semaphore, #tpu.memory_space<semaphore_mem>>) attributes {dimension_semantics = [#tpu.dimension_semantics<core_parallel>, #tpu.dimension_semantics<subcore_parallel>], iteration_bounds = array<i64: 2, 16>, scalar_prefetch = 0 : i64, scratch_operands = 10 : i64, tpu.core_type = #tpu.core_type<sc_vector_subcore>, window_params = [{transform_indices = #map}, {transform_indices = #map}, {transform_indices = #map1}, {transform_indices = #map1}, {transform_indices = #map}, {transform_indices = #map1}]} {
    %mul3A = arith.constant 16 : i32
    %mul3A_0 = arith.muli %arg0, %mul3A : i32
    %add3A = arith.addi %mul3A_0, %arg1 : i32
    %eq3A = arith.constant 0 : i32
    %eq3A_1 = arith.cmpi eq, %arg1, %eq3A : i32
    %convert_element_type3A = arith.extui %eq3A_1 : i1 to i32
    %cond3A = arith.constant 0 : i32
    %cond3A_2 = arith.cmpi ne, %convert_element_type3A, %cond3A : i32
    scf.if %cond3A_2 {
      "tpu.region"() ({
        %run_scoped3A_123 = tpu.sem_alloc : memref<!tpu.dma_semaphore, #tpu.memory_space<semaphore_mem>>
        tpu.enqueue_dma source(%arg6 : memref<10000x128xf32, #tpu.memory_space<hbm>>) target(%arg12 : memref<10000x128xf32, #tpu.memory_space<vmem_shared>>) target_semaphore(%run_scoped3A_123 : memref<!tpu.dma_semaphore, #tpu.memory_space<semaphore_mem>>)
        tpu.wait_dma2 semaphore(%run_scoped3A_123 : memref<!tpu.dma_semaphore, #tpu.memory_space<semaphore_mem>>) src(%arg6 : memref<10000x128xf32, #tpu.memory_space<hbm>>) dst(%arg12 : memref<10000x128xf32, #tpu.memory_space<vmem_shared>>)
        tpu.yield
      }) : () -> ()
    } else {
    }
    %barrier3A = arith.constant 0 : index
    tpu.barrier barrier_id(%barrier3A)
    %run_scoped3A = arith.constant 0 : i32
    %run_scoped3A_3 = arith.constant 0 : i32
    "tpu.region"() ({
      %run_scoped3A_123 = tpu.sem_alloc : memref<!tpu.dma_semaphore, #tpu.memory_space<semaphore_mem>>
      %dma_start3A_124 = arith.constant 0 : i32
      %dma_start3A_125 = tpu.memref_slice %arg8[%run_scoped3A_3, %dma_start3A_124] : memref<4x80xi32, #tpu.memory_space<vmem>> -> memref<1x80xi32, #tpu.memory_space<vmem>>
      %dma_start3A_126 = tpu.memref_squeeze %dma_start3A_125 : memref<1x80xi32, #tpu.memory_space<vmem>> -> memref<80xi32, #tpu.memory_space<vmem>>
      %dma_start3A_127 = arith.constant 0 : i32
      %dma_start3A_128 = tpu.memref_slice %arg4[%add3A, %run_scoped3A, %dma_start3A_127] : memref<32x60x80xi32, #tpu.memory_space<hbm>> -> memref<1x1x80xi32, #tpu.memory_space<hbm>>
      %dma_start3A_129 = tpu.memref_squeeze %dma_start3A_128 : memref<1x1x80xi32, #tpu.memory_space<hbm>> -> memref<80xi32, #tpu.memory_space<hbm>>
      %dma_start3A_130 = arith.constant 0 : i32
      %dma_start3A_131 = tpu.memref_slice %arg8[%run_scoped3A_3, %dma_start3A_130] : memref<4x80xi32, #tpu.memory_space<vmem>> -> memref<1x80xi32, #tpu.memory_space<vmem>>
      %dma_start3A_132 = tpu.memref_squeeze %dma_start3A_131 : memref<1x80xi32, #tpu.memory_space<vmem>> -> memref<80xi32, #tpu.memory_space<vmem>>
      %dma_start3A_133 = arith.constant 0 : i32
      %dma_start3A_134 = tpu.memref_slice %arg4[%add3A, %run_scoped3A, %dma_start3A_133] : memref<32x60x80xi32, #tpu.memory_space<hbm>> -> memref<1x1x80xi32, #tpu.memory_space<hbm>>
      %dma_start3A_135 = tpu.memref_squeeze %dma_start3A_134 : memref<1x1x80xi32, #tpu.memory_space<hbm>> -> memref<80xi32, #tpu.memory_space<hbm>>
      tpu.enqueue_dma source(%dma_start3A_135 : memref<80xi32, #tpu.memory_space<hbm>>) target(%dma_start3A_132 : memref<80xi32, #tpu.memory_space<vmem>>) target_semaphore(%run_scoped3A_123 : memref<!tpu.dma_semaphore, #tpu.memory_space<semaphore_mem>>)
      %dma_wait3A_136 = arith.constant 0 : i32
      %dma_wait3A_137 = tpu.memref_slice %arg8[%run_scoped3A_3, %dma_wait3A_136] : memref<4x80xi32, #tpu.memory_space<vmem>> -> memref<1x80xi32, #tpu.memory_space<vmem>>
      %dma_wait3A_138 = tpu.memref_squeeze %dma_wait3A_137 : memref<1x80xi32, #tpu.memory_space<vmem>> -> memref<80xi32, #tpu.memory_space<vmem>>
      %dma_wait3A_139 = arith.constant 0 : i32
      %dma_wait3A_140 = tpu.memref_slice %arg4[%add3A, %run_scoped3A, %dma_wait3A_139] : memref<32x60x80xi32, #tpu.memory_space<hbm>> -> memref<1x1x80xi32, #tpu.memory_space<hbm>>
      %dma_wait3A_141 = tpu.memref_squeeze %dma_wait3A_140 : memref<1x1x80xi32, #tpu.memory_space<hbm>> -> memref<80xi32, #tpu.memory_space<hbm>>
      %dma_wait3A_142 = arith.constant 0 : i32
      %dma_wait3A_143 = tpu.memref_slice %arg8[%run_scoped3A_3, %dma_wait3A_142] : memref<4x80xi32, #tpu.memory_space<vmem>> -> memref<1x80xi32, #tpu.memory_space<vmem>>
      %dma_wait3A_144 = tpu.memref_squeeze %dma_wait3A_143 : memref<1x80xi32, #tpu.memory_space<vmem>> -> memref<80xi32, #tpu.memory_space<vmem>>
      %dma_wait3A_145 = arith.constant 0 : i32
      %dma_wait3A_146 = tpu.memref_slice %arg4[%add3A, %run_scoped3A, %dma_wait3A_145] : memref<32x60x80xi32, #tpu.memory_space<hbm>> -> memref<1x1x80xi32, #tpu.memory_space<hbm>>
      %dma_wait3A_147 = tpu.memref_squeeze %dma_wait3A_146 : memref<1x1x80xi32, #tpu.memory_space<hbm>> -> memref<80xi32, #tpu.memory_space<hbm>>
      tpu.wait_dma2 semaphore(%run_scoped3A_123 : memref<!tpu.dma_semaphore, #tpu.memory_space<semaphore_mem>>) src(%dma_wait3A_147 : memref<80xi32, #tpu.memory_space<hbm>>) dst(%dma_wait3A_144 : memref<80xi32, #tpu.memory_space<vmem>>)
      tpu.yield
    }) : () -> ()
    %run_scoped3A_4 = arith.constant 0 : i32
    %run_scoped3A_5 = arith.constant 0 : i32
    "tpu.region"() ({
      %run_scoped3A_123 = tpu.sem_alloc : memref<!tpu.dma_semaphore, #tpu.memory_space<semaphore_mem>>
      %dma_start3A_124 = arith.constant 0 : i32
      %dma_start3A_125 = tpu.memref_slice %arg9[%run_scoped3A_5, %dma_start3A_124] : memref<4x80xi32, #tpu.memory_space<vmem>> -> memref<1x80xi32, #tpu.memory_space<vmem>>
      %dma_start3A_126 = tpu.memref_squeeze %dma_start3A_125 : memref<1x80xi32, #tpu.memory_space<vmem>> -> memref<80xi32, #tpu.memory_space<vmem>>
      %dma_start3A_127 = arith.constant 0 : i32
      %dma_start3A_128 = tpu.memref_slice %arg5[%add3A, %run_scoped3A_4, %dma_start3A_127] : memref<32x60x80xi32, #tpu.memory_space<hbm>> -> memref<1x1x80xi32, #tpu.memory_space<hbm>>
      %dma_start3A_129 = tpu.memref_squeeze %dma_start3A_128 : memref<1x1x80xi32, #tpu.memory_space<hbm>> -> memref<80xi32, #tpu.memory_space<hbm>>
      %dma_start3A_130 = arith.constant 0 : i32
      %dma_start3A_131 = tpu.memref_slice %arg9[%run_scoped3A_5, %dma_start3A_130] : memref<4x80xi32, #tpu.memory_space<vmem>> -> memref<1x80xi32, #tpu.memory_space<vmem>>
      %dma_start3A_132 = tpu.memref_squeeze %dma_start3A_131 : memref<1x80xi32, #tpu.memory_space<vmem>> -> memref<80xi32, #tpu.memory_space<vmem>>
      %dma_start3A_133 = arith.constant 0 : i32
      %dma_start3A_134 = tpu.memref_slice %arg5[%add3A, %run_scoped3A_4, %dma_start3A_133] : memref<32x60x80xi32, #tpu.memory_space<hbm>> -> memref<1x1x80xi32, #tpu.memory_space<hbm>>
      %dma_start3A_135 = tpu.memref_squeeze %dma_start3A_134 : memref<1x1x80xi32, #tpu.memory_space<hbm>> -> memref<80xi32, #tpu.memory_space<hbm>>
      tpu.enqueue_dma source(%dma_start3A_135 : memref<80xi32, #tpu.memory_space<hbm>>) target(%dma_start3A_132 : memref<80xi32, #tpu.memory_space<vmem>>) target_semaphore(%run_scoped3A_123 : memref<!tpu.dma_semaphore, #tpu.memory_space<semaphore_mem>>)
      %dma_wait3A_136 = arith.constant 0 : i32
      %dma_wait3A_137 = tpu.memref_slice %arg9[%run_scoped3A_5, %dma_wait3A_136] : memref<4x80xi32, #tpu.memory_space<vmem>> -> memref<1x80xi32, #tpu.memory_space<vmem>>
      %dma_wait3A_138 = tpu.memref_squeeze %dma_wait3A_137 : memref<1x80xi32, #tpu.memory_space<vmem>> -> memref<80xi32, #tpu.memory_space<vmem>>
      %dma_wait3A_139 = arith.constant 0 : i32
      %dma_wait3A_140 = tpu.memref_slice %arg5[%add3A, %run_scoped3A_4, %dma_wait3A_139] : memref<32x60x80xi32, #tpu.memory_space<hbm>> -> memref<1x1x80xi32, #tpu.memory_space<hbm>>
      %dma_wait3A_141 = tpu.memref_squeeze %dma_wait3A_140 : memref<1x1x80xi32, #tpu.memory_space<hbm>> -> memref<80xi32, #tpu.memory_space<hbm>>
      %dma_wait3A_142 = arith.constant 0 : i32
      %dma_wait3A_143 = tpu.memref_slice %arg9[%run_scoped3A_5, %dma_wait3A_142] : memref<4x80xi32, #tpu.memory_space<vmem>> -> memref<1x80xi32, #tpu.memory_space<vmem>>
      %dma_wait3A_144 = tpu.memref_squeeze %dma_wait3A_143 : memref<1x80xi32, #tpu.memory_space<vmem>> -> memref<80xi32, #tpu.memory_space<vmem>>
      %dma_wait3A_145 = arith.constant 0 : i32
      %dma_wait3A_146 = tpu.memref_slice %arg5[%add3A, %run_scoped3A_4, %dma_wait3A_145] : memref<32x60x80xi32, #tpu.memory_space<hbm>> -> memref<1x1x80xi32, #tpu.memory_space<hbm>>
      %dma_wait3A_147 = tpu.memref_squeeze %dma_wait3A_146 : memref<1x1x80xi32, #tpu.memory_space<hbm>> -> memref<80xi32, #tpu.memory_space<hbm>>
      tpu.wait_dma2 semaphore(%run_scoped3A_123 : memref<!tpu.dma_semaphore, #tpu.memory_space<semaphore_mem>>) src(%dma_wait3A_147 : memref<80xi32, #tpu.memory_space<hbm>>) dst(%dma_wait3A_144 : memref<80xi32, #tpu.memory_space<vmem>>)
      tpu.yield
    }) : () -> ()
    %and3A = arith.constant 0 : i32
    %and3A_6 = arith.constant 1 : i32
    %and3A_7 = arith.andi %and3A, %and3A_6 : i32
    %and3A_8 = arith.constant 0 : i32
    %and3A_9 = arith.constant 3 : i32
    %and3A_10 = arith.andi %and3A_8, %and3A_9 : i32
    %mul3A_11 = arith.constant 4800 : i32
    %mul3A_12 = arith.muli %add3A, %mul3A_11 : i32
    %add3A_13 = arith.constant 0 : i32
    %add3A_14 = arith.addi %mul3A_12, %add3A_13 : i32
    %dma_start3A = arith.constant 0 : i32
    %dma_start3A_15 = arith.constant 0 : i32
    %dma_start3A_16 = tpu.memref_slice %arg10[%and3A_7, %dma_start3A, %dma_start3A_15] : memref<2x80x128xf32, #tpu.memory_space<vmem>> -> memref<1x80x128xf32, #tpu.memory_space<vmem>>
    %dma_start3A_17 = tpu.memref_squeeze %dma_start3A_16 : memref<1x80x128xf32, #tpu.memory_space<vmem>> -> memref<80x128xf32, #tpu.memory_space<vmem>>
    %dma_start3A_18 = arith.constant 0 : i32
    %dma_start3A_19 = tpu.memref_slice %arg8[%and3A_10, %dma_start3A_18] : memref<4x80xi32, #tpu.memory_space<vmem>> -> memref<1x80xi32, #tpu.memory_space<vmem>>
    %dma_start3A_20 = tpu.memref_squeeze %dma_start3A_19 : memref<1x80xi32, #tpu.memory_space<vmem>> -> memref<80xi32, #tpu.memory_space<vmem>>
    %dma_start3A_21 = arith.constant 0 : i32
    %dma_start3A_22 = arith.constant 0 : i32
    %dma_start3A_23 = tpu.memref_slice %arg2[%dma_start3A_21, %dma_start3A_22] : memref<10000x128xf32, #tpu.memory_space<hbm>> -> memref<10000x128xf32, #tpu.memory_space<hbm>>
    %dma_start3A_24 = tpu.memref_slice %arg14[%and3A_7] : memref<2x!tpu.dma_semaphore, #tpu.memory_space<semaphore_mem>> -> memref<1x!tpu.dma_semaphore, #tpu.memory_space<semaphore_mem>>
    %dma_start3A_25 = tpu.memref_squeeze %dma_start3A_24 : memref<1x!tpu.dma_semaphore, #tpu.memory_space<semaphore_mem>> -> memref<!tpu.dma_semaphore, #tpu.memory_space<semaphore_mem>>
    tpu.enqueue_indirect_dma source(%dma_start3A_23 : memref<10000x128xf32, #tpu.memory_space<hbm>>) target(%dma_start3A_17 : memref<80x128xf32, #tpu.memory_space<vmem>>) offsets(%dma_start3A_20 : memref<80xi32, #tpu.memory_space<vmem>>) semaphore(%dma_start3A_25 : memref<!tpu.dma_semaphore, #tpu.memory_space<semaphore_mem>>)
    %dma_start3A_26 = arith.constant 0 : i32
    %dma_start3A_27 = arith.constant 0 : i32
    %dma_start3A_28 = tpu.memref_slice %arg11[%and3A_7, %dma_start3A_26, %dma_start3A_27] : memref<2x80x64xi32, #tpu.memory_space<vmem>> -> memref<1x80x64xi32, #tpu.memory_space<vmem>>
    %dma_start3A_29 = tpu.memref_squeeze %dma_start3A_28 : memref<1x80x64xi32, #tpu.memory_space<vmem>> -> memref<80x64xi32, #tpu.memory_space<vmem>>
    %dma_start3A_30 = arith.constant 0 : i32
    %dma_start3A_31 = tpu.memref_slice %arg3[%add3A_14, %dma_start3A_30] : memref<153600x64xi32, #tpu.memory_space<hbm>> -> memref<80x64xi32, #tpu.memory_space<hbm>>
    %dma_start3A_32 = tpu.memref_slice %arg15[%and3A_7] : memref<2x!tpu.dma_semaphore, #tpu.memory_space<semaphore_mem>> -> memref<1x!tpu.dma_semaphore, #tpu.memory_space<semaphore_mem>>
    %dma_start3A_33 = tpu.memref_squeeze %dma_start3A_32 : memref<1x!tpu.dma_semaphore, #tpu.memory_space<semaphore_mem>> -> memref<!tpu.dma_semaphore, #tpu.memory_space<semaphore_mem>>
    %dma_start3A_34 = arith.constant 0 : i32
    %dma_start3A_35 = arith.constant 0 : i32
    %dma_start3A_36 = tpu.memref_slice %arg11[%and3A_7, %dma_start3A_34, %dma_start3A_35] : memref<2x80x64xi32, #tpu.memory_space<vmem>> -> memref<1x80x64xi32, #tpu.memory_space<vmem>>
    %dma_start3A_37 = tpu.memref_squeeze %dma_start3A_36 : memref<1x80x64xi32, #tpu.memory_space<vmem>> -> memref<80x64xi32, #tpu.memory_space<vmem>>
    %dma_start3A_38 = arith.constant 0 : i32
    %dma_start3A_39 = tpu.memref_slice %arg3[%add3A_14, %dma_start3A_38] : memref<153600x64xi32, #tpu.memory_space<hbm>> -> memref<80x64xi32, #tpu.memory_space<hbm>>
    tpu.enqueue_dma source(%dma_start3A_39 : memref<80x64xi32, #tpu.memory_space<hbm>>) target(%dma_start3A_37 : memref<80x64xi32, #tpu.memory_space<vmem>>) target_semaphore(%dma_start3A_33 : memref<!tpu.dma_semaphore, #tpu.memory_space<semaphore_mem>>)
    %and3A_40 = arith.constant 1 : i32
    %and3A_41 = arith.constant 3 : i32
    %and3A_42 = arith.andi %and3A_40, %and3A_41 : i32
    %dma_start3A_43 = arith.constant 1 : i32
    %dma_start3A_44 = arith.constant 0 : i32
    %dma_start3A_45 = tpu.memref_slice %arg8[%and3A_42, %dma_start3A_44] : memref<4x80xi32, #tpu.memory_space<vmem>> -> memref<1x80xi32, #tpu.memory_space<vmem>>
    %dma_start3A_46 = tpu.memref_squeeze %dma_start3A_45 : memref<1x80xi32, #tpu.memory_space<vmem>> -> memref<80xi32, #tpu.memory_space<vmem>>
    %dma_start3A_47 = arith.constant 0 : i32
    %dma_start3A_48 = tpu.memref_slice %arg4[%add3A, %dma_start3A_43, %dma_start3A_47] : memref<32x60x80xi32, #tpu.memory_space<hbm>> -> memref<1x1x80xi32, #tpu.memory_space<hbm>>
    %dma_start3A_49 = tpu.memref_squeeze %dma_start3A_48 : memref<1x1x80xi32, #tpu.memory_space<hbm>> -> memref<80xi32, #tpu.memory_space<hbm>>
    %dma_start3A_50 = tpu.memref_slice %arg13[%and3A_42] : memref<4x!tpu.dma_semaphore, #tpu.memory_space<semaphore_mem>> -> memref<1x!tpu.dma_semaphore, #tpu.memory_space<semaphore_mem>>
    %dma_start3A_51 = tpu.memref_squeeze %dma_start3A_50 : memref<1x!tpu.dma_semaphore, #tpu.memory_space<semaphore_mem>> -> memref<!tpu.dma_semaphore, #tpu.memory_space<semaphore_mem>>
    %dma_start3A_52 = arith.constant 0 : i32
    %dma_start3A_53 = tpu.memref_slice %arg8[%and3A_42, %dma_start3A_52] : memref<4x80xi32, #tpu.memory_space<vmem>> -> memref<1x80xi32, #tpu.memory_space<vmem>>
    %dma_start3A_54 = tpu.memref_squeeze %dma_start3A_53 : memref<1x80xi32, #tpu.memory_space<vmem>> -> memref<80xi32, #tpu.memory_space<vmem>>
    %dma_start3A_55 = arith.constant 0 : i32
    %dma_start3A_56 = tpu.memref_slice %arg4[%add3A, %dma_start3A_43, %dma_start3A_55] : memref<32x60x80xi32, #tpu.memory_space<hbm>> -> memref<1x1x80xi32, #tpu.memory_space<hbm>>
    %dma_start3A_57 = tpu.memref_squeeze %dma_start3A_56 : memref<1x1x80xi32, #tpu.memory_space<hbm>> -> memref<80xi32, #tpu.memory_space<hbm>>
    tpu.enqueue_dma source(%dma_start3A_57 : memref<80xi32, #tpu.memory_space<hbm>>) target(%dma_start3A_54 : memref<80xi32, #tpu.memory_space<vmem>>) target_semaphore(%dma_start3A_51 : memref<!tpu.dma_semaphore, #tpu.memory_space<semaphore_mem>>)
    %dma_start3A_58 = arith.constant 1 : i32
    %dma_start3A_59 = arith.constant 0 : i32
    %dma_start3A_60 = tpu.memref_slice %arg9[%and3A_42, %dma_start3A_59] : memref<4x80xi32, #tpu.memory_space<vmem>> -> memref<1x80xi32, #tpu.memory_space<vmem>>
    %dma_start3A_61 = tpu.memref_squeeze %dma_start3A_60 : memref<1x80xi32, #tpu.memory_space<vmem>> -> memref<80xi32, #tpu.memory_space<vmem>>
    %dma_start3A_62 = arith.constant 0 : i32
    %dma_start3A_63 = tpu.memref_slice %arg5[%add3A, %dma_start3A_58, %dma_start3A_62] : memref<32x60x80xi32, #tpu.memory_space<hbm>> -> memref<1x1x80xi32, #tpu.memory_space<hbm>>
    %dma_start3A_64 = tpu.memref_squeeze %dma_start3A_63 : memref<1x1x80xi32, #tpu.memory_space<hbm>> -> memref<80xi32, #tpu.memory_space<hbm>>
    %dma_start3A_65 = tpu.memref_slice %arg13[%and3A_42] : memref<4x!tpu.dma_semaphore, #tpu.memory_space<semaphore_mem>> -> memref<1x!tpu.dma_semaphore, #tpu.memory_space<semaphore_mem>>
    %dma_start3A_66 = tpu.memref_squeeze %dma_start3A_65 : memref<1x!tpu.dma_semaphore, #tpu.memory_space<semaphore_mem>> -> memref<!tpu.dma_semaphore, #tpu.memory_space<semaphore_mem>>
    %dma_start3A_67 = arith.constant 0 : i32
    %dma_start3A_68 = tpu.memref_slice %arg9[%and3A_42, %dma_start3A_67] : memref<4x80xi32, #tpu.memory_space<vmem>> -> memref<1x80xi32, #tpu.memory_space<vmem>>
    %dma_start3A_69 = tpu.memref_squeeze %dma_start3A_68 : memref<1x80xi32, #tpu.memory_space<vmem>> -> memref<80xi32, #tpu.memory_space<vmem>>
    %dma_start3A_70 = arith.constant 0 : i32
    %dma_start3A_71 = tpu.memref_slice %arg5[%add3A, %dma_start3A_58, %dma_start3A_70] : memref<32x60x80xi32, #tpu.memory_space<hbm>> -> memref<1x1x80xi32, #tpu.memory_space<hbm>>
    %dma_start3A_72 = tpu.memref_squeeze %dma_start3A_71 : memref<1x1x80xi32, #tpu.memory_space<hbm>> -> memref<80xi32, #tpu.memory_space<hbm>>
    tpu.enqueue_dma source(%dma_start3A_72 : memref<80xi32, #tpu.memory_space<hbm>>) target(%dma_start3A_69 : memref<80xi32, #tpu.memory_space<vmem>>) target_semaphore(%dma_start3A_66 : memref<!tpu.dma_semaphore, #tpu.memory_space<semaphore_mem>>)
    %scan3A = arith.constant 0 : i32
    %scan3A_73 = arith.constant 0 : i32
    %scan3A_74 = arith.constant 60 : i32
    %scan3A_75 = arith.addi %scan3A_73, %scan3A_74 : i32
    %scan3A_76 = arith.constant 1 : i32
    scf.for %scan3A_123 = %scan3A_73 to %scan3A_75 step %scan3A_76  : i32 {
      %and3A_124 = arith.constant 1 : i32
      %and3A_125 = arith.andi %scan3A_123, %and3A_124 : i32
      %add3A_126 = arith.constant 1 : i32
      %add3A_127 = arith.addi %scan3A_123, %add3A_126 : i32
      %and3A_128 = arith.constant 1 : i32
      %and3A_129 = arith.andi %add3A_127, %and3A_128 : i32
      %and3A_130 = arith.constant 3 : i32
      %and3A_131 = arith.andi %scan3A_123, %and3A_130 : i32
      %add3A_132 = arith.constant 1 : i32
      %add3A_133 = arith.addi %scan3A_123, %add3A_132 : i32
      %and3A_134 = arith.constant 3 : i32
      %and3A_135 = arith.andi %add3A_133, %and3A_134 : i32
      %lt3A_136 = arith.constant 59 : i32
      %lt3A_137 = arith.cmpi slt, %scan3A_123, %lt3A_136 : i32
      %convert_element_type3A_138 = arith.extui %lt3A_137 : i1 to i32
      %cond3A_139 = arith.constant 0 : i32
      %cond3A_140 = arith.cmpi ne, %convert_element_type3A_138, %cond3A_139 : i32
      scf.if %cond3A_140 {
        %dma_wait3A_196 = arith.constant 0 : i32
        %dma_wait3A_197 = arith.constant 0 : i32
        %dma_wait3A_198 = tpu.memref_slice %arg8[%and3A_135, %dma_wait3A_197] : memref<4x80xi32, #tpu.memory_space<vmem>> -> memref<1x80xi32, #tpu.memory_space<vmem>>
        %dma_wait3A_199 = tpu.memref_squeeze %dma_wait3A_198 : memref<1x80xi32, #tpu.memory_space<vmem>> -> memref<80xi32, #tpu.memory_space<vmem>>
        %dma_wait3A_200 = arith.constant 0 : i32
        %dma_wait3A_201 = tpu.memref_slice %arg4[%add3A, %dma_wait3A_196, %dma_wait3A_200] : memref<32x60x80xi32, #tpu.memory_space<hbm>> -> memref<1x1x80xi32, #tpu.memory_space<hbm>>
        %dma_wait3A_202 = tpu.memref_squeeze %dma_wait3A_201 : memref<1x1x80xi32, #tpu.memory_space<hbm>> -> memref<80xi32, #tpu.memory_space<hbm>>
        %dma_wait3A_203 = tpu.memref_slice %arg13[%and3A_135] : memref<4x!tpu.dma_semaphore, #tpu.memory_space<semaphore_mem>> -> memref<1x!tpu.dma_semaphore, #tpu.memory_space<semaphore_mem>>
        %dma_wait3A_204 = tpu.memref_squeeze %dma_wait3A_203 : memref<1x!tpu.dma_semaphore, #tpu.memory_space<semaphore_mem>> -> memref<!tpu.dma_semaphore, #tpu.memory_space<semaphore_mem>>
        %dma_wait3A_205 = arith.constant 0 : i32
        %dma_wait3A_206 = tpu.memref_slice %arg8[%and3A_135, %dma_wait3A_205] : memref<4x80xi32, #tpu.memory_space<vmem>> -> memref<1x80xi32, #tpu.memory_space<vmem>>
        %dma_wait3A_207 = tpu.memref_squeeze %dma_wait3A_206 : memref<1x80xi32, #tpu.memory_space<vmem>> -> memref<80xi32, #tpu.memory_space<vmem>>
        %dma_wait3A_208 = arith.constant 0 : i32
        %dma_wait3A_209 = tpu.memref_slice %arg4[%add3A, %dma_wait3A_196, %dma_wait3A_208] : memref<32x60x80xi32, #tpu.memory_space<hbm>> -> memref<1x1x80xi32, #tpu.memory_space<hbm>>
        %dma_wait3A_210 = tpu.memref_squeeze %dma_wait3A_209 : memref<1x1x80xi32, #tpu.memory_space<hbm>> -> memref<80xi32, #tpu.memory_space<hbm>>
        tpu.wait_dma2 semaphore(%dma_wait3A_204 : memref<!tpu.dma_semaphore, #tpu.memory_space<semaphore_mem>>) src(%dma_wait3A_210 : memref<80xi32, #tpu.memory_space<hbm>>) dst(%dma_wait3A_207 : memref<80xi32, #tpu.memory_space<vmem>>)
        %dma_wait3A_211 = arith.constant 0 : i32
        %dma_wait3A_212 = arith.constant 0 : i32
        %dma_wait3A_213 = tpu.memref_slice %arg9[%and3A_135, %dma_wait3A_212] : memref<4x80xi32, #tpu.memory_space<vmem>> -> memref<1x80xi32, #tpu.memory_space<vmem>>
        %dma_wait3A_214 = tpu.memref_squeeze %dma_wait3A_213 : memref<1x80xi32, #tpu.memory_space<vmem>> -> memref<80xi32, #tpu.memory_space<vmem>>
        %dma_wait3A_215 = arith.constant 0 : i32
        %dma_wait3A_216 = tpu.memref_slice %arg4[%add3A, %dma_wait3A_211, %dma_wait3A_215] : memref<32x60x80xi32, #tpu.memory_space<hbm>> -> memref<1x1x80xi32, #tpu.memory_space<hbm>>
        %dma_wait3A_217 = tpu.memref_squeeze %dma_wait3A_216 : memref<1x1x80xi32, #tpu.memory_space<hbm>> -> memref<80xi32, #tpu.memory_space<hbm>>
        %dma_wait3A_218 = tpu.memref_slice %arg13[%and3A_135] : memref<4x!tpu.dma_semaphore, #tpu.memory_space<semaphore_mem>> -> memref<1x!tpu.dma_semaphore, #tpu.memory_space<semaphore_mem>>
        %dma_wait3A_219 = tpu.memref_squeeze %dma_wait3A_218 : memref<1x!tpu.dma_semaphore, #tpu.memory_space<semaphore_mem>> -> memref<!tpu.dma_semaphore, #tpu.memory_space<semaphore_mem>>
        %dma_wait3A_220 = arith.constant 0 : i32
        %dma_wait3A_221 = tpu.memref_slice %arg9[%and3A_135, %dma_wait3A_220] : memref<4x80xi32, #tpu.memory_space<vmem>> -> memref<1x80xi32, #tpu.memory_space<vmem>>
        %dma_wait3A_222 = tpu.memref_squeeze %dma_wait3A_221 : memref<1x80xi32, #tpu.memory_space<vmem>> -> memref<80xi32, #tpu.memory_space<vmem>>
        %dma_wait3A_223 = arith.constant 0 : i32
        %dma_wait3A_224 = tpu.memref_slice %arg4[%add3A, %dma_wait3A_211, %dma_wait3A_223] : memref<32x60x80xi32, #tpu.memory_space<hbm>> -> memref<1x1x80xi32, #tpu.memory_space<hbm>>
        %dma_wait3A_225 = tpu.memref_squeeze %dma_wait3A_224 : memref<1x1x80xi32, #tpu.memory_space<hbm>> -> memref<80xi32, #tpu.memory_space<hbm>>
        tpu.wait_dma2 semaphore(%dma_wait3A_219 : memref<!tpu.dma_semaphore, #tpu.memory_space<semaphore_mem>>) src(%dma_wait3A_225 : memref<80xi32, #tpu.memory_space<hbm>>) dst(%dma_wait3A_222 : memref<80xi32, #tpu.memory_space<vmem>>)
        %gt3A = arith.constant 0 : i32
        %gt3A_226 = arith.cmpi sgt, %scan3A_123, %gt3A : i32
        %convert_element_type3A_227 = arith.extui %gt3A_226 : i1 to i32
        %cond3A_228 = arith.constant 0 : i32
        %cond3A_229 = arith.cmpi ne, %convert_element_type3A_227, %cond3A_228 : i32
        scf.if %cond3A_229 {
          %dma_wait3A_267 = arith.constant 0 : i32
          %dma_wait3A_268 = arith.constant 0 : i32
          %dma_wait3A_269 = tpu.memref_slice %arg10[%and3A_129, %dma_wait3A_267, %dma_wait3A_268] : memref<2x80x128xf32, #tpu.memory_space<vmem>> -> memref<1x80x128xf32, #tpu.memory_space<vmem>>
          %dma_wait3A_270 = tpu.memref_squeeze %dma_wait3A_269 : memref<1x80x128xf32, #tpu.memory_space<vmem>> -> memref<80x128xf32, #tpu.memory_space<vmem>>
          %dma_wait3A_271 = arith.constant 0 : i32
          %dma_wait3A_272 = arith.constant 0 : i32
          %dma_wait3A_273 = tpu.memref_slice %arg6[%dma_wait3A_271, %dma_wait3A_272] : memref<10000x128xf32, #tpu.memory_space<hbm>> -> memref<80x128xf32, #tpu.memory_space<hbm>>
          %dma_wait3A_274 = tpu.memref_slice %arg16[%and3A_129] : memref<2x!tpu.dma_semaphore, #tpu.memory_space<semaphore_mem>> -> memref<1x!tpu.dma_semaphore, #tpu.memory_space<semaphore_mem>>
          %dma_wait3A_275 = tpu.memref_squeeze %dma_wait3A_274 : memref<1x!tpu.dma_semaphore, #tpu.memory_space<semaphore_mem>> -> memref<!tpu.dma_semaphore, #tpu.memory_space<semaphore_mem>>
          %dma_wait3A_276 = arith.constant 0 : i32
          %dma_wait3A_277 = arith.constant 0 : i32
          %dma_wait3A_278 = tpu.memref_slice %arg10[%and3A_129, %dma_wait3A_276, %dma_wait3A_277] : memref<2x80x128xf32, #tpu.memory_space<vmem>> -> memref<1x80x128xf32, #tpu.memory_space<vmem>>
          %dma_wait3A_279 = tpu.memref_squeeze %dma_wait3A_278 : memref<1x80x128xf32, #tpu.memory_space<vmem>> -> memref<80x128xf32, #tpu.memory_space<vmem>>
          %dma_wait3A_280 = arith.constant 0 : i32
          %dma_wait3A_281 = arith.constant 0 : i32
          %dma_wait3A_282 = tpu.memref_slice %arg6[%dma_wait3A_280, %dma_wait3A_281] : memref<10000x128xf32, #tpu.memory_space<hbm>> -> memref<80x128xf32, #tpu.memory_space<hbm>>
          tpu.wait_dma2 semaphore(%dma_wait3A_275 : memref<!tpu.dma_semaphore, #tpu.memory_space<semaphore_mem>>) src(%dma_wait3A_282 : memref<80x128xf32, #tpu.memory_space<hbm>>) dst(%dma_wait3A_279 : memref<80x128xf32, #tpu.memory_space<vmem>>)
        } else {
        }
        %add3A_230 = arith.constant 1 : i32
        %add3A_231 = arith.addi %scan3A_123, %add3A_230 : i32
        %and3A_232 = arith.constant 1 : i32
        %and3A_233 = arith.andi %add3A_231, %and3A_232 : i32
        %and3A_234 = arith.constant 3 : i32
        %and3A_235 = arith.andi %add3A_231, %and3A_234 : i32
        %mul3A_236 = arith.constant 4800 : i32
        %mul3A_237 = arith.muli %add3A, %mul3A_236 : i32
        %mul3A_238 = arith.constant 80 : i32
        %mul3A_239 = arith.muli %add3A_231, %mul3A_238 : i32
        %add3A_240 = arith.addi %mul3A_237, %mul3A_239 : i32
        %dma_start3A_241 = arith.constant 0 : i32
        %dma_start3A_242 = arith.constant 0 : i32
        %dma_start3A_243 = tpu.memref_slice %arg10[%and3A_233, %dma_start3A_241, %dma_start3A_242] : memref<2x80x128xf32, #tpu.memory_space<vmem>> -> memref<1x80x128xf32, #tpu.memory_space<vmem>>
        %dma_start3A_244 = tpu.memref_squeeze %dma_start3A_243 : memref<1x80x128xf32, #tpu.memory_space<vmem>> -> memref<80x128xf32, #tpu.memory_space<vmem>>
        %dma_start3A_245 = arith.constant 0 : i32
        %dma_start3A_246 = tpu.memref_slice %arg8[%and3A_235, %dma_start3A_245] : memref<4x80xi32, #tpu.memory_space<vmem>> -> memref<1x80xi32, #tpu.memory_space<vmem>>
        %dma_start3A_247 = tpu.memref_squeeze %dma_start3A_246 : memref<1x80xi32, #tpu.memory_space<vmem>> -> memref<80xi32, #tpu.memory_space<vmem>>
        %dma_start3A_248 = arith.constant 0 : i32
        %dma_start3A_249 = arith.constant 0 : i32
        %dma_start3A_250 = tpu.memref_slice %arg2[%dma_start3A_248, %dma_start3A_249] : memref<10000x128xf32, #tpu.memory_space<hbm>> -> memref<10000x128xf32, #tpu.memory_space<hbm>>
        %dma_start3A_251 = tpu.memref_slice %arg14[%and3A_233] : memref<2x!tpu.dma_semaphore, #tpu.memory_space<semaphore_mem>> -> memref<1x!tpu.dma_semaphore, #tpu.memory_space<semaphore_mem>>
        %dma_start3A_252 = tpu.memref_squeeze %dma_start3A_251 : memref<1x!tpu.dma_semaphore, #tpu.memory_space<semaphore_mem>> -> memref<!tpu.dma_semaphore, #tpu.memory_space<semaphore_mem>>
        tpu.enqueue_indirect_dma source(%dma_start3A_250 : memref<10000x128xf32, #tpu.memory_space<hbm>>) target(%dma_start3A_244 : memref<80x128xf32, #tpu.memory_space<vmem>>) offsets(%dma_start3A_247 : memref<80xi32, #tpu.memory_space<vmem>>) semaphore(%dma_start3A_252 : memref<!tpu.dma_semaphore, #tpu.memory_space<semaphore_mem>>)
        %dma_start3A_253 = arith.constant 0 : i32
        %dma_start3A_254 = arith.constant 0 : i32
        %dma_start3A_255 = tpu.memref_slice %arg11[%and3A_233, %dma_start3A_253, %dma_start3A_254] : memref<2x80x64xi32, #tpu.memory_space<vmem>> -> memref<1x80x64xi32, #tpu.memory_space<vmem>>
        %dma_start3A_256 = tpu.memref_squeeze %dma_start3A_255 : memref<1x80x64xi32, #tpu.memory_space<vmem>> -> memref<80x64xi32, #tpu.memory_space<vmem>>
        %dma_start3A_257 = arith.constant 0 : i32
        %dma_start3A_258 = tpu.memref_slice %arg3[%add3A_240, %dma_start3A_257] : memref<153600x64xi32, #tpu.memory_space<hbm>> -> memref<80x64xi32, #tpu.memory_space<hbm>>
        %dma_start3A_259 = tpu.memref_slice %arg15[%and3A_233] : memref<2x!tpu.dma_semaphore, #tpu.memory_space<semaphore_mem>> -> memref<1x!tpu.dma_semaphore, #tpu.memory_space<semaphore_mem>>
        %dma_start3A_260 = tpu.memref_squeeze %dma_start3A_259 : memref<1x!tpu.dma_semaphore, #tpu.memory_space<semaphore_mem>> -> memref<!tpu.dma_semaphore, #tpu.memory_space<semaphore_mem>>
        %dma_start3A_261 = arith.constant 0 : i32
        %dma_start3A_262 = arith.constant 0 : i32
        %dma_start3A_263 = tpu.memref_slice %arg11[%and3A_233, %dma_start3A_261, %dma_start3A_262] : memref<2x80x64xi32, #tpu.memory_space<vmem>> -> memref<1x80x64xi32, #tpu.memory_space<vmem>>
        %dma_start3A_264 = tpu.memref_squeeze %dma_start3A_263 : memref<1x80x64xi32, #tpu.memory_space<vmem>> -> memref<80x64xi32, #tpu.memory_space<vmem>>
        %dma_start3A_265 = arith.constant 0 : i32
        %dma_start3A_266 = tpu.memref_slice %arg3[%add3A_240, %dma_start3A_265] : memref<153600x64xi32, #tpu.memory_space<hbm>> -> memref<80x64xi32, #tpu.memory_space<hbm>>
        tpu.enqueue_dma source(%dma_start3A_266 : memref<80x64xi32, #tpu.memory_space<hbm>>) target(%dma_start3A_264 : memref<80x64xi32, #tpu.memory_space<vmem>>) target_semaphore(%dma_start3A_260 : memref<!tpu.dma_semaphore, #tpu.memory_space<semaphore_mem>>)
      } else {
      }
      %dma_wait3A_141 = arith.constant 0 : i32
      %dma_wait3A_142 = arith.constant 0 : i32
      %dma_wait3A_143 = tpu.memref_slice %arg10[%and3A_125, %dma_wait3A_141, %dma_wait3A_142] : memref<2x80x128xf32, #tpu.memory_space<vmem>> -> memref<1x80x128xf32, #tpu.memory_space<vmem>>
      %dma_wait3A_144 = tpu.memref_squeeze %dma_wait3A_143 : memref<1x80x128xf32, #tpu.memory_space<vmem>> -> memref<80x128xf32, #tpu.memory_space<vmem>>
      %dma_wait3A_145 = arith.constant 0 : i32
      %dma_wait3A_146 = arith.constant 0 : i32
      %dma_wait3A_147 = tpu.memref_slice %arg6[%dma_wait3A_145, %dma_wait3A_146] : memref<10000x128xf32, #tpu.memory_space<hbm>> -> memref<80x128xf32, #tpu.memory_space<hbm>>
      %dma_wait3A_148 = tpu.memref_slice %arg14[%and3A_125] : memref<2x!tpu.dma_semaphore, #tpu.memory_space<semaphore_mem>> -> memref<1x!tpu.dma_semaphore, #tpu.memory_space<semaphore_mem>>
      %dma_wait3A_149 = tpu.memref_squeeze %dma_wait3A_148 : memref<1x!tpu.dma_semaphore, #tpu.memory_space<semaphore_mem>> -> memref<!tpu.dma_semaphore, #tpu.memory_space<semaphore_mem>>
      %dma_wait3A_150 = arith.constant 0 : i32
      %dma_wait3A_151 = arith.constant 0 : i32
      %dma_wait3A_152 = tpu.memref_slice %arg10[%and3A_125, %dma_wait3A_150, %dma_wait3A_151] : memref<2x80x128xf32, #tpu.memory_space<vmem>> -> memref<1x80x128xf32, #tpu.memory_space<vmem>>
      %dma_wait3A_153 = tpu.memref_squeeze %dma_wait3A_152 : memref<1x80x128xf32, #tpu.memory_space<vmem>> -> memref<80x128xf32, #tpu.memory_space<vmem>>
      %dma_wait3A_154 = arith.constant 0 : i32
      %dma_wait3A_155 = arith.constant 0 : i32
      %dma_wait3A_156 = tpu.memref_slice %arg6[%dma_wait3A_154, %dma_wait3A_155] : memref<10000x128xf32, #tpu.memory_space<hbm>> -> memref<80x128xf32, #tpu.memory_space<hbm>>
      tpu.wait_dma2 semaphore(%dma_wait3A_149 : memref<!tpu.dma_semaphore, #tpu.memory_space<semaphore_mem>>) src(%dma_wait3A_156 : memref<80x128xf32, #tpu.memory_space<hbm>>) dst(%dma_wait3A_153 : memref<80x128xf32, #tpu.memory_space<vmem>>)
      %dma_wait3A_157 = arith.constant 0 : i32
      %dma_wait3A_158 = arith.constant 0 : i32
      %dma_wait3A_159 = tpu.memref_slice %arg11[%and3A_125, %dma_wait3A_157, %dma_wait3A_158] : memref<2x80x64xi32, #tpu.memory_space<vmem>> -> memref<1x80x64xi32, #tpu.memory_space<vmem>>
      %dma_wait3A_160 = tpu.memref_squeeze %dma_wait3A_159 : memref<1x80x64xi32, #tpu.memory_space<vmem>> -> memref<80x64xi32, #tpu.memory_space<vmem>>
      %dma_wait3A_161 = arith.constant 0 : i32
      %dma_wait3A_162 = arith.constant 0 : i32
      %dma_wait3A_163 = tpu.memref_slice %arg3[%dma_wait3A_161, %dma_wait3A_162] : memref<153600x64xi32, #tpu.memory_space<hbm>> -> memref<80x64xi32, #tpu.memory_space<hbm>>
      %dma_wait3A_164 = tpu.memref_slice %arg15[%and3A_125] : memref<2x!tpu.dma_semaphore, #tpu.memory_space<semaphore_mem>> -> memref<1x!tpu.dma_semaphore, #tpu.memory_space<semaphore_mem>>
      %dma_wait3A_165 = tpu.memref_squeeze %dma_wait3A_164 : memref<1x!tpu.dma_semaphore, #tpu.memory_space<semaphore_mem>> -> memref<!tpu.dma_semaphore, #tpu.memory_space<semaphore_mem>>
      %dma_wait3A_166 = arith.constant 0 : i32
      %dma_wait3A_167 = arith.constant 0 : i32
      %dma_wait3A_168 = tpu.memref_slice %arg11[%and3A_125, %dma_wait3A_166, %dma_wait3A_167] : memref<2x80x64xi32, #tpu.memory_space<vmem>> -> memref<1x80x64xi32, #tpu.memory_space<vmem>>
      %dma_wait3A_169 = tpu.memref_squeeze %dma_wait3A_168 : memref<1x80x64xi32, #tpu.memory_space<vmem>> -> memref<80x64xi32, #tpu.memory_space<vmem>>
      %dma_wait3A_170 = arith.constant 0 : i32
      %dma_wait3A_171 = arith.constant 0 : i32
      %dma_wait3A_172 = tpu.memref_slice %arg3[%dma_wait3A_170, %dma_wait3A_171] : memref<153600x64xi32, #tpu.memory_space<hbm>> -> memref<80x64xi32, #tpu.memory_space<hbm>>
      tpu.wait_dma2 semaphore(%dma_wait3A_165 : memref<!tpu.dma_semaphore, #tpu.memory_space<semaphore_mem>>) src(%dma_wait3A_172 : memref<80x64xi32, #tpu.memory_space<hbm>>) dst(%dma_wait3A_169 : memref<80x64xi32, #tpu.memory_space<vmem>>)
      %scan3A_173 = arith.constant 0 : i32
      %scan3A_174 = arith.constant 0 : i32
      %scan3A_175 = arith.constant 80 : i32
      %scan3A_176 = arith.addi %scan3A_174, %scan3A_175 : i32
      %scan3A_177 = arith.constant 2 : i32
      scf.for %scan3A_196 = %scan3A_174 to %scan3A_176 step %scan3A_177  : i32 {
        %get3A = arith.index_cast %and3A_125 : i32 to index
        %get3A_197 = arith.index_cast %scan3A_196 : i32 to index
        %get3A_198 = arith.constant 0 : index
        %get3A_199 = tpu.vector_load %arg11[%get3A, %get3A_197, %get3A_198] {strides = array<i32>} : memref<2x80x64xi32, #tpu.memory_space<vmem>>, vector<1x1x16xi32>,
        %get3A_200 = vector.shape_cast %get3A_199 : vector<1x1x16xi32> to vector<16xi32>
        %shift_left3A = arith.constant 16 : i32
        %shift_left3A_201 = vector.broadcast %shift_left3A : i32 to vector<16xi32>
        %shift_left3A_202 = arith.shli %get3A_200, %shift_left3A_201 : vector<16xi32>
        %bitcast_convert_type3A = tpu.bitcast %shift_left3A_202 : vector<16xi32> -> vector<16xf32>
        %and3A_203 = arith.constant -65536 : i32
        %and3A_204 = vector.broadcast %and3A_203 : i32 to vector<16xi32>
        %and3A_205 = arith.andi %get3A_200, %and3A_204 : vector<16xi32>
        %bitcast_convert_type3A_206 = tpu.bitcast %and3A_205 : vector<16xi32> -> vector<16xf32>
        %get3A_207 = arith.index_cast %and3A_125 : i32 to index
        %get3A_208 = arith.index_cast %scan3A_196 : i32 to index
        %get3A_209 = arith.constant 0 : index
        %get3A_210 = tpu.vector_load %arg10[%get3A_207, %get3A_208, %get3A_209] {strides = array<i32>} : memref<2x80x128xf32, #tpu.memory_space<vmem>>, vector<1x1x16xf32>,
        %get3A_211 = vector.shape_cast %get3A_210 : vector<1x1x16xf32> to vector<16xf32>
        %add3A_212 = arith.addf %get3A_211, %bitcast_convert_type3A : vector<16xf32>
        %max3A = arith.constant 0.000000e+00 : f32
        %max3A_213 = vector.broadcast %max3A : f32 to vector<16xf32>
        %max3A_214 = arith.maximumf %add3A_212, %max3A_213 : vector<16xf32>
        %swap3A = arith.index_cast %and3A_125 : i32 to index
        %swap3A_215 = arith.index_cast %scan3A_196 : i32 to index
        %swap3A_216 = arith.constant 0 : index
        %swap3A_217 = tpu.vector_load %arg10[%swap3A, %swap3A_215, %swap3A_216] {strides = array<i32>} : memref<2x80x128xf32, #tpu.memory_space<vmem>>, vector<1x1x16xf32>,
        %swap3A_218 = vector.shape_cast %swap3A_217 : vector<1x1x16xf32> to vector<16xf32>
        %swap3A_219 = vector.shape_cast %max3A_214 : vector<16xf32> to vector<1x1x16xf32>
        tpu.vector_store %arg10[%swap3A, %swap3A_215, %swap3A_216], %swap3A_219 {strides = array<i32>} : memref<2x80x128xf32, #tpu.memory_space<vmem>>, vector<1x1x16xf32>,
        %get3A_220 = arith.index_cast %and3A_125 : i32 to index
        %get3A_221 = arith.index_cast %scan3A_196 : i32 to index
        %get3A_222 = arith.constant 64 : index
        %get3A_223 = tpu.vector_load %arg10[%get3A_220, %get3A_221, %get3A_222] {strides = array<i32>} : memref<2x80x128xf32, #tpu.memory_space<vmem>>, vector<1x1x16xf32>,
        %get3A_224 = vector.shape_cast %get3A_223 : vector<1x1x16xf32> to vector<16xf32>
        %add3A_225 = arith.addf %get3A_224, %bitcast_convert_type3A_206 : vector<16xf32>
        %max3A_226 = arith.constant 0.000000e+00 : f32
        %max3A_227 = vector.broadcast %max3A_226 : f32 to vector<16xf32>
        %max3A_228 = arith.maximumf %add3A_225, %max3A_227 : vector<16xf32>
        %swap3A_229 = arith.index_cast %and3A_125 : i32 to index
        %swap3A_230 = arith.index_cast %scan3A_196 : i32 to index
        %swap3A_231 = arith.constant 64 : index
        %swap3A_232 = tpu.vector_load %arg10[%swap3A_229, %swap3A_230, %swap3A_231] {strides = array<i32>} : memref<2x80x128xf32, #tpu.memory_space<vmem>>, vector<1x1x16xf32>,
        %swap3A_233 = vector.shape_cast %swap3A_232 : vector<1x1x16xf32> to vector<16xf32>
        %swap3A_234 = vector.shape_cast %max3A_228 : vector<16xf32> to vector<1x1x16xf32>
        tpu.vector_store %arg10[%swap3A_229, %swap3A_230, %swap3A_231], %swap3A_234 {strides = array<i32>} : memref<2x80x128xf32, #tpu.memory_space<vmem>>, vector<1x1x16xf32>,
        %get3A_235 = arith.index_cast %and3A_125 : i32 to index
        %get3A_236 = arith.index_cast %scan3A_196 : i32 to index
        %get3A_237 = arith.constant 16 : index
        %get3A_238 = tpu.vector_load %arg11[%get3A_235, %get3A_236, %get3A_237] {strides = array<i32>} : memref<2x80x64xi32, #tpu.memory_space<vmem>>, vector<1x1x16xi32>,
        %get3A_239 = vector.shape_cast %get3A_238 : vector<1x1x16xi32> to vector<16xi32>
        %shift_left3A_240 = arith.constant 16 : i32
        %shift_left3A_241 = vector.broadcast %shift_left3A_240 : i32 to vector<16xi32>
        %shift_left3A_242 = arith.shli %get3A_239, %shift_left3A_241 : vector<16xi32>
        %bitcast_convert_type3A_243 = tpu.bitcast %shift_left3A_242 : vector<16xi32> -> vector<16xf32>
        %and3A_244 = arith.constant -65536 : i32
        %and3A_245 = vector.broadcast %and3A_244 : i32 to vector<16xi32>
        %and3A_246 = arith.andi %get3A_239, %and3A_245 : vector<16xi32>
        %bitcast_convert_type3A_247 = tpu.bitcast %and3A_246 : vector<16xi32> -> vector<16xf32>
        %get3A_248 = arith.index_cast %and3A_125 : i32 to index
        %get3A_249 = arith.index_cast %scan3A_196 : i32 to index
        %get3A_250 = arith.constant 16 : index
        %get3A_251 = tpu.vector_load %arg10[%get3A_248, %get3A_249, %get3A_250] {strides = array<i32>} : memref<2x80x128xf32, #tpu.memory_space<vmem>>, vector<1x1x16xf32>,
        %get3A_252 = vector.shape_cast %get3A_251 : vector<1x1x16xf32> to vector<16xf32>
        %add3A_253 = arith.addf %get3A_252, %bitcast_convert_type3A_243 : vector<16xf32>
        %max3A_254 = arith.constant 0.000000e+00 : f32
        %max3A_255 = vector.broadcast %max3A_254 : f32 to vector<16xf32>
        %max3A_256 = arith.maximumf %add3A_253, %max3A_255 : vector<16xf32>
        %swap3A_257 = arith.index_cast %and3A_125 : i32 to index
        %swap3A_258 = arith.index_cast %scan3A_196 : i32 to index
        %swap3A_259 = arith.constant 16 : index
        %swap3A_260 = tpu.vector_load %arg10[%swap3A_257, %swap3A_258, %swap3A_259] {strides = array<i32>} : memref<2x80x128xf32, #tpu.memory_space<vmem>>, vector<1x1x16xf32>,
        %swap3A_261 = vector.shape_cast %swap3A_260 : vector<1x1x16xf32> to vector<16xf32>
        %swap3A_262 = vector.shape_cast %max3A_256 : vector<16xf32> to vector<1x1x16xf32>
        tpu.vector_store %arg10[%swap3A_257, %swap3A_258, %swap3A_259], %swap3A_262 {strides = array<i32>} : memref<2x80x128xf32, #tpu.memory_space<vmem>>, vector<1x1x16xf32>,
        %get3A_263 = arith.index_cast %and3A_125 : i32 to index
        %get3A_264 = arith.index_cast %scan3A_196 : i32 to index
        %get3A_265 = arith.constant 80 : index
        %get3A_266 = tpu.vector_load %arg10[%get3A_263, %get3A_264, %get3A_265] {strides = array<i32>} : memref<2x80x128xf32, #tpu.memory_space<vmem>>, vector<1x1x16xf32>,
        %get3A_267 = vector.shape_cast %get3A_266 : vector<1x1x16xf32> to vector<16xf32>
        %add3A_268 = arith.addf %get3A_267, %bitcast_convert_type3A_247 : vector<16xf32>
        %max3A_269 = arith.constant 0.000000e+00 : f32
        %max3A_270 = vector.broadcast %max3A_269 : f32 to vector<16xf32>
        %max3A_271 = arith.maximumf %add3A_268, %max3A_270 : vector<16xf32>
        %swap3A_272 = arith.index_cast %and3A_125 : i32 to index
        %swap3A_273 = arith.index_cast %scan3A_196 : i32 to index
        %swap3A_274 = arith.constant 80 : index
        %swap3A_275 = tpu.vector_load %arg10[%swap3A_272, %swap3A_273, %swap3A_274] {strides = array<i32>} : memref<2x80x128xf32, #tpu.memory_space<vmem>>, vector<1x1x16xf32>,
        %swap3A_276 = vector.shape_cast %swap3A_275 : vector<1x1x16xf32> to vector<16xf32>
        %swap3A_277 = vector.shape_cast %max3A_271 : vector<16xf32> to vector<1x1x16xf32>
        tpu.vector_store %arg10[%swap3A_272, %swap3A_273, %swap3A_274], %swap3A_277 {strides = array<i32>} : memref<2x80x128xf32, #tpu.memory_space<vmem>>, vector<1x1x16xf32>,
        %get3A_278 = arith.index_cast %and3A_125 : i32 to index
        %get3A_279 = arith.index_cast %scan3A_196 : i32 to index
        %get3A_280 = arith.constant 32 : index
        %get3A_281 = tpu.vector_load %arg11[%get3A_278, %get3A_279, %get3A_280] {strides = array<i32>} : memref<2x80x64xi32, #tpu.memory_space<vmem>>, vector<1x1x16xi32>,
        %get3A_282 = vector.shape_cast %get3A_281 : vector<1x1x16xi32> to vector<16xi32>
        %shift_left3A_283 = arith.constant 16 : i32
        %shift_left3A_284 = vector.broadcast %shift_left3A_283 : i32 to vector<16xi32>
        %shift_left3A_285 = arith.shli %get3A_282, %shift_left3A_284 : vector<16xi32>
        %bitcast_convert_type3A_286 = tpu.bitcast %shift_left3A_285 : vector<16xi32> -> vector<16xf32>
        %and3A_287 = arith.constant -65536 : i32
        %and3A_288 = vector.broadcast %and3A_287 : i32 to vector<16xi32>
        %and3A_289 = arith.andi %get3A_282, %and3A_288 : vector<16xi32>
        %bitcast_convert_type3A_290 = tpu.bitcast %and3A_289 : vector<16xi32> -> vector<16xf32>
        %get3A_291 = arith.index_cast %and3A_125 : i32 to index
        %get3A_292 = arith.index_cast %scan3A_196 : i32 to index
        %get3A_293 = arith.constant 32 : index
        %get3A_294 = tpu.vector_load %arg10[%get3A_291, %get3A_292, %get3A_293] {strides = array<i32>} : memref<2x80x128xf32, #tpu.memory_space<vmem>>, vector<1x1x16xf32>,
        %get3A_295 = vector.shape_cast %get3A_294 : vector<1x1x16xf32> to vector<16xf32>
        %add3A_296 = arith.addf %get3A_295, %bitcast_convert_type3A_286 : vector<16xf32>
        %max3A_297 = arith.constant 0.000000e+00 : f32
        %max3A_298 = vector.broadcast %max3A_297 : f32 to vector<16xf32>
        %max3A_299 = arith.maximumf %add3A_296, %max3A_298 : vector<16xf32>
        %swap3A_300 = arith.index_cast %and3A_125 : i32 to index
        %swap3A_301 = arith.index_cast %scan3A_196 : i32 to index
        %swap3A_302 = arith.constant 32 : index
        %swap3A_303 = tpu.vector_load %arg10[%swap3A_300, %swap3A_301, %swap3A_302] {strides = array<i32>} : memref<2x80x128xf32, #tpu.memory_space<vmem>>, vector<1x1x16xf32>,
        %swap3A_304 = vector.shape_cast %swap3A_303 : vector<1x1x16xf32> to vector<16xf32>
        %swap3A_305 = vector.shape_cast %max3A_299 : vector<16xf32> to vector<1x1x16xf32>
        tpu.vector_store %arg10[%swap3A_300, %swap3A_301, %swap3A_302], %swap3A_305 {strides = array<i32>} : memref<2x80x128xf32, #tpu.memory_space<vmem>>, vector<1x1x16xf32>,
        %get3A_306 = arith.index_cast %and3A_125 : i32 to index
        %get3A_307 = arith.index_cast %scan3A_196 : i32 to index
        %get3A_308 = arith.constant 96 : index
        %get3A_309 = tpu.vector_load %arg10[%get3A_306, %get3A_307, %get3A_308] {strides = array<i32>} : memref<2x80x128xf32, #tpu.memory_space<vmem>>, vector<1x1x16xf32>,
        %get3A_310 = vector.shape_cast %get3A_309 : vector<1x1x16xf32> to vector<16xf32>
        %add3A_311 = arith.addf %get3A_310, %bitcast_convert_type3A_290 : vector<16xf32>
        %max3A_312 = arith.constant 0.000000e+00 : f32
        %max3A_313 = vector.broadcast %max3A_312 : f32 to vector<16xf32>
        %max3A_314 = arith.maximumf %add3A_311, %max3A_313 : vector<16xf32>
        %swap3A_315 = arith.index_cast %and3A_125 : i32 to index
        %swap3A_316 = arith.index_cast %scan3A_196 : i32 to index
        %swap3A_317 = arith.constant 96 : index
        %swap3A_318 = tpu.vector_load %arg10[%swap3A_315, %swap3A_316, %swap3A_317] {strides = array<i32>} : memref<2x80x128xf32, #tpu.memory_space<vmem>>, vector<1x1x16xf32>,
        %swap3A_319 = vector.shape_cast %swap3A_318 : vector<1x1x16xf32> to vector<16xf32>
        %swap3A_320 = vector.shape_cast %max3A_314 : vector<16xf32> to vector<1x1x16xf32>
        tpu.vector_store %arg10[%swap3A_315, %swap3A_316, %swap3A_317], %swap3A_320 {strides = array<i32>} : memref<2x80x128xf32, #tpu.memory_space<vmem>>, vector<1x1x16xf32>,
        %get3A_321 = arith.index_cast %and3A_125 : i32 to index
        %get3A_322 = arith.index_cast %scan3A_196 : i32 to index
        %get3A_323 = arith.constant 48 : index
        %get3A_324 = tpu.vector_load %arg11[%get3A_321, %get3A_322, %get3A_323] {strides = array<i32>} : memref<2x80x64xi32, #tpu.memory_space<vmem>>, vector<1x1x16xi32>,
        %get3A_325 = vector.shape_cast %get3A_324 : vector<1x1x16xi32> to vector<16xi32>
        %shift_left3A_326 = arith.constant 16 : i32
        %shift_left3A_327 = vector.broadcast %shift_left3A_326 : i32 to vector<16xi32>
        %shift_left3A_328 = arith.shli %get3A_325, %shift_left3A_327 : vector<16xi32>
        %bitcast_convert_type3A_329 = tpu.bitcast %shift_left3A_328 : vector<16xi32> -> vector<16xf32>
        %and3A_330 = arith.constant -65536 : i32
        %and3A_331 = vector.broadcast %and3A_330 : i32 to vector<16xi32>
        %and3A_332 = arith.andi %get3A_325, %and3A_331 : vector<16xi32>
        %bitcast_convert_type3A_333 = tpu.bitcast %and3A_332 : vector<16xi32> -> vector<16xf32>
        %get3A_334 = arith.index_cast %and3A_125 : i32 to index
        %get3A_335 = arith.index_cast %scan3A_196 : i32 to index
        %get3A_336 = arith.constant 48 : index
        %get3A_337 = tpu.vector_load %arg10[%get3A_334, %get3A_335, %get3A_336] {strides = array<i32>} : memref<2x80x128xf32, #tpu.memory_space<vmem>>, vector<1x1x16xf32>,
        %get3A_338 = vector.shape_cast %get3A_337 : vector<1x1x16xf32> to vector<16xf32>
        %add3A_339 = arith.addf %get3A_338, %bitcast_convert_type3A_329 : vector<16xf32>
        %max3A_340 = arith.constant 0.000000e+00 : f32
        %max3A_341 = vector.broadcast %max3A_340 : f32 to vector<16xf32>
        %max3A_342 = arith.maximumf %add3A_339, %max3A_341 : vector<16xf32>
        %swap3A_343 = arith.index_cast %and3A_125 : i32 to index
        %swap3A_344 = arith.index_cast %scan3A_196 : i32 to index
        %swap3A_345 = arith.constant 48 : index
        %swap3A_346 = tpu.vector_load %arg10[%swap3A_343, %swap3A_344, %swap3A_345] {strides = array<i32>} : memref<2x80x128xf32, #tpu.memory_space<vmem>>, vector<1x1x16xf32>,
        %swap3A_347 = vector.shape_cast %swap3A_346 : vector<1x1x16xf32> to vector<16xf32>
        %swap3A_348 = vector.shape_cast %max3A_342 : vector<16xf32> to vector<1x1x16xf32>
        tpu.vector_store %arg10[%swap3A_343, %swap3A_344, %swap3A_345], %swap3A_348 {strides = array<i32>} : memref<2x80x128xf32, #tpu.memory_space<vmem>>, vector<1x1x16xf32>,
        %get3A_349 = arith.index_cast %and3A_125 : i32 to index
        %get3A_350 = arith.index_cast %scan3A_196 : i32 to index
        %get3A_351 = arith.constant 112 : index
        %get3A_352 = tpu.vector_load %arg10[%get3A_349, %get3A_350, %get3A_351] {strides = array<i32>} : memref<2x80x128xf32, #tpu.memory_space<vmem>>, vector<1x1x16xf32>,
        %get3A_353 = vector.shape_cast %get3A_352 : vector<1x1x16xf32> to vector<16xf32>
        %add3A_354 = arith.addf %get3A_353, %bitcast_convert_type3A_333 : vector<16xf32>
        %max3A_355 = arith.constant 0.000000e+00 : f32
        %max3A_356 = vector.broadcast %max3A_355 : f32 to vector<16xf32>
        %max3A_357 = arith.maximumf %add3A_354, %max3A_356 : vector<16xf32>
        %swap3A_358 = arith.index_cast %and3A_125 : i32 to index
        %swap3A_359 = arith.index_cast %scan3A_196 : i32 to index
        %swap3A_360 = arith.constant 112 : index
        %swap3A_361 = tpu.vector_load %arg10[%swap3A_358, %swap3A_359, %swap3A_360] {strides = array<i32>} : memref<2x80x128xf32, #tpu.memory_space<vmem>>, vector<1x1x16xf32>,
        %swap3A_362 = vector.shape_cast %swap3A_361 : vector<1x1x16xf32> to vector<16xf32>
        %swap3A_363 = vector.shape_cast %max3A_357 : vector<16xf32> to vector<1x1x16xf32>
        tpu.vector_store %arg10[%swap3A_358, %swap3A_359, %swap3A_360], %swap3A_363 {strides = array<i32>} : memref<2x80x128xf32, #tpu.memory_space<vmem>>, vector<1x1x16xf32>,
        %scan3A_364 = arith.constant 1 : i32
        %scan3A_365 = arith.addi %scan3A_196, %scan3A_364 : i32
        %get3A_366 = arith.index_cast %and3A_125 : i32 to index
        %get3A_367 = arith.index_cast %scan3A_365 : i32 to index
        %get3A_368 = arith.constant 0 : index
        %get3A_369 = tpu.vector_load %arg11[%get3A_366, %get3A_367, %get3A_368] {strides = array<i32>} : memref<2x80x64xi32, #tpu.memory_space<vmem>>, vector<1x1x16xi32>,
        %get3A_370 = vector.shape_cast %get3A_369 : vector<1x1x16xi32> to vector<16xi32>
        %shift_left3A_371 = arith.constant 16 : i32
        %shift_left3A_372 = vector.broadcast %shift_left3A_371 : i32 to vector<16xi32>
        %shift_left3A_373 = arith.shli %get3A_370, %shift_left3A_372 : vector<16xi32>
        %bitcast_convert_type3A_374 = tpu.bitcast %shift_left3A_373 : vector<16xi32> -> vector<16xf32>
        %and3A_375 = arith.constant -65536 : i32
        %and3A_376 = vector.broadcast %and3A_375 : i32 to vector<16xi32>
        %and3A_377 = arith.andi %get3A_370, %and3A_376 : vector<16xi32>
        %bitcast_convert_type3A_378 = tpu.bitcast %and3A_377 : vector<16xi32> -> vector<16xf32>
        %get3A_379 = arith.index_cast %and3A_125 : i32 to index
        %get3A_380 = arith.index_cast %scan3A_365 : i32 to index
        %get3A_381 = arith.constant 0 : index
        %get3A_382 = tpu.vector_load %arg10[%get3A_379, %get3A_380, %get3A_381] {strides = array<i32>} : memref<2x80x128xf32, #tpu.memory_space<vmem>>, vector<1x1x16xf32>,
        %get3A_383 = vector.shape_cast %get3A_382 : vector<1x1x16xf32> to vector<16xf32>
        %add3A_384 = arith.addf %get3A_383, %bitcast_convert_type3A_374 : vector<16xf32>
        %max3A_385 = arith.constant 0.000000e+00 : f32
        %max3A_386 = vector.broadcast %max3A_385 : f32 to vector<16xf32>
        %max3A_387 = arith.maximumf %add3A_384, %max3A_386 : vector<16xf32>
        %swap3A_388 = arith.index_cast %and3A_125 : i32 to index
        %swap3A_389 = arith.index_cast %scan3A_365 : i32 to index
        %swap3A_390 = arith.constant 0 : index
        %swap3A_391 = tpu.vector_load %arg10[%swap3A_388, %swap3A_389, %swap3A_390] {strides = array<i32>} : memref<2x80x128xf32, #tpu.memory_space<vmem>>, vector<1x1x16xf32>,
        %swap3A_392 = vector.shape_cast %swap3A_391 : vector<1x1x16xf32> to vector<16xf32>
        %swap3A_393 = vector.shape_cast %max3A_387 : vector<16xf32> to vector<1x1x16xf32>
        tpu.vector_store %arg10[%swap3A_388, %swap3A_389, %swap3A_390], %swap3A_393 {strides = array<i32>} : memref<2x80x128xf32, #tpu.memory_space<vmem>>, vector<1x1x16xf32>,
        %get3A_394 = arith.index_cast %and3A_125 : i32 to index
        %get3A_395 = arith.index_cast %scan3A_365 : i32 to index
        %get3A_396 = arith.constant 64 : index
        %get3A_397 = tpu.vector_load %arg10[%get3A_394, %get3A_395, %get3A_396] {strides = array<i32>} : memref<2x80x128xf32, #tpu.memory_space<vmem>>, vector<1x1x16xf32>,
        %get3A_398 = vector.shape_cast %get3A_397 : vector<1x1x16xf32> to vector<16xf32>
        %add3A_399 = arith.addf %get3A_398, %bitcast_convert_type3A_378 : vector<16xf32>
        %max3A_400 = arith.constant 0.000000e+00 : f32
        %max3A_401 = vector.broadcast %max3A_400 : f32 to vector<16xf32>
        %max3A_402 = arith.maximumf %add3A_399, %max3A_401 : vector<16xf32>
        %swap3A_403 = arith.index_cast %and3A_125 : i32 to index
        %swap3A_404 = arith.index_cast %scan3A_365 : i32 to index
        %swap3A_405 = arith.constant 64 : index
        %swap3A_406 = tpu.vector_load %arg10[%swap3A_403, %swap3A_404, %swap3A_405] {strides = array<i32>} : memref<2x80x128xf32, #tpu.memory_space<vmem>>, vector<1x1x16xf32>,
        %swap3A_407 = vector.shape_cast %swap3A_406 : vector<1x1x16xf32> to vector<16xf32>
        %swap3A_408 = vector.shape_cast %max3A_402 : vector<16xf32> to vector<1x1x16xf32>
        tpu.vector_store %arg10[%swap3A_403, %swap3A_404, %swap3A_405], %swap3A_408 {strides = array<i32>} : memref<2x80x128xf32, #tpu.memory_space<vmem>>, vector<1x1x16xf32>,
        %get3A_409 = arith.index_cast %and3A_125 : i32 to index
        %get3A_410 = arith.index_cast %scan3A_365 : i32 to index
        %get3A_411 = arith.constant 16 : index
        %get3A_412 = tpu.vector_load %arg11[%get3A_409, %get3A_410, %get3A_411] {strides = array<i32>} : memref<2x80x64xi32, #tpu.memory_space<vmem>>, vector<1x1x16xi32>,
        %get3A_413 = vector.shape_cast %get3A_412 : vector<1x1x16xi32> to vector<16xi32>
        %shift_left3A_414 = arith.constant 16 : i32
        %shift_left3A_415 = vector.broadcast %shift_left3A_414 : i32 to vector<16xi32>
        %shift_left3A_416 = arith.shli %get3A_413, %shift_left3A_415 : vector<16xi32>
        %bitcast_convert_type3A_417 = tpu.bitcast %shift_left3A_416 : vector<16xi32> -> vector<16xf32>
        %and3A_418 = arith.constant -65536 : i32
        %and3A_419 = vector.broadcast %and3A_418 : i32 to vector<16xi32>
        %and3A_420 = arith.andi %get3A_413, %and3A_419 : vector<16xi32>
        %bitcast_convert_type3A_421 = tpu.bitcast %and3A_420 : vector<16xi32> -> vector<16xf32>
        %get3A_422 = arith.index_cast %and3A_125 : i32 to index
        %get3A_423 = arith.index_cast %scan3A_365 : i32 to index
        %get3A_424 = arith.constant 16 : index
        %get3A_425 = tpu.vector_load %arg10[%get3A_422, %get3A_423, %get3A_424] {strides = array<i32>} : memref<2x80x128xf32, #tpu.memory_space<vmem>>, vector<1x1x16xf32>,
        %get3A_426 = vector.shape_cast %get3A_425 : vector<1x1x16xf32> to vector<16xf32>
        %add3A_427 = arith.addf %get3A_426, %bitcast_convert_type3A_417 : vector<16xf32>
        %max3A_428 = arith.constant 0.000000e+00 : f32
        %max3A_429 = vector.broadcast %max3A_428 : f32 to vector<16xf32>
        %max3A_430 = arith.maximumf %add3A_427, %max3A_429 : vector<16xf32>
        %swap3A_431 = arith.index_cast %and3A_125 : i32 to index
        %swap3A_432 = arith.index_cast %scan3A_365 : i32 to index
        %swap3A_433 = arith.constant 16 : index
        %swap3A_434 = tpu.vector_load %arg10[%swap3A_431, %swap3A_432, %swap3A_433] {strides = array<i32>} : memref<2x80x128xf32, #tpu.memory_space<vmem>>, vector<1x1x16xf32>,
        %swap3A_435 = vector.shape_cast %swap3A_434 : vector<1x1x16xf32> to vector<16xf32>
        %swap3A_436 = vector.shape_cast %max3A_430 : vector<16xf32> to vector<1x1x16xf32>
        tpu.vector_store %arg10[%swap3A_431, %swap3A_432, %swap3A_433], %swap3A_436 {strides = array<i32>} : memref<2x80x128xf32, #tpu.memory_space<vmem>>, vector<1x1x16xf32>,
        %get3A_437 = arith.index_cast %and3A_125 : i32 to index
        %get3A_438 = arith.index_cast %scan3A_365 : i32 to index
        %get3A_439 = arith.constant 80 : index
        %get3A_440 = tpu.vector_load %arg10[%get3A_437, %get3A_438, %get3A_439] {strides = array<i32>} : memref<2x80x128xf32, #tpu.memory_space<vmem>>, vector<1x1x16xf32>,
        %get3A_441 = vector.shape_cast %get3A_440 : vector<1x1x16xf32> to vector<16xf32>
        %add3A_442 = arith.addf %get3A_441, %bitcast_convert_type3A_421 : vector<16xf32>
        %max3A_443 = arith.constant 0.000000e+00 : f32
        %max3A_444 = vector.broadcast %max3A_443 : f32 to vector<16xf32>
        %max3A_445 = arith.maximumf %add3A_442, %max3A_444 : vector<16xf32>
        %swap3A_446 = arith.index_cast %and3A_125 : i32 to index
        %swap3A_447 = arith.index_cast %scan3A_365 : i32 to index
        %swap3A_448 = arith.constant 80 : index
        %swap3A_449 = tpu.vector_load %arg10[%swap3A_446, %swap3A_447, %swap3A_448] {strides = array<i32>} : memref<2x80x128xf32, #tpu.memory_space<vmem>>, vector<1x1x16xf32>,
        %swap3A_450 = vector.shape_cast %swap3A_449 : vector<1x1x16xf32> to vector<16xf32>
        %swap3A_451 = vector.shape_cast %max3A_445 : vector<16xf32> to vector<1x1x16xf32>
        tpu.vector_store %arg10[%swap3A_446, %swap3A_447, %swap3A_448], %swap3A_451 {strides = array<i32>} : memref<2x80x128xf32, #tpu.memory_space<vmem>>, vector<1x1x16xf32>,
        %get3A_452 = arith.index_cast %and3A_125 : i32 to index
        %get3A_453 = arith.index_cast %scan3A_365 : i32 to index
        %get3A_454 = arith.constant 32 : index
        %get3A_455 = tpu.vector_load %arg11[%get3A_452, %get3A_453, %get3A_454] {strides = array<i32>} : memref<2x80x64xi32, #tpu.memory_space<vmem>>, vector<1x1x16xi32>,
        %get3A_456 = vector.shape_cast %get3A_455 : vector<1x1x16xi32> to vector<16xi32>
        %shift_left3A_457 = arith.constant 16 : i32
        %shift_left3A_458 = vector.broadcast %shift_left3A_457 : i32 to vector<16xi32>
        %shift_left3A_459 = arith.shli %get3A_456, %shift_left3A_458 : vector<16xi32>
        %bitcast_convert_type3A_460 = tpu.bitcast %shift_left3A_459 : vector<16xi32> -> vector<16xf32>
        %and3A_461 = arith.constant -65536 : i32
        %and3A_462 = vector.broadcast %and3A_461 : i32 to vector<16xi32>
        %and3A_463 = arith.andi %get3A_456, %and3A_462 : vector<16xi32>
        %bitcast_convert_type3A_464 = tpu.bitcast %and3A_463 : vector<16xi32> -> vector<16xf32>
        %get3A_465 = arith.index_cast %and3A_125 : i32 to index
        %get3A_466 = arith.index_cast %scan3A_365 : i32 to index
        %get3A_467 = arith.constant 32 : index
        %get3A_468 = tpu.vector_load %arg10[%get3A_465, %get3A_466, %get3A_467] {strides = array<i32>} : memref<2x80x128xf32, #tpu.memory_space<vmem>>, vector<1x1x16xf32>,
        %get3A_469 = vector.shape_cast %get3A_468 : vector<1x1x16xf32> to vector<16xf32>
        %add3A_470 = arith.addf %get3A_469, %bitcast_convert_type3A_460 : vector<16xf32>
        %max3A_471 = arith.constant 0.000000e+00 : f32
        %max3A_472 = vector.broadcast %max3A_471 : f32 to vector<16xf32>
        %max3A_473 = arith.maximumf %add3A_470, %max3A_472 : vector<16xf32>
        %swap3A_474 = arith.index_cast %and3A_125 : i32 to index
        %swap3A_475 = arith.index_cast %scan3A_365 : i32 to index
        %swap3A_476 = arith.constant 32 : index
        %swap3A_477 = tpu.vector_load %arg10[%swap3A_474, %swap3A_475, %swap3A_476] {strides = array<i32>} : memref<2x80x128xf32, #tpu.memory_space<vmem>>, vector<1x1x16xf32>,
        %swap3A_478 = vector.shape_cast %swap3A_477 : vector<1x1x16xf32> to vector<16xf32>
        %swap3A_479 = vector.shape_cast %max3A_473 : vector<16xf32> to vector<1x1x16xf32>
        tpu.vector_store %arg10[%swap3A_474, %swap3A_475, %swap3A_476], %swap3A_479 {strides = array<i32>} : memref<2x80x128xf32, #tpu.memory_space<vmem>>, vector<1x1x16xf32>,
        %get3A_480 = arith.index_cast %and3A_125 : i32 to index
        %get3A_481 = arith.index_cast %scan3A_365 : i32 to index
        %get3A_482 = arith.constant 96 : index
        %get3A_483 = tpu.vector_load %arg10[%get3A_480, %get3A_481, %get3A_482] {strides = array<i32>} : memref<2x80x128xf32, #tpu.memory_space<vmem>>, vector<1x1x16xf32>,
        %get3A_484 = vector.shape_cast %get3A_483 : vector<1x1x16xf32> to vector<16xf32>
        %add3A_485 = arith.addf %get3A_484, %bitcast_convert_type3A_464 : vector<16xf32>
        %max3A_486 = arith.constant 0.000000e+00 : f32
        %max3A_487 = vector.broadcast %max3A_486 : f32 to vector<16xf32>
        %max3A_488 = arith.maximumf %add3A_485, %max3A_487 : vector<16xf32>
        %swap3A_489 = arith.index_cast %and3A_125 : i32 to index
        %swap3A_490 = arith.index_cast %scan3A_365 : i32 to index
        %swap3A_491 = arith.constant 96 : index
        %swap3A_492 = tpu.vector_load %arg10[%swap3A_489, %swap3A_490, %swap3A_491] {strides = array<i32>} : memref<2x80x128xf32, #tpu.memory_space<vmem>>, vector<1x1x16xf32>,
        %swap3A_493 = vector.shape_cast %swap3A_492 : vector<1x1x16xf32> to vector<16xf32>
        %swap3A_494 = vector.shape_cast %max3A_488 : vector<16xf32> to vector<1x1x16xf32>
        tpu.vector_store %arg10[%swap3A_489, %swap3A_490, %swap3A_491], %swap3A_494 {strides = array<i32>} : memref<2x80x128xf32, #tpu.memory_space<vmem>>, vector<1x1x16xf32>,
        %get3A_495 = arith.index_cast %and3A_125 : i32 to index
        %get3A_496 = arith.index_cast %scan3A_365 : i32 to index
        %get3A_497 = arith.constant 48 : index
        %get3A_498 = tpu.vector_load %arg11[%get3A_495, %get3A_496, %get3A_497] {strides = array<i32>} : memref<2x80x64xi32, #tpu.memory_space<vmem>>, vector<1x1x16xi32>,
        %get3A_499 = vector.shape_cast %get3A_498 : vector<1x1x16xi32> to vector<16xi32>
        %shift_left3A_500 = arith.constant 16 : i32
        %shift_left3A_501 = vector.broadcast %shift_left3A_500 : i32 to vector<16xi32>
        %shift_left3A_502 = arith.shli %get3A_499, %shift_left3A_501 : vector<16xi32>
        %bitcast_convert_type3A_503 = tpu.bitcast %shift_left3A_502 : vector<16xi32> -> vector<16xf32>
        %and3A_504 = arith.constant -65536 : i32
        %and3A_505 = vector.broadcast %and3A_504 : i32 to vector<16xi32>
        %and3A_506 = arith.andi %get3A_499, %and3A_505 : vector<16xi32>
        %bitcast_convert_type3A_507 = tpu.bitcast %and3A_506 : vector<16xi32> -> vector<16xf32>
        %get3A_508 = arith.index_cast %and3A_125 : i32 to index
        %get3A_509 = arith.index_cast %scan3A_365 : i32 to index
        %get3A_510 = arith.constant 48 : index
        %get3A_511 = tpu.vector_load %arg10[%get3A_508, %get3A_509, %get3A_510] {strides = array<i32>} : memref<2x80x128xf32, #tpu.memory_space<vmem>>, vector<1x1x16xf32>,
        %get3A_512 = vector.shape_cast %get3A_511 : vector<1x1x16xf32> to vector<16xf32>
        %add3A_513 = arith.addf %get3A_512, %bitcast_convert_type3A_503 : vector<16xf32>
        %max3A_514 = arith.constant 0.000000e+00 : f32
        %max3A_515 = vector.broadcast %max3A_514 : f32 to vector<16xf32>
        %max3A_516 = arith.maximumf %add3A_513, %max3A_515 : vector<16xf32>
        %swap3A_517 = arith.index_cast %and3A_125 : i32 to index
        %swap3A_518 = arith.index_cast %scan3A_365 : i32 to index
        %swap3A_519 = arith.constant 48 : index
        %swap3A_520 = tpu.vector_load %arg10[%swap3A_517, %swap3A_518, %swap3A_519] {strides = array<i32>} : memref<2x80x128xf32, #tpu.memory_space<vmem>>, vector<1x1x16xf32>,
        %swap3A_521 = vector.shape_cast %swap3A_520 : vector<1x1x16xf32> to vector<16xf32>
        %swap3A_522 = vector.shape_cast %max3A_516 : vector<16xf32> to vector<1x1x16xf32>
        tpu.vector_store %arg10[%swap3A_517, %swap3A_518, %swap3A_519], %swap3A_522 {strides = array<i32>} : memref<2x80x128xf32, #tpu.memory_space<vmem>>, vector<1x1x16xf32>,
        %get3A_523 = arith.index_cast %and3A_125 : i32 to index
        %get3A_524 = arith.index_cast %scan3A_365 : i32 to index
        %get3A_525 = arith.constant 112 : index
        %get3A_526 = tpu.vector_load %arg10[%get3A_523, %get3A_524, %get3A_525] {strides = array<i32>} : memref<2x80x128xf32, #tpu.memory_space<vmem>>, vector<1x1x16xf32>,
        %get3A_527 = vector.shape_cast %get3A_526 : vector<1x1x16xf32> to vector<16xf32>
        %add3A_528 = arith.addf %get3A_527, %bitcast_convert_type3A_507 : vector<16xf32>
        %max3A_529 = arith.constant 0.000000e+00 : f32
        %max3A_530 = vector.broadcast %max3A_529 : f32 to vector<16xf32>
        %max3A_531 = arith.maximumf %add3A_528, %max3A_530 : vector<16xf32>
        %swap3A_532 = arith.index_cast %and3A_125 : i32 to index
        %swap3A_533 = arith.index_cast %scan3A_365 : i32 to index
        %swap3A_534 = arith.constant 112 : index
        %swap3A_535 = tpu.vector_load %arg10[%swap3A_532, %swap3A_533, %swap3A_534] {strides = array<i32>} : memref<2x80x128xf32, #tpu.memory_space<vmem>>, vector<1x1x16xf32>,
        %swap3A_536 = vector.shape_cast %swap3A_535 : vector<1x1x16xf32> to vector<16xf32>
        %swap3A_537 = vector.shape_cast %max3A_531 : vector<16xf32> to vector<1x1x16xf32>
        tpu.vector_store %arg10[%swap3A_532, %swap3A_533, %swap3A_534], %swap3A_537 {strides = array<i32>} : memref<2x80x128xf32, #tpu.memory_space<vmem>>, vector<1x1x16xf32>,
      }
      %scan3A_178 = arith.constant 80 : i32
      %dma_start3A_179 = arith.constant 0 : i32
      %dma_start3A_180 = arith.constant 0 : i32
      %dma_start3A_181 = tpu.memref_slice %arg10[%and3A_125, %dma_start3A_179, %dma_start3A_180] : memref<2x80x128xf32, #tpu.memory_space<vmem>> -> memref<1x80x128xf32, #tpu.memory_space<vmem>>
      %dma_start3A_182 = tpu.memref_squeeze %dma_start3A_181 : memref<1x80x128xf32, #tpu.memory_space<vmem>> -> memref<80x128xf32, #tpu.memory_space<vmem>>
      %dma_start3A_183 = arith.constant 0 : i32
      %dma_start3A_184 = tpu.memref_slice %arg9[%and3A_131, %dma_start3A_183] : memref<4x80xi32, #tpu.memory_space<vmem>> -> memref<1x80xi32, #tpu.memory_space<vmem>>
      %dma_start3A_185 = tpu.memref_squeeze %dma_start3A_184 : memref<1x80xi32, #tpu.memory_space<vmem>> -> memref<80xi32, #tpu.memory_space<vmem>>
      %dma_start3A_186 = arith.constant 0 : i32
      %dma_start3A_187 = arith.constant 0 : i32
      %dma_start3A_188 = tpu.memref_slice %arg12[%dma_start3A_186, %dma_start3A_187] : memref<10000x128xf32, #tpu.memory_space<vmem_shared>> -> memref<10000x128xf32, #tpu.memory_space<vmem_shared>>
      %dma_start3A_189 = tpu.memref_slice %arg16[%and3A_125] : memref<2x!tpu.dma_semaphore, #tpu.memory_space<semaphore_mem>> -> memref<1x!tpu.dma_semaphore, #tpu.memory_space<semaphore_mem>>
      %dma_start3A_190 = tpu.memref_squeeze %dma_start3A_189 : memref<1x!tpu.dma_semaphore, #tpu.memory_space<semaphore_mem>> -> memref<!tpu.dma_semaphore, #tpu.memory_space<semaphore_mem>>
      tpu.enqueue_indirect_dma source(%dma_start3A_182 : memref<80x128xf32, #tpu.memory_space<vmem>>) target(%dma_start3A_188 : memref<10000x128xf32, #tpu.memory_space<vmem_shared>>) offsets(%dma_start3A_185 : memref<80xi32, #tpu.memory_space<vmem>>) semaphore(%dma_start3A_190 : memref<!tpu.dma_semaphore, #tpu.memory_space<semaphore_mem>>) {add = true}
      %lt3A_191 = arith.constant 58 : i32
      %lt3A_192 = arith.cmpi slt, %scan3A_123, %lt3A_191 : i32
      %convert_element_type3A_193 = arith.extui %lt3A_192 : i1 to i32
      %cond3A_194 = arith.constant 0 : i32
      %cond3A_195 = arith.cmpi ne, %convert_element_type3A_193, %cond3A_194 : i32
      scf.if %cond3A_195 {
        %add3A_196 = arith.constant 2 : i32
        %add3A_197 = arith.addi %scan3A_123, %add3A_196 : i32
        %and3A_198 = arith.constant 3 : i32
        %and3A_199 = arith.andi %add3A_197, %and3A_198 : i32
        %dma_start3A_200 = arith.constant 0 : i32
        %dma_start3A_201 = tpu.memref_slice %arg8[%and3A_199, %dma_start3A_200] : memref<4x80xi32, #tpu.memory_space<vmem>> -> memref<1x80xi32, #tpu.memory_space<vmem>>
        %dma_start3A_202 = tpu.memref_squeeze %dma_start3A_201 : memref<1x80xi32, #tpu.memory_space<vmem>> -> memref<80xi32, #tpu.memory_space<vmem>>
        %dma_start3A_203 = arith.constant 0 : i32
        %dma_start3A_204 = tpu.memref_slice %arg4[%add3A, %add3A_197, %dma_start3A_203] : memref<32x60x80xi32, #tpu.memory_space<hbm>> -> memref<1x1x80xi32, #tpu.memory_space<hbm>>
        %dma_start3A_205 = tpu.memref_squeeze %dma_start3A_204 : memref<1x1x80xi32, #tpu.memory_space<hbm>> -> memref<80xi32, #tpu.memory_space<hbm>>
        %dma_start3A_206 = tpu.memref_slice %arg13[%and3A_199] : memref<4x!tpu.dma_semaphore, #tpu.memory_space<semaphore_mem>> -> memref<1x!tpu.dma_semaphore, #tpu.memory_space<semaphore_mem>>
        %dma_start3A_207 = tpu.memref_squeeze %dma_start3A_206 : memref<1x!tpu.dma_semaphore, #tpu.memory_space<semaphore_mem>> -> memref<!tpu.dma_semaphore, #tpu.memory_space<semaphore_mem>>
        %dma_start3A_208 = arith.constant 0 : i32
        %dma_start3A_209 = tpu.memref_slice %arg8[%and3A_199, %dma_start3A_208] : memref<4x80xi32, #tpu.memory_space<vmem>> -> memref<1x80xi32, #tpu.memory_space<vmem>>
        %dma_start3A_210 = tpu.memref_squeeze %dma_start3A_209 : memref<1x80xi32, #tpu.memory_space<vmem>> -> memref<80xi32, #tpu.memory_space<vmem>>
        %dma_start3A_211 = arith.constant 0 : i32
        %dma_start3A_212 = tpu.memref_slice %arg4[%add3A, %add3A_197, %dma_start3A_211] : memref<32x60x80xi32, #tpu.memory_space<hbm>> -> memref<1x1x80xi32, #tpu.memory_space<hbm>>
        %dma_start3A_213 = tpu.memref_squeeze %dma_start3A_212 : memref<1x1x80xi32, #tpu.memory_space<hbm>> -> memref<80xi32, #tpu.memory_space<hbm>>
        tpu.enqueue_dma source(%dma_start3A_213 : memref<80xi32, #tpu.memory_space<hbm>>) target(%dma_start3A_210 : memref<80xi32, #tpu.memory_space<vmem>>) target_semaphore(%dma_start3A_207 : memref<!tpu.dma_semaphore, #tpu.memory_space<semaphore_mem>>)
        %dma_start3A_214 = arith.constant 0 : i32
        %dma_start3A_215 = tpu.memref_slice %arg9[%and3A_199, %dma_start3A_214] : memref<4x80xi32, #tpu.memory_space<vmem>> -> memref<1x80xi32, #tpu.memory_space<vmem>>
        %dma_start3A_216 = tpu.memref_squeeze %dma_start3A_215 : memref<1x80xi32, #tpu.memory_space<vmem>> -> memref<80xi32, #tpu.memory_space<vmem>>
        %dma_start3A_217 = arith.constant 0 : i32
        %dma_start3A_218 = tpu.memref_slice %arg5[%add3A, %add3A_197, %dma_start3A_217] : memref<32x60x80xi32, #tpu.memory_space<hbm>> -> memref<1x1x80xi32, #tpu.memory_space<hbm>>
        %dma_start3A_219 = tpu.memref_squeeze %dma_start3A_218 : memref<1x1x80xi32, #tpu.memory_space<hbm>> -> memref<80xi32, #tpu.memory_space<hbm>>
        %dma_start3A_220 = tpu.memref_slice %arg13[%and3A_199] : memref<4x!tpu.dma_semaphore, #tpu.memory_space<semaphore_mem>> -> memref<1x!tpu.dma_semaphore, #tpu.memory_space<semaphore_mem>>
        %dma_start3A_221 = tpu.memref_squeeze %dma_start3A_220 : memref<1x!tpu.dma_semaphore, #tpu.memory_space<semaphore_mem>> -> memref<!tpu.dma_semaphore, #tpu.memory_space<semaphore_mem>>
        %dma_start3A_222 = arith.constant 0 : i32
        %dma_start3A_223 = tpu.memref_slice %arg9[%and3A_199, %dma_start3A_222] : memref<4x80xi32, #tpu.memory_space<vmem>> -> memref<1x80xi32, #tpu.memory_space<vmem>>
        %dma_start3A_224 = tpu.memref_squeeze %dma_start3A_223 : memref<1x80xi32, #tpu.memory_space<vmem>> -> memref<80xi32, #tpu.memory_space<vmem>>
        %dma_start3A_225 = arith.constant 0 : i32
        %dma_start3A_226 = tpu.memref_slice %arg5[%add3A, %add3A_197, %dma_start3A_225] : memref<32x60x80xi32, #tpu.memory_space<hbm>> -> memref<1x1x80xi32, #tpu.memory_space<hbm>>
        %dma_start3A_227 = tpu.memref_squeeze %dma_start3A_226 : memref<1x1x80xi32, #tpu.memory_space<hbm>> -> memref<80xi32, #tpu.memory_space<hbm>>
        tpu.enqueue_dma source(%dma_start3A_227 : memref<80xi32, #tpu.memory_space<hbm>>) target(%dma_start3A_224 : memref<80xi32, #tpu.memory_space<vmem>>) target_semaphore(%dma_start3A_221 : memref<!tpu.dma_semaphore, #tpu.memory_space<semaphore_mem>>)
      } else {
      }
    }
    %scan3A_77 = arith.constant 60 : i32
    %dma_wait3A = arith.constant 0 : i32
    %dma_wait3A_78 = arith.constant 0 : i32
    %dma_wait3A_79 = arith.constant 0 : i32
    %dma_wait3A_80 = arith.constant 0 : i32
    %dma_wait3A_81 = tpu.memref_slice %arg10[%dma_wait3A, %dma_wait3A_79, %dma_wait3A_80] : memref<2x80x128xf32, #tpu.memory_space<vmem>> -> memref<1x80x128xf32, #tpu.memory_space<vmem>>
    %dma_wait3A_82 = tpu.memref_squeeze %dma_wait3A_81 : memref<1x80x128xf32, #tpu.memory_space<vmem>> -> memref<80x128xf32, #tpu.memory_space<vmem>>
    %dma_wait3A_83 = arith.constant 0 : i32
    %dma_wait3A_84 = arith.constant 0 : i32
    %dma_wait3A_85 = tpu.memref_slice %arg6[%dma_wait3A_83, %dma_wait3A_84] : memref<10000x128xf32, #tpu.memory_space<hbm>> -> memref<80x128xf32, #tpu.memory_space<hbm>>
    %dma_wait3A_86 = tpu.memref_slice %arg16[%dma_wait3A_78] : memref<2x!tpu.dma_semaphore, #tpu.memory_space<semaphore_mem>> -> memref<1x!tpu.dma_semaphore, #tpu.memory_space<semaphore_mem>>
    %dma_wait3A_87 = tpu.memref_squeeze %dma_wait3A_86 : memref<1x!tpu.dma_semaphore, #tpu.memory_space<semaphore_mem>> -> memref<!tpu.dma_semaphore, #tpu.memory_space<semaphore_mem>>
    %dma_wait3A_88 = arith.constant 0 : i32
    %dma_wait3A_89 = arith.constant 0 : i32
    %dma_wait3A_90 = tpu.memref_slice %arg10[%dma_wait3A, %dma_wait3A_88, %dma_wait3A_89] : memref<2x80x128xf32, #tpu.memory_space<vmem>> -> memref<1x80x128xf32, #tpu.memory_space<vmem>>
    %dma_wait3A_91 = tpu.memref_squeeze %dma_wait3A_90 : memref<1x80x128xf32, #tpu.memory_space<vmem>> -> memref<80x128xf32, #tpu.memory_space<vmem>>
    %dma_wait3A_92 = arith.constant 0 : i32
    %dma_wait3A_93 = arith.constant 0 : i32
    %dma_wait3A_94 = tpu.memref_slice %arg6[%dma_wait3A_92, %dma_wait3A_93] : memref<10000x128xf32, #tpu.memory_space<hbm>> -> memref<80x128xf32, #tpu.memory_space<hbm>>
    tpu.wait_dma2 semaphore(%dma_wait3A_87 : memref<!tpu.dma_semaphore, #tpu.memory_space<semaphore_mem>>) src(%dma_wait3A_94 : memref<80x128xf32, #tpu.memory_space<hbm>>) dst(%dma_wait3A_91 : memref<80x128xf32, #tpu.memory_space<vmem>>)
    %dma_wait3A_95 = arith.constant 1 : i32
    %dma_wait3A_96 = arith.constant 1 : i32
    %dma_wait3A_97 = arith.constant 0 : i32
    %dma_wait3A_98 = arith.constant 0 : i32
    %dma_wait3A_99 = tpu.memref_slice %arg10[%dma_wait3A_95, %dma_wait3A_97, %dma_wait3A_98] : memref<2x80x128xf32, #tpu.memory_space<vmem>> -> memref<1x80x128xf32, #tpu.memory_space<vmem>>
    %dma_wait3A_100 = tpu.memref_squeeze %dma_wait3A_99 : memref<1x80x128xf32, #tpu.memory_space<vmem>> -> memref<80x128xf32, #tpu.memory_space<vmem>>
    %dma_wait3A_101 = arith.constant 0 : i32
    %dma_wait3A_102 = arith.constant 0 : i32
    %dma_wait3A_103 = tpu.memref_slice %arg6[%dma_wait3A_101, %dma_wait3A_102] : memref<10000x128xf32, #tpu.memory_space<hbm>> -> memref<80x128xf32, #tpu.memory_space<hbm>>
    %dma_wait3A_104 = tpu.memref_slice %arg16[%dma_wait3A_96] : memref<2x!tpu.dma_semaphore, #tpu.memory_space<semaphore_mem>> -> memref<1x!tpu.dma_semaphore, #tpu.memory_space<semaphore_mem>>
    %dma_wait3A_105 = tpu.memref_squeeze %dma_wait3A_104 : memref<1x!tpu.dma_semaphore, #tpu.memory_space<semaphore_mem>> -> memref<!tpu.dma_semaphore, #tpu.memory_space<semaphore_mem>>
    %dma_wait3A_106 = arith.constant 0 : i32
    %dma_wait3A_107 = arith.constant 0 : i32
    %dma_wait3A_108 = tpu.memref_slice %arg10[%dma_wait3A_95, %dma_wait3A_106, %dma_wait3A_107] : memref<2x80x128xf32, #tpu.memory_space<vmem>> -> memref<1x80x128xf32, #tpu.memory_space<vmem>>
    %dma_wait3A_109 = tpu.memref_squeeze %dma_wait3A_108 : memref<1x80x128xf32, #tpu.memory_space<vmem>> -> memref<80x128xf32, #tpu.memory_space<vmem>>
    %dma_wait3A_110 = arith.constant 0 : i32
    %dma_wait3A_111 = arith.constant 0 : i32
    %dma_wait3A_112 = tpu.memref_slice %arg6[%dma_wait3A_110, %dma_wait3A_111] : memref<10000x128xf32, #tpu.memory_space<hbm>> -> memref<80x128xf32, #tpu.memory_space<hbm>>
    tpu.wait_dma2 semaphore(%dma_wait3A_105 : memref<!tpu.dma_semaphore, #tpu.memory_space<semaphore_mem>>) src(%dma_wait3A_112 : memref<80x128xf32, #tpu.memory_space<hbm>>) dst(%dma_wait3A_109 : memref<80x128xf32, #tpu.memory_space<vmem>>)
    %barrier3A_113 = arith.constant 0 : index
    tpu.barrier barrier_id(%barrier3A_113)
    %lt3A = arith.constant 15 : i32
    %lt3A_114 = arith.cmpi slt, %arg1, %lt3A : i32
    %convert_element_type3A_115 = arith.extui %lt3A_114 : i1 to i32
    %cond3A_116 = arith.constant 0 : i32
    %cond3A_117 = arith.cmpi ne, %convert_element_type3A_115, %cond3A_116 : i32
    scf.if %cond3A_117 {
      %mul3A_123 = arith.constant 640 : i32
      %mul3A_124 = arith.muli %arg1, %mul3A_123 : i32
      %mul3A_125 = arith.constant 640 : i32
      %mul3A_126 = arith.muli %arg1, %mul3A_125 : i32
      "tpu.region"() ({
        %run_scoped3A_127 = tpu.sem_alloc : memref<!tpu.dma_semaphore, #tpu.memory_space<semaphore_mem>>
        %dma_start3A_128 = arith.constant 0 : i32
        %dma_start3A_129 = tpu.memref_slice %arg7[%arg0, %mul3A_126, %dma_start3A_128] : memref<2x10000x128xf32, #tpu.memory_space<hbm>> -> memref<1x640x128xf32, #tpu.memory_space<hbm>>
        %dma_start3A_130 = tpu.memref_squeeze %dma_start3A_129 : memref<1x640x128xf32, #tpu.memory_space<hbm>> -> memref<640x128xf32, #tpu.memory_space<hbm>>
        %dma_start3A_131 = arith.constant 0 : i32
        %dma_start3A_132 = tpu.memref_slice %arg12[%mul3A_124, %dma_start3A_131] : memref<10000x128xf32, #tpu.memory_space<vmem_shared>> -> memref<640x128xf32, #tpu.memory_space<vmem_shared>>
        tpu.enqueue_dma source(%dma_start3A_132 : memref<640x128xf32, #tpu.memory_space<vmem_shared>>) target(%dma_start3A_130 : memref<640x128xf32, #tpu.memory_space<hbm>>) target_semaphore(%run_scoped3A_127 : memref<!tpu.dma_semaphore, #tpu.memory_space<semaphore_mem>>)
        %dma_wait3A_133 = arith.constant 0 : i32
        %dma_wait3A_134 = tpu.memref_slice %arg7[%arg0, %mul3A_126, %dma_wait3A_133] : memref<2x10000x128xf32, #tpu.memory_space<hbm>> -> memref<1x640x128xf32, #tpu.memory_space<hbm>>
        %dma_wait3A_135 = tpu.memref_squeeze %dma_wait3A_134 : memref<1x640x128xf32, #tpu.memory_space<hbm>> -> memref<640x128xf32, #tpu.memory_space<hbm>>
        %dma_wait3A_136 = arith.constant 0 : i32
        %dma_wait3A_137 = tpu.memref_slice %arg12[%mul3A_124, %dma_wait3A_136] : memref<10000x128xf32, #tpu.memory_space<vmem_shared>> -> memref<640x128xf32, #tpu.memory_space<vmem_shared>>
        tpu.wait_dma2 semaphore(%run_scoped3A_127 : memref<!tpu.dma_semaphore, #tpu.memory_space<semaphore_mem>>) src(%dma_wait3A_137 : memref<640x128xf32, #tpu.memory_space<vmem_shared>>) dst(%dma_wait3A_135 : memref<640x128xf32, #tpu.memory_space<hbm>>)
        tpu.yield
      }) : () -> ()
    } else {
    }
    %eq3A_118 = arith.constant 15 : i32
    %eq3A_119 = arith.cmpi eq, %arg1, %eq3A_118 : i32
    %convert_element_type3A_120 = arith.extui %eq3A_119 : i1 to i32
    %cond3A_121 = arith.constant 0 : i32
    %cond3A_122 = arith.cmpi ne, %convert_element_type3A_120, %cond3A_121 : i32
    scf.if %cond3A_122 {
      "tpu.region"() ({
        %run_scoped3A_123 = tpu.sem_alloc : memref<!tpu.dma_semaphore, #tpu.memory_space<semaphore_mem>>
        %dma_start3A_124 = arith.constant 9600 : i32
        %dma_start3A_125 = arith.constant 0 : i32
        %dma_start3A_126 = tpu.memref_slice %arg7[%arg0, %dma_start3A_124, %dma_start3A_125] : memref<2x10000x128xf32, #tpu.memory_space<hbm>> -> memref<1x400x128xf32, #tpu.memory_space<hbm>>
        %dma_start3A_127 = tpu.memref_squeeze %dma_start3A_126 : memref<1x400x128xf32, #tpu.memory_space<hbm>> -> memref<400x128xf32, #tpu.memory_space<hbm>>
        %dma_start3A_128 = arith.constant 9600 : i32
        %dma_start3A_129 = arith.constant 0 : i32
        %dma_start3A_130 = tpu.memref_slice %arg12[%dma_start3A_128, %dma_start3A_129] : memref<10000x128xf32, #tpu.memory_space<vmem_shared>> -> memref<400x128xf32, #tpu.memory_space<vmem_shared>>
        tpu.enqueue_dma source(%dma_start3A_130 : memref<400x128xf32, #tpu.memory_space<vmem_shared>>) target(%dma_start3A_127 : memref<400x128xf32, #tpu.memory_space<hbm>>) target_semaphore(%run_scoped3A_123 : memref<!tpu.dma_semaphore, #tpu.memory_space<semaphore_mem>>)
        %dma_wait3A_131 = arith.constant 9600 : i32
        %dma_wait3A_132 = arith.constant 0 : i32
        %dma_wait3A_133 = tpu.memref_slice %arg7[%arg0, %dma_wait3A_131, %dma_wait3A_132] : memref<2x10000x128xf32, #tpu.memory_space<hbm>> -> memref<1x400x128xf32, #tpu.memory_space<hbm>>
        %dma_wait3A_134 = tpu.memref_squeeze %dma_wait3A_133 : memref<1x400x128xf32, #tpu.memory_space<hbm>> -> memref<400x128xf32, #tpu.memory_space<hbm>>
        %dma_wait3A_135 = arith.constant 9600 : i32
        %dma_wait3A_136 = arith.constant 0 : i32
        %dma_wait3A_137 = tpu.memref_slice %arg12[%dma_wait3A_135, %dma_wait3A_136] : memref<10000x128xf32, #tpu.memory_space<vmem_shared>> -> memref<400x128xf32, #tpu.memory_space<vmem_shared>>
        tpu.wait_dma2 semaphore(%run_scoped3A_123 : memref<!tpu.dma_semaphore, #tpu.memory_space<semaphore_mem>>) src(%dma_wait3A_137 : memref<400x128xf32, #tpu.memory_space<vmem_shared>>) dst(%dma_wait3A_134 : memref<400x128xf32, #tpu.memory_space<hbm>>)
        tpu.yield
      }) : () -> ()
    } else {
    }
    return
  }
}

#map = affine_map<(d0, d1) -> (0, 0)>
#map1 = affine_map<(d0, d1) -> (0, 0, 0)>
module attributes {stable_mosaic.version = 14 : i64} {
  func.func @_sc_body(%arg0: i32, %arg1: i32, %arg2: memref<10000x128xf32, #tpu.memory_space<hbm>>, %arg3: memref<166400x64xi32, #tpu.memory_space<hbm>>, %arg4: memref<32x65x80xi32, #tpu.memory_space<hbm>>, %arg5: memref<32x65x80xi32, #tpu.memory_space<hbm>>, %arg6: memref<10000x128xf32, #tpu.memory_space<hbm>>, %arg7: memref<2x10000x128xf32, #tpu.memory_space<hbm>>, %arg8: memref<4x80xi32, #tpu.memory_space<vmem>>, %arg9: memref<4x80xi32, #tpu.memory_space<vmem>>, %arg10: memref<2x80x128xf32, #tpu.memory_space<vmem>>, %arg11: memref<2x80x64xi32, #tpu.memory_space<vmem>>, %arg12: memref<10000x128xf32, #tpu.memory_space<vmem_shared>>, %arg13: memref<4x!tpu.dma_semaphore, #tpu.memory_space<semaphore_mem>>, %arg14: memref<2x!tpu.dma_semaphore, #tpu.memory_space<semaphore_mem>>, %arg15: memref<2x!tpu.dma_semaphore, #tpu.memory_space<semaphore_mem>>, %arg16: memref<2x!tpu.dma_semaphore, #tpu.memory_space<semaphore_mem>>, %arg17: memref<2x!tpu.dma_semaphore, #tpu.memory_space<semaphore_mem>>) attributes {dimension_semantics = [#tpu.dimension_semantics<core_parallel>, #tpu.dimension_semantics<subcore_parallel>], iteration_bounds = array<i64: 2, 16>, scalar_prefetch = 0 : i64, scratch_operands = 10 : i64, tpu.core_type = #tpu.core_type<sc_vector_subcore>, window_params = [{transform_indices = #map}, {transform_indices = #map}, {transform_indices = #map1}, {transform_indices = #map1}, {transform_indices = #map}, {transform_indices = #map1}]} {
    %mul3A = arith.constant 16 : i32
    %mul3A_0 = arith.muli %arg0, %mul3A : i32
    %add3A = arith.addi %mul3A_0, %arg1 : i32
    %eq3A = arith.constant 0 : i32
    %eq3A_1 = arith.cmpi eq, %arg1, %eq3A : i32
    %convert_element_type3A = arith.extui %eq3A_1 : i1 to i32
    %cond3A = arith.constant 0 : i32
    %cond3A_2 = arith.cmpi ne, %convert_element_type3A, %cond3A : i32
    scf.if %cond3A_2 {
      "tpu.region"() ({
        %run_scoped3A_123 = tpu.sem_alloc : memref<!tpu.dma_semaphore, #tpu.memory_space<semaphore_mem>>
        tpu.enqueue_dma source(%arg6 : memref<10000x128xf32, #tpu.memory_space<hbm>>) target(%arg12 : memref<10000x128xf32, #tpu.memory_space<vmem_shared>>) target_semaphore(%run_scoped3A_123 : memref<!tpu.dma_semaphore, #tpu.memory_space<semaphore_mem>>)
        tpu.wait_dma2 semaphore(%run_scoped3A_123 : memref<!tpu.dma_semaphore, #tpu.memory_space<semaphore_mem>>) src(%arg6 : memref<10000x128xf32, #tpu.memory_space<hbm>>) dst(%arg12 : memref<10000x128xf32, #tpu.memory_space<vmem_shared>>)
        tpu.yield
      }) : () -> ()
    } else {
    }
    %barrier3A = arith.constant 0 : index
    tpu.barrier barrier_id(%barrier3A)
    %run_scoped3A = arith.constant 0 : i32
    %run_scoped3A_3 = arith.constant 0 : i32
    "tpu.region"() ({
      %run_scoped3A_123 = tpu.sem_alloc : memref<!tpu.dma_semaphore, #tpu.memory_space<semaphore_mem>>
      %dma_start3A_124 = arith.constant 0 : i32
      %dma_start3A_125 = tpu.memref_slice %arg8[%run_scoped3A_3, %dma_start3A_124] : memref<4x80xi32, #tpu.memory_space<vmem>> -> memref<1x80xi32, #tpu.memory_space<vmem>>
      %dma_start3A_126 = tpu.memref_squeeze %dma_start3A_125 : memref<1x80xi32, #tpu.memory_space<vmem>> -> memref<80xi32, #tpu.memory_space<vmem>>
      %dma_start3A_127 = arith.constant 0 : i32
      %dma_start3A_128 = tpu.memref_slice %arg4[%add3A, %run_scoped3A, %dma_start3A_127] : memref<32x65x80xi32, #tpu.memory_space<hbm>> -> memref<1x1x80xi32, #tpu.memory_space<hbm>>
      %dma_start3A_129 = tpu.memref_squeeze %dma_start3A_128 : memref<1x1x80xi32, #tpu.memory_space<hbm>> -> memref<80xi32, #tpu.memory_space<hbm>>
      %dma_start3A_130 = arith.constant 0 : i32
      %dma_start3A_131 = tpu.memref_slice %arg8[%run_scoped3A_3, %dma_start3A_130] : memref<4x80xi32, #tpu.memory_space<vmem>> -> memref<1x80xi32, #tpu.memory_space<vmem>>
      %dma_start3A_132 = tpu.memref_squeeze %dma_start3A_131 : memref<1x80xi32, #tpu.memory_space<vmem>> -> memref<80xi32, #tpu.memory_space<vmem>>
      %dma_start3A_133 = arith.constant 0 : i32
      %dma_start3A_134 = tpu.memref_slice %arg4[%add3A, %run_scoped3A, %dma_start3A_133] : memref<32x65x80xi32, #tpu.memory_space<hbm>> -> memref<1x1x80xi32, #tpu.memory_space<hbm>>
      %dma_start3A_135 = tpu.memref_squeeze %dma_start3A_134 : memref<1x1x80xi32, #tpu.memory_space<hbm>> -> memref<80xi32, #tpu.memory_space<hbm>>
      tpu.enqueue_dma source(%dma_start3A_135 : memref<80xi32, #tpu.memory_space<hbm>>) target(%dma_start3A_132 : memref<80xi32, #tpu.memory_space<vmem>>) target_semaphore(%run_scoped3A_123 : memref<!tpu.dma_semaphore, #tpu.memory_space<semaphore_mem>>)
      %dma_wait3A_136 = arith.constant 0 : i32
      %dma_wait3A_137 = tpu.memref_slice %arg8[%run_scoped3A_3, %dma_wait3A_136] : memref<4x80xi32, #tpu.memory_space<vmem>> -> memref<1x80xi32, #tpu.memory_space<vmem>>
      %dma_wait3A_138 = tpu.memref_squeeze %dma_wait3A_137 : memref<1x80xi32, #tpu.memory_space<vmem>> -> memref<80xi32, #tpu.memory_space<vmem>>
      %dma_wait3A_139 = arith.constant 0 : i32
      %dma_wait3A_140 = tpu.memref_slice %arg4[%add3A, %run_scoped3A, %dma_wait3A_139] : memref<32x65x80xi32, #tpu.memory_space<hbm>> -> memref<1x1x80xi32, #tpu.memory_space<hbm>>
      %dma_wait3A_141 = tpu.memref_squeeze %dma_wait3A_140 : memref<1x1x80xi32, #tpu.memory_space<hbm>> -> memref<80xi32, #tpu.memory_space<hbm>>
      %dma_wait3A_142 = arith.constant 0 : i32
      %dma_wait3A_143 = tpu.memref_slice %arg8[%run_scoped3A_3, %dma_wait3A_142] : memref<4x80xi32, #tpu.memory_space<vmem>> -> memref<1x80xi32, #tpu.memory_space<vmem>>
      %dma_wait3A_144 = tpu.memref_squeeze %dma_wait3A_143 : memref<1x80xi32, #tpu.memory_space<vmem>> -> memref<80xi32, #tpu.memory_space<vmem>>
      %dma_wait3A_145 = arith.constant 0 : i32
      %dma_wait3A_146 = tpu.memref_slice %arg4[%add3A, %run_scoped3A, %dma_wait3A_145] : memref<32x65x80xi32, #tpu.memory_space<hbm>> -> memref<1x1x80xi32, #tpu.memory_space<hbm>>
      %dma_wait3A_147 = tpu.memref_squeeze %dma_wait3A_146 : memref<1x1x80xi32, #tpu.memory_space<hbm>> -> memref<80xi32, #tpu.memory_space<hbm>>
      tpu.wait_dma2 semaphore(%run_scoped3A_123 : memref<!tpu.dma_semaphore, #tpu.memory_space<semaphore_mem>>) src(%dma_wait3A_147 : memref<80xi32, #tpu.memory_space<hbm>>) dst(%dma_wait3A_144 : memref<80xi32, #tpu.memory_space<vmem>>)
      tpu.yield
    }) : () -> ()
    %run_scoped3A_4 = arith.constant 0 : i32
    %run_scoped3A_5 = arith.constant 0 : i32
    "tpu.region"() ({
      %run_scoped3A_123 = tpu.sem_alloc : memref<!tpu.dma_semaphore, #tpu.memory_space<semaphore_mem>>
      %dma_start3A_124 = arith.constant 0 : i32
      %dma_start3A_125 = tpu.memref_slice %arg9[%run_scoped3A_5, %dma_start3A_124] : memref<4x80xi32, #tpu.memory_space<vmem>> -> memref<1x80xi32, #tpu.memory_space<vmem>>
      %dma_start3A_126 = tpu.memref_squeeze %dma_start3A_125 : memref<1x80xi32, #tpu.memory_space<vmem>> -> memref<80xi32, #tpu.memory_space<vmem>>
      %dma_start3A_127 = arith.constant 0 : i32
      %dma_start3A_128 = tpu.memref_slice %arg5[%add3A, %run_scoped3A_4, %dma_start3A_127] : memref<32x65x80xi32, #tpu.memory_space<hbm>> -> memref<1x1x80xi32, #tpu.memory_space<hbm>>
      %dma_start3A_129 = tpu.memref_squeeze %dma_start3A_128 : memref<1x1x80xi32, #tpu.memory_space<hbm>> -> memref<80xi32, #tpu.memory_space<hbm>>
      %dma_start3A_130 = arith.constant 0 : i32
      %dma_start3A_131 = tpu.memref_slice %arg9[%run_scoped3A_5, %dma_start3A_130] : memref<4x80xi32, #tpu.memory_space<vmem>> -> memref<1x80xi32, #tpu.memory_space<vmem>>
      %dma_start3A_132 = tpu.memref_squeeze %dma_start3A_131 : memref<1x80xi32, #tpu.memory_space<vmem>> -> memref<80xi32, #tpu.memory_space<vmem>>
      %dma_start3A_133 = arith.constant 0 : i32
      %dma_start3A_134 = tpu.memref_slice %arg5[%add3A, %run_scoped3A_4, %dma_start3A_133] : memref<32x65x80xi32, #tpu.memory_space<hbm>> -> memref<1x1x80xi32, #tpu.memory_space<hbm>>
      %dma_start3A_135 = tpu.memref_squeeze %dma_start3A_134 : memref<1x1x80xi32, #tpu.memory_space<hbm>> -> memref<80xi32, #tpu.memory_space<hbm>>
      tpu.enqueue_dma source(%dma_start3A_135 : memref<80xi32, #tpu.memory_space<hbm>>) target(%dma_start3A_132 : memref<80xi32, #tpu.memory_space<vmem>>) target_semaphore(%run_scoped3A_123 : memref<!tpu.dma_semaphore, #tpu.memory_space<semaphore_mem>>)
      %dma_wait3A_136 = arith.constant 0 : i32
      %dma_wait3A_137 = tpu.memref_slice %arg9[%run_scoped3A_5, %dma_wait3A_136] : memref<4x80xi32, #tpu.memory_space<vmem>> -> memref<1x80xi32, #tpu.memory_space<vmem>>
      %dma_wait3A_138 = tpu.memref_squeeze %dma_wait3A_137 : memref<1x80xi32, #tpu.memory_space<vmem>> -> memref<80xi32, #tpu.memory_space<vmem>>
      %dma_wait3A_139 = arith.constant 0 : i32
      %dma_wait3A_140 = tpu.memref_slice %arg5[%add3A, %run_scoped3A_4, %dma_wait3A_139] : memref<32x65x80xi32, #tpu.memory_space<hbm>> -> memref<1x1x80xi32, #tpu.memory_space<hbm>>
      %dma_wait3A_141 = tpu.memref_squeeze %dma_wait3A_140 : memref<1x1x80xi32, #tpu.memory_space<hbm>> -> memref<80xi32, #tpu.memory_space<hbm>>
      %dma_wait3A_142 = arith.constant 0 : i32
      %dma_wait3A_143 = tpu.memref_slice %arg9[%run_scoped3A_5, %dma_wait3A_142] : memref<4x80xi32, #tpu.memory_space<vmem>> -> memref<1x80xi32, #tpu.memory_space<vmem>>
      %dma_wait3A_144 = tpu.memref_squeeze %dma_wait3A_143 : memref<1x80xi32, #tpu.memory_space<vmem>> -> memref<80xi32, #tpu.memory_space<vmem>>
      %dma_wait3A_145 = arith.constant 0 : i32
      %dma_wait3A_146 = tpu.memref_slice %arg5[%add3A, %run_scoped3A_4, %dma_wait3A_145] : memref<32x65x80xi32, #tpu.memory_space<hbm>> -> memref<1x1x80xi32, #tpu.memory_space<hbm>>
      %dma_wait3A_147 = tpu.memref_squeeze %dma_wait3A_146 : memref<1x1x80xi32, #tpu.memory_space<hbm>> -> memref<80xi32, #tpu.memory_space<hbm>>
      tpu.wait_dma2 semaphore(%run_scoped3A_123 : memref<!tpu.dma_semaphore, #tpu.memory_space<semaphore_mem>>) src(%dma_wait3A_147 : memref<80xi32, #tpu.memory_space<hbm>>) dst(%dma_wait3A_144 : memref<80xi32, #tpu.memory_space<vmem>>)
      tpu.yield
    }) : () -> ()
    %and3A = arith.constant 0 : i32
    %and3A_6 = arith.constant 1 : i32
    %and3A_7 = arith.andi %and3A, %and3A_6 : i32
    %and3A_8 = arith.constant 0 : i32
    %and3A_9 = arith.constant 3 : i32
    %and3A_10 = arith.andi %and3A_8, %and3A_9 : i32
    %mul3A_11 = arith.constant 5200 : i32
    %mul3A_12 = arith.muli %add3A, %mul3A_11 : i32
    %add3A_13 = arith.constant 0 : i32
    %add3A_14 = arith.addi %mul3A_12, %add3A_13 : i32
    %dma_start3A = arith.constant 0 : i32
    %dma_start3A_15 = arith.constant 0 : i32
    %dma_start3A_16 = tpu.memref_slice %arg10[%and3A_7, %dma_start3A, %dma_start3A_15] : memref<2x80x128xf32, #tpu.memory_space<vmem>> -> memref<1x80x128xf32, #tpu.memory_space<vmem>>
    %dma_start3A_17 = tpu.memref_squeeze %dma_start3A_16 : memref<1x80x128xf32, #tpu.memory_space<vmem>> -> memref<80x128xf32, #tpu.memory_space<vmem>>
    %dma_start3A_18 = arith.constant 0 : i32
    %dma_start3A_19 = tpu.memref_slice %arg8[%and3A_10, %dma_start3A_18] : memref<4x80xi32, #tpu.memory_space<vmem>> -> memref<1x80xi32, #tpu.memory_space<vmem>>
    %dma_start3A_20 = tpu.memref_squeeze %dma_start3A_19 : memref<1x80xi32, #tpu.memory_space<vmem>> -> memref<80xi32, #tpu.memory_space<vmem>>
    %dma_start3A_21 = arith.constant 0 : i32
    %dma_start3A_22 = arith.constant 0 : i32
    %dma_start3A_23 = tpu.memref_slice %arg2[%dma_start3A_21, %dma_start3A_22] : memref<10000x128xf32, #tpu.memory_space<hbm>> -> memref<10000x128xf32, #tpu.memory_space<hbm>>
    %dma_start3A_24 = tpu.memref_slice %arg14[%and3A_7] : memref<2x!tpu.dma_semaphore, #tpu.memory_space<semaphore_mem>> -> memref<1x!tpu.dma_semaphore, #tpu.memory_space<semaphore_mem>>
    %dma_start3A_25 = tpu.memref_squeeze %dma_start3A_24 : memref<1x!tpu.dma_semaphore, #tpu.memory_space<semaphore_mem>> -> memref<!tpu.dma_semaphore, #tpu.memory_space<semaphore_mem>>
    tpu.enqueue_indirect_dma source(%dma_start3A_23 : memref<10000x128xf32, #tpu.memory_space<hbm>>) target(%dma_start3A_17 : memref<80x128xf32, #tpu.memory_space<vmem>>) offsets(%dma_start3A_20 : memref<80xi32, #tpu.memory_space<vmem>>) semaphore(%dma_start3A_25 : memref<!tpu.dma_semaphore, #tpu.memory_space<semaphore_mem>>)
    %dma_start3A_26 = arith.constant 0 : i32
    %dma_start3A_27 = arith.constant 0 : i32
    %dma_start3A_28 = tpu.memref_slice %arg11[%and3A_7, %dma_start3A_26, %dma_start3A_27] : memref<2x80x64xi32, #tpu.memory_space<vmem>> -> memref<1x80x64xi32, #tpu.memory_space<vmem>>
    %dma_start3A_29 = tpu.memref_squeeze %dma_start3A_28 : memref<1x80x64xi32, #tpu.memory_space<vmem>> -> memref<80x64xi32, #tpu.memory_space<vmem>>
    %dma_start3A_30 = arith.constant 0 : i32
    %dma_start3A_31 = tpu.memref_slice %arg3[%add3A_14, %dma_start3A_30] : memref<166400x64xi32, #tpu.memory_space<hbm>> -> memref<80x64xi32, #tpu.memory_space<hbm>>
    %dma_start3A_32 = tpu.memref_slice %arg15[%and3A_7] : memref<2x!tpu.dma_semaphore, #tpu.memory_space<semaphore_mem>> -> memref<1x!tpu.dma_semaphore, #tpu.memory_space<semaphore_mem>>
    %dma_start3A_33 = tpu.memref_squeeze %dma_start3A_32 : memref<1x!tpu.dma_semaphore, #tpu.memory_space<semaphore_mem>> -> memref<!tpu.dma_semaphore, #tpu.memory_space<semaphore_mem>>
    %dma_start3A_34 = arith.constant 0 : i32
    %dma_start3A_35 = arith.constant 0 : i32
    %dma_start3A_36 = tpu.memref_slice %arg11[%and3A_7, %dma_start3A_34, %dma_start3A_35] : memref<2x80x64xi32, #tpu.memory_space<vmem>> -> memref<1x80x64xi32, #tpu.memory_space<vmem>>
    %dma_start3A_37 = tpu.memref_squeeze %dma_start3A_36 : memref<1x80x64xi32, #tpu.memory_space<vmem>> -> memref<80x64xi32, #tpu.memory_space<vmem>>
    %dma_start3A_38 = arith.constant 0 : i32
    %dma_start3A_39 = tpu.memref_slice %arg3[%add3A_14, %dma_start3A_38] : memref<166400x64xi32, #tpu.memory_space<hbm>> -> memref<80x64xi32, #tpu.memory_space<hbm>>
    tpu.enqueue_dma source(%dma_start3A_39 : memref<80x64xi32, #tpu.memory_space<hbm>>) target(%dma_start3A_37 : memref<80x64xi32, #tpu.memory_space<vmem>>) target_semaphore(%dma_start3A_33 : memref<!tpu.dma_semaphore, #tpu.memory_space<semaphore_mem>>)
    %and3A_40 = arith.constant 1 : i32
    %and3A_41 = arith.constant 3 : i32
    %and3A_42 = arith.andi %and3A_40, %and3A_41 : i32
    %dma_start3A_43 = arith.constant 1 : i32
    %dma_start3A_44 = arith.constant 0 : i32
    %dma_start3A_45 = tpu.memref_slice %arg8[%and3A_42, %dma_start3A_44] : memref<4x80xi32, #tpu.memory_space<vmem>> -> memref<1x80xi32, #tpu.memory_space<vmem>>
    %dma_start3A_46 = tpu.memref_squeeze %dma_start3A_45 : memref<1x80xi32, #tpu.memory_space<vmem>> -> memref<80xi32, #tpu.memory_space<vmem>>
    %dma_start3A_47 = arith.constant 0 : i32
    %dma_start3A_48 = tpu.memref_slice %arg4[%add3A, %dma_start3A_43, %dma_start3A_47] : memref<32x65x80xi32, #tpu.memory_space<hbm>> -> memref<1x1x80xi32, #tpu.memory_space<hbm>>
    %dma_start3A_49 = tpu.memref_squeeze %dma_start3A_48 : memref<1x1x80xi32, #tpu.memory_space<hbm>> -> memref<80xi32, #tpu.memory_space<hbm>>
    %dma_start3A_50 = tpu.memref_slice %arg13[%and3A_42] : memref<4x!tpu.dma_semaphore, #tpu.memory_space<semaphore_mem>> -> memref<1x!tpu.dma_semaphore, #tpu.memory_space<semaphore_mem>>
    %dma_start3A_51 = tpu.memref_squeeze %dma_start3A_50 : memref<1x!tpu.dma_semaphore, #tpu.memory_space<semaphore_mem>> -> memref<!tpu.dma_semaphore, #tpu.memory_space<semaphore_mem>>
    %dma_start3A_52 = arith.constant 0 : i32
    %dma_start3A_53 = tpu.memref_slice %arg8[%and3A_42, %dma_start3A_52] : memref<4x80xi32, #tpu.memory_space<vmem>> -> memref<1x80xi32, #tpu.memory_space<vmem>>
    %dma_start3A_54 = tpu.memref_squeeze %dma_start3A_53 : memref<1x80xi32, #tpu.memory_space<vmem>> -> memref<80xi32, #tpu.memory_space<vmem>>
    %dma_start3A_55 = arith.constant 0 : i32
    %dma_start3A_56 = tpu.memref_slice %arg4[%add3A, %dma_start3A_43, %dma_start3A_55] : memref<32x65x80xi32, #tpu.memory_space<hbm>> -> memref<1x1x80xi32, #tpu.memory_space<hbm>>
    %dma_start3A_57 = tpu.memref_squeeze %dma_start3A_56 : memref<1x1x80xi32, #tpu.memory_space<hbm>> -> memref<80xi32, #tpu.memory_space<hbm>>
    tpu.enqueue_dma source(%dma_start3A_57 : memref<80xi32, #tpu.memory_space<hbm>>) target(%dma_start3A_54 : memref<80xi32, #tpu.memory_space<vmem>>) target_semaphore(%dma_start3A_51 : memref<!tpu.dma_semaphore, #tpu.memory_space<semaphore_mem>>)
    %dma_start3A_58 = arith.constant 1 : i32
    %dma_start3A_59 = arith.constant 0 : i32
    %dma_start3A_60 = tpu.memref_slice %arg9[%and3A_42, %dma_start3A_59] : memref<4x80xi32, #tpu.memory_space<vmem>> -> memref<1x80xi32, #tpu.memory_space<vmem>>
    %dma_start3A_61 = tpu.memref_squeeze %dma_start3A_60 : memref<1x80xi32, #tpu.memory_space<vmem>> -> memref<80xi32, #tpu.memory_space<vmem>>
    %dma_start3A_62 = arith.constant 0 : i32
    %dma_start3A_63 = tpu.memref_slice %arg5[%add3A, %dma_start3A_58, %dma_start3A_62] : memref<32x65x80xi32, #tpu.memory_space<hbm>> -> memref<1x1x80xi32, #tpu.memory_space<hbm>>
    %dma_start3A_64 = tpu.memref_squeeze %dma_start3A_63 : memref<1x1x80xi32, #tpu.memory_space<hbm>> -> memref<80xi32, #tpu.memory_space<hbm>>
    %dma_start3A_65 = tpu.memref_slice %arg13[%and3A_42] : memref<4x!tpu.dma_semaphore, #tpu.memory_space<semaphore_mem>> -> memref<1x!tpu.dma_semaphore, #tpu.memory_space<semaphore_mem>>
    %dma_start3A_66 = tpu.memref_squeeze %dma_start3A_65 : memref<1x!tpu.dma_semaphore, #tpu.memory_space<semaphore_mem>> -> memref<!tpu.dma_semaphore, #tpu.memory_space<semaphore_mem>>
    %dma_start3A_67 = arith.constant 0 : i32
    %dma_start3A_68 = tpu.memref_slice %arg9[%and3A_42, %dma_start3A_67] : memref<4x80xi32, #tpu.memory_space<vmem>> -> memref<1x80xi32, #tpu.memory_space<vmem>>
    %dma_start3A_69 = tpu.memref_squeeze %dma_start3A_68 : memref<1x80xi32, #tpu.memory_space<vmem>> -> memref<80xi32, #tpu.memory_space<vmem>>
    %dma_start3A_70 = arith.constant 0 : i32
    %dma_start3A_71 = tpu.memref_slice %arg5[%add3A, %dma_start3A_58, %dma_start3A_70] : memref<32x65x80xi32, #tpu.memory_space<hbm>> -> memref<1x1x80xi32, #tpu.memory_space<hbm>>
    %dma_start3A_72 = tpu.memref_squeeze %dma_start3A_71 : memref<1x1x80xi32, #tpu.memory_space<hbm>> -> memref<80xi32, #tpu.memory_space<hbm>>
    tpu.enqueue_dma source(%dma_start3A_72 : memref<80xi32, #tpu.memory_space<hbm>>) target(%dma_start3A_69 : memref<80xi32, #tpu.memory_space<vmem>>) target_semaphore(%dma_start3A_66 : memref<!tpu.dma_semaphore, #tpu.memory_space<semaphore_mem>>)
    %scan3A = arith.constant 0 : i32
    %scan3A_73 = arith.constant 0 : i32
    %scan3A_74 = arith.constant 65 : i32
    %scan3A_75 = arith.addi %scan3A_73, %scan3A_74 : i32
    %scan3A_76 = arith.constant 1 : i32
    scf.for %scan3A_123 = %scan3A_73 to %scan3A_75 step %scan3A_76  : i32 {
      %and3A_124 = arith.constant 1 : i32
      %and3A_125 = arith.andi %scan3A_123, %and3A_124 : i32
      %add3A_126 = arith.constant 1 : i32
      %add3A_127 = arith.addi %scan3A_123, %add3A_126 : i32
      %and3A_128 = arith.constant 1 : i32
      %and3A_129 = arith.andi %add3A_127, %and3A_128 : i32
      %and3A_130 = arith.constant 3 : i32
      %and3A_131 = arith.andi %scan3A_123, %and3A_130 : i32
      %add3A_132 = arith.constant 1 : i32
      %add3A_133 = arith.addi %scan3A_123, %add3A_132 : i32
      %and3A_134 = arith.constant 3 : i32
      %and3A_135 = arith.andi %add3A_133, %and3A_134 : i32
      %lt3A_136 = arith.constant 64 : i32
      %lt3A_137 = arith.cmpi slt, %scan3A_123, %lt3A_136 : i32
      %convert_element_type3A_138 = arith.extui %lt3A_137 : i1 to i32
      %cond3A_139 = arith.constant 0 : i32
      %cond3A_140 = arith.cmpi ne, %convert_element_type3A_138, %cond3A_139 : i32
      scf.if %cond3A_140 {
        %dma_wait3A_196 = arith.constant 0 : i32
        %dma_wait3A_197 = arith.constant 0 : i32
        %dma_wait3A_198 = tpu.memref_slice %arg8[%and3A_135, %dma_wait3A_197] : memref<4x80xi32, #tpu.memory_space<vmem>> -> memref<1x80xi32, #tpu.memory_space<vmem>>
        %dma_wait3A_199 = tpu.memref_squeeze %dma_wait3A_198 : memref<1x80xi32, #tpu.memory_space<vmem>> -> memref<80xi32, #tpu.memory_space<vmem>>
        %dma_wait3A_200 = arith.constant 0 : i32
        %dma_wait3A_201 = tpu.memref_slice %arg4[%add3A, %dma_wait3A_196, %dma_wait3A_200] : memref<32x65x80xi32, #tpu.memory_space<hbm>> -> memref<1x1x80xi32, #tpu.memory_space<hbm>>
        %dma_wait3A_202 = tpu.memref_squeeze %dma_wait3A_201 : memref<1x1x80xi32, #tpu.memory_space<hbm>> -> memref<80xi32, #tpu.memory_space<hbm>>
        %dma_wait3A_203 = tpu.memref_slice %arg13[%and3A_135] : memref<4x!tpu.dma_semaphore, #tpu.memory_space<semaphore_mem>> -> memref<1x!tpu.dma_semaphore, #tpu.memory_space<semaphore_mem>>
        %dma_wait3A_204 = tpu.memref_squeeze %dma_wait3A_203 : memref<1x!tpu.dma_semaphore, #tpu.memory_space<semaphore_mem>> -> memref<!tpu.dma_semaphore, #tpu.memory_space<semaphore_mem>>
        %dma_wait3A_205 = arith.constant 0 : i32
        %dma_wait3A_206 = tpu.memref_slice %arg8[%and3A_135, %dma_wait3A_205] : memref<4x80xi32, #tpu.memory_space<vmem>> -> memref<1x80xi32, #tpu.memory_space<vmem>>
        %dma_wait3A_207 = tpu.memref_squeeze %dma_wait3A_206 : memref<1x80xi32, #tpu.memory_space<vmem>> -> memref<80xi32, #tpu.memory_space<vmem>>
        %dma_wait3A_208 = arith.constant 0 : i32
        %dma_wait3A_209 = tpu.memref_slice %arg4[%add3A, %dma_wait3A_196, %dma_wait3A_208] : memref<32x65x80xi32, #tpu.memory_space<hbm>> -> memref<1x1x80xi32, #tpu.memory_space<hbm>>
        %dma_wait3A_210 = tpu.memref_squeeze %dma_wait3A_209 : memref<1x1x80xi32, #tpu.memory_space<hbm>> -> memref<80xi32, #tpu.memory_space<hbm>>
        tpu.wait_dma2 semaphore(%dma_wait3A_204 : memref<!tpu.dma_semaphore, #tpu.memory_space<semaphore_mem>>) src(%dma_wait3A_210 : memref<80xi32, #tpu.memory_space<hbm>>) dst(%dma_wait3A_207 : memref<80xi32, #tpu.memory_space<vmem>>)
        %dma_wait3A_211 = arith.constant 0 : i32
        %dma_wait3A_212 = arith.constant 0 : i32
        %dma_wait3A_213 = tpu.memref_slice %arg9[%and3A_135, %dma_wait3A_212] : memref<4x80xi32, #tpu.memory_space<vmem>> -> memref<1x80xi32, #tpu.memory_space<vmem>>
        %dma_wait3A_214 = tpu.memref_squeeze %dma_wait3A_213 : memref<1x80xi32, #tpu.memory_space<vmem>> -> memref<80xi32, #tpu.memory_space<vmem>>
        %dma_wait3A_215 = arith.constant 0 : i32
        %dma_wait3A_216 = tpu.memref_slice %arg4[%add3A, %dma_wait3A_211, %dma_wait3A_215] : memref<32x65x80xi32, #tpu.memory_space<hbm>> -> memref<1x1x80xi32, #tpu.memory_space<hbm>>
        %dma_wait3A_217 = tpu.memref_squeeze %dma_wait3A_216 : memref<1x1x80xi32, #tpu.memory_space<hbm>> -> memref<80xi32, #tpu.memory_space<hbm>>
        %dma_wait3A_218 = tpu.memref_slice %arg13[%and3A_135] : memref<4x!tpu.dma_semaphore, #tpu.memory_space<semaphore_mem>> -> memref<1x!tpu.dma_semaphore, #tpu.memory_space<semaphore_mem>>
        %dma_wait3A_219 = tpu.memref_squeeze %dma_wait3A_218 : memref<1x!tpu.dma_semaphore, #tpu.memory_space<semaphore_mem>> -> memref<!tpu.dma_semaphore, #tpu.memory_space<semaphore_mem>>
        %dma_wait3A_220 = arith.constant 0 : i32
        %dma_wait3A_221 = tpu.memref_slice %arg9[%and3A_135, %dma_wait3A_220] : memref<4x80xi32, #tpu.memory_space<vmem>> -> memref<1x80xi32, #tpu.memory_space<vmem>>
        %dma_wait3A_222 = tpu.memref_squeeze %dma_wait3A_221 : memref<1x80xi32, #tpu.memory_space<vmem>> -> memref<80xi32, #tpu.memory_space<vmem>>
        %dma_wait3A_223 = arith.constant 0 : i32
        %dma_wait3A_224 = tpu.memref_slice %arg4[%add3A, %dma_wait3A_211, %dma_wait3A_223] : memref<32x65x80xi32, #tpu.memory_space<hbm>> -> memref<1x1x80xi32, #tpu.memory_space<hbm>>
        %dma_wait3A_225 = tpu.memref_squeeze %dma_wait3A_224 : memref<1x1x80xi32, #tpu.memory_space<hbm>> -> memref<80xi32, #tpu.memory_space<hbm>>
        tpu.wait_dma2 semaphore(%dma_wait3A_219 : memref<!tpu.dma_semaphore, #tpu.memory_space<semaphore_mem>>) src(%dma_wait3A_225 : memref<80xi32, #tpu.memory_space<hbm>>) dst(%dma_wait3A_222 : memref<80xi32, #tpu.memory_space<vmem>>)
        %gt3A = arith.constant 0 : i32
        %gt3A_226 = arith.cmpi sgt, %scan3A_123, %gt3A : i32
        %convert_element_type3A_227 = arith.extui %gt3A_226 : i1 to i32
        %cond3A_228 = arith.constant 0 : i32
        %cond3A_229 = arith.cmpi ne, %convert_element_type3A_227, %cond3A_228 : i32
        scf.if %cond3A_229 {
          %dma_wait3A_267 = arith.constant 0 : i32
          %dma_wait3A_268 = arith.constant 0 : i32
          %dma_wait3A_269 = tpu.memref_slice %arg10[%and3A_129, %dma_wait3A_267, %dma_wait3A_268] : memref<2x80x128xf32, #tpu.memory_space<vmem>> -> memref<1x80x128xf32, #tpu.memory_space<vmem>>
          %dma_wait3A_270 = tpu.memref_squeeze %dma_wait3A_269 : memref<1x80x128xf32, #tpu.memory_space<vmem>> -> memref<80x128xf32, #tpu.memory_space<vmem>>
          %dma_wait3A_271 = arith.constant 0 : i32
          %dma_wait3A_272 = arith.constant 0 : i32
          %dma_wait3A_273 = tpu.memref_slice %arg6[%dma_wait3A_271, %dma_wait3A_272] : memref<10000x128xf32, #tpu.memory_space<hbm>> -> memref<80x128xf32, #tpu.memory_space<hbm>>
          %dma_wait3A_274 = tpu.memref_slice %arg16[%and3A_129] : memref<2x!tpu.dma_semaphore, #tpu.memory_space<semaphore_mem>> -> memref<1x!tpu.dma_semaphore, #tpu.memory_space<semaphore_mem>>
          %dma_wait3A_275 = tpu.memref_squeeze %dma_wait3A_274 : memref<1x!tpu.dma_semaphore, #tpu.memory_space<semaphore_mem>> -> memref<!tpu.dma_semaphore, #tpu.memory_space<semaphore_mem>>
          %dma_wait3A_276 = arith.constant 0 : i32
          %dma_wait3A_277 = arith.constant 0 : i32
          %dma_wait3A_278 = tpu.memref_slice %arg10[%and3A_129, %dma_wait3A_276, %dma_wait3A_277] : memref<2x80x128xf32, #tpu.memory_space<vmem>> -> memref<1x80x128xf32, #tpu.memory_space<vmem>>
          %dma_wait3A_279 = tpu.memref_squeeze %dma_wait3A_278 : memref<1x80x128xf32, #tpu.memory_space<vmem>> -> memref<80x128xf32, #tpu.memory_space<vmem>>
          %dma_wait3A_280 = arith.constant 0 : i32
          %dma_wait3A_281 = arith.constant 0 : i32
          %dma_wait3A_282 = tpu.memref_slice %arg6[%dma_wait3A_280, %dma_wait3A_281] : memref<10000x128xf32, #tpu.memory_space<hbm>> -> memref<80x128xf32, #tpu.memory_space<hbm>>
          tpu.wait_dma2 semaphore(%dma_wait3A_275 : memref<!tpu.dma_semaphore, #tpu.memory_space<semaphore_mem>>) src(%dma_wait3A_282 : memref<80x128xf32, #tpu.memory_space<hbm>>) dst(%dma_wait3A_279 : memref<80x128xf32, #tpu.memory_space<vmem>>)
        } else {
        }
        %add3A_230 = arith.constant 1 : i32
        %add3A_231 = arith.addi %scan3A_123, %add3A_230 : i32
        %and3A_232 = arith.constant 1 : i32
        %and3A_233 = arith.andi %add3A_231, %and3A_232 : i32
        %and3A_234 = arith.constant 3 : i32
        %and3A_235 = arith.andi %add3A_231, %and3A_234 : i32
        %mul3A_236 = arith.constant 5200 : i32
        %mul3A_237 = arith.muli %add3A, %mul3A_236 : i32
        %mul3A_238 = arith.constant 80 : i32
        %mul3A_239 = arith.muli %add3A_231, %mul3A_238 : i32
        %add3A_240 = arith.addi %mul3A_237, %mul3A_239 : i32
        %dma_start3A_241 = arith.constant 0 : i32
        %dma_start3A_242 = arith.constant 0 : i32
        %dma_start3A_243 = tpu.memref_slice %arg10[%and3A_233, %dma_start3A_241, %dma_start3A_242] : memref<2x80x128xf32, #tpu.memory_space<vmem>> -> memref<1x80x128xf32, #tpu.memory_space<vmem>>
        %dma_start3A_244 = tpu.memref_squeeze %dma_start3A_243 : memref<1x80x128xf32, #tpu.memory_space<vmem>> -> memref<80x128xf32, #tpu.memory_space<vmem>>
        %dma_start3A_245 = arith.constant 0 : i32
        %dma_start3A_246 = tpu.memref_slice %arg8[%and3A_235, %dma_start3A_245] : memref<4x80xi32, #tpu.memory_space<vmem>> -> memref<1x80xi32, #tpu.memory_space<vmem>>
        %dma_start3A_247 = tpu.memref_squeeze %dma_start3A_246 : memref<1x80xi32, #tpu.memory_space<vmem>> -> memref<80xi32, #tpu.memory_space<vmem>>
        %dma_start3A_248 = arith.constant 0 : i32
        %dma_start3A_249 = arith.constant 0 : i32
        %dma_start3A_250 = tpu.memref_slice %arg2[%dma_start3A_248, %dma_start3A_249] : memref<10000x128xf32, #tpu.memory_space<hbm>> -> memref<10000x128xf32, #tpu.memory_space<hbm>>
        %dma_start3A_251 = tpu.memref_slice %arg14[%and3A_233] : memref<2x!tpu.dma_semaphore, #tpu.memory_space<semaphore_mem>> -> memref<1x!tpu.dma_semaphore, #tpu.memory_space<semaphore_mem>>
        %dma_start3A_252 = tpu.memref_squeeze %dma_start3A_251 : memref<1x!tpu.dma_semaphore, #tpu.memory_space<semaphore_mem>> -> memref<!tpu.dma_semaphore, #tpu.memory_space<semaphore_mem>>
        tpu.enqueue_indirect_dma source(%dma_start3A_250 : memref<10000x128xf32, #tpu.memory_space<hbm>>) target(%dma_start3A_244 : memref<80x128xf32, #tpu.memory_space<vmem>>) offsets(%dma_start3A_247 : memref<80xi32, #tpu.memory_space<vmem>>) semaphore(%dma_start3A_252 : memref<!tpu.dma_semaphore, #tpu.memory_space<semaphore_mem>>)
        %dma_start3A_253 = arith.constant 0 : i32
        %dma_start3A_254 = arith.constant 0 : i32
        %dma_start3A_255 = tpu.memref_slice %arg11[%and3A_233, %dma_start3A_253, %dma_start3A_254] : memref<2x80x64xi32, #tpu.memory_space<vmem>> -> memref<1x80x64xi32, #tpu.memory_space<vmem>>
        %dma_start3A_256 = tpu.memref_squeeze %dma_start3A_255 : memref<1x80x64xi32, #tpu.memory_space<vmem>> -> memref<80x64xi32, #tpu.memory_space<vmem>>
        %dma_start3A_257 = arith.constant 0 : i32
        %dma_start3A_258 = tpu.memref_slice %arg3[%add3A_240, %dma_start3A_257] : memref<166400x64xi32, #tpu.memory_space<hbm>> -> memref<80x64xi32, #tpu.memory_space<hbm>>
        %dma_start3A_259 = tpu.memref_slice %arg15[%and3A_233] : memref<2x!tpu.dma_semaphore, #tpu.memory_space<semaphore_mem>> -> memref<1x!tpu.dma_semaphore, #tpu.memory_space<semaphore_mem>>
        %dma_start3A_260 = tpu.memref_squeeze %dma_start3A_259 : memref<1x!tpu.dma_semaphore, #tpu.memory_space<semaphore_mem>> -> memref<!tpu.dma_semaphore, #tpu.memory_space<semaphore_mem>>
        %dma_start3A_261 = arith.constant 0 : i32
        %dma_start3A_262 = arith.constant 0 : i32
        %dma_start3A_263 = tpu.memref_slice %arg11[%and3A_233, %dma_start3A_261, %dma_start3A_262] : memref<2x80x64xi32, #tpu.memory_space<vmem>> -> memref<1x80x64xi32, #tpu.memory_space<vmem>>
        %dma_start3A_264 = tpu.memref_squeeze %dma_start3A_263 : memref<1x80x64xi32, #tpu.memory_space<vmem>> -> memref<80x64xi32, #tpu.memory_space<vmem>>
        %dma_start3A_265 = arith.constant 0 : i32
        %dma_start3A_266 = tpu.memref_slice %arg3[%add3A_240, %dma_start3A_265] : memref<166400x64xi32, #tpu.memory_space<hbm>> -> memref<80x64xi32, #tpu.memory_space<hbm>>
        tpu.enqueue_dma source(%dma_start3A_266 : memref<80x64xi32, #tpu.memory_space<hbm>>) target(%dma_start3A_264 : memref<80x64xi32, #tpu.memory_space<vmem>>) target_semaphore(%dma_start3A_260 : memref<!tpu.dma_semaphore, #tpu.memory_space<semaphore_mem>>)
      } else {
      }
      %dma_wait3A_141 = arith.constant 0 : i32
      %dma_wait3A_142 = arith.constant 0 : i32
      %dma_wait3A_143 = tpu.memref_slice %arg10[%and3A_125, %dma_wait3A_141, %dma_wait3A_142] : memref<2x80x128xf32, #tpu.memory_space<vmem>> -> memref<1x80x128xf32, #tpu.memory_space<vmem>>
      %dma_wait3A_144 = tpu.memref_squeeze %dma_wait3A_143 : memref<1x80x128xf32, #tpu.memory_space<vmem>> -> memref<80x128xf32, #tpu.memory_space<vmem>>
      %dma_wait3A_145 = arith.constant 0 : i32
      %dma_wait3A_146 = arith.constant 0 : i32
      %dma_wait3A_147 = tpu.memref_slice %arg6[%dma_wait3A_145, %dma_wait3A_146] : memref<10000x128xf32, #tpu.memory_space<hbm>> -> memref<80x128xf32, #tpu.memory_space<hbm>>
      %dma_wait3A_148 = tpu.memref_slice %arg14[%and3A_125] : memref<2x!tpu.dma_semaphore, #tpu.memory_space<semaphore_mem>> -> memref<1x!tpu.dma_semaphore, #tpu.memory_space<semaphore_mem>>
      %dma_wait3A_149 = tpu.memref_squeeze %dma_wait3A_148 : memref<1x!tpu.dma_semaphore, #tpu.memory_space<semaphore_mem>> -> memref<!tpu.dma_semaphore, #tpu.memory_space<semaphore_mem>>
      %dma_wait3A_150 = arith.constant 0 : i32
      %dma_wait3A_151 = arith.constant 0 : i32
      %dma_wait3A_152 = tpu.memref_slice %arg10[%and3A_125, %dma_wait3A_150, %dma_wait3A_151] : memref<2x80x128xf32, #tpu.memory_space<vmem>> -> memref<1x80x128xf32, #tpu.memory_space<vmem>>
      %dma_wait3A_153 = tpu.memref_squeeze %dma_wait3A_152 : memref<1x80x128xf32, #tpu.memory_space<vmem>> -> memref<80x128xf32, #tpu.memory_space<vmem>>
      %dma_wait3A_154 = arith.constant 0 : i32
      %dma_wait3A_155 = arith.constant 0 : i32
      %dma_wait3A_156 = tpu.memref_slice %arg6[%dma_wait3A_154, %dma_wait3A_155] : memref<10000x128xf32, #tpu.memory_space<hbm>> -> memref<80x128xf32, #tpu.memory_space<hbm>>
      tpu.wait_dma2 semaphore(%dma_wait3A_149 : memref<!tpu.dma_semaphore, #tpu.memory_space<semaphore_mem>>) src(%dma_wait3A_156 : memref<80x128xf32, #tpu.memory_space<hbm>>) dst(%dma_wait3A_153 : memref<80x128xf32, #tpu.memory_space<vmem>>)
      %dma_wait3A_157 = arith.constant 0 : i32
      %dma_wait3A_158 = arith.constant 0 : i32
      %dma_wait3A_159 = tpu.memref_slice %arg11[%and3A_125, %dma_wait3A_157, %dma_wait3A_158] : memref<2x80x64xi32, #tpu.memory_space<vmem>> -> memref<1x80x64xi32, #tpu.memory_space<vmem>>
      %dma_wait3A_160 = tpu.memref_squeeze %dma_wait3A_159 : memref<1x80x64xi32, #tpu.memory_space<vmem>> -> memref<80x64xi32, #tpu.memory_space<vmem>>
      %dma_wait3A_161 = arith.constant 0 : i32
      %dma_wait3A_162 = arith.constant 0 : i32
      %dma_wait3A_163 = tpu.memref_slice %arg3[%dma_wait3A_161, %dma_wait3A_162] : memref<166400x64xi32, #tpu.memory_space<hbm>> -> memref<80x64xi32, #tpu.memory_space<hbm>>
      %dma_wait3A_164 = tpu.memref_slice %arg15[%and3A_125] : memref<2x!tpu.dma_semaphore, #tpu.memory_space<semaphore_mem>> -> memref<1x!tpu.dma_semaphore, #tpu.memory_space<semaphore_mem>>
      %dma_wait3A_165 = tpu.memref_squeeze %dma_wait3A_164 : memref<1x!tpu.dma_semaphore, #tpu.memory_space<semaphore_mem>> -> memref<!tpu.dma_semaphore, #tpu.memory_space<semaphore_mem>>
      %dma_wait3A_166 = arith.constant 0 : i32
      %dma_wait3A_167 = arith.constant 0 : i32
      %dma_wait3A_168 = tpu.memref_slice %arg11[%and3A_125, %dma_wait3A_166, %dma_wait3A_167] : memref<2x80x64xi32, #tpu.memory_space<vmem>> -> memref<1x80x64xi32, #tpu.memory_space<vmem>>
      %dma_wait3A_169 = tpu.memref_squeeze %dma_wait3A_168 : memref<1x80x64xi32, #tpu.memory_space<vmem>> -> memref<80x64xi32, #tpu.memory_space<vmem>>
      %dma_wait3A_170 = arith.constant 0 : i32
      %dma_wait3A_171 = arith.constant 0 : i32
      %dma_wait3A_172 = tpu.memref_slice %arg3[%dma_wait3A_170, %dma_wait3A_171] : memref<166400x64xi32, #tpu.memory_space<hbm>> -> memref<80x64xi32, #tpu.memory_space<hbm>>
      tpu.wait_dma2 semaphore(%dma_wait3A_165 : memref<!tpu.dma_semaphore, #tpu.memory_space<semaphore_mem>>) src(%dma_wait3A_172 : memref<80x64xi32, #tpu.memory_space<hbm>>) dst(%dma_wait3A_169 : memref<80x64xi32, #tpu.memory_space<vmem>>)
      %scan3A_173 = arith.constant 0 : i32
      %scan3A_174 = arith.constant 0 : i32
      %scan3A_175 = arith.constant 80 : i32
      %scan3A_176 = arith.addi %scan3A_174, %scan3A_175 : i32
      %scan3A_177 = arith.constant 2 : i32
      scf.for %scan3A_196 = %scan3A_174 to %scan3A_176 step %scan3A_177  : i32 {
        %get3A = arith.index_cast %and3A_125 : i32 to index
        %get3A_197 = arith.index_cast %scan3A_196 : i32 to index
        %get3A_198 = arith.constant 0 : index
        %get3A_199 = tpu.vector_load %arg11[%get3A, %get3A_197, %get3A_198] {strides = array<i32>} : memref<2x80x64xi32, #tpu.memory_space<vmem>>, vector<1x1x16xi32>,
        %get3A_200 = vector.shape_cast %get3A_199 : vector<1x1x16xi32> to vector<16xi32>
        %shift_left3A = arith.constant 16 : i32
        %shift_left3A_201 = vector.broadcast %shift_left3A : i32 to vector<16xi32>
        %shift_left3A_202 = arith.shli %get3A_200, %shift_left3A_201 : vector<16xi32>
        %bitcast_convert_type3A = tpu.bitcast %shift_left3A_202 : vector<16xi32> -> vector<16xf32>
        %and3A_203 = arith.constant -65536 : i32
        %and3A_204 = vector.broadcast %and3A_203 : i32 to vector<16xi32>
        %and3A_205 = arith.andi %get3A_200, %and3A_204 : vector<16xi32>
        %bitcast_convert_type3A_206 = tpu.bitcast %and3A_205 : vector<16xi32> -> vector<16xf32>
        %get3A_207 = arith.index_cast %and3A_125 : i32 to index
        %get3A_208 = arith.index_cast %scan3A_196 : i32 to index
        %get3A_209 = arith.constant 0 : index
        %get3A_210 = tpu.vector_load %arg10[%get3A_207, %get3A_208, %get3A_209] {strides = array<i32>} : memref<2x80x128xf32, #tpu.memory_space<vmem>>, vector<1x1x16xf32>,
        %get3A_211 = vector.shape_cast %get3A_210 : vector<1x1x16xf32> to vector<16xf32>
        %add3A_212 = arith.addf %get3A_211, %bitcast_convert_type3A : vector<16xf32>
        %max3A = arith.constant 0.000000e+00 : f32
        %max3A_213 = vector.broadcast %max3A : f32 to vector<16xf32>
        %max3A_214 = arith.maximumf %add3A_212, %max3A_213 : vector<16xf32>
        %swap3A = arith.index_cast %and3A_125 : i32 to index
        %swap3A_215 = arith.index_cast %scan3A_196 : i32 to index
        %swap3A_216 = arith.constant 0 : index
        %swap3A_217 = tpu.vector_load %arg10[%swap3A, %swap3A_215, %swap3A_216] {strides = array<i32>} : memref<2x80x128xf32, #tpu.memory_space<vmem>>, vector<1x1x16xf32>,
        %swap3A_218 = vector.shape_cast %swap3A_217 : vector<1x1x16xf32> to vector<16xf32>
        %swap3A_219 = vector.shape_cast %max3A_214 : vector<16xf32> to vector<1x1x16xf32>
        tpu.vector_store %arg10[%swap3A, %swap3A_215, %swap3A_216], %swap3A_219 {strides = array<i32>} : memref<2x80x128xf32, #tpu.memory_space<vmem>>, vector<1x1x16xf32>,
        %get3A_220 = arith.index_cast %and3A_125 : i32 to index
        %get3A_221 = arith.index_cast %scan3A_196 : i32 to index
        %get3A_222 = arith.constant 64 : index
        %get3A_223 = tpu.vector_load %arg10[%get3A_220, %get3A_221, %get3A_222] {strides = array<i32>} : memref<2x80x128xf32, #tpu.memory_space<vmem>>, vector<1x1x16xf32>,
        %get3A_224 = vector.shape_cast %get3A_223 : vector<1x1x16xf32> to vector<16xf32>
        %add3A_225 = arith.addf %get3A_224, %bitcast_convert_type3A_206 : vector<16xf32>
        %max3A_226 = arith.constant 0.000000e+00 : f32
        %max3A_227 = vector.broadcast %max3A_226 : f32 to vector<16xf32>
        %max3A_228 = arith.maximumf %add3A_225, %max3A_227 : vector<16xf32>
        %swap3A_229 = arith.index_cast %and3A_125 : i32 to index
        %swap3A_230 = arith.index_cast %scan3A_196 : i32 to index
        %swap3A_231 = arith.constant 64 : index
        %swap3A_232 = tpu.vector_load %arg10[%swap3A_229, %swap3A_230, %swap3A_231] {strides = array<i32>} : memref<2x80x128xf32, #tpu.memory_space<vmem>>, vector<1x1x16xf32>,
        %swap3A_233 = vector.shape_cast %swap3A_232 : vector<1x1x16xf32> to vector<16xf32>
        %swap3A_234 = vector.shape_cast %max3A_228 : vector<16xf32> to vector<1x1x16xf32>
        tpu.vector_store %arg10[%swap3A_229, %swap3A_230, %swap3A_231], %swap3A_234 {strides = array<i32>} : memref<2x80x128xf32, #tpu.memory_space<vmem>>, vector<1x1x16xf32>,
        %get3A_235 = arith.index_cast %and3A_125 : i32 to index
        %get3A_236 = arith.index_cast %scan3A_196 : i32 to index
        %get3A_237 = arith.constant 16 : index
        %get3A_238 = tpu.vector_load %arg11[%get3A_235, %get3A_236, %get3A_237] {strides = array<i32>} : memref<2x80x64xi32, #tpu.memory_space<vmem>>, vector<1x1x16xi32>,
        %get3A_239 = vector.shape_cast %get3A_238 : vector<1x1x16xi32> to vector<16xi32>
        %shift_left3A_240 = arith.constant 16 : i32
        %shift_left3A_241 = vector.broadcast %shift_left3A_240 : i32 to vector<16xi32>
        %shift_left3A_242 = arith.shli %get3A_239, %shift_left3A_241 : vector<16xi32>
        %bitcast_convert_type3A_243 = tpu.bitcast %shift_left3A_242 : vector<16xi32> -> vector<16xf32>
        %and3A_244 = arith.constant -65536 : i32
        %and3A_245 = vector.broadcast %and3A_244 : i32 to vector<16xi32>
        %and3A_246 = arith.andi %get3A_239, %and3A_245 : vector<16xi32>
        %bitcast_convert_type3A_247 = tpu.bitcast %and3A_246 : vector<16xi32> -> vector<16xf32>
        %get3A_248 = arith.index_cast %and3A_125 : i32 to index
        %get3A_249 = arith.index_cast %scan3A_196 : i32 to index
        %get3A_250 = arith.constant 16 : index
        %get3A_251 = tpu.vector_load %arg10[%get3A_248, %get3A_249, %get3A_250] {strides = array<i32>} : memref<2x80x128xf32, #tpu.memory_space<vmem>>, vector<1x1x16xf32>,
        %get3A_252 = vector.shape_cast %get3A_251 : vector<1x1x16xf32> to vector<16xf32>
        %add3A_253 = arith.addf %get3A_252, %bitcast_convert_type3A_243 : vector<16xf32>
        %max3A_254 = arith.constant 0.000000e+00 : f32
        %max3A_255 = vector.broadcast %max3A_254 : f32 to vector<16xf32>
        %max3A_256 = arith.maximumf %add3A_253, %max3A_255 : vector<16xf32>
        %swap3A_257 = arith.index_cast %and3A_125 : i32 to index
        %swap3A_258 = arith.index_cast %scan3A_196 : i32 to index
        %swap3A_259 = arith.constant 16 : index
        %swap3A_260 = tpu.vector_load %arg10[%swap3A_257, %swap3A_258, %swap3A_259] {strides = array<i32>} : memref<2x80x128xf32, #tpu.memory_space<vmem>>, vector<1x1x16xf32>,
        %swap3A_261 = vector.shape_cast %swap3A_260 : vector<1x1x16xf32> to vector<16xf32>
        %swap3A_262 = vector.shape_cast %max3A_256 : vector<16xf32> to vector<1x1x16xf32>
        tpu.vector_store %arg10[%swap3A_257, %swap3A_258, %swap3A_259], %swap3A_262 {strides = array<i32>} : memref<2x80x128xf32, #tpu.memory_space<vmem>>, vector<1x1x16xf32>,
        %get3A_263 = arith.index_cast %and3A_125 : i32 to index
        %get3A_264 = arith.index_cast %scan3A_196 : i32 to index
        %get3A_265 = arith.constant 80 : index
        %get3A_266 = tpu.vector_load %arg10[%get3A_263, %get3A_264, %get3A_265] {strides = array<i32>} : memref<2x80x128xf32, #tpu.memory_space<vmem>>, vector<1x1x16xf32>,
        %get3A_267 = vector.shape_cast %get3A_266 : vector<1x1x16xf32> to vector<16xf32>
        %add3A_268 = arith.addf %get3A_267, %bitcast_convert_type3A_247 : vector<16xf32>
        %max3A_269 = arith.constant 0.000000e+00 : f32
        %max3A_270 = vector.broadcast %max3A_269 : f32 to vector<16xf32>
        %max3A_271 = arith.maximumf %add3A_268, %max3A_270 : vector<16xf32>
        %swap3A_272 = arith.index_cast %and3A_125 : i32 to index
        %swap3A_273 = arith.index_cast %scan3A_196 : i32 to index
        %swap3A_274 = arith.constant 80 : index
        %swap3A_275 = tpu.vector_load %arg10[%swap3A_272, %swap3A_273, %swap3A_274] {strides = array<i32>} : memref<2x80x128xf32, #tpu.memory_space<vmem>>, vector<1x1x16xf32>,
        %swap3A_276 = vector.shape_cast %swap3A_275 : vector<1x1x16xf32> to vector<16xf32>
        %swap3A_277 = vector.shape_cast %max3A_271 : vector<16xf32> to vector<1x1x16xf32>
        tpu.vector_store %arg10[%swap3A_272, %swap3A_273, %swap3A_274], %swap3A_277 {strides = array<i32>} : memref<2x80x128xf32, #tpu.memory_space<vmem>>, vector<1x1x16xf32>,
        %get3A_278 = arith.index_cast %and3A_125 : i32 to index
        %get3A_279 = arith.index_cast %scan3A_196 : i32 to index
        %get3A_280 = arith.constant 32 : index
        %get3A_281 = tpu.vector_load %arg11[%get3A_278, %get3A_279, %get3A_280] {strides = array<i32>} : memref<2x80x64xi32, #tpu.memory_space<vmem>>, vector<1x1x16xi32>,
        %get3A_282 = vector.shape_cast %get3A_281 : vector<1x1x16xi32> to vector<16xi32>
        %shift_left3A_283 = arith.constant 16 : i32
        %shift_left3A_284 = vector.broadcast %shift_left3A_283 : i32 to vector<16xi32>
        %shift_left3A_285 = arith.shli %get3A_282, %shift_left3A_284 : vector<16xi32>
        %bitcast_convert_type3A_286 = tpu.bitcast %shift_left3A_285 : vector<16xi32> -> vector<16xf32>
        %and3A_287 = arith.constant -65536 : i32
        %and3A_288 = vector.broadcast %and3A_287 : i32 to vector<16xi32>
        %and3A_289 = arith.andi %get3A_282, %and3A_288 : vector<16xi32>
        %bitcast_convert_type3A_290 = tpu.bitcast %and3A_289 : vector<16xi32> -> vector<16xf32>
        %get3A_291 = arith.index_cast %and3A_125 : i32 to index
        %get3A_292 = arith.index_cast %scan3A_196 : i32 to index
        %get3A_293 = arith.constant 32 : index
        %get3A_294 = tpu.vector_load %arg10[%get3A_291, %get3A_292, %get3A_293] {strides = array<i32>} : memref<2x80x128xf32, #tpu.memory_space<vmem>>, vector<1x1x16xf32>,
        %get3A_295 = vector.shape_cast %get3A_294 : vector<1x1x16xf32> to vector<16xf32>
        %add3A_296 = arith.addf %get3A_295, %bitcast_convert_type3A_286 : vector<16xf32>
        %max3A_297 = arith.constant 0.000000e+00 : f32
        %max3A_298 = vector.broadcast %max3A_297 : f32 to vector<16xf32>
        %max3A_299 = arith.maximumf %add3A_296, %max3A_298 : vector<16xf32>
        %swap3A_300 = arith.index_cast %and3A_125 : i32 to index
        %swap3A_301 = arith.index_cast %scan3A_196 : i32 to index
        %swap3A_302 = arith.constant 32 : index
        %swap3A_303 = tpu.vector_load %arg10[%swap3A_300, %swap3A_301, %swap3A_302] {strides = array<i32>} : memref<2x80x128xf32, #tpu.memory_space<vmem>>, vector<1x1x16xf32>,
        %swap3A_304 = vector.shape_cast %swap3A_303 : vector<1x1x16xf32> to vector<16xf32>
        %swap3A_305 = vector.shape_cast %max3A_299 : vector<16xf32> to vector<1x1x16xf32>
        tpu.vector_store %arg10[%swap3A_300, %swap3A_301, %swap3A_302], %swap3A_305 {strides = array<i32>} : memref<2x80x128xf32, #tpu.memory_space<vmem>>, vector<1x1x16xf32>,
        %get3A_306 = arith.index_cast %and3A_125 : i32 to index
        %get3A_307 = arith.index_cast %scan3A_196 : i32 to index
        %get3A_308 = arith.constant 96 : index
        %get3A_309 = tpu.vector_load %arg10[%get3A_306, %get3A_307, %get3A_308] {strides = array<i32>} : memref<2x80x128xf32, #tpu.memory_space<vmem>>, vector<1x1x16xf32>,
        %get3A_310 = vector.shape_cast %get3A_309 : vector<1x1x16xf32> to vector<16xf32>
        %add3A_311 = arith.addf %get3A_310, %bitcast_convert_type3A_290 : vector<16xf32>
        %max3A_312 = arith.constant 0.000000e+00 : f32
        %max3A_313 = vector.broadcast %max3A_312 : f32 to vector<16xf32>
        %max3A_314 = arith.maximumf %add3A_311, %max3A_313 : vector<16xf32>
        %swap3A_315 = arith.index_cast %and3A_125 : i32 to index
        %swap3A_316 = arith.index_cast %scan3A_196 : i32 to index
        %swap3A_317 = arith.constant 96 : index
        %swap3A_318 = tpu.vector_load %arg10[%swap3A_315, %swap3A_316, %swap3A_317] {strides = array<i32>} : memref<2x80x128xf32, #tpu.memory_space<vmem>>, vector<1x1x16xf32>,
        %swap3A_319 = vector.shape_cast %swap3A_318 : vector<1x1x16xf32> to vector<16xf32>
        %swap3A_320 = vector.shape_cast %max3A_314 : vector<16xf32> to vector<1x1x16xf32>
        tpu.vector_store %arg10[%swap3A_315, %swap3A_316, %swap3A_317], %swap3A_320 {strides = array<i32>} : memref<2x80x128xf32, #tpu.memory_space<vmem>>, vector<1x1x16xf32>,
        %get3A_321 = arith.index_cast %and3A_125 : i32 to index
        %get3A_322 = arith.index_cast %scan3A_196 : i32 to index
        %get3A_323 = arith.constant 48 : index
        %get3A_324 = tpu.vector_load %arg11[%get3A_321, %get3A_322, %get3A_323] {strides = array<i32>} : memref<2x80x64xi32, #tpu.memory_space<vmem>>, vector<1x1x16xi32>,
        %get3A_325 = vector.shape_cast %get3A_324 : vector<1x1x16xi32> to vector<16xi32>
        %shift_left3A_326 = arith.constant 16 : i32
        %shift_left3A_327 = vector.broadcast %shift_left3A_326 : i32 to vector<16xi32>
        %shift_left3A_328 = arith.shli %get3A_325, %shift_left3A_327 : vector<16xi32>
        %bitcast_convert_type3A_329 = tpu.bitcast %shift_left3A_328 : vector<16xi32> -> vector<16xf32>
        %and3A_330 = arith.constant -65536 : i32
        %and3A_331 = vector.broadcast %and3A_330 : i32 to vector<16xi32>
        %and3A_332 = arith.andi %get3A_325, %and3A_331 : vector<16xi32>
        %bitcast_convert_type3A_333 = tpu.bitcast %and3A_332 : vector<16xi32> -> vector<16xf32>
        %get3A_334 = arith.index_cast %and3A_125 : i32 to index
        %get3A_335 = arith.index_cast %scan3A_196 : i32 to index
        %get3A_336 = arith.constant 48 : index
        %get3A_337 = tpu.vector_load %arg10[%get3A_334, %get3A_335, %get3A_336] {strides = array<i32>} : memref<2x80x128xf32, #tpu.memory_space<vmem>>, vector<1x1x16xf32>,
        %get3A_338 = vector.shape_cast %get3A_337 : vector<1x1x16xf32> to vector<16xf32>
        %add3A_339 = arith.addf %get3A_338, %bitcast_convert_type3A_329 : vector<16xf32>
        %max3A_340 = arith.constant 0.000000e+00 : f32
        %max3A_341 = vector.broadcast %max3A_340 : f32 to vector<16xf32>
        %max3A_342 = arith.maximumf %add3A_339, %max3A_341 : vector<16xf32>
        %swap3A_343 = arith.index_cast %and3A_125 : i32 to index
        %swap3A_344 = arith.index_cast %scan3A_196 : i32 to index
        %swap3A_345 = arith.constant 48 : index
        %swap3A_346 = tpu.vector_load %arg10[%swap3A_343, %swap3A_344, %swap3A_345] {strides = array<i32>} : memref<2x80x128xf32, #tpu.memory_space<vmem>>, vector<1x1x16xf32>,
        %swap3A_347 = vector.shape_cast %swap3A_346 : vector<1x1x16xf32> to vector<16xf32>
        %swap3A_348 = vector.shape_cast %max3A_342 : vector<16xf32> to vector<1x1x16xf32>
        tpu.vector_store %arg10[%swap3A_343, %swap3A_344, %swap3A_345], %swap3A_348 {strides = array<i32>} : memref<2x80x128xf32, #tpu.memory_space<vmem>>, vector<1x1x16xf32>,
        %get3A_349 = arith.index_cast %and3A_125 : i32 to index
        %get3A_350 = arith.index_cast %scan3A_196 : i32 to index
        %get3A_351 = arith.constant 112 : index
        %get3A_352 = tpu.vector_load %arg10[%get3A_349, %get3A_350, %get3A_351] {strides = array<i32>} : memref<2x80x128xf32, #tpu.memory_space<vmem>>, vector<1x1x16xf32>,
        %get3A_353 = vector.shape_cast %get3A_352 : vector<1x1x16xf32> to vector<16xf32>
        %add3A_354 = arith.addf %get3A_353, %bitcast_convert_type3A_333 : vector<16xf32>
        %max3A_355 = arith.constant 0.000000e+00 : f32
        %max3A_356 = vector.broadcast %max3A_355 : f32 to vector<16xf32>
        %max3A_357 = arith.maximumf %add3A_354, %max3A_356 : vector<16xf32>
        %swap3A_358 = arith.index_cast %and3A_125 : i32 to index
        %swap3A_359 = arith.index_cast %scan3A_196 : i32 to index
        %swap3A_360 = arith.constant 112 : index
        %swap3A_361 = tpu.vector_load %arg10[%swap3A_358, %swap3A_359, %swap3A_360] {strides = array<i32>} : memref<2x80x128xf32, #tpu.memory_space<vmem>>, vector<1x1x16xf32>,
        %swap3A_362 = vector.shape_cast %swap3A_361 : vector<1x1x16xf32> to vector<16xf32>
        %swap3A_363 = vector.shape_cast %max3A_357 : vector<16xf32> to vector<1x1x16xf32>
        tpu.vector_store %arg10[%swap3A_358, %swap3A_359, %swap3A_360], %swap3A_363 {strides = array<i32>} : memref<2x80x128xf32, #tpu.memory_space<vmem>>, vector<1x1x16xf32>,
        %scan3A_364 = arith.constant 1 : i32
        %scan3A_365 = arith.addi %scan3A_196, %scan3A_364 : i32
        %get3A_366 = arith.index_cast %and3A_125 : i32 to index
        %get3A_367 = arith.index_cast %scan3A_365 : i32 to index
        %get3A_368 = arith.constant 0 : index
        %get3A_369 = tpu.vector_load %arg11[%get3A_366, %get3A_367, %get3A_368] {strides = array<i32>} : memref<2x80x64xi32, #tpu.memory_space<vmem>>, vector<1x1x16xi32>,
        %get3A_370 = vector.shape_cast %get3A_369 : vector<1x1x16xi32> to vector<16xi32>
        %shift_left3A_371 = arith.constant 16 : i32
        %shift_left3A_372 = vector.broadcast %shift_left3A_371 : i32 to vector<16xi32>
        %shift_left3A_373 = arith.shli %get3A_370, %shift_left3A_372 : vector<16xi32>
        %bitcast_convert_type3A_374 = tpu.bitcast %shift_left3A_373 : vector<16xi32> -> vector<16xf32>
        %and3A_375 = arith.constant -65536 : i32
        %and3A_376 = vector.broadcast %and3A_375 : i32 to vector<16xi32>
        %and3A_377 = arith.andi %get3A_370, %and3A_376 : vector<16xi32>
        %bitcast_convert_type3A_378 = tpu.bitcast %and3A_377 : vector<16xi32> -> vector<16xf32>
        %get3A_379 = arith.index_cast %and3A_125 : i32 to index
        %get3A_380 = arith.index_cast %scan3A_365 : i32 to index
        %get3A_381 = arith.constant 0 : index
        %get3A_382 = tpu.vector_load %arg10[%get3A_379, %get3A_380, %get3A_381] {strides = array<i32>} : memref<2x80x128xf32, #tpu.memory_space<vmem>>, vector<1x1x16xf32>,
        %get3A_383 = vector.shape_cast %get3A_382 : vector<1x1x16xf32> to vector<16xf32>
        %add3A_384 = arith.addf %get3A_383, %bitcast_convert_type3A_374 : vector<16xf32>
        %max3A_385 = arith.constant 0.000000e+00 : f32
        %max3A_386 = vector.broadcast %max3A_385 : f32 to vector<16xf32>
        %max3A_387 = arith.maximumf %add3A_384, %max3A_386 : vector<16xf32>
        %swap3A_388 = arith.index_cast %and3A_125 : i32 to index
        %swap3A_389 = arith.index_cast %scan3A_365 : i32 to index
        %swap3A_390 = arith.constant 0 : index
        %swap3A_391 = tpu.vector_load %arg10[%swap3A_388, %swap3A_389, %swap3A_390] {strides = array<i32>} : memref<2x80x128xf32, #tpu.memory_space<vmem>>, vector<1x1x16xf32>,
        %swap3A_392 = vector.shape_cast %swap3A_391 : vector<1x1x16xf32> to vector<16xf32>
        %swap3A_393 = vector.shape_cast %max3A_387 : vector<16xf32> to vector<1x1x16xf32>
        tpu.vector_store %arg10[%swap3A_388, %swap3A_389, %swap3A_390], %swap3A_393 {strides = array<i32>} : memref<2x80x128xf32, #tpu.memory_space<vmem>>, vector<1x1x16xf32>,
        %get3A_394 = arith.index_cast %and3A_125 : i32 to index
        %get3A_395 = arith.index_cast %scan3A_365 : i32 to index
        %get3A_396 = arith.constant 64 : index
        %get3A_397 = tpu.vector_load %arg10[%get3A_394, %get3A_395, %get3A_396] {strides = array<i32>} : memref<2x80x128xf32, #tpu.memory_space<vmem>>, vector<1x1x16xf32>,
        %get3A_398 = vector.shape_cast %get3A_397 : vector<1x1x16xf32> to vector<16xf32>
        %add3A_399 = arith.addf %get3A_398, %bitcast_convert_type3A_378 : vector<16xf32>
        %max3A_400 = arith.constant 0.000000e+00 : f32
        %max3A_401 = vector.broadcast %max3A_400 : f32 to vector<16xf32>
        %max3A_402 = arith.maximumf %add3A_399, %max3A_401 : vector<16xf32>
        %swap3A_403 = arith.index_cast %and3A_125 : i32 to index
        %swap3A_404 = arith.index_cast %scan3A_365 : i32 to index
        %swap3A_405 = arith.constant 64 : index
        %swap3A_406 = tpu.vector_load %arg10[%swap3A_403, %swap3A_404, %swap3A_405] {strides = array<i32>} : memref<2x80x128xf32, #tpu.memory_space<vmem>>, vector<1x1x16xf32>,
        %swap3A_407 = vector.shape_cast %swap3A_406 : vector<1x1x16xf32> to vector<16xf32>
        %swap3A_408 = vector.shape_cast %max3A_402 : vector<16xf32> to vector<1x1x16xf32>
        tpu.vector_store %arg10[%swap3A_403, %swap3A_404, %swap3A_405], %swap3A_408 {strides = array<i32>} : memref<2x80x128xf32, #tpu.memory_space<vmem>>, vector<1x1x16xf32>,
        %get3A_409 = arith.index_cast %and3A_125 : i32 to index
        %get3A_410 = arith.index_cast %scan3A_365 : i32 to index
        %get3A_411 = arith.constant 16 : index
        %get3A_412 = tpu.vector_load %arg11[%get3A_409, %get3A_410, %get3A_411] {strides = array<i32>} : memref<2x80x64xi32, #tpu.memory_space<vmem>>, vector<1x1x16xi32>,
        %get3A_413 = vector.shape_cast %get3A_412 : vector<1x1x16xi32> to vector<16xi32>
        %shift_left3A_414 = arith.constant 16 : i32
        %shift_left3A_415 = vector.broadcast %shift_left3A_414 : i32 to vector<16xi32>
        %shift_left3A_416 = arith.shli %get3A_413, %shift_left3A_415 : vector<16xi32>
        %bitcast_convert_type3A_417 = tpu.bitcast %shift_left3A_416 : vector<16xi32> -> vector<16xf32>
        %and3A_418 = arith.constant -65536 : i32
        %and3A_419 = vector.broadcast %and3A_418 : i32 to vector<16xi32>
        %and3A_420 = arith.andi %get3A_413, %and3A_419 : vector<16xi32>
        %bitcast_convert_type3A_421 = tpu.bitcast %and3A_420 : vector<16xi32> -> vector<16xf32>
        %get3A_422 = arith.index_cast %and3A_125 : i32 to index
        %get3A_423 = arith.index_cast %scan3A_365 : i32 to index
        %get3A_424 = arith.constant 16 : index
        %get3A_425 = tpu.vector_load %arg10[%get3A_422, %get3A_423, %get3A_424] {strides = array<i32>} : memref<2x80x128xf32, #tpu.memory_space<vmem>>, vector<1x1x16xf32>,
        %get3A_426 = vector.shape_cast %get3A_425 : vector<1x1x16xf32> to vector<16xf32>
        %add3A_427 = arith.addf %get3A_426, %bitcast_convert_type3A_417 : vector<16xf32>
        %max3A_428 = arith.constant 0.000000e+00 : f32
        %max3A_429 = vector.broadcast %max3A_428 : f32 to vector<16xf32>
        %max3A_430 = arith.maximumf %add3A_427, %max3A_429 : vector<16xf32>
        %swap3A_431 = arith.index_cast %and3A_125 : i32 to index
        %swap3A_432 = arith.index_cast %scan3A_365 : i32 to index
        %swap3A_433 = arith.constant 16 : index
        %swap3A_434 = tpu.vector_load %arg10[%swap3A_431, %swap3A_432, %swap3A_433] {strides = array<i32>} : memref<2x80x128xf32, #tpu.memory_space<vmem>>, vector<1x1x16xf32>,
        %swap3A_435 = vector.shape_cast %swap3A_434 : vector<1x1x16xf32> to vector<16xf32>
        %swap3A_436 = vector.shape_cast %max3A_430 : vector<16xf32> to vector<1x1x16xf32>
        tpu.vector_store %arg10[%swap3A_431, %swap3A_432, %swap3A_433], %swap3A_436 {strides = array<i32>} : memref<2x80x128xf32, #tpu.memory_space<vmem>>, vector<1x1x16xf32>,
        %get3A_437 = arith.index_cast %and3A_125 : i32 to index
        %get3A_438 = arith.index_cast %scan3A_365 : i32 to index
        %get3A_439 = arith.constant 80 : index
        %get3A_440 = tpu.vector_load %arg10[%get3A_437, %get3A_438, %get3A_439] {strides = array<i32>} : memref<2x80x128xf32, #tpu.memory_space<vmem>>, vector<1x1x16xf32>,
        %get3A_441 = vector.shape_cast %get3A_440 : vector<1x1x16xf32> to vector<16xf32>
        %add3A_442 = arith.addf %get3A_441, %bitcast_convert_type3A_421 : vector<16xf32>
        %max3A_443 = arith.constant 0.000000e+00 : f32
        %max3A_444 = vector.broadcast %max3A_443 : f32 to vector<16xf32>
        %max3A_445 = arith.maximumf %add3A_442, %max3A_444 : vector<16xf32>
        %swap3A_446 = arith.index_cast %and3A_125 : i32 to index
        %swap3A_447 = arith.index_cast %scan3A_365 : i32 to index
        %swap3A_448 = arith.constant 80 : index
        %swap3A_449 = tpu.vector_load %arg10[%swap3A_446, %swap3A_447, %swap3A_448] {strides = array<i32>} : memref<2x80x128xf32, #tpu.memory_space<vmem>>, vector<1x1x16xf32>,
        %swap3A_450 = vector.shape_cast %swap3A_449 : vector<1x1x16xf32> to vector<16xf32>
        %swap3A_451 = vector.shape_cast %max3A_445 : vector<16xf32> to vector<1x1x16xf32>
        tpu.vector_store %arg10[%swap3A_446, %swap3A_447, %swap3A_448], %swap3A_451 {strides = array<i32>} : memref<2x80x128xf32, #tpu.memory_space<vmem>>, vector<1x1x16xf32>,
        %get3A_452 = arith.index_cast %and3A_125 : i32 to index
        %get3A_453 = arith.index_cast %scan3A_365 : i32 to index
        %get3A_454 = arith.constant 32 : index
        %get3A_455 = tpu.vector_load %arg11[%get3A_452, %get3A_453, %get3A_454] {strides = array<i32>} : memref<2x80x64xi32, #tpu.memory_space<vmem>>, vector<1x1x16xi32>,
        %get3A_456 = vector.shape_cast %get3A_455 : vector<1x1x16xi32> to vector<16xi32>
        %shift_left3A_457 = arith.constant 16 : i32
        %shift_left3A_458 = vector.broadcast %shift_left3A_457 : i32 to vector<16xi32>
        %shift_left3A_459 = arith.shli %get3A_456, %shift_left3A_458 : vector<16xi32>
        %bitcast_convert_type3A_460 = tpu.bitcast %shift_left3A_459 : vector<16xi32> -> vector<16xf32>
        %and3A_461 = arith.constant -65536 : i32
        %and3A_462 = vector.broadcast %and3A_461 : i32 to vector<16xi32>
        %and3A_463 = arith.andi %get3A_456, %and3A_462 : vector<16xi32>
        %bitcast_convert_type3A_464 = tpu.bitcast %and3A_463 : vector<16xi32> -> vector<16xf32>
        %get3A_465 = arith.index_cast %and3A_125 : i32 to index
        %get3A_466 = arith.index_cast %scan3A_365 : i32 to index
        %get3A_467 = arith.constant 32 : index
        %get3A_468 = tpu.vector_load %arg10[%get3A_465, %get3A_466, %get3A_467] {strides = array<i32>} : memref<2x80x128xf32, #tpu.memory_space<vmem>>, vector<1x1x16xf32>,
        %get3A_469 = vector.shape_cast %get3A_468 : vector<1x1x16xf32> to vector<16xf32>
        %add3A_470 = arith.addf %get3A_469, %bitcast_convert_type3A_460 : vector<16xf32>
        %max3A_471 = arith.constant 0.000000e+00 : f32
        %max3A_472 = vector.broadcast %max3A_471 : f32 to vector<16xf32>
        %max3A_473 = arith.maximumf %add3A_470, %max3A_472 : vector<16xf32>
        %swap3A_474 = arith.index_cast %and3A_125 : i32 to index
        %swap3A_475 = arith.index_cast %scan3A_365 : i32 to index
        %swap3A_476 = arith.constant 32 : index
        %swap3A_477 = tpu.vector_load %arg10[%swap3A_474, %swap3A_475, %swap3A_476] {strides = array<i32>} : memref<2x80x128xf32, #tpu.memory_space<vmem>>, vector<1x1x16xf32>,
        %swap3A_478 = vector.shape_cast %swap3A_477 : vector<1x1x16xf32> to vector<16xf32>
        %swap3A_479 = vector.shape_cast %max3A_473 : vector<16xf32> to vector<1x1x16xf32>
        tpu.vector_store %arg10[%swap3A_474, %swap3A_475, %swap3A_476], %swap3A_479 {strides = array<i32>} : memref<2x80x128xf32, #tpu.memory_space<vmem>>, vector<1x1x16xf32>,
        %get3A_480 = arith.index_cast %and3A_125 : i32 to index
        %get3A_481 = arith.index_cast %scan3A_365 : i32 to index
        %get3A_482 = arith.constant 96 : index
        %get3A_483 = tpu.vector_load %arg10[%get3A_480, %get3A_481, %get3A_482] {strides = array<i32>} : memref<2x80x128xf32, #tpu.memory_space<vmem>>, vector<1x1x16xf32>,
        %get3A_484 = vector.shape_cast %get3A_483 : vector<1x1x16xf32> to vector<16xf32>
        %add3A_485 = arith.addf %get3A_484, %bitcast_convert_type3A_464 : vector<16xf32>
        %max3A_486 = arith.constant 0.000000e+00 : f32
        %max3A_487 = vector.broadcast %max3A_486 : f32 to vector<16xf32>
        %max3A_488 = arith.maximumf %add3A_485, %max3A_487 : vector<16xf32>
        %swap3A_489 = arith.index_cast %and3A_125 : i32 to index
        %swap3A_490 = arith.index_cast %scan3A_365 : i32 to index
        %swap3A_491 = arith.constant 96 : index
        %swap3A_492 = tpu.vector_load %arg10[%swap3A_489, %swap3A_490, %swap3A_491] {strides = array<i32>} : memref<2x80x128xf32, #tpu.memory_space<vmem>>, vector<1x1x16xf32>,
        %swap3A_493 = vector.shape_cast %swap3A_492 : vector<1x1x16xf32> to vector<16xf32>
        %swap3A_494 = vector.shape_cast %max3A_488 : vector<16xf32> to vector<1x1x16xf32>
        tpu.vector_store %arg10[%swap3A_489, %swap3A_490, %swap3A_491], %swap3A_494 {strides = array<i32>} : memref<2x80x128xf32, #tpu.memory_space<vmem>>, vector<1x1x16xf32>,
        %get3A_495 = arith.index_cast %and3A_125 : i32 to index
        %get3A_496 = arith.index_cast %scan3A_365 : i32 to index
        %get3A_497 = arith.constant 48 : index
        %get3A_498 = tpu.vector_load %arg11[%get3A_495, %get3A_496, %get3A_497] {strides = array<i32>} : memref<2x80x64xi32, #tpu.memory_space<vmem>>, vector<1x1x16xi32>,
        %get3A_499 = vector.shape_cast %get3A_498 : vector<1x1x16xi32> to vector<16xi32>
        %shift_left3A_500 = arith.constant 16 : i32
        %shift_left3A_501 = vector.broadcast %shift_left3A_500 : i32 to vector<16xi32>
        %shift_left3A_502 = arith.shli %get3A_499, %shift_left3A_501 : vector<16xi32>
        %bitcast_convert_type3A_503 = tpu.bitcast %shift_left3A_502 : vector<16xi32> -> vector<16xf32>
        %and3A_504 = arith.constant -65536 : i32
        %and3A_505 = vector.broadcast %and3A_504 : i32 to vector<16xi32>
        %and3A_506 = arith.andi %get3A_499, %and3A_505 : vector<16xi32>
        %bitcast_convert_type3A_507 = tpu.bitcast %and3A_506 : vector<16xi32> -> vector<16xf32>
        %get3A_508 = arith.index_cast %and3A_125 : i32 to index
        %get3A_509 = arith.index_cast %scan3A_365 : i32 to index
        %get3A_510 = arith.constant 48 : index
        %get3A_511 = tpu.vector_load %arg10[%get3A_508, %get3A_509, %get3A_510] {strides = array<i32>} : memref<2x80x128xf32, #tpu.memory_space<vmem>>, vector<1x1x16xf32>,
        %get3A_512 = vector.shape_cast %get3A_511 : vector<1x1x16xf32> to vector<16xf32>
        %add3A_513 = arith.addf %get3A_512, %bitcast_convert_type3A_503 : vector<16xf32>
        %max3A_514 = arith.constant 0.000000e+00 : f32
        %max3A_515 = vector.broadcast %max3A_514 : f32 to vector<16xf32>
        %max3A_516 = arith.maximumf %add3A_513, %max3A_515 : vector<16xf32>
        %swap3A_517 = arith.index_cast %and3A_125 : i32 to index
        %swap3A_518 = arith.index_cast %scan3A_365 : i32 to index
        %swap3A_519 = arith.constant 48 : index
        %swap3A_520 = tpu.vector_load %arg10[%swap3A_517, %swap3A_518, %swap3A_519] {strides = array<i32>} : memref<2x80x128xf32, #tpu.memory_space<vmem>>, vector<1x1x16xf32>,
        %swap3A_521 = vector.shape_cast %swap3A_520 : vector<1x1x16xf32> to vector<16xf32>
        %swap3A_522 = vector.shape_cast %max3A_516 : vector<16xf32> to vector<1x1x16xf32>
        tpu.vector_store %arg10[%swap3A_517, %swap3A_518, %swap3A_519], %swap3A_522 {strides = array<i32>} : memref<2x80x128xf32, #tpu.memory_space<vmem>>, vector<1x1x16xf32>,
        %get3A_523 = arith.index_cast %and3A_125 : i32 to index
        %get3A_524 = arith.index_cast %scan3A_365 : i32 to index
        %get3A_525 = arith.constant 112 : index
        %get3A_526 = tpu.vector_load %arg10[%get3A_523, %get3A_524, %get3A_525] {strides = array<i32>} : memref<2x80x128xf32, #tpu.memory_space<vmem>>, vector<1x1x16xf32>,
        %get3A_527 = vector.shape_cast %get3A_526 : vector<1x1x16xf32> to vector<16xf32>
        %add3A_528 = arith.addf %get3A_527, %bitcast_convert_type3A_507 : vector<16xf32>
        %max3A_529 = arith.constant 0.000000e+00 : f32
        %max3A_530 = vector.broadcast %max3A_529 : f32 to vector<16xf32>
        %max3A_531 = arith.maximumf %add3A_528, %max3A_530 : vector<16xf32>
        %swap3A_532 = arith.index_cast %and3A_125 : i32 to index
        %swap3A_533 = arith.index_cast %scan3A_365 : i32 to index
        %swap3A_534 = arith.constant 112 : index
        %swap3A_535 = tpu.vector_load %arg10[%swap3A_532, %swap3A_533, %swap3A_534] {strides = array<i32>} : memref<2x80x128xf32, #tpu.memory_space<vmem>>, vector<1x1x16xf32>,
        %swap3A_536 = vector.shape_cast %swap3A_535 : vector<1x1x16xf32> to vector<16xf32>
        %swap3A_537 = vector.shape_cast %max3A_531 : vector<16xf32> to vector<1x1x16xf32>
        tpu.vector_store %arg10[%swap3A_532, %swap3A_533, %swap3A_534], %swap3A_537 {strides = array<i32>} : memref<2x80x128xf32, #tpu.memory_space<vmem>>, vector<1x1x16xf32>,
      }
      %scan3A_178 = arith.constant 80 : i32
      %dma_start3A_179 = arith.constant 0 : i32
      %dma_start3A_180 = arith.constant 0 : i32
      %dma_start3A_181 = tpu.memref_slice %arg10[%and3A_125, %dma_start3A_179, %dma_start3A_180] : memref<2x80x128xf32, #tpu.memory_space<vmem>> -> memref<1x80x128xf32, #tpu.memory_space<vmem>>
      %dma_start3A_182 = tpu.memref_squeeze %dma_start3A_181 : memref<1x80x128xf32, #tpu.memory_space<vmem>> -> memref<80x128xf32, #tpu.memory_space<vmem>>
      %dma_start3A_183 = arith.constant 0 : i32
      %dma_start3A_184 = tpu.memref_slice %arg9[%and3A_131, %dma_start3A_183] : memref<4x80xi32, #tpu.memory_space<vmem>> -> memref<1x80xi32, #tpu.memory_space<vmem>>
      %dma_start3A_185 = tpu.memref_squeeze %dma_start3A_184 : memref<1x80xi32, #tpu.memory_space<vmem>> -> memref<80xi32, #tpu.memory_space<vmem>>
      %dma_start3A_186 = arith.constant 0 : i32
      %dma_start3A_187 = arith.constant 0 : i32
      %dma_start3A_188 = tpu.memref_slice %arg12[%dma_start3A_186, %dma_start3A_187] : memref<10000x128xf32, #tpu.memory_space<vmem_shared>> -> memref<10000x128xf32, #tpu.memory_space<vmem_shared>>
      %dma_start3A_189 = tpu.memref_slice %arg16[%and3A_125] : memref<2x!tpu.dma_semaphore, #tpu.memory_space<semaphore_mem>> -> memref<1x!tpu.dma_semaphore, #tpu.memory_space<semaphore_mem>>
      %dma_start3A_190 = tpu.memref_squeeze %dma_start3A_189 : memref<1x!tpu.dma_semaphore, #tpu.memory_space<semaphore_mem>> -> memref<!tpu.dma_semaphore, #tpu.memory_space<semaphore_mem>>
      tpu.enqueue_indirect_dma source(%dma_start3A_182 : memref<80x128xf32, #tpu.memory_space<vmem>>) target(%dma_start3A_188 : memref<10000x128xf32, #tpu.memory_space<vmem_shared>>) offsets(%dma_start3A_185 : memref<80xi32, #tpu.memory_space<vmem>>) semaphore(%dma_start3A_190 : memref<!tpu.dma_semaphore, #tpu.memory_space<semaphore_mem>>) {add = true}
      %lt3A_191 = arith.constant 63 : i32
      %lt3A_192 = arith.cmpi slt, %scan3A_123, %lt3A_191 : i32
      %convert_element_type3A_193 = arith.extui %lt3A_192 : i1 to i32
      %cond3A_194 = arith.constant 0 : i32
      %cond3A_195 = arith.cmpi ne, %convert_element_type3A_193, %cond3A_194 : i32
      scf.if %cond3A_195 {
        %add3A_196 = arith.constant 2 : i32
        %add3A_197 = arith.addi %scan3A_123, %add3A_196 : i32
        %and3A_198 = arith.constant 3 : i32
        %and3A_199 = arith.andi %add3A_197, %and3A_198 : i32
        %dma_start3A_200 = arith.constant 0 : i32
        %dma_start3A_201 = tpu.memref_slice %arg8[%and3A_199, %dma_start3A_200] : memref<4x80xi32, #tpu.memory_space<vmem>> -> memref<1x80xi32, #tpu.memory_space<vmem>>
        %dma_start3A_202 = tpu.memref_squeeze %dma_start3A_201 : memref<1x80xi32, #tpu.memory_space<vmem>> -> memref<80xi32, #tpu.memory_space<vmem>>
        %dma_start3A_203 = arith.constant 0 : i32
        %dma_start3A_204 = tpu.memref_slice %arg4[%add3A, %add3A_197, %dma_start3A_203] : memref<32x65x80xi32, #tpu.memory_space<hbm>> -> memref<1x1x80xi32, #tpu.memory_space<hbm>>
        %dma_start3A_205 = tpu.memref_squeeze %dma_start3A_204 : memref<1x1x80xi32, #tpu.memory_space<hbm>> -> memref<80xi32, #tpu.memory_space<hbm>>
        %dma_start3A_206 = tpu.memref_slice %arg13[%and3A_199] : memref<4x!tpu.dma_semaphore, #tpu.memory_space<semaphore_mem>> -> memref<1x!tpu.dma_semaphore, #tpu.memory_space<semaphore_mem>>
        %dma_start3A_207 = tpu.memref_squeeze %dma_start3A_206 : memref<1x!tpu.dma_semaphore, #tpu.memory_space<semaphore_mem>> -> memref<!tpu.dma_semaphore, #tpu.memory_space<semaphore_mem>>
        %dma_start3A_208 = arith.constant 0 : i32
        %dma_start3A_209 = tpu.memref_slice %arg8[%and3A_199, %dma_start3A_208] : memref<4x80xi32, #tpu.memory_space<vmem>> -> memref<1x80xi32, #tpu.memory_space<vmem>>
        %dma_start3A_210 = tpu.memref_squeeze %dma_start3A_209 : memref<1x80xi32, #tpu.memory_space<vmem>> -> memref<80xi32, #tpu.memory_space<vmem>>
        %dma_start3A_211 = arith.constant 0 : i32
        %dma_start3A_212 = tpu.memref_slice %arg4[%add3A, %add3A_197, %dma_start3A_211] : memref<32x65x80xi32, #tpu.memory_space<hbm>> -> memref<1x1x80xi32, #tpu.memory_space<hbm>>
        %dma_start3A_213 = tpu.memref_squeeze %dma_start3A_212 : memref<1x1x80xi32, #tpu.memory_space<hbm>> -> memref<80xi32, #tpu.memory_space<hbm>>
        tpu.enqueue_dma source(%dma_start3A_213 : memref<80xi32, #tpu.memory_space<hbm>>) target(%dma_start3A_210 : memref<80xi32, #tpu.memory_space<vmem>>) target_semaphore(%dma_start3A_207 : memref<!tpu.dma_semaphore, #tpu.memory_space<semaphore_mem>>)
        %dma_start3A_214 = arith.constant 0 : i32
        %dma_start3A_215 = tpu.memref_slice %arg9[%and3A_199, %dma_start3A_214] : memref<4x80xi32, #tpu.memory_space<vmem>> -> memref<1x80xi32, #tpu.memory_space<vmem>>
        %dma_start3A_216 = tpu.memref_squeeze %dma_start3A_215 : memref<1x80xi32, #tpu.memory_space<vmem>> -> memref<80xi32, #tpu.memory_space<vmem>>
        %dma_start3A_217 = arith.constant 0 : i32
        %dma_start3A_218 = tpu.memref_slice %arg5[%add3A, %add3A_197, %dma_start3A_217] : memref<32x65x80xi32, #tpu.memory_space<hbm>> -> memref<1x1x80xi32, #tpu.memory_space<hbm>>
        %dma_start3A_219 = tpu.memref_squeeze %dma_start3A_218 : memref<1x1x80xi32, #tpu.memory_space<hbm>> -> memref<80xi32, #tpu.memory_space<hbm>>
        %dma_start3A_220 = tpu.memref_slice %arg13[%and3A_199] : memref<4x!tpu.dma_semaphore, #tpu.memory_space<semaphore_mem>> -> memref<1x!tpu.dma_semaphore, #tpu.memory_space<semaphore_mem>>
        %dma_start3A_221 = tpu.memref_squeeze %dma_start3A_220 : memref<1x!tpu.dma_semaphore, #tpu.memory_space<semaphore_mem>> -> memref<!tpu.dma_semaphore, #tpu.memory_space<semaphore_mem>>
        %dma_start3A_222 = arith.constant 0 : i32
        %dma_start3A_223 = tpu.memref_slice %arg9[%and3A_199, %dma_start3A_222] : memref<4x80xi32, #tpu.memory_space<vmem>> -> memref<1x80xi32, #tpu.memory_space<vmem>>
        %dma_start3A_224 = tpu.memref_squeeze %dma_start3A_223 : memref<1x80xi32, #tpu.memory_space<vmem>> -> memref<80xi32, #tpu.memory_space<vmem>>
        %dma_start3A_225 = arith.constant 0 : i32
        %dma_start3A_226 = tpu.memref_slice %arg5[%add3A, %add3A_197, %dma_start3A_225] : memref<32x65x80xi32, #tpu.memory_space<hbm>> -> memref<1x1x80xi32, #tpu.memory_space<hbm>>
        %dma_start3A_227 = tpu.memref_squeeze %dma_start3A_226 : memref<1x1x80xi32, #tpu.memory_space<hbm>> -> memref<80xi32, #tpu.memory_space<hbm>>
        tpu.enqueue_dma source(%dma_start3A_227 : memref<80xi32, #tpu.memory_space<hbm>>) target(%dma_start3A_224 : memref<80xi32, #tpu.memory_space<vmem>>) target_semaphore(%dma_start3A_221 : memref<!tpu.dma_semaphore, #tpu.memory_space<semaphore_mem>>)
      } else {
      }
    }
    %scan3A_77 = arith.constant 65 : i32
    %dma_wait3A = arith.constant 0 : i32
    %dma_wait3A_78 = arith.constant 0 : i32
    %dma_wait3A_79 = arith.constant 0 : i32
    %dma_wait3A_80 = arith.constant 0 : i32
    %dma_wait3A_81 = tpu.memref_slice %arg10[%dma_wait3A, %dma_wait3A_79, %dma_wait3A_80] : memref<2x80x128xf32, #tpu.memory_space<vmem>> -> memref<1x80x128xf32, #tpu.memory_space<vmem>>
    %dma_wait3A_82 = tpu.memref_squeeze %dma_wait3A_81 : memref<1x80x128xf32, #tpu.memory_space<vmem>> -> memref<80x128xf32, #tpu.memory_space<vmem>>
    %dma_wait3A_83 = arith.constant 0 : i32
    %dma_wait3A_84 = arith.constant 0 : i32
    %dma_wait3A_85 = tpu.memref_slice %arg6[%dma_wait3A_83, %dma_wait3A_84] : memref<10000x128xf32, #tpu.memory_space<hbm>> -> memref<80x128xf32, #tpu.memory_space<hbm>>
    %dma_wait3A_86 = tpu.memref_slice %arg16[%dma_wait3A_78] : memref<2x!tpu.dma_semaphore, #tpu.memory_space<semaphore_mem>> -> memref<1x!tpu.dma_semaphore, #tpu.memory_space<semaphore_mem>>
    %dma_wait3A_87 = tpu.memref_squeeze %dma_wait3A_86 : memref<1x!tpu.dma_semaphore, #tpu.memory_space<semaphore_mem>> -> memref<!tpu.dma_semaphore, #tpu.memory_space<semaphore_mem>>
    %dma_wait3A_88 = arith.constant 0 : i32
    %dma_wait3A_89 = arith.constant 0 : i32
    %dma_wait3A_90 = tpu.memref_slice %arg10[%dma_wait3A, %dma_wait3A_88, %dma_wait3A_89] : memref<2x80x128xf32, #tpu.memory_space<vmem>> -> memref<1x80x128xf32, #tpu.memory_space<vmem>>
    %dma_wait3A_91 = tpu.memref_squeeze %dma_wait3A_90 : memref<1x80x128xf32, #tpu.memory_space<vmem>> -> memref<80x128xf32, #tpu.memory_space<vmem>>
    %dma_wait3A_92 = arith.constant 0 : i32
    %dma_wait3A_93 = arith.constant 0 : i32
    %dma_wait3A_94 = tpu.memref_slice %arg6[%dma_wait3A_92, %dma_wait3A_93] : memref<10000x128xf32, #tpu.memory_space<hbm>> -> memref<80x128xf32, #tpu.memory_space<hbm>>
    tpu.wait_dma2 semaphore(%dma_wait3A_87 : memref<!tpu.dma_semaphore, #tpu.memory_space<semaphore_mem>>) src(%dma_wait3A_94 : memref<80x128xf32, #tpu.memory_space<hbm>>) dst(%dma_wait3A_91 : memref<80x128xf32, #tpu.memory_space<vmem>>)
    %dma_wait3A_95 = arith.constant 1 : i32
    %dma_wait3A_96 = arith.constant 1 : i32
    %dma_wait3A_97 = arith.constant 0 : i32
    %dma_wait3A_98 = arith.constant 0 : i32
    %dma_wait3A_99 = tpu.memref_slice %arg10[%dma_wait3A_95, %dma_wait3A_97, %dma_wait3A_98] : memref<2x80x128xf32, #tpu.memory_space<vmem>> -> memref<1x80x128xf32, #tpu.memory_space<vmem>>
    %dma_wait3A_100 = tpu.memref_squeeze %dma_wait3A_99 : memref<1x80x128xf32, #tpu.memory_space<vmem>> -> memref<80x128xf32, #tpu.memory_space<vmem>>
    %dma_wait3A_101 = arith.constant 0 : i32
    %dma_wait3A_102 = arith.constant 0 : i32
    %dma_wait3A_103 = tpu.memref_slice %arg6[%dma_wait3A_101, %dma_wait3A_102] : memref<10000x128xf32, #tpu.memory_space<hbm>> -> memref<80x128xf32, #tpu.memory_space<hbm>>
    %dma_wait3A_104 = tpu.memref_slice %arg16[%dma_wait3A_96] : memref<2x!tpu.dma_semaphore, #tpu.memory_space<semaphore_mem>> -> memref<1x!tpu.dma_semaphore, #tpu.memory_space<semaphore_mem>>
    %dma_wait3A_105 = tpu.memref_squeeze %dma_wait3A_104 : memref<1x!tpu.dma_semaphore, #tpu.memory_space<semaphore_mem>> -> memref<!tpu.dma_semaphore, #tpu.memory_space<semaphore_mem>>
    %dma_wait3A_106 = arith.constant 0 : i32
    %dma_wait3A_107 = arith.constant 0 : i32
    %dma_wait3A_108 = tpu.memref_slice %arg10[%dma_wait3A_95, %dma_wait3A_106, %dma_wait3A_107] : memref<2x80x128xf32, #tpu.memory_space<vmem>> -> memref<1x80x128xf32, #tpu.memory_space<vmem>>
    %dma_wait3A_109 = tpu.memref_squeeze %dma_wait3A_108 : memref<1x80x128xf32, #tpu.memory_space<vmem>> -> memref<80x128xf32, #tpu.memory_space<vmem>>
    %dma_wait3A_110 = arith.constant 0 : i32
    %dma_wait3A_111 = arith.constant 0 : i32
    %dma_wait3A_112 = tpu.memref_slice %arg6[%dma_wait3A_110, %dma_wait3A_111] : memref<10000x128xf32, #tpu.memory_space<hbm>> -> memref<80x128xf32, #tpu.memory_space<hbm>>
    tpu.wait_dma2 semaphore(%dma_wait3A_105 : memref<!tpu.dma_semaphore, #tpu.memory_space<semaphore_mem>>) src(%dma_wait3A_112 : memref<80x128xf32, #tpu.memory_space<hbm>>) dst(%dma_wait3A_109 : memref<80x128xf32, #tpu.memory_space<vmem>>)
    %barrier3A_113 = arith.constant 0 : index
    tpu.barrier barrier_id(%barrier3A_113)
    %lt3A = arith.constant 15 : i32
    %lt3A_114 = arith.cmpi slt, %arg1, %lt3A : i32
    %convert_element_type3A_115 = arith.extui %lt3A_114 : i1 to i32
    %cond3A_116 = arith.constant 0 : i32
    %cond3A_117 = arith.cmpi ne, %convert_element_type3A_115, %cond3A_116 : i32
    scf.if %cond3A_117 {
      %mul3A_123 = arith.constant 640 : i32
      %mul3A_124 = arith.muli %arg1, %mul3A_123 : i32
      %mul3A_125 = arith.constant 640 : i32
      %mul3A_126 = arith.muli %arg1, %mul3A_125 : i32
      "tpu.region"() ({
        %run_scoped3A_127 = tpu.sem_alloc : memref<!tpu.dma_semaphore, #tpu.memory_space<semaphore_mem>>
        %dma_start3A_128 = arith.constant 0 : i32
        %dma_start3A_129 = tpu.memref_slice %arg7[%arg0, %mul3A_126, %dma_start3A_128] : memref<2x10000x128xf32, #tpu.memory_space<hbm>> -> memref<1x640x128xf32, #tpu.memory_space<hbm>>
        %dma_start3A_130 = tpu.memref_squeeze %dma_start3A_129 : memref<1x640x128xf32, #tpu.memory_space<hbm>> -> memref<640x128xf32, #tpu.memory_space<hbm>>
        %dma_start3A_131 = arith.constant 0 : i32
        %dma_start3A_132 = tpu.memref_slice %arg12[%mul3A_124, %dma_start3A_131] : memref<10000x128xf32, #tpu.memory_space<vmem_shared>> -> memref<640x128xf32, #tpu.memory_space<vmem_shared>>
        tpu.enqueue_dma source(%dma_start3A_132 : memref<640x128xf32, #tpu.memory_space<vmem_shared>>) target(%dma_start3A_130 : memref<640x128xf32, #tpu.memory_space<hbm>>) target_semaphore(%run_scoped3A_127 : memref<!tpu.dma_semaphore, #tpu.memory_space<semaphore_mem>>)
        %dma_wait3A_133 = arith.constant 0 : i32
        %dma_wait3A_134 = tpu.memref_slice %arg7[%arg0, %mul3A_126, %dma_wait3A_133] : memref<2x10000x128xf32, #tpu.memory_space<hbm>> -> memref<1x640x128xf32, #tpu.memory_space<hbm>>
        %dma_wait3A_135 = tpu.memref_squeeze %dma_wait3A_134 : memref<1x640x128xf32, #tpu.memory_space<hbm>> -> memref<640x128xf32, #tpu.memory_space<hbm>>
        %dma_wait3A_136 = arith.constant 0 : i32
        %dma_wait3A_137 = tpu.memref_slice %arg12[%mul3A_124, %dma_wait3A_136] : memref<10000x128xf32, #tpu.memory_space<vmem_shared>> -> memref<640x128xf32, #tpu.memory_space<vmem_shared>>
        tpu.wait_dma2 semaphore(%run_scoped3A_127 : memref<!tpu.dma_semaphore, #tpu.memory_space<semaphore_mem>>) src(%dma_wait3A_137 : memref<640x128xf32, #tpu.memory_space<vmem_shared>>) dst(%dma_wait3A_135 : memref<640x128xf32, #tpu.memory_space<hbm>>)
        tpu.yield
      }) : () -> ()
    } else {
    }
    %eq3A_118 = arith.constant 15 : i32
    %eq3A_119 = arith.cmpi eq, %arg1, %eq3A_118 : i32
    %convert_element_type3A_120 = arith.extui %eq3A_119 : i1 to i32
    %cond3A_121 = arith.constant 0 : i32
    %cond3A_122 = arith.cmpi ne, %convert_element_type3A_120, %cond3A_121 : i32
    scf.if %cond3A_122 {
      "tpu.region"() ({
        %run_scoped3A_123 = tpu.sem_alloc : memref<!tpu.dma_semaphore, #tpu.memory_space<semaphore_mem>>
        %dma_start3A_124 = arith.constant 9600 : i32
        %dma_start3A_125 = arith.constant 0 : i32
        %dma_start3A_126 = tpu.memref_slice %arg7[%arg0, %dma_start3A_124, %dma_start3A_125] : memref<2x10000x128xf32, #tpu.memory_space<hbm>> -> memref<1x400x128xf32, #tpu.memory_space<hbm>>
        %dma_start3A_127 = tpu.memref_squeeze %dma_start3A_126 : memref<1x400x128xf32, #tpu.memory_space<hbm>> -> memref<400x128xf32, #tpu.memory_space<hbm>>
        %dma_start3A_128 = arith.constant 9600 : i32
        %dma_start3A_129 = arith.constant 0 : i32
        %dma_start3A_130 = tpu.memref_slice %arg12[%dma_start3A_128, %dma_start3A_129] : memref<10000x128xf32, #tpu.memory_space<vmem_shared>> -> memref<400x128xf32, #tpu.memory_space<vmem_shared>>
        tpu.enqueue_dma source(%dma_start3A_130 : memref<400x128xf32, #tpu.memory_space<vmem_shared>>) target(%dma_start3A_127 : memref<400x128xf32, #tpu.memory_space<hbm>>) target_semaphore(%run_scoped3A_123 : memref<!tpu.dma_semaphore, #tpu.memory_space<semaphore_mem>>)
        %dma_wait3A_131 = arith.constant 9600 : i32
        %dma_wait3A_132 = arith.constant 0 : i32
        %dma_wait3A_133 = tpu.memref_slice %arg7[%arg0, %dma_wait3A_131, %dma_wait3A_132] : memref<2x10000x128xf32, #tpu.memory_space<hbm>> -> memref<1x400x128xf32, #tpu.memory_space<hbm>>
        %dma_wait3A_134 = tpu.memref_squeeze %dma_wait3A_133 : memref<1x400x128xf32, #tpu.memory_space<hbm>> -> memref<400x128xf32, #tpu.memory_space<hbm>>
        %dma_wait3A_135 = arith.constant 9600 : i32
        %dma_wait3A_136 = arith.constant 0 : i32
        %dma_wait3A_137 = tpu.memref_slice %arg12[%dma_wait3A_135, %dma_wait3A_136] : memref<10000x128xf32, #tpu.memory_space<vmem_shared>> -> memref<400x128xf32, #tpu.memory_space<vmem_shared>>
        tpu.wait_dma2 semaphore(%run_scoped3A_123 : memref<!tpu.dma_semaphore, #tpu.memory_space<semaphore_mem>>) src(%dma_wait3A_137 : memref<400x128xf32, #tpu.memory_space<vmem_shared>>) dst(%dma_wait3A_134 : memref<400x128xf32, #tpu.memory_space<hbm>>)
        tpu.yield
      }) : () -> ()
    } else {
    }
    return
  }
}

#map = affine_map<(d0, d1) -> (0, 0)>
#map1 = affine_map<(d0, d1) -> (0, 0, 0)>
module attributes {stable_mosaic.version = 14 : i64} {
  func.func @_sc_body(%arg0: i32, %arg1: i32, %arg2: memref<10000x128xf32, #tpu.memory_space<hbm>>, %arg3: memref<153600x64xi32, #tpu.memory_space<hbm>>, %arg4: memref<32x60x80xi32, #tpu.memory_space<hbm>>, %arg5: memref<32x60x80xi32, #tpu.memory_space<hbm>>, %arg6: memref<10000x128xf32, #tpu.memory_space<hbm>>, %arg7: memref<2x10000x128xf32, #tpu.memory_space<hbm>>, %arg8: memref<153600x128xf32, #tpu.memory_space<hbm>>, %arg9: memref<4x80xi32, #tpu.memory_space<vmem>>, %arg10: memref<4x80xi32, #tpu.memory_space<vmem>>, %arg11: memref<2x80x128xf32, #tpu.memory_space<vmem>>, %arg12: memref<2x80x64xi32, #tpu.memory_space<vmem>>, %arg13: memref<10000x128xf32, #tpu.memory_space<vmem_shared>>, %arg14: memref<4x!tpu.dma_semaphore, #tpu.memory_space<semaphore_mem>>, %arg15: memref<2x!tpu.dma_semaphore, #tpu.memory_space<semaphore_mem>>, %arg16: memref<2x!tpu.dma_semaphore, #tpu.memory_space<semaphore_mem>>, %arg17: memref<2x!tpu.dma_semaphore, #tpu.memory_space<semaphore_mem>>, %arg18: memref<2x!tpu.dma_semaphore, #tpu.memory_space<semaphore_mem>>) attributes {dimension_semantics = [#tpu.dimension_semantics<core_parallel>, #tpu.dimension_semantics<subcore_parallel>], iteration_bounds = array<i64: 2, 16>, scalar_prefetch = 0 : i64, scratch_operands = 10 : i64, tpu.core_type = #tpu.core_type<sc_vector_subcore>, window_params = [{transform_indices = #map}, {transform_indices = #map}, {transform_indices = #map1}, {transform_indices = #map1}, {transform_indices = #map}, {transform_indices = #map1}, {transform_indices = #map}]} {
    %mul3A = arith.constant 16 : i32
    %mul3A_0 = arith.muli %arg0, %mul3A : i32
    %add3A = arith.addi %mul3A_0, %arg1 : i32
    %eq3A = arith.constant 0 : i32
    %eq3A_1 = arith.cmpi eq, %arg1, %eq3A : i32
    %convert_element_type3A = arith.extui %eq3A_1 : i1 to i32
    %cond3A = arith.constant 0 : i32
    %cond3A_2 = arith.cmpi ne, %convert_element_type3A, %cond3A : i32
    scf.if %cond3A_2 {
      "tpu.region"() ({
        %run_scoped3A_159 = tpu.sem_alloc : memref<!tpu.dma_semaphore, #tpu.memory_space<semaphore_mem>>
        tpu.enqueue_dma source(%arg6 : memref<10000x128xf32, #tpu.memory_space<hbm>>) target(%arg13 : memref<10000x128xf32, #tpu.memory_space<vmem_shared>>) target_semaphore(%run_scoped3A_159 : memref<!tpu.dma_semaphore, #tpu.memory_space<semaphore_mem>>)
        tpu.wait_dma2 semaphore(%run_scoped3A_159 : memref<!tpu.dma_semaphore, #tpu.memory_space<semaphore_mem>>) src(%arg6 : memref<10000x128xf32, #tpu.memory_space<hbm>>) dst(%arg13 : memref<10000x128xf32, #tpu.memory_space<vmem_shared>>)
        tpu.yield
      }) : () -> ()
    } else {
    }
    %barrier3A = arith.constant 0 : index
    tpu.barrier barrier_id(%barrier3A)
    %run_scoped3A = arith.constant 0 : i32
    %run_scoped3A_3 = arith.constant 0 : i32
    "tpu.region"() ({
      %run_scoped3A_159 = tpu.sem_alloc : memref<!tpu.dma_semaphore, #tpu.memory_space<semaphore_mem>>
      %dma_start3A_160 = arith.constant 0 : i32
      %dma_start3A_161 = tpu.memref_slice %arg9[%run_scoped3A_3, %dma_start3A_160] : memref<4x80xi32, #tpu.memory_space<vmem>> -> memref<1x80xi32, #tpu.memory_space<vmem>>
      %dma_start3A_162 = tpu.memref_squeeze %dma_start3A_161 : memref<1x80xi32, #tpu.memory_space<vmem>> -> memref<80xi32, #tpu.memory_space<vmem>>
      %dma_start3A_163 = arith.constant 0 : i32
      %dma_start3A_164 = tpu.memref_slice %arg4[%add3A, %run_scoped3A, %dma_start3A_163] : memref<32x60x80xi32, #tpu.memory_space<hbm>> -> memref<1x1x80xi32, #tpu.memory_space<hbm>>
      %dma_start3A_165 = tpu.memref_squeeze %dma_start3A_164 : memref<1x1x80xi32, #tpu.memory_space<hbm>> -> memref<80xi32, #tpu.memory_space<hbm>>
      %dma_start3A_166 = arith.constant 0 : i32
      %dma_start3A_167 = tpu.memref_slice %arg9[%run_scoped3A_3, %dma_start3A_166] : memref<4x80xi32, #tpu.memory_space<vmem>> -> memref<1x80xi32, #tpu.memory_space<vmem>>
      %dma_start3A_168 = tpu.memref_squeeze %dma_start3A_167 : memref<1x80xi32, #tpu.memory_space<vmem>> -> memref<80xi32, #tpu.memory_space<vmem>>
      %dma_start3A_169 = arith.constant 0 : i32
      %dma_start3A_170 = tpu.memref_slice %arg4[%add3A, %run_scoped3A, %dma_start3A_169] : memref<32x60x80xi32, #tpu.memory_space<hbm>> -> memref<1x1x80xi32, #tpu.memory_space<hbm>>
      %dma_start3A_171 = tpu.memref_squeeze %dma_start3A_170 : memref<1x1x80xi32, #tpu.memory_space<hbm>> -> memref<80xi32, #tpu.memory_space<hbm>>
      tpu.enqueue_dma source(%dma_start3A_171 : memref<80xi32, #tpu.memory_space<hbm>>) target(%dma_start3A_168 : memref<80xi32, #tpu.memory_space<vmem>>) target_semaphore(%run_scoped3A_159 : memref<!tpu.dma_semaphore, #tpu.memory_space<semaphore_mem>>)
      %dma_wait3A_172 = arith.constant 0 : i32
      %dma_wait3A_173 = tpu.memref_slice %arg9[%run_scoped3A_3, %dma_wait3A_172] : memref<4x80xi32, #tpu.memory_space<vmem>> -> memref<1x80xi32, #tpu.memory_space<vmem>>
      %dma_wait3A_174 = tpu.memref_squeeze %dma_wait3A_173 : memref<1x80xi32, #tpu.memory_space<vmem>> -> memref<80xi32, #tpu.memory_space<vmem>>
      %dma_wait3A_175 = arith.constant 0 : i32
      %dma_wait3A_176 = tpu.memref_slice %arg4[%add3A, %run_scoped3A, %dma_wait3A_175] : memref<32x60x80xi32, #tpu.memory_space<hbm>> -> memref<1x1x80xi32, #tpu.memory_space<hbm>>
      %dma_wait3A_177 = tpu.memref_squeeze %dma_wait3A_176 : memref<1x1x80xi32, #tpu.memory_space<hbm>> -> memref<80xi32, #tpu.memory_space<hbm>>
      %dma_wait3A_178 = arith.constant 0 : i32
      %dma_wait3A_179 = tpu.memref_slice %arg9[%run_scoped3A_3, %dma_wait3A_178] : memref<4x80xi32, #tpu.memory_space<vmem>> -> memref<1x80xi32, #tpu.memory_space<vmem>>
      %dma_wait3A_180 = tpu.memref_squeeze %dma_wait3A_179 : memref<1x80xi32, #tpu.memory_space<vmem>> -> memref<80xi32, #tpu.memory_space<vmem>>
      %dma_wait3A_181 = arith.constant 0 : i32
      %dma_wait3A_182 = tpu.memref_slice %arg4[%add3A, %run_scoped3A, %dma_wait3A_181] : memref<32x60x80xi32, #tpu.memory_space<hbm>> -> memref<1x1x80xi32, #tpu.memory_space<hbm>>
      %dma_wait3A_183 = tpu.memref_squeeze %dma_wait3A_182 : memref<1x1x80xi32, #tpu.memory_space<hbm>> -> memref<80xi32, #tpu.memory_space<hbm>>
      tpu.wait_dma2 semaphore(%run_scoped3A_159 : memref<!tpu.dma_semaphore, #tpu.memory_space<semaphore_mem>>) src(%dma_wait3A_183 : memref<80xi32, #tpu.memory_space<hbm>>) dst(%dma_wait3A_180 : memref<80xi32, #tpu.memory_space<vmem>>)
      tpu.yield
    }) : () -> ()
    %run_scoped3A_4 = arith.constant 0 : i32
    %run_scoped3A_5 = arith.constant 0 : i32
    "tpu.region"() ({
      %run_scoped3A_159 = tpu.sem_alloc : memref<!tpu.dma_semaphore, #tpu.memory_space<semaphore_mem>>
      %dma_start3A_160 = arith.constant 0 : i32
      %dma_start3A_161 = tpu.memref_slice %arg10[%run_scoped3A_5, %dma_start3A_160] : memref<4x80xi32, #tpu.memory_space<vmem>> -> memref<1x80xi32, #tpu.memory_space<vmem>>
      %dma_start3A_162 = tpu.memref_squeeze %dma_start3A_161 : memref<1x80xi32, #tpu.memory_space<vmem>> -> memref<80xi32, #tpu.memory_space<vmem>>
      %dma_start3A_163 = arith.constant 0 : i32
      %dma_start3A_164 = tpu.memref_slice %arg5[%add3A, %run_scoped3A_4, %dma_start3A_163] : memref<32x60x80xi32, #tpu.memory_space<hbm>> -> memref<1x1x80xi32, #tpu.memory_space<hbm>>
      %dma_start3A_165 = tpu.memref_squeeze %dma_start3A_164 : memref<1x1x80xi32, #tpu.memory_space<hbm>> -> memref<80xi32, #tpu.memory_space<hbm>>
      %dma_start3A_166 = arith.constant 0 : i32
      %dma_start3A_167 = tpu.memref_slice %arg10[%run_scoped3A_5, %dma_start3A_166] : memref<4x80xi32, #tpu.memory_space<vmem>> -> memref<1x80xi32, #tpu.memory_space<vmem>>
      %dma_start3A_168 = tpu.memref_squeeze %dma_start3A_167 : memref<1x80xi32, #tpu.memory_space<vmem>> -> memref<80xi32, #tpu.memory_space<vmem>>
      %dma_start3A_169 = arith.constant 0 : i32
      %dma_start3A_170 = tpu.memref_slice %arg5[%add3A, %run_scoped3A_4, %dma_start3A_169] : memref<32x60x80xi32, #tpu.memory_space<hbm>> -> memref<1x1x80xi32, #tpu.memory_space<hbm>>
      %dma_start3A_171 = tpu.memref_squeeze %dma_start3A_170 : memref<1x1x80xi32, #tpu.memory_space<hbm>> -> memref<80xi32, #tpu.memory_space<hbm>>
      tpu.enqueue_dma source(%dma_start3A_171 : memref<80xi32, #tpu.memory_space<hbm>>) target(%dma_start3A_168 : memref<80xi32, #tpu.memory_space<vmem>>) target_semaphore(%run_scoped3A_159 : memref<!tpu.dma_semaphore, #tpu.memory_space<semaphore_mem>>)
      %dma_wait3A_172 = arith.constant 0 : i32
      %dma_wait3A_173 = tpu.memref_slice %arg10[%run_scoped3A_5, %dma_wait3A_172] : memref<4x80xi32, #tpu.memory_space<vmem>> -> memref<1x80xi32, #tpu.memory_space<vmem>>
      %dma_wait3A_174 = tpu.memref_squeeze %dma_wait3A_173 : memref<1x80xi32, #tpu.memory_space<vmem>> -> memref<80xi32, #tpu.memory_space<vmem>>
      %dma_wait3A_175 = arith.constant 0 : i32
      %dma_wait3A_176 = tpu.memref_slice %arg5[%add3A, %run_scoped3A_4, %dma_wait3A_175] : memref<32x60x80xi32, #tpu.memory_space<hbm>> -> memref<1x1x80xi32, #tpu.memory_space<hbm>>
      %dma_wait3A_177 = tpu.memref_squeeze %dma_wait3A_176 : memref<1x1x80xi32, #tpu.memory_space<hbm>> -> memref<80xi32, #tpu.memory_space<hbm>>
      %dma_wait3A_178 = arith.constant 0 : i32
      %dma_wait3A_179 = tpu.memref_slice %arg10[%run_scoped3A_5, %dma_wait3A_178] : memref<4x80xi32, #tpu.memory_space<vmem>> -> memref<1x80xi32, #tpu.memory_space<vmem>>
      %dma_wait3A_180 = tpu.memref_squeeze %dma_wait3A_179 : memref<1x80xi32, #tpu.memory_space<vmem>> -> memref<80xi32, #tpu.memory_space<vmem>>
      %dma_wait3A_181 = arith.constant 0 : i32
      %dma_wait3A_182 = tpu.memref_slice %arg5[%add3A, %run_scoped3A_4, %dma_wait3A_181] : memref<32x60x80xi32, #tpu.memory_space<hbm>> -> memref<1x1x80xi32, #tpu.memory_space<hbm>>
      %dma_wait3A_183 = tpu.memref_squeeze %dma_wait3A_182 : memref<1x1x80xi32, #tpu.memory_space<hbm>> -> memref<80xi32, #tpu.memory_space<hbm>>
      tpu.wait_dma2 semaphore(%run_scoped3A_159 : memref<!tpu.dma_semaphore, #tpu.memory_space<semaphore_mem>>) src(%dma_wait3A_183 : memref<80xi32, #tpu.memory_space<hbm>>) dst(%dma_wait3A_180 : memref<80xi32, #tpu.memory_space<vmem>>)
      tpu.yield
    }) : () -> ()
    %and3A = arith.constant 0 : i32
    %and3A_6 = arith.constant 1 : i32
    %and3A_7 = arith.andi %and3A, %and3A_6 : i32
    %and3A_8 = arith.constant 0 : i32
    %and3A_9 = arith.constant 3 : i32
    %and3A_10 = arith.andi %and3A_8, %and3A_9 : i32
    %mul3A_11 = arith.constant 4800 : i32
    %mul3A_12 = arith.muli %add3A, %mul3A_11 : i32
    %add3A_13 = arith.constant 0 : i32
    %add3A_14 = arith.addi %mul3A_12, %add3A_13 : i32
    %dma_start3A = arith.constant 0 : i32
    %dma_start3A_15 = arith.constant 0 : i32
    %dma_start3A_16 = tpu.memref_slice %arg11[%and3A_7, %dma_start3A, %dma_start3A_15] : memref<2x80x128xf32, #tpu.memory_space<vmem>> -> memref<1x80x128xf32, #tpu.memory_space<vmem>>
    %dma_start3A_17 = tpu.memref_squeeze %dma_start3A_16 : memref<1x80x128xf32, #tpu.memory_space<vmem>> -> memref<80x128xf32, #tpu.memory_space<vmem>>
    %dma_start3A_18 = arith.constant 0 : i32
    %dma_start3A_19 = tpu.memref_slice %arg9[%and3A_10, %dma_start3A_18] : memref<4x80xi32, #tpu.memory_space<vmem>> -> memref<1x80xi32, #tpu.memory_space<vmem>>
    %dma_start3A_20 = tpu.memref_squeeze %dma_start3A_19 : memref<1x80xi32, #tpu.memory_space<vmem>> -> memref<80xi32, #tpu.memory_space<vmem>>
    %dma_start3A_21 = arith.constant 0 : i32
    %dma_start3A_22 = arith.constant 0 : i32
    %dma_start3A_23 = tpu.memref_slice %arg2[%dma_start3A_21, %dma_start3A_22] : memref<10000x128xf32, #tpu.memory_space<hbm>> -> memref<10000x128xf32, #tpu.memory_space<hbm>>
    %dma_start3A_24 = tpu.memref_slice %arg15[%and3A_7] : memref<2x!tpu.dma_semaphore, #tpu.memory_space<semaphore_mem>> -> memref<1x!tpu.dma_semaphore, #tpu.memory_space<semaphore_mem>>
    %dma_start3A_25 = tpu.memref_squeeze %dma_start3A_24 : memref<1x!tpu.dma_semaphore, #tpu.memory_space<semaphore_mem>> -> memref<!tpu.dma_semaphore, #tpu.memory_space<semaphore_mem>>
    tpu.enqueue_indirect_dma source(%dma_start3A_23 : memref<10000x128xf32, #tpu.memory_space<hbm>>) target(%dma_start3A_17 : memref<80x128xf32, #tpu.memory_space<vmem>>) offsets(%dma_start3A_20 : memref<80xi32, #tpu.memory_space<vmem>>) semaphore(%dma_start3A_25 : memref<!tpu.dma_semaphore, #tpu.memory_space<semaphore_mem>>)
    %dma_start3A_26 = arith.constant 0 : i32
    %dma_start3A_27 = arith.constant 0 : i32
    %dma_start3A_28 = tpu.memref_slice %arg12[%and3A_7, %dma_start3A_26, %dma_start3A_27] : memref<2x80x64xi32, #tpu.memory_space<vmem>> -> memref<1x80x64xi32, #tpu.memory_space<vmem>>
    %dma_start3A_29 = tpu.memref_squeeze %dma_start3A_28 : memref<1x80x64xi32, #tpu.memory_space<vmem>> -> memref<80x64xi32, #tpu.memory_space<vmem>>
    %dma_start3A_30 = arith.constant 0 : i32
    %dma_start3A_31 = tpu.memref_slice %arg3[%add3A_14, %dma_start3A_30] : memref<153600x64xi32, #tpu.memory_space<hbm>> -> memref<80x64xi32, #tpu.memory_space<hbm>>
    %dma_start3A_32 = tpu.memref_slice %arg16[%and3A_7] : memref<2x!tpu.dma_semaphore, #tpu.memory_space<semaphore_mem>> -> memref<1x!tpu.dma_semaphore, #tpu.memory_space<semaphore_mem>>
    %dma_start3A_33 = tpu.memref_squeeze %dma_start3A_32 : memref<1x!tpu.dma_semaphore, #tpu.memory_space<semaphore_mem>> -> memref<!tpu.dma_semaphore, #tpu.memory_space<semaphore_mem>>
    %dma_start3A_34 = arith.constant 0 : i32
    %dma_start3A_35 = arith.constant 0 : i32
    %dma_start3A_36 = tpu.memref_slice %arg12[%and3A_7, %dma_start3A_34, %dma_start3A_35] : memref<2x80x64xi32, #tpu.memory_space<vmem>> -> memref<1x80x64xi32, #tpu.memory_space<vmem>>
    %dma_start3A_37 = tpu.memref_squeeze %dma_start3A_36 : memref<1x80x64xi32, #tpu.memory_space<vmem>> -> memref<80x64xi32, #tpu.memory_space<vmem>>
    %dma_start3A_38 = arith.constant 0 : i32
    %dma_start3A_39 = tpu.memref_slice %arg3[%add3A_14, %dma_start3A_38] : memref<153600x64xi32, #tpu.memory_space<hbm>> -> memref<80x64xi32, #tpu.memory_space<hbm>>
    tpu.enqueue_dma source(%dma_start3A_39 : memref<80x64xi32, #tpu.memory_space<hbm>>) target(%dma_start3A_37 : memref<80x64xi32, #tpu.memory_space<vmem>>) target_semaphore(%dma_start3A_33 : memref<!tpu.dma_semaphore, #tpu.memory_space<semaphore_mem>>)
    %and3A_40 = arith.constant 1 : i32
    %and3A_41 = arith.constant 3 : i32
    %and3A_42 = arith.andi %and3A_40, %and3A_41 : i32
    %dma_start3A_43 = arith.constant 1 : i32
    %dma_start3A_44 = arith.constant 0 : i32
    %dma_start3A_45 = tpu.memref_slice %arg9[%and3A_42, %dma_start3A_44] : memref<4x80xi32, #tpu.memory_space<vmem>> -> memref<1x80xi32, #tpu.memory_space<vmem>>
    %dma_start3A_46 = tpu.memref_squeeze %dma_start3A_45 : memref<1x80xi32, #tpu.memory_space<vmem>> -> memref<80xi32, #tpu.memory_space<vmem>>
    %dma_start3A_47 = arith.constant 0 : i32
    %dma_start3A_48 = tpu.memref_slice %arg4[%add3A, %dma_start3A_43, %dma_start3A_47] : memref<32x60x80xi32, #tpu.memory_space<hbm>> -> memref<1x1x80xi32, #tpu.memory_space<hbm>>
    %dma_start3A_49 = tpu.memref_squeeze %dma_start3A_48 : memref<1x1x80xi32, #tpu.memory_space<hbm>> -> memref<80xi32, #tpu.memory_space<hbm>>
    %dma_start3A_50 = tpu.memref_slice %arg14[%and3A_42] : memref<4x!tpu.dma_semaphore, #tpu.memory_space<semaphore_mem>> -> memref<1x!tpu.dma_semaphore, #tpu.memory_space<semaphore_mem>>
    %dma_start3A_51 = tpu.memref_squeeze %dma_start3A_50 : memref<1x!tpu.dma_semaphore, #tpu.memory_space<semaphore_mem>> -> memref<!tpu.dma_semaphore, #tpu.memory_space<semaphore_mem>>
    %dma_start3A_52 = arith.constant 0 : i32
    %dma_start3A_53 = tpu.memref_slice %arg9[%and3A_42, %dma_start3A_52] : memref<4x80xi32, #tpu.memory_space<vmem>> -> memref<1x80xi32, #tpu.memory_space<vmem>>
    %dma_start3A_54 = tpu.memref_squeeze %dma_start3A_53 : memref<1x80xi32, #tpu.memory_space<vmem>> -> memref<80xi32, #tpu.memory_space<vmem>>
    %dma_start3A_55 = arith.constant 0 : i32
    %dma_start3A_56 = tpu.memref_slice %arg4[%add3A, %dma_start3A_43, %dma_start3A_55] : memref<32x60x80xi32, #tpu.memory_space<hbm>> -> memref<1x1x80xi32, #tpu.memory_space<hbm>>
    %dma_start3A_57 = tpu.memref_squeeze %dma_start3A_56 : memref<1x1x80xi32, #tpu.memory_space<hbm>> -> memref<80xi32, #tpu.memory_space<hbm>>
    tpu.enqueue_dma source(%dma_start3A_57 : memref<80xi32, #tpu.memory_space<hbm>>) target(%dma_start3A_54 : memref<80xi32, #tpu.memory_space<vmem>>) target_semaphore(%dma_start3A_51 : memref<!tpu.dma_semaphore, #tpu.memory_space<semaphore_mem>>)
    %dma_start3A_58 = arith.constant 1 : i32
    %dma_start3A_59 = arith.constant 0 : i32
    %dma_start3A_60 = tpu.memref_slice %arg10[%and3A_42, %dma_start3A_59] : memref<4x80xi32, #tpu.memory_space<vmem>> -> memref<1x80xi32, #tpu.memory_space<vmem>>
    %dma_start3A_61 = tpu.memref_squeeze %dma_start3A_60 : memref<1x80xi32, #tpu.memory_space<vmem>> -> memref<80xi32, #tpu.memory_space<vmem>>
    %dma_start3A_62 = arith.constant 0 : i32
    %dma_start3A_63 = tpu.memref_slice %arg5[%add3A, %dma_start3A_58, %dma_start3A_62] : memref<32x60x80xi32, #tpu.memory_space<hbm>> -> memref<1x1x80xi32, #tpu.memory_space<hbm>>
    %dma_start3A_64 = tpu.memref_squeeze %dma_start3A_63 : memref<1x1x80xi32, #tpu.memory_space<hbm>> -> memref<80xi32, #tpu.memory_space<hbm>>
    %dma_start3A_65 = tpu.memref_slice %arg14[%and3A_42] : memref<4x!tpu.dma_semaphore, #tpu.memory_space<semaphore_mem>> -> memref<1x!tpu.dma_semaphore, #tpu.memory_space<semaphore_mem>>
    %dma_start3A_66 = tpu.memref_squeeze %dma_start3A_65 : memref<1x!tpu.dma_semaphore, #tpu.memory_space<semaphore_mem>> -> memref<!tpu.dma_semaphore, #tpu.memory_space<semaphore_mem>>
    %dma_start3A_67 = arith.constant 0 : i32
    %dma_start3A_68 = tpu.memref_slice %arg10[%and3A_42, %dma_start3A_67] : memref<4x80xi32, #tpu.memory_space<vmem>> -> memref<1x80xi32, #tpu.memory_space<vmem>>
    %dma_start3A_69 = tpu.memref_squeeze %dma_start3A_68 : memref<1x80xi32, #tpu.memory_space<vmem>> -> memref<80xi32, #tpu.memory_space<vmem>>
    %dma_start3A_70 = arith.constant 0 : i32
    %dma_start3A_71 = tpu.memref_slice %arg5[%add3A, %dma_start3A_58, %dma_start3A_70] : memref<32x60x80xi32, #tpu.memory_space<hbm>> -> memref<1x1x80xi32, #tpu.memory_space<hbm>>
    %dma_start3A_72 = tpu.memref_squeeze %dma_start3A_71 : memref<1x1x80xi32, #tpu.memory_space<hbm>> -> memref<80xi32, #tpu.memory_space<hbm>>
    tpu.enqueue_dma source(%dma_start3A_72 : memref<80xi32, #tpu.memory_space<hbm>>) target(%dma_start3A_69 : memref<80xi32, #tpu.memory_space<vmem>>) target_semaphore(%dma_start3A_66 : memref<!tpu.dma_semaphore, #tpu.memory_space<semaphore_mem>>)
    %scan3A = arith.constant 0 : i32
    %scan3A_73 = arith.constant 0 : i32
    %scan3A_74 = arith.constant 60 : i32
    %scan3A_75 = arith.addi %scan3A_73, %scan3A_74 : i32
    %scan3A_76 = arith.constant 1 : i32
    scf.for %scan3A_159 = %scan3A_73 to %scan3A_75 step %scan3A_76  : i32 {
      %and3A_160 = arith.constant 1 : i32
      %and3A_161 = arith.andi %scan3A_159, %and3A_160 : i32
      %add3A_162 = arith.constant 1 : i32
      %add3A_163 = arith.addi %scan3A_159, %add3A_162 : i32
      %and3A_164 = arith.constant 1 : i32
      %and3A_165 = arith.andi %add3A_163, %and3A_164 : i32
      %and3A_166 = arith.constant 3 : i32
      %and3A_167 = arith.andi %scan3A_159, %and3A_166 : i32
      %add3A_168 = arith.constant 1 : i32
      %add3A_169 = arith.addi %scan3A_159, %add3A_168 : i32
      %and3A_170 = arith.constant 3 : i32
      %and3A_171 = arith.andi %add3A_169, %and3A_170 : i32
      %lt3A_172 = arith.constant 59 : i32
      %lt3A_173 = arith.cmpi slt, %scan3A_159, %lt3A_172 : i32
      %convert_element_type3A_174 = arith.extui %lt3A_173 : i1 to i32
      %cond3A_175 = arith.constant 0 : i32
      %cond3A_176 = arith.cmpi ne, %convert_element_type3A_174, %cond3A_175 : i32
      scf.if %cond3A_176 {
        %dma_wait3A_251 = arith.constant 0 : i32
        %dma_wait3A_252 = arith.constant 0 : i32
        %dma_wait3A_253 = tpu.memref_slice %arg9[%and3A_171, %dma_wait3A_252] : memref<4x80xi32, #tpu.memory_space<vmem>> -> memref<1x80xi32, #tpu.memory_space<vmem>>
        %dma_wait3A_254 = tpu.memref_squeeze %dma_wait3A_253 : memref<1x80xi32, #tpu.memory_space<vmem>> -> memref<80xi32, #tpu.memory_space<vmem>>
        %dma_wait3A_255 = arith.constant 0 : i32
        %dma_wait3A_256 = tpu.memref_slice %arg4[%add3A, %dma_wait3A_251, %dma_wait3A_255] : memref<32x60x80xi32, #tpu.memory_space<hbm>> -> memref<1x1x80xi32, #tpu.memory_space<hbm>>
        %dma_wait3A_257 = tpu.memref_squeeze %dma_wait3A_256 : memref<1x1x80xi32, #tpu.memory_space<hbm>> -> memref<80xi32, #tpu.memory_space<hbm>>
        %dma_wait3A_258 = tpu.memref_slice %arg14[%and3A_171] : memref<4x!tpu.dma_semaphore, #tpu.memory_space<semaphore_mem>> -> memref<1x!tpu.dma_semaphore, #tpu.memory_space<semaphore_mem>>
        %dma_wait3A_259 = tpu.memref_squeeze %dma_wait3A_258 : memref<1x!tpu.dma_semaphore, #tpu.memory_space<semaphore_mem>> -> memref<!tpu.dma_semaphore, #tpu.memory_space<semaphore_mem>>
        %dma_wait3A_260 = arith.constant 0 : i32
        %dma_wait3A_261 = tpu.memref_slice %arg9[%and3A_171, %dma_wait3A_260] : memref<4x80xi32, #tpu.memory_space<vmem>> -> memref<1x80xi32, #tpu.memory_space<vmem>>
        %dma_wait3A_262 = tpu.memref_squeeze %dma_wait3A_261 : memref<1x80xi32, #tpu.memory_space<vmem>> -> memref<80xi32, #tpu.memory_space<vmem>>
        %dma_wait3A_263 = arith.constant 0 : i32
        %dma_wait3A_264 = tpu.memref_slice %arg4[%add3A, %dma_wait3A_251, %dma_wait3A_263] : memref<32x60x80xi32, #tpu.memory_space<hbm>> -> memref<1x1x80xi32, #tpu.memory_space<hbm>>
        %dma_wait3A_265 = tpu.memref_squeeze %dma_wait3A_264 : memref<1x1x80xi32, #tpu.memory_space<hbm>> -> memref<80xi32, #tpu.memory_space<hbm>>
        tpu.wait_dma2 semaphore(%dma_wait3A_259 : memref<!tpu.dma_semaphore, #tpu.memory_space<semaphore_mem>>) src(%dma_wait3A_265 : memref<80xi32, #tpu.memory_space<hbm>>) dst(%dma_wait3A_262 : memref<80xi32, #tpu.memory_space<vmem>>)
        %dma_wait3A_266 = arith.constant 0 : i32
        %dma_wait3A_267 = arith.constant 0 : i32
        %dma_wait3A_268 = tpu.memref_slice %arg10[%and3A_171, %dma_wait3A_267] : memref<4x80xi32, #tpu.memory_space<vmem>> -> memref<1x80xi32, #tpu.memory_space<vmem>>
        %dma_wait3A_269 = tpu.memref_squeeze %dma_wait3A_268 : memref<1x80xi32, #tpu.memory_space<vmem>> -> memref<80xi32, #tpu.memory_space<vmem>>
        %dma_wait3A_270 = arith.constant 0 : i32
        %dma_wait3A_271 = tpu.memref_slice %arg4[%add3A, %dma_wait3A_266, %dma_wait3A_270] : memref<32x60x80xi32, #tpu.memory_space<hbm>> -> memref<1x1x80xi32, #tpu.memory_space<hbm>>
        %dma_wait3A_272 = tpu.memref_squeeze %dma_wait3A_271 : memref<1x1x80xi32, #tpu.memory_space<hbm>> -> memref<80xi32, #tpu.memory_space<hbm>>
        %dma_wait3A_273 = tpu.memref_slice %arg14[%and3A_171] : memref<4x!tpu.dma_semaphore, #tpu.memory_space<semaphore_mem>> -> memref<1x!tpu.dma_semaphore, #tpu.memory_space<semaphore_mem>>
        %dma_wait3A_274 = tpu.memref_squeeze %dma_wait3A_273 : memref<1x!tpu.dma_semaphore, #tpu.memory_space<semaphore_mem>> -> memref<!tpu.dma_semaphore, #tpu.memory_space<semaphore_mem>>
        %dma_wait3A_275 = arith.constant 0 : i32
        %dma_wait3A_276 = tpu.memref_slice %arg10[%and3A_171, %dma_wait3A_275] : memref<4x80xi32, #tpu.memory_space<vmem>> -> memref<1x80xi32, #tpu.memory_space<vmem>>
        %dma_wait3A_277 = tpu.memref_squeeze %dma_wait3A_276 : memref<1x80xi32, #tpu.memory_space<vmem>> -> memref<80xi32, #tpu.memory_space<vmem>>
        %dma_wait3A_278 = arith.constant 0 : i32
        %dma_wait3A_279 = tpu.memref_slice %arg4[%add3A, %dma_wait3A_266, %dma_wait3A_278] : memref<32x60x80xi32, #tpu.memory_space<hbm>> -> memref<1x1x80xi32, #tpu.memory_space<hbm>>
        %dma_wait3A_280 = tpu.memref_squeeze %dma_wait3A_279 : memref<1x1x80xi32, #tpu.memory_space<hbm>> -> memref<80xi32, #tpu.memory_space<hbm>>
        tpu.wait_dma2 semaphore(%dma_wait3A_274 : memref<!tpu.dma_semaphore, #tpu.memory_space<semaphore_mem>>) src(%dma_wait3A_280 : memref<80xi32, #tpu.memory_space<hbm>>) dst(%dma_wait3A_277 : memref<80xi32, #tpu.memory_space<vmem>>)
        %gt3A = arith.constant 0 : i32
        %gt3A_281 = arith.cmpi sgt, %scan3A_159, %gt3A : i32
        %convert_element_type3A_282 = arith.extui %gt3A_281 : i1 to i32
        %cond3A_283 = arith.constant 0 : i32
        %cond3A_284 = arith.cmpi ne, %convert_element_type3A_282, %cond3A_283 : i32
        scf.if %cond3A_284 {
          %dma_wait3A_322 = arith.constant 0 : i32
          %dma_wait3A_323 = arith.constant 0 : i32
          %dma_wait3A_324 = tpu.memref_slice %arg11[%and3A_165, %dma_wait3A_322, %dma_wait3A_323] : memref<2x80x128xf32, #tpu.memory_space<vmem>> -> memref<1x80x128xf32, #tpu.memory_space<vmem>>
          %dma_wait3A_325 = tpu.memref_squeeze %dma_wait3A_324 : memref<1x80x128xf32, #tpu.memory_space<vmem>> -> memref<80x128xf32, #tpu.memory_space<vmem>>
          %dma_wait3A_326 = arith.constant 0 : i32
          %dma_wait3A_327 = arith.constant 0 : i32
          %dma_wait3A_328 = tpu.memref_slice %arg6[%dma_wait3A_326, %dma_wait3A_327] : memref<10000x128xf32, #tpu.memory_space<hbm>> -> memref<80x128xf32, #tpu.memory_space<hbm>>
          %dma_wait3A_329 = tpu.memref_slice %arg17[%and3A_165] : memref<2x!tpu.dma_semaphore, #tpu.memory_space<semaphore_mem>> -> memref<1x!tpu.dma_semaphore, #tpu.memory_space<semaphore_mem>>
          %dma_wait3A_330 = tpu.memref_squeeze %dma_wait3A_329 : memref<1x!tpu.dma_semaphore, #tpu.memory_space<semaphore_mem>> -> memref<!tpu.dma_semaphore, #tpu.memory_space<semaphore_mem>>
          %dma_wait3A_331 = arith.constant 0 : i32
          %dma_wait3A_332 = arith.constant 0 : i32
          %dma_wait3A_333 = tpu.memref_slice %arg11[%and3A_165, %dma_wait3A_331, %dma_wait3A_332] : memref<2x80x128xf32, #tpu.memory_space<vmem>> -> memref<1x80x128xf32, #tpu.memory_space<vmem>>
          %dma_wait3A_334 = tpu.memref_squeeze %dma_wait3A_333 : memref<1x80x128xf32, #tpu.memory_space<vmem>> -> memref<80x128xf32, #tpu.memory_space<vmem>>
          %dma_wait3A_335 = arith.constant 0 : i32
          %dma_wait3A_336 = arith.constant 0 : i32
          %dma_wait3A_337 = tpu.memref_slice %arg6[%dma_wait3A_335, %dma_wait3A_336] : memref<10000x128xf32, #tpu.memory_space<hbm>> -> memref<80x128xf32, #tpu.memory_space<hbm>>
          tpu.wait_dma2 semaphore(%dma_wait3A_330 : memref<!tpu.dma_semaphore, #tpu.memory_space<semaphore_mem>>) src(%dma_wait3A_337 : memref<80x128xf32, #tpu.memory_space<hbm>>) dst(%dma_wait3A_334 : memref<80x128xf32, #tpu.memory_space<vmem>>)
          %dma_wait3A_338 = arith.constant 0 : i32
          %dma_wait3A_339 = arith.constant 0 : i32
          %dma_wait3A_340 = tpu.memref_slice %arg11[%and3A_165, %dma_wait3A_338, %dma_wait3A_339] : memref<2x80x128xf32, #tpu.memory_space<vmem>> -> memref<1x80x128xf32, #tpu.memory_space<vmem>>
          %dma_wait3A_341 = tpu.memref_squeeze %dma_wait3A_340 : memref<1x80x128xf32, #tpu.memory_space<vmem>> -> memref<80x128xf32, #tpu.memory_space<vmem>>
          %dma_wait3A_342 = arith.constant 0 : i32
          %dma_wait3A_343 = arith.constant 0 : i32
          %dma_wait3A_344 = tpu.memref_slice %arg6[%dma_wait3A_342, %dma_wait3A_343] : memref<10000x128xf32, #tpu.memory_space<hbm>> -> memref<80x128xf32, #tpu.memory_space<hbm>>
          %dma_wait3A_345 = tpu.memref_slice %arg18[%and3A_165] : memref<2x!tpu.dma_semaphore, #tpu.memory_space<semaphore_mem>> -> memref<1x!tpu.dma_semaphore, #tpu.memory_space<semaphore_mem>>
          %dma_wait3A_346 = tpu.memref_squeeze %dma_wait3A_345 : memref<1x!tpu.dma_semaphore, #tpu.memory_space<semaphore_mem>> -> memref<!tpu.dma_semaphore, #tpu.memory_space<semaphore_mem>>
          %dma_wait3A_347 = arith.constant 0 : i32
          %dma_wait3A_348 = arith.constant 0 : i32
          %dma_wait3A_349 = tpu.memref_slice %arg11[%and3A_165, %dma_wait3A_347, %dma_wait3A_348] : memref<2x80x128xf32, #tpu.memory_space<vmem>> -> memref<1x80x128xf32, #tpu.memory_space<vmem>>
          %dma_wait3A_350 = tpu.memref_squeeze %dma_wait3A_349 : memref<1x80x128xf32, #tpu.memory_space<vmem>> -> memref<80x128xf32, #tpu.memory_space<vmem>>
          %dma_wait3A_351 = arith.constant 0 : i32
          %dma_wait3A_352 = arith.constant 0 : i32
          %dma_wait3A_353 = tpu.memref_slice %arg6[%dma_wait3A_351, %dma_wait3A_352] : memref<10000x128xf32, #tpu.memory_space<hbm>> -> memref<80x128xf32, #tpu.memory_space<hbm>>
          tpu.wait_dma2 semaphore(%dma_wait3A_346 : memref<!tpu.dma_semaphore, #tpu.memory_space<semaphore_mem>>) src(%dma_wait3A_353 : memref<80x128xf32, #tpu.memory_space<hbm>>) dst(%dma_wait3A_350 : memref<80x128xf32, #tpu.memory_space<vmem>>)
        } else {
        }
        %add3A_285 = arith.constant 1 : i32
        %add3A_286 = arith.addi %scan3A_159, %add3A_285 : i32
        %and3A_287 = arith.constant 1 : i32
        %and3A_288 = arith.andi %add3A_286, %and3A_287 : i32
        %and3A_289 = arith.constant 3 : i32
        %and3A_290 = arith.andi %add3A_286, %and3A_289 : i32
        %mul3A_291 = arith.constant 4800 : i32
        %mul3A_292 = arith.muli %add3A, %mul3A_291 : i32
        %mul3A_293 = arith.constant 80 : i32
        %mul3A_294 = arith.muli %add3A_286, %mul3A_293 : i32
        %add3A_295 = arith.addi %mul3A_292, %mul3A_294 : i32
        %dma_start3A_296 = arith.constant 0 : i32
        %dma_start3A_297 = arith.constant 0 : i32
        %dma_start3A_298 = tpu.memref_slice %arg11[%and3A_288, %dma_start3A_296, %dma_start3A_297] : memref<2x80x128xf32, #tpu.memory_space<vmem>> -> memref<1x80x128xf32, #tpu.memory_space<vmem>>
        %dma_start3A_299 = tpu.memref_squeeze %dma_start3A_298 : memref<1x80x128xf32, #tpu.memory_space<vmem>> -> memref<80x128xf32, #tpu.memory_space<vmem>>
        %dma_start3A_300 = arith.constant 0 : i32
        %dma_start3A_301 = tpu.memref_slice %arg9[%and3A_290, %dma_start3A_300] : memref<4x80xi32, #tpu.memory_space<vmem>> -> memref<1x80xi32, #tpu.memory_space<vmem>>
        %dma_start3A_302 = tpu.memref_squeeze %dma_start3A_301 : memref<1x80xi32, #tpu.memory_space<vmem>> -> memref<80xi32, #tpu.memory_space<vmem>>
        %dma_start3A_303 = arith.constant 0 : i32
        %dma_start3A_304 = arith.constant 0 : i32
        %dma_start3A_305 = tpu.memref_slice %arg2[%dma_start3A_303, %dma_start3A_304] : memref<10000x128xf32, #tpu.memory_space<hbm>> -> memref<10000x128xf32, #tpu.memory_space<hbm>>
        %dma_start3A_306 = tpu.memref_slice %arg15[%and3A_288] : memref<2x!tpu.dma_semaphore, #tpu.memory_space<semaphore_mem>> -> memref<1x!tpu.dma_semaphore, #tpu.memory_space<semaphore_mem>>
        %dma_start3A_307 = tpu.memref_squeeze %dma_start3A_306 : memref<1x!tpu.dma_semaphore, #tpu.memory_space<semaphore_mem>> -> memref<!tpu.dma_semaphore, #tpu.memory_space<semaphore_mem>>
        tpu.enqueue_indirect_dma source(%dma_start3A_305 : memref<10000x128xf32, #tpu.memory_space<hbm>>) target(%dma_start3A_299 : memref<80x128xf32, #tpu.memory_space<vmem>>) offsets(%dma_start3A_302 : memref<80xi32, #tpu.memory_space<vmem>>) semaphore(%dma_start3A_307 : memref<!tpu.dma_semaphore, #tpu.memory_space<semaphore_mem>>)
        %dma_start3A_308 = arith.constant 0 : i32
        %dma_start3A_309 = arith.constant 0 : i32
        %dma_start3A_310 = tpu.memref_slice %arg12[%and3A_288, %dma_start3A_308, %dma_start3A_309] : memref<2x80x64xi32, #tpu.memory_space<vmem>> -> memref<1x80x64xi32, #tpu.memory_space<vmem>>
        %dma_start3A_311 = tpu.memref_squeeze %dma_start3A_310 : memref<1x80x64xi32, #tpu.memory_space<vmem>> -> memref<80x64xi32, #tpu.memory_space<vmem>>
        %dma_start3A_312 = arith.constant 0 : i32
        %dma_start3A_313 = tpu.memref_slice %arg3[%add3A_295, %dma_start3A_312] : memref<153600x64xi32, #tpu.memory_space<hbm>> -> memref<80x64xi32, #tpu.memory_space<hbm>>
        %dma_start3A_314 = tpu.memref_slice %arg16[%and3A_288] : memref<2x!tpu.dma_semaphore, #tpu.memory_space<semaphore_mem>> -> memref<1x!tpu.dma_semaphore, #tpu.memory_space<semaphore_mem>>
        %dma_start3A_315 = tpu.memref_squeeze %dma_start3A_314 : memref<1x!tpu.dma_semaphore, #tpu.memory_space<semaphore_mem>> -> memref<!tpu.dma_semaphore, #tpu.memory_space<semaphore_mem>>
        %dma_start3A_316 = arith.constant 0 : i32
        %dma_start3A_317 = arith.constant 0 : i32
        %dma_start3A_318 = tpu.memref_slice %arg12[%and3A_288, %dma_start3A_316, %dma_start3A_317] : memref<2x80x64xi32, #tpu.memory_space<vmem>> -> memref<1x80x64xi32, #tpu.memory_space<vmem>>
        %dma_start3A_319 = tpu.memref_squeeze %dma_start3A_318 : memref<1x80x64xi32, #tpu.memory_space<vmem>> -> memref<80x64xi32, #tpu.memory_space<vmem>>
        %dma_start3A_320 = arith.constant 0 : i32
        %dma_start3A_321 = tpu.memref_slice %arg3[%add3A_295, %dma_start3A_320] : memref<153600x64xi32, #tpu.memory_space<hbm>> -> memref<80x64xi32, #tpu.memory_space<hbm>>
        tpu.enqueue_dma source(%dma_start3A_321 : memref<80x64xi32, #tpu.memory_space<hbm>>) target(%dma_start3A_319 : memref<80x64xi32, #tpu.memory_space<vmem>>) target_semaphore(%dma_start3A_315 : memref<!tpu.dma_semaphore, #tpu.memory_space<semaphore_mem>>)
      } else {
      }
      %dma_wait3A_177 = arith.constant 0 : i32
      %dma_wait3A_178 = arith.constant 0 : i32
      %dma_wait3A_179 = tpu.memref_slice %arg11[%and3A_161, %dma_wait3A_177, %dma_wait3A_178] : memref<2x80x128xf32, #tpu.memory_space<vmem>> -> memref<1x80x128xf32, #tpu.memory_space<vmem>>
      %dma_wait3A_180 = tpu.memref_squeeze %dma_wait3A_179 : memref<1x80x128xf32, #tpu.memory_space<vmem>> -> memref<80x128xf32, #tpu.memory_space<vmem>>
      %dma_wait3A_181 = arith.constant 0 : i32
      %dma_wait3A_182 = arith.constant 0 : i32
      %dma_wait3A_183 = tpu.memref_slice %arg6[%dma_wait3A_181, %dma_wait3A_182] : memref<10000x128xf32, #tpu.memory_space<hbm>> -> memref<80x128xf32, #tpu.memory_space<hbm>>
      %dma_wait3A_184 = tpu.memref_slice %arg15[%and3A_161] : memref<2x!tpu.dma_semaphore, #tpu.memory_space<semaphore_mem>> -> memref<1x!tpu.dma_semaphore, #tpu.memory_space<semaphore_mem>>
      %dma_wait3A_185 = tpu.memref_squeeze %dma_wait3A_184 : memref<1x!tpu.dma_semaphore, #tpu.memory_space<semaphore_mem>> -> memref<!tpu.dma_semaphore, #tpu.memory_space<semaphore_mem>>
      %dma_wait3A_186 = arith.constant 0 : i32
      %dma_wait3A_187 = arith.constant 0 : i32
      %dma_wait3A_188 = tpu.memref_slice %arg11[%and3A_161, %dma_wait3A_186, %dma_wait3A_187] : memref<2x80x128xf32, #tpu.memory_space<vmem>> -> memref<1x80x128xf32, #tpu.memory_space<vmem>>
      %dma_wait3A_189 = tpu.memref_squeeze %dma_wait3A_188 : memref<1x80x128xf32, #tpu.memory_space<vmem>> -> memref<80x128xf32, #tpu.memory_space<vmem>>
      %dma_wait3A_190 = arith.constant 0 : i32
      %dma_wait3A_191 = arith.constant 0 : i32
      %dma_wait3A_192 = tpu.memref_slice %arg6[%dma_wait3A_190, %dma_wait3A_191] : memref<10000x128xf32, #tpu.memory_space<hbm>> -> memref<80x128xf32, #tpu.memory_space<hbm>>
      tpu.wait_dma2 semaphore(%dma_wait3A_185 : memref<!tpu.dma_semaphore, #tpu.memory_space<semaphore_mem>>) src(%dma_wait3A_192 : memref<80x128xf32, #tpu.memory_space<hbm>>) dst(%dma_wait3A_189 : memref<80x128xf32, #tpu.memory_space<vmem>>)
      %dma_wait3A_193 = arith.constant 0 : i32
      %dma_wait3A_194 = arith.constant 0 : i32
      %dma_wait3A_195 = tpu.memref_slice %arg12[%and3A_161, %dma_wait3A_193, %dma_wait3A_194] : memref<2x80x64xi32, #tpu.memory_space<vmem>> -> memref<1x80x64xi32, #tpu.memory_space<vmem>>
      %dma_wait3A_196 = tpu.memref_squeeze %dma_wait3A_195 : memref<1x80x64xi32, #tpu.memory_space<vmem>> -> memref<80x64xi32, #tpu.memory_space<vmem>>
      %dma_wait3A_197 = arith.constant 0 : i32
      %dma_wait3A_198 = arith.constant 0 : i32
      %dma_wait3A_199 = tpu.memref_slice %arg3[%dma_wait3A_197, %dma_wait3A_198] : memref<153600x64xi32, #tpu.memory_space<hbm>> -> memref<80x64xi32, #tpu.memory_space<hbm>>
      %dma_wait3A_200 = tpu.memref_slice %arg16[%and3A_161] : memref<2x!tpu.dma_semaphore, #tpu.memory_space<semaphore_mem>> -> memref<1x!tpu.dma_semaphore, #tpu.memory_space<semaphore_mem>>
      %dma_wait3A_201 = tpu.memref_squeeze %dma_wait3A_200 : memref<1x!tpu.dma_semaphore, #tpu.memory_space<semaphore_mem>> -> memref<!tpu.dma_semaphore, #tpu.memory_space<semaphore_mem>>
      %dma_wait3A_202 = arith.constant 0 : i32
      %dma_wait3A_203 = arith.constant 0 : i32
      %dma_wait3A_204 = tpu.memref_slice %arg12[%and3A_161, %dma_wait3A_202, %dma_wait3A_203] : memref<2x80x64xi32, #tpu.memory_space<vmem>> -> memref<1x80x64xi32, #tpu.memory_space<vmem>>
      %dma_wait3A_205 = tpu.memref_squeeze %dma_wait3A_204 : memref<1x80x64xi32, #tpu.memory_space<vmem>> -> memref<80x64xi32, #tpu.memory_space<vmem>>
      %dma_wait3A_206 = arith.constant 0 : i32
      %dma_wait3A_207 = arith.constant 0 : i32
      %dma_wait3A_208 = tpu.memref_slice %arg3[%dma_wait3A_206, %dma_wait3A_207] : memref<153600x64xi32, #tpu.memory_space<hbm>> -> memref<80x64xi32, #tpu.memory_space<hbm>>
      tpu.wait_dma2 semaphore(%dma_wait3A_201 : memref<!tpu.dma_semaphore, #tpu.memory_space<semaphore_mem>>) src(%dma_wait3A_208 : memref<80x64xi32, #tpu.memory_space<hbm>>) dst(%dma_wait3A_205 : memref<80x64xi32, #tpu.memory_space<vmem>>)
      %scan3A_209 = arith.constant 0 : i32
      %scan3A_210 = arith.constant 0 : i32
      %scan3A_211 = arith.constant 80 : i32
      %scan3A_212 = arith.addi %scan3A_210, %scan3A_211 : i32
      %scan3A_213 = arith.constant 2 : i32
      scf.for %scan3A_251 = %scan3A_210 to %scan3A_212 step %scan3A_213  : i32 {
        %get3A = arith.index_cast %and3A_161 : i32 to index
        %get3A_252 = arith.index_cast %scan3A_251 : i32 to index
        %get3A_253 = arith.constant 0 : index
        %get3A_254 = tpu.vector_load %arg12[%get3A, %get3A_252, %get3A_253] {strides = array<i32>} : memref<2x80x64xi32, #tpu.memory_space<vmem>>, vector<1x1x16xi32>,
        %get3A_255 = vector.shape_cast %get3A_254 : vector<1x1x16xi32> to vector<16xi32>
        %shift_left3A = arith.constant 16 : i32
        %shift_left3A_256 = vector.broadcast %shift_left3A : i32 to vector<16xi32>
        %shift_left3A_257 = arith.shli %get3A_255, %shift_left3A_256 : vector<16xi32>
        %bitcast_convert_type3A = tpu.bitcast %shift_left3A_257 : vector<16xi32> -> vector<16xf32>
        %and3A_258 = arith.constant -65536 : i32
        %and3A_259 = vector.broadcast %and3A_258 : i32 to vector<16xi32>
        %and3A_260 = arith.andi %get3A_255, %and3A_259 : vector<16xi32>
        %bitcast_convert_type3A_261 = tpu.bitcast %and3A_260 : vector<16xi32> -> vector<16xf32>
        %get3A_262 = arith.index_cast %and3A_161 : i32 to index
        %get3A_263 = arith.index_cast %scan3A_251 : i32 to index
        %get3A_264 = arith.constant 0 : index
        %get3A_265 = tpu.vector_load %arg11[%get3A_262, %get3A_263, %get3A_264] {strides = array<i32>} : memref<2x80x128xf32, #tpu.memory_space<vmem>>, vector<1x1x16xf32>,
        %get3A_266 = vector.shape_cast %get3A_265 : vector<1x1x16xf32> to vector<16xf32>
        %add3A_267 = arith.addf %get3A_266, %bitcast_convert_type3A : vector<16xf32>
        %max3A = arith.constant 0.000000e+00 : f32
        %max3A_268 = vector.broadcast %max3A : f32 to vector<16xf32>
        %max3A_269 = arith.maximumf %add3A_267, %max3A_268 : vector<16xf32>
        %swap3A = arith.index_cast %and3A_161 : i32 to index
        %swap3A_270 = arith.index_cast %scan3A_251 : i32 to index
        %swap3A_271 = arith.constant 0 : index
        %swap3A_272 = tpu.vector_load %arg11[%swap3A, %swap3A_270, %swap3A_271] {strides = array<i32>} : memref<2x80x128xf32, #tpu.memory_space<vmem>>, vector<1x1x16xf32>,
        %swap3A_273 = vector.shape_cast %swap3A_272 : vector<1x1x16xf32> to vector<16xf32>
        %swap3A_274 = vector.shape_cast %max3A_269 : vector<16xf32> to vector<1x1x16xf32>
        tpu.vector_store %arg11[%swap3A, %swap3A_270, %swap3A_271], %swap3A_274 {strides = array<i32>} : memref<2x80x128xf32, #tpu.memory_space<vmem>>, vector<1x1x16xf32>,
        %get3A_275 = arith.index_cast %and3A_161 : i32 to index
        %get3A_276 = arith.index_cast %scan3A_251 : i32 to index
        %get3A_277 = arith.constant 64 : index
        %get3A_278 = tpu.vector_load %arg11[%get3A_275, %get3A_276, %get3A_277] {strides = array<i32>} : memref<2x80x128xf32, #tpu.memory_space<vmem>>, vector<1x1x16xf32>,
        %get3A_279 = vector.shape_cast %get3A_278 : vector<1x1x16xf32> to vector<16xf32>
        %add3A_280 = arith.addf %get3A_279, %bitcast_convert_type3A_261 : vector<16xf32>
        %max3A_281 = arith.constant 0.000000e+00 : f32
        %max3A_282 = vector.broadcast %max3A_281 : f32 to vector<16xf32>
        %max3A_283 = arith.maximumf %add3A_280, %max3A_282 : vector<16xf32>
        %swap3A_284 = arith.index_cast %and3A_161 : i32 to index
        %swap3A_285 = arith.index_cast %scan3A_251 : i32 to index
        %swap3A_286 = arith.constant 64 : index
        %swap3A_287 = tpu.vector_load %arg11[%swap3A_284, %swap3A_285, %swap3A_286] {strides = array<i32>} : memref<2x80x128xf32, #tpu.memory_space<vmem>>, vector<1x1x16xf32>,
        %swap3A_288 = vector.shape_cast %swap3A_287 : vector<1x1x16xf32> to vector<16xf32>
        %swap3A_289 = vector.shape_cast %max3A_283 : vector<16xf32> to vector<1x1x16xf32>
        tpu.vector_store %arg11[%swap3A_284, %swap3A_285, %swap3A_286], %swap3A_289 {strides = array<i32>} : memref<2x80x128xf32, #tpu.memory_space<vmem>>, vector<1x1x16xf32>,
        %get3A_290 = arith.index_cast %and3A_161 : i32 to index
        %get3A_291 = arith.index_cast %scan3A_251 : i32 to index
        %get3A_292 = arith.constant 16 : index
        %get3A_293 = tpu.vector_load %arg12[%get3A_290, %get3A_291, %get3A_292] {strides = array<i32>} : memref<2x80x64xi32, #tpu.memory_space<vmem>>, vector<1x1x16xi32>,
        %get3A_294 = vector.shape_cast %get3A_293 : vector<1x1x16xi32> to vector<16xi32>
        %shift_left3A_295 = arith.constant 16 : i32
        %shift_left3A_296 = vector.broadcast %shift_left3A_295 : i32 to vector<16xi32>
        %shift_left3A_297 = arith.shli %get3A_294, %shift_left3A_296 : vector<16xi32>
        %bitcast_convert_type3A_298 = tpu.bitcast %shift_left3A_297 : vector<16xi32> -> vector<16xf32>
        %and3A_299 = arith.constant -65536 : i32
        %and3A_300 = vector.broadcast %and3A_299 : i32 to vector<16xi32>
        %and3A_301 = arith.andi %get3A_294, %and3A_300 : vector<16xi32>
        %bitcast_convert_type3A_302 = tpu.bitcast %and3A_301 : vector<16xi32> -> vector<16xf32>
        %get3A_303 = arith.index_cast %and3A_161 : i32 to index
        %get3A_304 = arith.index_cast %scan3A_251 : i32 to index
        %get3A_305 = arith.constant 16 : index
        %get3A_306 = tpu.vector_load %arg11[%get3A_303, %get3A_304, %get3A_305] {strides = array<i32>} : memref<2x80x128xf32, #tpu.memory_space<vmem>>, vector<1x1x16xf32>,
        %get3A_307 = vector.shape_cast %get3A_306 : vector<1x1x16xf32> to vector<16xf32>
        %add3A_308 = arith.addf %get3A_307, %bitcast_convert_type3A_298 : vector<16xf32>
        %max3A_309 = arith.constant 0.000000e+00 : f32
        %max3A_310 = vector.broadcast %max3A_309 : f32 to vector<16xf32>
        %max3A_311 = arith.maximumf %add3A_308, %max3A_310 : vector<16xf32>
        %swap3A_312 = arith.index_cast %and3A_161 : i32 to index
        %swap3A_313 = arith.index_cast %scan3A_251 : i32 to index
        %swap3A_314 = arith.constant 16 : index
        %swap3A_315 = tpu.vector_load %arg11[%swap3A_312, %swap3A_313, %swap3A_314] {strides = array<i32>} : memref<2x80x128xf32, #tpu.memory_space<vmem>>, vector<1x1x16xf32>,
        %swap3A_316 = vector.shape_cast %swap3A_315 : vector<1x1x16xf32> to vector<16xf32>
        %swap3A_317 = vector.shape_cast %max3A_311 : vector<16xf32> to vector<1x1x16xf32>
        tpu.vector_store %arg11[%swap3A_312, %swap3A_313, %swap3A_314], %swap3A_317 {strides = array<i32>} : memref<2x80x128xf32, #tpu.memory_space<vmem>>, vector<1x1x16xf32>,
        %get3A_318 = arith.index_cast %and3A_161 : i32 to index
        %get3A_319 = arith.index_cast %scan3A_251 : i32 to index
        %get3A_320 = arith.constant 80 : index
        %get3A_321 = tpu.vector_load %arg11[%get3A_318, %get3A_319, %get3A_320] {strides = array<i32>} : memref<2x80x128xf32, #tpu.memory_space<vmem>>, vector<1x1x16xf32>,
        %get3A_322 = vector.shape_cast %get3A_321 : vector<1x1x16xf32> to vector<16xf32>
        %add3A_323 = arith.addf %get3A_322, %bitcast_convert_type3A_302 : vector<16xf32>
        %max3A_324 = arith.constant 0.000000e+00 : f32
        %max3A_325 = vector.broadcast %max3A_324 : f32 to vector<16xf32>
        %max3A_326 = arith.maximumf %add3A_323, %max3A_325 : vector<16xf32>
        %swap3A_327 = arith.index_cast %and3A_161 : i32 to index
        %swap3A_328 = arith.index_cast %scan3A_251 : i32 to index
        %swap3A_329 = arith.constant 80 : index
        %swap3A_330 = tpu.vector_load %arg11[%swap3A_327, %swap3A_328, %swap3A_329] {strides = array<i32>} : memref<2x80x128xf32, #tpu.memory_space<vmem>>, vector<1x1x16xf32>,
        %swap3A_331 = vector.shape_cast %swap3A_330 : vector<1x1x16xf32> to vector<16xf32>
        %swap3A_332 = vector.shape_cast %max3A_326 : vector<16xf32> to vector<1x1x16xf32>
        tpu.vector_store %arg11[%swap3A_327, %swap3A_328, %swap3A_329], %swap3A_332 {strides = array<i32>} : memref<2x80x128xf32, #tpu.memory_space<vmem>>, vector<1x1x16xf32>,
        %get3A_333 = arith.index_cast %and3A_161 : i32 to index
        %get3A_334 = arith.index_cast %scan3A_251 : i32 to index
        %get3A_335 = arith.constant 32 : index
        %get3A_336 = tpu.vector_load %arg12[%get3A_333, %get3A_334, %get3A_335] {strides = array<i32>} : memref<2x80x64xi32, #tpu.memory_space<vmem>>, vector<1x1x16xi32>,
        %get3A_337 = vector.shape_cast %get3A_336 : vector<1x1x16xi32> to vector<16xi32>
        %shift_left3A_338 = arith.constant 16 : i32
        %shift_left3A_339 = vector.broadcast %shift_left3A_338 : i32 to vector<16xi32>
        %shift_left3A_340 = arith.shli %get3A_337, %shift_left3A_339 : vector<16xi32>
        %bitcast_convert_type3A_341 = tpu.bitcast %shift_left3A_340 : vector<16xi32> -> vector<16xf32>
        %and3A_342 = arith.constant -65536 : i32
        %and3A_343 = vector.broadcast %and3A_342 : i32 to vector<16xi32>
        %and3A_344 = arith.andi %get3A_337, %and3A_343 : vector<16xi32>
        %bitcast_convert_type3A_345 = tpu.bitcast %and3A_344 : vector<16xi32> -> vector<16xf32>
        %get3A_346 = arith.index_cast %and3A_161 : i32 to index
        %get3A_347 = arith.index_cast %scan3A_251 : i32 to index
        %get3A_348 = arith.constant 32 : index
        %get3A_349 = tpu.vector_load %arg11[%get3A_346, %get3A_347, %get3A_348] {strides = array<i32>} : memref<2x80x128xf32, #tpu.memory_space<vmem>>, vector<1x1x16xf32>,
        %get3A_350 = vector.shape_cast %get3A_349 : vector<1x1x16xf32> to vector<16xf32>
        %add3A_351 = arith.addf %get3A_350, %bitcast_convert_type3A_341 : vector<16xf32>
        %max3A_352 = arith.constant 0.000000e+00 : f32
        %max3A_353 = vector.broadcast %max3A_352 : f32 to vector<16xf32>
        %max3A_354 = arith.maximumf %add3A_351, %max3A_353 : vector<16xf32>
        %swap3A_355 = arith.index_cast %and3A_161 : i32 to index
        %swap3A_356 = arith.index_cast %scan3A_251 : i32 to index
        %swap3A_357 = arith.constant 32 : index
        %swap3A_358 = tpu.vector_load %arg11[%swap3A_355, %swap3A_356, %swap3A_357] {strides = array<i32>} : memref<2x80x128xf32, #tpu.memory_space<vmem>>, vector<1x1x16xf32>,
        %swap3A_359 = vector.shape_cast %swap3A_358 : vector<1x1x16xf32> to vector<16xf32>
        %swap3A_360 = vector.shape_cast %max3A_354 : vector<16xf32> to vector<1x1x16xf32>
        tpu.vector_store %arg11[%swap3A_355, %swap3A_356, %swap3A_357], %swap3A_360 {strides = array<i32>} : memref<2x80x128xf32, #tpu.memory_space<vmem>>, vector<1x1x16xf32>,
        %get3A_361 = arith.index_cast %and3A_161 : i32 to index
        %get3A_362 = arith.index_cast %scan3A_251 : i32 to index
        %get3A_363 = arith.constant 96 : index
        %get3A_364 = tpu.vector_load %arg11[%get3A_361, %get3A_362, %get3A_363] {strides = array<i32>} : memref<2x80x128xf32, #tpu.memory_space<vmem>>, vector<1x1x16xf32>,
        %get3A_365 = vector.shape_cast %get3A_364 : vector<1x1x16xf32> to vector<16xf32>
        %add3A_366 = arith.addf %get3A_365, %bitcast_convert_type3A_345 : vector<16xf32>
        %max3A_367 = arith.constant 0.000000e+00 : f32
        %max3A_368 = vector.broadcast %max3A_367 : f32 to vector<16xf32>
        %max3A_369 = arith.maximumf %add3A_366, %max3A_368 : vector<16xf32>
        %swap3A_370 = arith.index_cast %and3A_161 : i32 to index
        %swap3A_371 = arith.index_cast %scan3A_251 : i32 to index
        %swap3A_372 = arith.constant 96 : index
        %swap3A_373 = tpu.vector_load %arg11[%swap3A_370, %swap3A_371, %swap3A_372] {strides = array<i32>} : memref<2x80x128xf32, #tpu.memory_space<vmem>>, vector<1x1x16xf32>,
        %swap3A_374 = vector.shape_cast %swap3A_373 : vector<1x1x16xf32> to vector<16xf32>
        %swap3A_375 = vector.shape_cast %max3A_369 : vector<16xf32> to vector<1x1x16xf32>
        tpu.vector_store %arg11[%swap3A_370, %swap3A_371, %swap3A_372], %swap3A_375 {strides = array<i32>} : memref<2x80x128xf32, #tpu.memory_space<vmem>>, vector<1x1x16xf32>,
        %get3A_376 = arith.index_cast %and3A_161 : i32 to index
        %get3A_377 = arith.index_cast %scan3A_251 : i32 to index
        %get3A_378 = arith.constant 48 : index
        %get3A_379 = tpu.vector_load %arg12[%get3A_376, %get3A_377, %get3A_378] {strides = array<i32>} : memref<2x80x64xi32, #tpu.memory_space<vmem>>, vector<1x1x16xi32>,
        %get3A_380 = vector.shape_cast %get3A_379 : vector<1x1x16xi32> to vector<16xi32>
        %shift_left3A_381 = arith.constant 16 : i32
        %shift_left3A_382 = vector.broadcast %shift_left3A_381 : i32 to vector<16xi32>
        %shift_left3A_383 = arith.shli %get3A_380, %shift_left3A_382 : vector<16xi32>
        %bitcast_convert_type3A_384 = tpu.bitcast %shift_left3A_383 : vector<16xi32> -> vector<16xf32>
        %and3A_385 = arith.constant -65536 : i32
        %and3A_386 = vector.broadcast %and3A_385 : i32 to vector<16xi32>
        %and3A_387 = arith.andi %get3A_380, %and3A_386 : vector<16xi32>
        %bitcast_convert_type3A_388 = tpu.bitcast %and3A_387 : vector<16xi32> -> vector<16xf32>
        %get3A_389 = arith.index_cast %and3A_161 : i32 to index
        %get3A_390 = arith.index_cast %scan3A_251 : i32 to index
        %get3A_391 = arith.constant 48 : index
        %get3A_392 = tpu.vector_load %arg11[%get3A_389, %get3A_390, %get3A_391] {strides = array<i32>} : memref<2x80x128xf32, #tpu.memory_space<vmem>>, vector<1x1x16xf32>,
        %get3A_393 = vector.shape_cast %get3A_392 : vector<1x1x16xf32> to vector<16xf32>
        %add3A_394 = arith.addf %get3A_393, %bitcast_convert_type3A_384 : vector<16xf32>
        %max3A_395 = arith.constant 0.000000e+00 : f32
        %max3A_396 = vector.broadcast %max3A_395 : f32 to vector<16xf32>
        %max3A_397 = arith.maximumf %add3A_394, %max3A_396 : vector<16xf32>
        %swap3A_398 = arith.index_cast %and3A_161 : i32 to index
        %swap3A_399 = arith.index_cast %scan3A_251 : i32 to index
        %swap3A_400 = arith.constant 48 : index
        %swap3A_401 = tpu.vector_load %arg11[%swap3A_398, %swap3A_399, %swap3A_400] {strides = array<i32>} : memref<2x80x128xf32, #tpu.memory_space<vmem>>, vector<1x1x16xf32>,
        %swap3A_402 = vector.shape_cast %swap3A_401 : vector<1x1x16xf32> to vector<16xf32>
        %swap3A_403 = vector.shape_cast %max3A_397 : vector<16xf32> to vector<1x1x16xf32>
        tpu.vector_store %arg11[%swap3A_398, %swap3A_399, %swap3A_400], %swap3A_403 {strides = array<i32>} : memref<2x80x128xf32, #tpu.memory_space<vmem>>, vector<1x1x16xf32>,
        %get3A_404 = arith.index_cast %and3A_161 : i32 to index
        %get3A_405 = arith.index_cast %scan3A_251 : i32 to index
        %get3A_406 = arith.constant 112 : index
        %get3A_407 = tpu.vector_load %arg11[%get3A_404, %get3A_405, %get3A_406] {strides = array<i32>} : memref<2x80x128xf32, #tpu.memory_space<vmem>>, vector<1x1x16xf32>,
        %get3A_408 = vector.shape_cast %get3A_407 : vector<1x1x16xf32> to vector<16xf32>
        %add3A_409 = arith.addf %get3A_408, %bitcast_convert_type3A_388 : vector<16xf32>
        %max3A_410 = arith.constant 0.000000e+00 : f32
        %max3A_411 = vector.broadcast %max3A_410 : f32 to vector<16xf32>
        %max3A_412 = arith.maximumf %add3A_409, %max3A_411 : vector<16xf32>
        %swap3A_413 = arith.index_cast %and3A_161 : i32 to index
        %swap3A_414 = arith.index_cast %scan3A_251 : i32 to index
        %swap3A_415 = arith.constant 112 : index
        %swap3A_416 = tpu.vector_load %arg11[%swap3A_413, %swap3A_414, %swap3A_415] {strides = array<i32>} : memref<2x80x128xf32, #tpu.memory_space<vmem>>, vector<1x1x16xf32>,
        %swap3A_417 = vector.shape_cast %swap3A_416 : vector<1x1x16xf32> to vector<16xf32>
        %swap3A_418 = vector.shape_cast %max3A_412 : vector<16xf32> to vector<1x1x16xf32>
        tpu.vector_store %arg11[%swap3A_413, %swap3A_414, %swap3A_415], %swap3A_418 {strides = array<i32>} : memref<2x80x128xf32, #tpu.memory_space<vmem>>, vector<1x1x16xf32>,
        %scan3A_419 = arith.constant 1 : i32
        %scan3A_420 = arith.addi %scan3A_251, %scan3A_419 : i32
        %get3A_421 = arith.index_cast %and3A_161 : i32 to index
        %get3A_422 = arith.index_cast %scan3A_420 : i32 to index
        %get3A_423 = arith.constant 0 : index
        %get3A_424 = tpu.vector_load %arg12[%get3A_421, %get3A_422, %get3A_423] {strides = array<i32>} : memref<2x80x64xi32, #tpu.memory_space<vmem>>, vector<1x1x16xi32>,
        %get3A_425 = vector.shape_cast %get3A_424 : vector<1x1x16xi32> to vector<16xi32>
        %shift_left3A_426 = arith.constant 16 : i32
        %shift_left3A_427 = vector.broadcast %shift_left3A_426 : i32 to vector<16xi32>
        %shift_left3A_428 = arith.shli %get3A_425, %shift_left3A_427 : vector<16xi32>
        %bitcast_convert_type3A_429 = tpu.bitcast %shift_left3A_428 : vector<16xi32> -> vector<16xf32>
        %and3A_430 = arith.constant -65536 : i32
        %and3A_431 = vector.broadcast %and3A_430 : i32 to vector<16xi32>
        %and3A_432 = arith.andi %get3A_425, %and3A_431 : vector<16xi32>
        %bitcast_convert_type3A_433 = tpu.bitcast %and3A_432 : vector<16xi32> -> vector<16xf32>
        %get3A_434 = arith.index_cast %and3A_161 : i32 to index
        %get3A_435 = arith.index_cast %scan3A_420 : i32 to index
        %get3A_436 = arith.constant 0 : index
        %get3A_437 = tpu.vector_load %arg11[%get3A_434, %get3A_435, %get3A_436] {strides = array<i32>} : memref<2x80x128xf32, #tpu.memory_space<vmem>>, vector<1x1x16xf32>,
        %get3A_438 = vector.shape_cast %get3A_437 : vector<1x1x16xf32> to vector<16xf32>
        %add3A_439 = arith.addf %get3A_438, %bitcast_convert_type3A_429 : vector<16xf32>
        %max3A_440 = arith.constant 0.000000e+00 : f32
        %max3A_441 = vector.broadcast %max3A_440 : f32 to vector<16xf32>
        %max3A_442 = arith.maximumf %add3A_439, %max3A_441 : vector<16xf32>
        %swap3A_443 = arith.index_cast %and3A_161 : i32 to index
        %swap3A_444 = arith.index_cast %scan3A_420 : i32 to index
        %swap3A_445 = arith.constant 0 : index
        %swap3A_446 = tpu.vector_load %arg11[%swap3A_443, %swap3A_444, %swap3A_445] {strides = array<i32>} : memref<2x80x128xf32, #tpu.memory_space<vmem>>, vector<1x1x16xf32>,
        %swap3A_447 = vector.shape_cast %swap3A_446 : vector<1x1x16xf32> to vector<16xf32>
        %swap3A_448 = vector.shape_cast %max3A_442 : vector<16xf32> to vector<1x1x16xf32>
        tpu.vector_store %arg11[%swap3A_443, %swap3A_444, %swap3A_445], %swap3A_448 {strides = array<i32>} : memref<2x80x128xf32, #tpu.memory_space<vmem>>, vector<1x1x16xf32>,
        %get3A_449 = arith.index_cast %and3A_161 : i32 to index
        %get3A_450 = arith.index_cast %scan3A_420 : i32 to index
        %get3A_451 = arith.constant 64 : index
        %get3A_452 = tpu.vector_load %arg11[%get3A_449, %get3A_450, %get3A_451] {strides = array<i32>} : memref<2x80x128xf32, #tpu.memory_space<vmem>>, vector<1x1x16xf32>,
        %get3A_453 = vector.shape_cast %get3A_452 : vector<1x1x16xf32> to vector<16xf32>
        %add3A_454 = arith.addf %get3A_453, %bitcast_convert_type3A_433 : vector<16xf32>
        %max3A_455 = arith.constant 0.000000e+00 : f32
        %max3A_456 = vector.broadcast %max3A_455 : f32 to vector<16xf32>
        %max3A_457 = arith.maximumf %add3A_454, %max3A_456 : vector<16xf32>
        %swap3A_458 = arith.index_cast %and3A_161 : i32 to index
        %swap3A_459 = arith.index_cast %scan3A_420 : i32 to index
        %swap3A_460 = arith.constant 64 : index
        %swap3A_461 = tpu.vector_load %arg11[%swap3A_458, %swap3A_459, %swap3A_460] {strides = array<i32>} : memref<2x80x128xf32, #tpu.memory_space<vmem>>, vector<1x1x16xf32>,
        %swap3A_462 = vector.shape_cast %swap3A_461 : vector<1x1x16xf32> to vector<16xf32>
        %swap3A_463 = vector.shape_cast %max3A_457 : vector<16xf32> to vector<1x1x16xf32>
        tpu.vector_store %arg11[%swap3A_458, %swap3A_459, %swap3A_460], %swap3A_463 {strides = array<i32>} : memref<2x80x128xf32, #tpu.memory_space<vmem>>, vector<1x1x16xf32>,
        %get3A_464 = arith.index_cast %and3A_161 : i32 to index
        %get3A_465 = arith.index_cast %scan3A_420 : i32 to index
        %get3A_466 = arith.constant 16 : index
        %get3A_467 = tpu.vector_load %arg12[%get3A_464, %get3A_465, %get3A_466] {strides = array<i32>} : memref<2x80x64xi32, #tpu.memory_space<vmem>>, vector<1x1x16xi32>,
        %get3A_468 = vector.shape_cast %get3A_467 : vector<1x1x16xi32> to vector<16xi32>
        %shift_left3A_469 = arith.constant 16 : i32
        %shift_left3A_470 = vector.broadcast %shift_left3A_469 : i32 to vector<16xi32>
        %shift_left3A_471 = arith.shli %get3A_468, %shift_left3A_470 : vector<16xi32>
        %bitcast_convert_type3A_472 = tpu.bitcast %shift_left3A_471 : vector<16xi32> -> vector<16xf32>
        %and3A_473 = arith.constant -65536 : i32
        %and3A_474 = vector.broadcast %and3A_473 : i32 to vector<16xi32>
        %and3A_475 = arith.andi %get3A_468, %and3A_474 : vector<16xi32>
        %bitcast_convert_type3A_476 = tpu.bitcast %and3A_475 : vector<16xi32> -> vector<16xf32>
        %get3A_477 = arith.index_cast %and3A_161 : i32 to index
        %get3A_478 = arith.index_cast %scan3A_420 : i32 to index
        %get3A_479 = arith.constant 16 : index
        %get3A_480 = tpu.vector_load %arg11[%get3A_477, %get3A_478, %get3A_479] {strides = array<i32>} : memref<2x80x128xf32, #tpu.memory_space<vmem>>, vector<1x1x16xf32>,
        %get3A_481 = vector.shape_cast %get3A_480 : vector<1x1x16xf32> to vector<16xf32>
        %add3A_482 = arith.addf %get3A_481, %bitcast_convert_type3A_472 : vector<16xf32>
        %max3A_483 = arith.constant 0.000000e+00 : f32
        %max3A_484 = vector.broadcast %max3A_483 : f32 to vector<16xf32>
        %max3A_485 = arith.maximumf %add3A_482, %max3A_484 : vector<16xf32>
        %swap3A_486 = arith.index_cast %and3A_161 : i32 to index
        %swap3A_487 = arith.index_cast %scan3A_420 : i32 to index
        %swap3A_488 = arith.constant 16 : index
        %swap3A_489 = tpu.vector_load %arg11[%swap3A_486, %swap3A_487, %swap3A_488] {strides = array<i32>} : memref<2x80x128xf32, #tpu.memory_space<vmem>>, vector<1x1x16xf32>,
        %swap3A_490 = vector.shape_cast %swap3A_489 : vector<1x1x16xf32> to vector<16xf32>
        %swap3A_491 = vector.shape_cast %max3A_485 : vector<16xf32> to vector<1x1x16xf32>
        tpu.vector_store %arg11[%swap3A_486, %swap3A_487, %swap3A_488], %swap3A_491 {strides = array<i32>} : memref<2x80x128xf32, #tpu.memory_space<vmem>>, vector<1x1x16xf32>,
        %get3A_492 = arith.index_cast %and3A_161 : i32 to index
        %get3A_493 = arith.index_cast %scan3A_420 : i32 to index
        %get3A_494 = arith.constant 80 : index
        %get3A_495 = tpu.vector_load %arg11[%get3A_492, %get3A_493, %get3A_494] {strides = array<i32>} : memref<2x80x128xf32, #tpu.memory_space<vmem>>, vector<1x1x16xf32>,
        %get3A_496 = vector.shape_cast %get3A_495 : vector<1x1x16xf32> to vector<16xf32>
        %add3A_497 = arith.addf %get3A_496, %bitcast_convert_type3A_476 : vector<16xf32>
        %max3A_498 = arith.constant 0.000000e+00 : f32
        %max3A_499 = vector.broadcast %max3A_498 : f32 to vector<16xf32>
        %max3A_500 = arith.maximumf %add3A_497, %max3A_499 : vector<16xf32>
        %swap3A_501 = arith.index_cast %and3A_161 : i32 to index
        %swap3A_502 = arith.index_cast %scan3A_420 : i32 to index
        %swap3A_503 = arith.constant 80 : index
        %swap3A_504 = tpu.vector_load %arg11[%swap3A_501, %swap3A_502, %swap3A_503] {strides = array<i32>} : memref<2x80x128xf32, #tpu.memory_space<vmem>>, vector<1x1x16xf32>,
        %swap3A_505 = vector.shape_cast %swap3A_504 : vector<1x1x16xf32> to vector<16xf32>
        %swap3A_506 = vector.shape_cast %max3A_500 : vector<16xf32> to vector<1x1x16xf32>
        tpu.vector_store %arg11[%swap3A_501, %swap3A_502, %swap3A_503], %swap3A_506 {strides = array<i32>} : memref<2x80x128xf32, #tpu.memory_space<vmem>>, vector<1x1x16xf32>,
        %get3A_507 = arith.index_cast %and3A_161 : i32 to index
        %get3A_508 = arith.index_cast %scan3A_420 : i32 to index
        %get3A_509 = arith.constant 32 : index
        %get3A_510 = tpu.vector_load %arg12[%get3A_507, %get3A_508, %get3A_509] {strides = array<i32>} : memref<2x80x64xi32, #tpu.memory_space<vmem>>, vector<1x1x16xi32>,
        %get3A_511 = vector.shape_cast %get3A_510 : vector<1x1x16xi32> to vector<16xi32>
        %shift_left3A_512 = arith.constant 16 : i32
        %shift_left3A_513 = vector.broadcast %shift_left3A_512 : i32 to vector<16xi32>
        %shift_left3A_514 = arith.shli %get3A_511, %shift_left3A_513 : vector<16xi32>
        %bitcast_convert_type3A_515 = tpu.bitcast %shift_left3A_514 : vector<16xi32> -> vector<16xf32>
        %and3A_516 = arith.constant -65536 : i32
        %and3A_517 = vector.broadcast %and3A_516 : i32 to vector<16xi32>
        %and3A_518 = arith.andi %get3A_511, %and3A_517 : vector<16xi32>
        %bitcast_convert_type3A_519 = tpu.bitcast %and3A_518 : vector<16xi32> -> vector<16xf32>
        %get3A_520 = arith.index_cast %and3A_161 : i32 to index
        %get3A_521 = arith.index_cast %scan3A_420 : i32 to index
        %get3A_522 = arith.constant 32 : index
        %get3A_523 = tpu.vector_load %arg11[%get3A_520, %get3A_521, %get3A_522] {strides = array<i32>} : memref<2x80x128xf32, #tpu.memory_space<vmem>>, vector<1x1x16xf32>,
        %get3A_524 = vector.shape_cast %get3A_523 : vector<1x1x16xf32> to vector<16xf32>
        %add3A_525 = arith.addf %get3A_524, %bitcast_convert_type3A_515 : vector<16xf32>
        %max3A_526 = arith.constant 0.000000e+00 : f32
        %max3A_527 = vector.broadcast %max3A_526 : f32 to vector<16xf32>
        %max3A_528 = arith.maximumf %add3A_525, %max3A_527 : vector<16xf32>
        %swap3A_529 = arith.index_cast %and3A_161 : i32 to index
        %swap3A_530 = arith.index_cast %scan3A_420 : i32 to index
        %swap3A_531 = arith.constant 32 : index
        %swap3A_532 = tpu.vector_load %arg11[%swap3A_529, %swap3A_530, %swap3A_531] {strides = array<i32>} : memref<2x80x128xf32, #tpu.memory_space<vmem>>, vector<1x1x16xf32>,
        %swap3A_533 = vector.shape_cast %swap3A_532 : vector<1x1x16xf32> to vector<16xf32>
        %swap3A_534 = vector.shape_cast %max3A_528 : vector<16xf32> to vector<1x1x16xf32>
        tpu.vector_store %arg11[%swap3A_529, %swap3A_530, %swap3A_531], %swap3A_534 {strides = array<i32>} : memref<2x80x128xf32, #tpu.memory_space<vmem>>, vector<1x1x16xf32>,
        %get3A_535 = arith.index_cast %and3A_161 : i32 to index
        %get3A_536 = arith.index_cast %scan3A_420 : i32 to index
        %get3A_537 = arith.constant 96 : index
        %get3A_538 = tpu.vector_load %arg11[%get3A_535, %get3A_536, %get3A_537] {strides = array<i32>} : memref<2x80x128xf32, #tpu.memory_space<vmem>>, vector<1x1x16xf32>,
        %get3A_539 = vector.shape_cast %get3A_538 : vector<1x1x16xf32> to vector<16xf32>
        %add3A_540 = arith.addf %get3A_539, %bitcast_convert_type3A_519 : vector<16xf32>
        %max3A_541 = arith.constant 0.000000e+00 : f32
        %max3A_542 = vector.broadcast %max3A_541 : f32 to vector<16xf32>
        %max3A_543 = arith.maximumf %add3A_540, %max3A_542 : vector<16xf32>
        %swap3A_544 = arith.index_cast %and3A_161 : i32 to index
        %swap3A_545 = arith.index_cast %scan3A_420 : i32 to index
        %swap3A_546 = arith.constant 96 : index
        %swap3A_547 = tpu.vector_load %arg11[%swap3A_544, %swap3A_545, %swap3A_546] {strides = array<i32>} : memref<2x80x128xf32, #tpu.memory_space<vmem>>, vector<1x1x16xf32>,
        %swap3A_548 = vector.shape_cast %swap3A_547 : vector<1x1x16xf32> to vector<16xf32>
        %swap3A_549 = vector.shape_cast %max3A_543 : vector<16xf32> to vector<1x1x16xf32>
        tpu.vector_store %arg11[%swap3A_544, %swap3A_545, %swap3A_546], %swap3A_549 {strides = array<i32>} : memref<2x80x128xf32, #tpu.memory_space<vmem>>, vector<1x1x16xf32>,
        %get3A_550 = arith.index_cast %and3A_161 : i32 to index
        %get3A_551 = arith.index_cast %scan3A_420 : i32 to index
        %get3A_552 = arith.constant 48 : index
        %get3A_553 = tpu.vector_load %arg12[%get3A_550, %get3A_551, %get3A_552] {strides = array<i32>} : memref<2x80x64xi32, #tpu.memory_space<vmem>>, vector<1x1x16xi32>,
        %get3A_554 = vector.shape_cast %get3A_553 : vector<1x1x16xi32> to vector<16xi32>
        %shift_left3A_555 = arith.constant 16 : i32
        %shift_left3A_556 = vector.broadcast %shift_left3A_555 : i32 to vector<16xi32>
        %shift_left3A_557 = arith.shli %get3A_554, %shift_left3A_556 : vector<16xi32>
        %bitcast_convert_type3A_558 = tpu.bitcast %shift_left3A_557 : vector<16xi32> -> vector<16xf32>
        %and3A_559 = arith.constant -65536 : i32
        %and3A_560 = vector.broadcast %and3A_559 : i32 to vector<16xi32>
        %and3A_561 = arith.andi %get3A_554, %and3A_560 : vector<16xi32>
        %bitcast_convert_type3A_562 = tpu.bitcast %and3A_561 : vector<16xi32> -> vector<16xf32>
        %get3A_563 = arith.index_cast %and3A_161 : i32 to index
        %get3A_564 = arith.index_cast %scan3A_420 : i32 to index
        %get3A_565 = arith.constant 48 : index
        %get3A_566 = tpu.vector_load %arg11[%get3A_563, %get3A_564, %get3A_565] {strides = array<i32>} : memref<2x80x128xf32, #tpu.memory_space<vmem>>, vector<1x1x16xf32>,
        %get3A_567 = vector.shape_cast %get3A_566 : vector<1x1x16xf32> to vector<16xf32>
        %add3A_568 = arith.addf %get3A_567, %bitcast_convert_type3A_558 : vector<16xf32>
        %max3A_569 = arith.constant 0.000000e+00 : f32
        %max3A_570 = vector.broadcast %max3A_569 : f32 to vector<16xf32>
        %max3A_571 = arith.maximumf %add3A_568, %max3A_570 : vector<16xf32>
        %swap3A_572 = arith.index_cast %and3A_161 : i32 to index
        %swap3A_573 = arith.index_cast %scan3A_420 : i32 to index
        %swap3A_574 = arith.constant 48 : index
        %swap3A_575 = tpu.vector_load %arg11[%swap3A_572, %swap3A_573, %swap3A_574] {strides = array<i32>} : memref<2x80x128xf32, #tpu.memory_space<vmem>>, vector<1x1x16xf32>,
        %swap3A_576 = vector.shape_cast %swap3A_575 : vector<1x1x16xf32> to vector<16xf32>
        %swap3A_577 = vector.shape_cast %max3A_571 : vector<16xf32> to vector<1x1x16xf32>
        tpu.vector_store %arg11[%swap3A_572, %swap3A_573, %swap3A_574], %swap3A_577 {strides = array<i32>} : memref<2x80x128xf32, #tpu.memory_space<vmem>>, vector<1x1x16xf32>,
        %get3A_578 = arith.index_cast %and3A_161 : i32 to index
        %get3A_579 = arith.index_cast %scan3A_420 : i32 to index
        %get3A_580 = arith.constant 112 : index
        %get3A_581 = tpu.vector_load %arg11[%get3A_578, %get3A_579, %get3A_580] {strides = array<i32>} : memref<2x80x128xf32, #tpu.memory_space<vmem>>, vector<1x1x16xf32>,
        %get3A_582 = vector.shape_cast %get3A_581 : vector<1x1x16xf32> to vector<16xf32>
        %add3A_583 = arith.addf %get3A_582, %bitcast_convert_type3A_562 : vector<16xf32>
        %max3A_584 = arith.constant 0.000000e+00 : f32
        %max3A_585 = vector.broadcast %max3A_584 : f32 to vector<16xf32>
        %max3A_586 = arith.maximumf %add3A_583, %max3A_585 : vector<16xf32>
        %swap3A_587 = arith.index_cast %and3A_161 : i32 to index
        %swap3A_588 = arith.index_cast %scan3A_420 : i32 to index
        %swap3A_589 = arith.constant 112 : index
        %swap3A_590 = tpu.vector_load %arg11[%swap3A_587, %swap3A_588, %swap3A_589] {strides = array<i32>} : memref<2x80x128xf32, #tpu.memory_space<vmem>>, vector<1x1x16xf32>,
        %swap3A_591 = vector.shape_cast %swap3A_590 : vector<1x1x16xf32> to vector<16xf32>
        %swap3A_592 = vector.shape_cast %max3A_586 : vector<16xf32> to vector<1x1x16xf32>
        tpu.vector_store %arg11[%swap3A_587, %swap3A_588, %swap3A_589], %swap3A_592 {strides = array<i32>} : memref<2x80x128xf32, #tpu.memory_space<vmem>>, vector<1x1x16xf32>,
      }
      %scan3A_214 = arith.constant 80 : i32
      %dma_start3A_215 = arith.constant 0 : i32
      %dma_start3A_216 = arith.constant 0 : i32
      %dma_start3A_217 = tpu.memref_slice %arg11[%and3A_161, %dma_start3A_215, %dma_start3A_216] : memref<2x80x128xf32, #tpu.memory_space<vmem>> -> memref<1x80x128xf32, #tpu.memory_space<vmem>>
      %dma_start3A_218 = tpu.memref_squeeze %dma_start3A_217 : memref<1x80x128xf32, #tpu.memory_space<vmem>> -> memref<80x128xf32, #tpu.memory_space<vmem>>
      %dma_start3A_219 = arith.constant 0 : i32
      %dma_start3A_220 = tpu.memref_slice %arg10[%and3A_167, %dma_start3A_219] : memref<4x80xi32, #tpu.memory_space<vmem>> -> memref<1x80xi32, #tpu.memory_space<vmem>>
      %dma_start3A_221 = tpu.memref_squeeze %dma_start3A_220 : memref<1x80xi32, #tpu.memory_space<vmem>> -> memref<80xi32, #tpu.memory_space<vmem>>
      %dma_start3A_222 = arith.constant 0 : i32
      %dma_start3A_223 = arith.constant 0 : i32
      %dma_start3A_224 = tpu.memref_slice %arg13[%dma_start3A_222, %dma_start3A_223] : memref<10000x128xf32, #tpu.memory_space<vmem_shared>> -> memref<10000x128xf32, #tpu.memory_space<vmem_shared>>
      %dma_start3A_225 = tpu.memref_slice %arg17[%and3A_161] : memref<2x!tpu.dma_semaphore, #tpu.memory_space<semaphore_mem>> -> memref<1x!tpu.dma_semaphore, #tpu.memory_space<semaphore_mem>>
      %dma_start3A_226 = tpu.memref_squeeze %dma_start3A_225 : memref<1x!tpu.dma_semaphore, #tpu.memory_space<semaphore_mem>> -> memref<!tpu.dma_semaphore, #tpu.memory_space<semaphore_mem>>
      tpu.enqueue_indirect_dma source(%dma_start3A_218 : memref<80x128xf32, #tpu.memory_space<vmem>>) target(%dma_start3A_224 : memref<10000x128xf32, #tpu.memory_space<vmem_shared>>) offsets(%dma_start3A_221 : memref<80xi32, #tpu.memory_space<vmem>>) semaphore(%dma_start3A_226 : memref<!tpu.dma_semaphore, #tpu.memory_space<semaphore_mem>>) {add = true}
      %mul3A_227 = arith.constant 4800 : i32
      %mul3A_228 = arith.muli %add3A, %mul3A_227 : i32
      %mul3A_229 = arith.constant 80 : i32
      %mul3A_230 = arith.muli %scan3A_159, %mul3A_229 : i32
      %add3A_231 = arith.addi %mul3A_228, %mul3A_230 : i32
      %dma_start3A_232 = arith.constant 0 : i32
      %dma_start3A_233 = arith.constant 0 : i32
      %dma_start3A_234 = tpu.memref_slice %arg11[%and3A_161, %dma_start3A_232, %dma_start3A_233] : memref<2x80x128xf32, #tpu.memory_space<vmem>> -> memref<1x80x128xf32, #tpu.memory_space<vmem>>
      %dma_start3A_235 = tpu.memref_squeeze %dma_start3A_234 : memref<1x80x128xf32, #tpu.memory_space<vmem>> -> memref<80x128xf32, #tpu.memory_space<vmem>>
      %dma_start3A_236 = arith.constant 0 : i32
      %dma_start3A_237 = tpu.memref_slice %arg8[%add3A_231, %dma_start3A_236] : memref<153600x128xf32, #tpu.memory_space<hbm>> -> memref<80x128xf32, #tpu.memory_space<hbm>>
      %dma_start3A_238 = tpu.memref_slice %arg18[%and3A_161] : memref<2x!tpu.dma_semaphore, #tpu.memory_space<semaphore_mem>> -> memref<1x!tpu.dma_semaphore, #tpu.memory_space<semaphore_mem>>
      %dma_start3A_239 = tpu.memref_squeeze %dma_start3A_238 : memref<1x!tpu.dma_semaphore, #tpu.memory_space<semaphore_mem>> -> memref<!tpu.dma_semaphore, #tpu.memory_space<semaphore_mem>>
      %dma_start3A_240 = arith.constant 0 : i32
      %dma_start3A_241 = tpu.memref_slice %arg8[%add3A_231, %dma_start3A_240] : memref<153600x128xf32, #tpu.memory_space<hbm>> -> memref<80x128xf32, #tpu.memory_space<hbm>>
      %dma_start3A_242 = arith.constant 0 : i32
      %dma_start3A_243 = arith.constant 0 : i32
      %dma_start3A_244 = tpu.memref_slice %arg11[%and3A_161, %dma_start3A_242, %dma_start3A_243] : memref<2x80x128xf32, #tpu.memory_space<vmem>> -> memref<1x80x128xf32, #tpu.memory_space<vmem>>
      %dma_start3A_245 = tpu.memref_squeeze %dma_start3A_244 : memref<1x80x128xf32, #tpu.memory_space<vmem>> -> memref<80x128xf32, #tpu.memory_space<vmem>>
      tpu.enqueue_dma source(%dma_start3A_245 : memref<80x128xf32, #tpu.memory_space<vmem>>) target(%dma_start3A_241 : memref<80x128xf32, #tpu.memory_space<hbm>>) target_semaphore(%dma_start3A_239 : memref<!tpu.dma_semaphore, #tpu.memory_space<semaphore_mem>>)
      %lt3A_246 = arith.constant 58 : i32
      %lt3A_247 = arith.cmpi slt, %scan3A_159, %lt3A_246 : i32
      %convert_element_type3A_248 = arith.extui %lt3A_247 : i1 to i32
      %cond3A_249 = arith.constant 0 : i32
      %cond3A_250 = arith.cmpi ne, %convert_element_type3A_248, %cond3A_249 : i32
      scf.if %cond3A_250 {
        %add3A_251 = arith.constant 2 : i32
        %add3A_252 = arith.addi %scan3A_159, %add3A_251 : i32
        %and3A_253 = arith.constant 3 : i32
        %and3A_254 = arith.andi %add3A_252, %and3A_253 : i32
        %dma_start3A_255 = arith.constant 0 : i32
        %dma_start3A_256 = tpu.memref_slice %arg9[%and3A_254, %dma_start3A_255] : memref<4x80xi32, #tpu.memory_space<vmem>> -> memref<1x80xi32, #tpu.memory_space<vmem>>
        %dma_start3A_257 = tpu.memref_squeeze %dma_start3A_256 : memref<1x80xi32, #tpu.memory_space<vmem>> -> memref<80xi32, #tpu.memory_space<vmem>>
        %dma_start3A_258 = arith.constant 0 : i32
        %dma_start3A_259 = tpu.memref_slice %arg4[%add3A, %add3A_252, %dma_start3A_258] : memref<32x60x80xi32, #tpu.memory_space<hbm>> -> memref<1x1x80xi32, #tpu.memory_space<hbm>>
        %dma_start3A_260 = tpu.memref_squeeze %dma_start3A_259 : memref<1x1x80xi32, #tpu.memory_space<hbm>> -> memref<80xi32, #tpu.memory_space<hbm>>
        %dma_start3A_261 = tpu.memref_slice %arg14[%and3A_254] : memref<4x!tpu.dma_semaphore, #tpu.memory_space<semaphore_mem>> -> memref<1x!tpu.dma_semaphore, #tpu.memory_space<semaphore_mem>>
        %dma_start3A_262 = tpu.memref_squeeze %dma_start3A_261 : memref<1x!tpu.dma_semaphore, #tpu.memory_space<semaphore_mem>> -> memref<!tpu.dma_semaphore, #tpu.memory_space<semaphore_mem>>
        %dma_start3A_263 = arith.constant 0 : i32
        %dma_start3A_264 = tpu.memref_slice %arg9[%and3A_254, %dma_start3A_263] : memref<4x80xi32, #tpu.memory_space<vmem>> -> memref<1x80xi32, #tpu.memory_space<vmem>>
        %dma_start3A_265 = tpu.memref_squeeze %dma_start3A_264 : memref<1x80xi32, #tpu.memory_space<vmem>> -> memref<80xi32, #tpu.memory_space<vmem>>
        %dma_start3A_266 = arith.constant 0 : i32
        %dma_start3A_267 = tpu.memref_slice %arg4[%add3A, %add3A_252, %dma_start3A_266] : memref<32x60x80xi32, #tpu.memory_space<hbm>> -> memref<1x1x80xi32, #tpu.memory_space<hbm>>
        %dma_start3A_268 = tpu.memref_squeeze %dma_start3A_267 : memref<1x1x80xi32, #tpu.memory_space<hbm>> -> memref<80xi32, #tpu.memory_space<hbm>>
        tpu.enqueue_dma source(%dma_start3A_268 : memref<80xi32, #tpu.memory_space<hbm>>) target(%dma_start3A_265 : memref<80xi32, #tpu.memory_space<vmem>>) target_semaphore(%dma_start3A_262 : memref<!tpu.dma_semaphore, #tpu.memory_space<semaphore_mem>>)
        %dma_start3A_269 = arith.constant 0 : i32
        %dma_start3A_270 = tpu.memref_slice %arg10[%and3A_254, %dma_start3A_269] : memref<4x80xi32, #tpu.memory_space<vmem>> -> memref<1x80xi32, #tpu.memory_space<vmem>>
        %dma_start3A_271 = tpu.memref_squeeze %dma_start3A_270 : memref<1x80xi32, #tpu.memory_space<vmem>> -> memref<80xi32, #tpu.memory_space<vmem>>
        %dma_start3A_272 = arith.constant 0 : i32
        %dma_start3A_273 = tpu.memref_slice %arg5[%add3A, %add3A_252, %dma_start3A_272] : memref<32x60x80xi32, #tpu.memory_space<hbm>> -> memref<1x1x80xi32, #tpu.memory_space<hbm>>
        %dma_start3A_274 = tpu.memref_squeeze %dma_start3A_273 : memref<1x1x80xi32, #tpu.memory_space<hbm>> -> memref<80xi32, #tpu.memory_space<hbm>>
        %dma_start3A_275 = tpu.memref_slice %arg14[%and3A_254] : memref<4x!tpu.dma_semaphore, #tpu.memory_space<semaphore_mem>> -> memref<1x!tpu.dma_semaphore, #tpu.memory_space<semaphore_mem>>
        %dma_start3A_276 = tpu.memref_squeeze %dma_start3A_275 : memref<1x!tpu.dma_semaphore, #tpu.memory_space<semaphore_mem>> -> memref<!tpu.dma_semaphore, #tpu.memory_space<semaphore_mem>>
        %dma_start3A_277 = arith.constant 0 : i32
        %dma_start3A_278 = tpu.memref_slice %arg10[%and3A_254, %dma_start3A_277] : memref<4x80xi32, #tpu.memory_space<vmem>> -> memref<1x80xi32, #tpu.memory_space<vmem>>
        %dma_start3A_279 = tpu.memref_squeeze %dma_start3A_278 : memref<1x80xi32, #tpu.memory_space<vmem>> -> memref<80xi32, #tpu.memory_space<vmem>>
        %dma_start3A_280 = arith.constant 0 : i32
        %dma_start3A_281 = tpu.memref_slice %arg5[%add3A, %add3A_252, %dma_start3A_280] : memref<32x60x80xi32, #tpu.memory_space<hbm>> -> memref<1x1x80xi32, #tpu.memory_space<hbm>>
        %dma_start3A_282 = tpu.memref_squeeze %dma_start3A_281 : memref<1x1x80xi32, #tpu.memory_space<hbm>> -> memref<80xi32, #tpu.memory_space<hbm>>
        tpu.enqueue_dma source(%dma_start3A_282 : memref<80xi32, #tpu.memory_space<hbm>>) target(%dma_start3A_279 : memref<80xi32, #tpu.memory_space<vmem>>) target_semaphore(%dma_start3A_276 : memref<!tpu.dma_semaphore, #tpu.memory_space<semaphore_mem>>)
      } else {
      }
    }
    %scan3A_77 = arith.constant 60 : i32
    %dma_wait3A = arith.constant 0 : i32
    %dma_wait3A_78 = arith.constant 0 : i32
    %dma_wait3A_79 = arith.constant 0 : i32
    %dma_wait3A_80 = arith.constant 0 : i32
    %dma_wait3A_81 = tpu.memref_slice %arg11[%dma_wait3A, %dma_wait3A_79, %dma_wait3A_80] : memref<2x80x128xf32, #tpu.memory_space<vmem>> -> memref<1x80x128xf32, #tpu.memory_space<vmem>>
    %dma_wait3A_82 = tpu.memref_squeeze %dma_wait3A_81 : memref<1x80x128xf32, #tpu.memory_space<vmem>> -> memref<80x128xf32, #tpu.memory_space<vmem>>
    %dma_wait3A_83 = arith.constant 0 : i32
    %dma_wait3A_84 = arith.constant 0 : i32
    %dma_wait3A_85 = tpu.memref_slice %arg6[%dma_wait3A_83, %dma_wait3A_84] : memref<10000x128xf32, #tpu.memory_space<hbm>> -> memref<80x128xf32, #tpu.memory_space<hbm>>
    %dma_wait3A_86 = tpu.memref_slice %arg17[%dma_wait3A_78] : memref<2x!tpu.dma_semaphore, #tpu.memory_space<semaphore_mem>> -> memref<1x!tpu.dma_semaphore, #tpu.memory_space<semaphore_mem>>
    %dma_wait3A_87 = tpu.memref_squeeze %dma_wait3A_86 : memref<1x!tpu.dma_semaphore, #tpu.memory_space<semaphore_mem>> -> memref<!tpu.dma_semaphore, #tpu.memory_space<semaphore_mem>>
    %dma_wait3A_88 = arith.constant 0 : i32
    %dma_wait3A_89 = arith.constant 0 : i32
    %dma_wait3A_90 = tpu.memref_slice %arg11[%dma_wait3A, %dma_wait3A_88, %dma_wait3A_89] : memref<2x80x128xf32, #tpu.memory_space<vmem>> -> memref<1x80x128xf32, #tpu.memory_space<vmem>>
    %dma_wait3A_91 = tpu.memref_squeeze %dma_wait3A_90 : memref<1x80x128xf32, #tpu.memory_space<vmem>> -> memref<80x128xf32, #tpu.memory_space<vmem>>
    %dma_wait3A_92 = arith.constant 0 : i32
    %dma_wait3A_93 = arith.constant 0 : i32
    %dma_wait3A_94 = tpu.memref_slice %arg6[%dma_wait3A_92, %dma_wait3A_93] : memref<10000x128xf32, #tpu.memory_space<hbm>> -> memref<80x128xf32, #tpu.memory_space<hbm>>
    tpu.wait_dma2 semaphore(%dma_wait3A_87 : memref<!tpu.dma_semaphore, #tpu.memory_space<semaphore_mem>>) src(%dma_wait3A_94 : memref<80x128xf32, #tpu.memory_space<hbm>>) dst(%dma_wait3A_91 : memref<80x128xf32, #tpu.memory_space<vmem>>)
    %dma_wait3A_95 = arith.constant 0 : i32
    %dma_wait3A_96 = arith.constant 0 : i32
    %dma_wait3A_97 = arith.constant 0 : i32
    %dma_wait3A_98 = arith.constant 0 : i32
    %dma_wait3A_99 = tpu.memref_slice %arg11[%dma_wait3A_95, %dma_wait3A_97, %dma_wait3A_98] : memref<2x80x128xf32, #tpu.memory_space<vmem>> -> memref<1x80x128xf32, #tpu.memory_space<vmem>>
    %dma_wait3A_100 = tpu.memref_squeeze %dma_wait3A_99 : memref<1x80x128xf32, #tpu.memory_space<vmem>> -> memref<80x128xf32, #tpu.memory_space<vmem>>
    %dma_wait3A_101 = arith.constant 0 : i32
    %dma_wait3A_102 = arith.constant 0 : i32
    %dma_wait3A_103 = tpu.memref_slice %arg6[%dma_wait3A_101, %dma_wait3A_102] : memref<10000x128xf32, #tpu.memory_space<hbm>> -> memref<80x128xf32, #tpu.memory_space<hbm>>
    %dma_wait3A_104 = tpu.memref_slice %arg18[%dma_wait3A_96] : memref<2x!tpu.dma_semaphore, #tpu.memory_space<semaphore_mem>> -> memref<1x!tpu.dma_semaphore, #tpu.memory_space<semaphore_mem>>
    %dma_wait3A_105 = tpu.memref_squeeze %dma_wait3A_104 : memref<1x!tpu.dma_semaphore, #tpu.memory_space<semaphore_mem>> -> memref<!tpu.dma_semaphore, #tpu.memory_space<semaphore_mem>>
    %dma_wait3A_106 = arith.constant 0 : i32
    %dma_wait3A_107 = arith.constant 0 : i32
    %dma_wait3A_108 = tpu.memref_slice %arg11[%dma_wait3A_95, %dma_wait3A_106, %dma_wait3A_107] : memref<2x80x128xf32, #tpu.memory_space<vmem>> -> memref<1x80x128xf32, #tpu.memory_space<vmem>>
    %dma_wait3A_109 = tpu.memref_squeeze %dma_wait3A_108 : memref<1x80x128xf32, #tpu.memory_space<vmem>> -> memref<80x128xf32, #tpu.memory_space<vmem>>
    %dma_wait3A_110 = arith.constant 0 : i32
    %dma_wait3A_111 = arith.constant 0 : i32
    %dma_wait3A_112 = tpu.memref_slice %arg6[%dma_wait3A_110, %dma_wait3A_111] : memref<10000x128xf32, #tpu.memory_space<hbm>> -> memref<80x128xf32, #tpu.memory_space<hbm>>
    tpu.wait_dma2 semaphore(%dma_wait3A_105 : memref<!tpu.dma_semaphore, #tpu.memory_space<semaphore_mem>>) src(%dma_wait3A_112 : memref<80x128xf32, #tpu.memory_space<hbm>>) dst(%dma_wait3A_109 : memref<80x128xf32, #tpu.memory_space<vmem>>)
    %dma_wait3A_113 = arith.constant 1 : i32
    %dma_wait3A_114 = arith.constant 1 : i32
    %dma_wait3A_115 = arith.constant 0 : i32
    %dma_wait3A_116 = arith.constant 0 : i32
    %dma_wait3A_117 = tpu.memref_slice %arg11[%dma_wait3A_113, %dma_wait3A_115, %dma_wait3A_116] : memref<2x80x128xf32, #tpu.memory_space<vmem>> -> memref<1x80x128xf32, #tpu.memory_space<vmem>>
    %dma_wait3A_118 = tpu.memref_squeeze %dma_wait3A_117 : memref<1x80x128xf32, #tpu.memory_space<vmem>> -> memref<80x128xf32, #tpu.memory_space<vmem>>
    %dma_wait3A_119 = arith.constant 0 : i32
    %dma_wait3A_120 = arith.constant 0 : i32
    %dma_wait3A_121 = tpu.memref_slice %arg6[%dma_wait3A_119, %dma_wait3A_120] : memref<10000x128xf32, #tpu.memory_space<hbm>> -> memref<80x128xf32, #tpu.memory_space<hbm>>
    %dma_wait3A_122 = tpu.memref_slice %arg17[%dma_wait3A_114] : memref<2x!tpu.dma_semaphore, #tpu.memory_space<semaphore_mem>> -> memref<1x!tpu.dma_semaphore, #tpu.memory_space<semaphore_mem>>
    %dma_wait3A_123 = tpu.memref_squeeze %dma_wait3A_122 : memref<1x!tpu.dma_semaphore, #tpu.memory_space<semaphore_mem>> -> memref<!tpu.dma_semaphore, #tpu.memory_space<semaphore_mem>>
    %dma_wait3A_124 = arith.constant 0 : i32
    %dma_wait3A_125 = arith.constant 0 : i32
    %dma_wait3A_126 = tpu.memref_slice %arg11[%dma_wait3A_113, %dma_wait3A_124, %dma_wait3A_125] : memref<2x80x128xf32, #tpu.memory_space<vmem>> -> memref<1x80x128xf32, #tpu.memory_space<vmem>>
    %dma_wait3A_127 = tpu.memref_squeeze %dma_wait3A_126 : memref<1x80x128xf32, #tpu.memory_space<vmem>> -> memref<80x128xf32, #tpu.memory_space<vmem>>
    %dma_wait3A_128 = arith.constant 0 : i32
    %dma_wait3A_129 = arith.constant 0 : i32
    %dma_wait3A_130 = tpu.memref_slice %arg6[%dma_wait3A_128, %dma_wait3A_129] : memref<10000x128xf32, #tpu.memory_space<hbm>> -> memref<80x128xf32, #tpu.memory_space<hbm>>
    tpu.wait_dma2 semaphore(%dma_wait3A_123 : memref<!tpu.dma_semaphore, #tpu.memory_space<semaphore_mem>>) src(%dma_wait3A_130 : memref<80x128xf32, #tpu.memory_space<hbm>>) dst(%dma_wait3A_127 : memref<80x128xf32, #tpu.memory_space<vmem>>)
    %dma_wait3A_131 = arith.constant 1 : i32
    %dma_wait3A_132 = arith.constant 1 : i32
    %dma_wait3A_133 = arith.constant 0 : i32
    %dma_wait3A_134 = arith.constant 0 : i32
    %dma_wait3A_135 = tpu.memref_slice %arg11[%dma_wait3A_131, %dma_wait3A_133, %dma_wait3A_134] : memref<2x80x128xf32, #tpu.memory_space<vmem>> -> memref<1x80x128xf32, #tpu.memory_space<vmem>>
    %dma_wait3A_136 = tpu.memref_squeeze %dma_wait3A_135 : memref<1x80x128xf32, #tpu.memory_space<vmem>> -> memref<80x128xf32, #tpu.memory_space<vmem>>
    %dma_wait3A_137 = arith.constant 0 : i32
    %dma_wait3A_138 = arith.constant 0 : i32
    %dma_wait3A_139 = tpu.memref_slice %arg6[%dma_wait3A_137, %dma_wait3A_138] : memref<10000x128xf32, #tpu.memory_space<hbm>> -> memref<80x128xf32, #tpu.memory_space<hbm>>
    %dma_wait3A_140 = tpu.memref_slice %arg18[%dma_wait3A_132] : memref<2x!tpu.dma_semaphore, #tpu.memory_space<semaphore_mem>> -> memref<1x!tpu.dma_semaphore, #tpu.memory_space<semaphore_mem>>
    %dma_wait3A_141 = tpu.memref_squeeze %dma_wait3A_140 : memref<1x!tpu.dma_semaphore, #tpu.memory_space<semaphore_mem>> -> memref<!tpu.dma_semaphore, #tpu.memory_space<semaphore_mem>>
    %dma_wait3A_142 = arith.constant 0 : i32
    %dma_wait3A_143 = arith.constant 0 : i32
    %dma_wait3A_144 = tpu.memref_slice %arg11[%dma_wait3A_131, %dma_wait3A_142, %dma_wait3A_143] : memref<2x80x128xf32, #tpu.memory_space<vmem>> -> memref<1x80x128xf32, #tpu.memory_space<vmem>>
    %dma_wait3A_145 = tpu.memref_squeeze %dma_wait3A_144 : memref<1x80x128xf32, #tpu.memory_space<vmem>> -> memref<80x128xf32, #tpu.memory_space<vmem>>
    %dma_wait3A_146 = arith.constant 0 : i32
    %dma_wait3A_147 = arith.constant 0 : i32
    %dma_wait3A_148 = tpu.memref_slice %arg6[%dma_wait3A_146, %dma_wait3A_147] : memref<10000x128xf32, #tpu.memory_space<hbm>> -> memref<80x128xf32, #tpu.memory_space<hbm>>
    tpu.wait_dma2 semaphore(%dma_wait3A_141 : memref<!tpu.dma_semaphore, #tpu.memory_space<semaphore_mem>>) src(%dma_wait3A_148 : memref<80x128xf32, #tpu.memory_space<hbm>>) dst(%dma_wait3A_145 : memref<80x128xf32, #tpu.memory_space<vmem>>)
    %barrier3A_149 = arith.constant 0 : index
    tpu.barrier barrier_id(%barrier3A_149)
    %lt3A = arith.constant 15 : i32
    %lt3A_150 = arith.cmpi slt, %arg1, %lt3A : i32
    %convert_element_type3A_151 = arith.extui %lt3A_150 : i1 to i32
    %cond3A_152 = arith.constant 0 : i32
    %cond3A_153 = arith.cmpi ne, %convert_element_type3A_151, %cond3A_152 : i32
    scf.if %cond3A_153 {
      %mul3A_159 = arith.constant 640 : i32
      %mul3A_160 = arith.muli %arg1, %mul3A_159 : i32
      %mul3A_161 = arith.constant 640 : i32
      %mul3A_162 = arith.muli %arg1, %mul3A_161 : i32
      "tpu.region"() ({
        %run_scoped3A_163 = tpu.sem_alloc : memref<!tpu.dma_semaphore, #tpu.memory_space<semaphore_mem>>
        %dma_start3A_164 = arith.constant 0 : i32
        %dma_start3A_165 = tpu.memref_slice %arg7[%arg0, %mul3A_162, %dma_start3A_164] : memref<2x10000x128xf32, #tpu.memory_space<hbm>> -> memref<1x640x128xf32, #tpu.memory_space<hbm>>
        %dma_start3A_166 = tpu.memref_squeeze %dma_start3A_165 : memref<1x640x128xf32, #tpu.memory_space<hbm>> -> memref<640x128xf32, #tpu.memory_space<hbm>>
        %dma_start3A_167 = arith.constant 0 : i32
        %dma_start3A_168 = tpu.memref_slice %arg13[%mul3A_160, %dma_start3A_167] : memref<10000x128xf32, #tpu.memory_space<vmem_shared>> -> memref<640x128xf32, #tpu.memory_space<vmem_shared>>
        tpu.enqueue_dma source(%dma_start3A_168 : memref<640x128xf32, #tpu.memory_space<vmem_shared>>) target(%dma_start3A_166 : memref<640x128xf32, #tpu.memory_space<hbm>>) target_semaphore(%run_scoped3A_163 : memref<!tpu.dma_semaphore, #tpu.memory_space<semaphore_mem>>)
        %dma_wait3A_169 = arith.constant 0 : i32
        %dma_wait3A_170 = tpu.memref_slice %arg7[%arg0, %mul3A_162, %dma_wait3A_169] : memref<2x10000x128xf32, #tpu.memory_space<hbm>> -> memref<1x640x128xf32, #tpu.memory_space<hbm>>
        %dma_wait3A_171 = tpu.memref_squeeze %dma_wait3A_170 : memref<1x640x128xf32, #tpu.memory_space<hbm>> -> memref<640x128xf32, #tpu.memory_space<hbm>>
        %dma_wait3A_172 = arith.constant 0 : i32
        %dma_wait3A_173 = tpu.memref_slice %arg13[%mul3A_160, %dma_wait3A_172] : memref<10000x128xf32, #tpu.memory_space<vmem_shared>> -> memref<640x128xf32, #tpu.memory_space<vmem_shared>>
        tpu.wait_dma2 semaphore(%run_scoped3A_163 : memref<!tpu.dma_semaphore, #tpu.memory_space<semaphore_mem>>) src(%dma_wait3A_173 : memref<640x128xf32, #tpu.memory_space<vmem_shared>>) dst(%dma_wait3A_171 : memref<640x128xf32, #tpu.memory_space<hbm>>)
        tpu.yield
      }) : () -> ()
    } else {
    }
    %eq3A_154 = arith.constant 15 : i32
    %eq3A_155 = arith.cmpi eq, %arg1, %eq3A_154 : i32
    %convert_element_type3A_156 = arith.extui %eq3A_155 : i1 to i32
    %cond3A_157 = arith.constant 0 : i32
    %cond3A_158 = arith.cmpi ne, %convert_element_type3A_156, %cond3A_157 : i32
    scf.if %cond3A_158 {
      "tpu.region"() ({
        %run_scoped3A_159 = tpu.sem_alloc : memref<!tpu.dma_semaphore, #tpu.memory_space<semaphore_mem>>
        %dma_start3A_160 = arith.constant 9600 : i32
        %dma_start3A_161 = arith.constant 0 : i32
        %dma_start3A_162 = tpu.memref_slice %arg7[%arg0, %dma_start3A_160, %dma_start3A_161] : memref<2x10000x128xf32, #tpu.memory_space<hbm>> -> memref<1x400x128xf32, #tpu.memory_space<hbm>>
        %dma_start3A_163 = tpu.memref_squeeze %dma_start3A_162 : memref<1x400x128xf32, #tpu.memory_space<hbm>> -> memref<400x128xf32, #tpu.memory_space<hbm>>
        %dma_start3A_164 = arith.constant 9600 : i32
        %dma_start3A_165 = arith.constant 0 : i32
        %dma_start3A_166 = tpu.memref_slice %arg13[%dma_start3A_164, %dma_start3A_165] : memref<10000x128xf32, #tpu.memory_space<vmem_shared>> -> memref<400x128xf32, #tpu.memory_space<vmem_shared>>
        tpu.enqueue_dma source(%dma_start3A_166 : memref<400x128xf32, #tpu.memory_space<vmem_shared>>) target(%dma_start3A_163 : memref<400x128xf32, #tpu.memory_space<hbm>>) target_semaphore(%run_scoped3A_159 : memref<!tpu.dma_semaphore, #tpu.memory_space<semaphore_mem>>)
        %dma_wait3A_167 = arith.constant 9600 : i32
        %dma_wait3A_168 = arith.constant 0 : i32
        %dma_wait3A_169 = tpu.memref_slice %arg7[%arg0, %dma_wait3A_167, %dma_wait3A_168] : memref<2x10000x128xf32, #tpu.memory_space<hbm>> -> memref<1x400x128xf32, #tpu.memory_space<hbm>>
        %dma_wait3A_170 = tpu.memref_squeeze %dma_wait3A_169 : memref<1x400x128xf32, #tpu.memory_space<hbm>> -> memref<400x128xf32, #tpu.memory_space<hbm>>
        %dma_wait3A_171 = arith.constant 9600 : i32
        %dma_wait3A_172 = arith.constant 0 : i32
        %dma_wait3A_173 = tpu.memref_slice %arg13[%dma_wait3A_171, %dma_wait3A_172] : memref<10000x128xf32, #tpu.memory_space<vmem_shared>> -> memref<400x128xf32, #tpu.memory_space<vmem_shared>>
        tpu.wait_dma2 semaphore(%run_scoped3A_159 : memref<!tpu.dma_semaphore, #tpu.memory_space<semaphore_mem>>) src(%dma_wait3A_173 : memref<400x128xf32, #tpu.memory_space<vmem_shared>>) dst(%dma_wait3A_170 : memref<400x128xf32, #tpu.memory_space<hbm>>)
        tpu.yield
      }) : () -> ()
    } else {
    }
    return
  }
}

#map = affine_map<(d0, d1) -> (0, 0)>
#map1 = affine_map<(d0, d1) -> (0, 0, 0)>
module attributes {stable_mosaic.version = 14 : i64} {
  func.func @_sc_body(%arg0: i32, %arg1: i32, %arg2: memref<10000x128xf32, #tpu.memory_space<hbm>>, %arg3: memref<166400x64xi32, #tpu.memory_space<hbm>>, %arg4: memref<32x65x80xi32, #tpu.memory_space<hbm>>, %arg5: memref<32x65x80xi32, #tpu.memory_space<hbm>>, %arg6: memref<10000x128xf32, #tpu.memory_space<hbm>>, %arg7: memref<2x10000x128xf32, #tpu.memory_space<hbm>>, %arg8: memref<166400x128xf32, #tpu.memory_space<hbm>>, %arg9: memref<4x80xi32, #tpu.memory_space<vmem>>, %arg10: memref<4x80xi32, #tpu.memory_space<vmem>>, %arg11: memref<2x80x128xf32, #tpu.memory_space<vmem>>, %arg12: memref<2x80x64xi32, #tpu.memory_space<vmem>>, %arg13: memref<10000x128xf32, #tpu.memory_space<vmem_shared>>, %arg14: memref<4x!tpu.dma_semaphore, #tpu.memory_space<semaphore_mem>>, %arg15: memref<2x!tpu.dma_semaphore, #tpu.memory_space<semaphore_mem>>, %arg16: memref<2x!tpu.dma_semaphore, #tpu.memory_space<semaphore_mem>>, %arg17: memref<2x!tpu.dma_semaphore, #tpu.memory_space<semaphore_mem>>, %arg18: memref<2x!tpu.dma_semaphore, #tpu.memory_space<semaphore_mem>>) attributes {dimension_semantics = [#tpu.dimension_semantics<core_parallel>, #tpu.dimension_semantics<subcore_parallel>], iteration_bounds = array<i64: 2, 16>, scalar_prefetch = 0 : i64, scratch_operands = 10 : i64, tpu.core_type = #tpu.core_type<sc_vector_subcore>, window_params = [{transform_indices = #map}, {transform_indices = #map}, {transform_indices = #map1}, {transform_indices = #map1}, {transform_indices = #map}, {transform_indices = #map1}, {transform_indices = #map}]} {
    %mul3A = arith.constant 16 : i32
    %mul3A_0 = arith.muli %arg0, %mul3A : i32
    %add3A = arith.addi %mul3A_0, %arg1 : i32
    %eq3A = arith.constant 0 : i32
    %eq3A_1 = arith.cmpi eq, %arg1, %eq3A : i32
    %convert_element_type3A = arith.extui %eq3A_1 : i1 to i32
    %cond3A = arith.constant 0 : i32
    %cond3A_2 = arith.cmpi ne, %convert_element_type3A, %cond3A : i32
    scf.if %cond3A_2 {
      "tpu.region"() ({
        %run_scoped3A_159 = tpu.sem_alloc : memref<!tpu.dma_semaphore, #tpu.memory_space<semaphore_mem>>
        tpu.enqueue_dma source(%arg6 : memref<10000x128xf32, #tpu.memory_space<hbm>>) target(%arg13 : memref<10000x128xf32, #tpu.memory_space<vmem_shared>>) target_semaphore(%run_scoped3A_159 : memref<!tpu.dma_semaphore, #tpu.memory_space<semaphore_mem>>)
        tpu.wait_dma2 semaphore(%run_scoped3A_159 : memref<!tpu.dma_semaphore, #tpu.memory_space<semaphore_mem>>) src(%arg6 : memref<10000x128xf32, #tpu.memory_space<hbm>>) dst(%arg13 : memref<10000x128xf32, #tpu.memory_space<vmem_shared>>)
        tpu.yield
      }) : () -> ()
    } else {
    }
    %barrier3A = arith.constant 0 : index
    tpu.barrier barrier_id(%barrier3A)
    %run_scoped3A = arith.constant 0 : i32
    %run_scoped3A_3 = arith.constant 0 : i32
    "tpu.region"() ({
      %run_scoped3A_159 = tpu.sem_alloc : memref<!tpu.dma_semaphore, #tpu.memory_space<semaphore_mem>>
      %dma_start3A_160 = arith.constant 0 : i32
      %dma_start3A_161 = tpu.memref_slice %arg9[%run_scoped3A_3, %dma_start3A_160] : memref<4x80xi32, #tpu.memory_space<vmem>> -> memref<1x80xi32, #tpu.memory_space<vmem>>
      %dma_start3A_162 = tpu.memref_squeeze %dma_start3A_161 : memref<1x80xi32, #tpu.memory_space<vmem>> -> memref<80xi32, #tpu.memory_space<vmem>>
      %dma_start3A_163 = arith.constant 0 : i32
      %dma_start3A_164 = tpu.memref_slice %arg4[%add3A, %run_scoped3A, %dma_start3A_163] : memref<32x65x80xi32, #tpu.memory_space<hbm>> -> memref<1x1x80xi32, #tpu.memory_space<hbm>>
      %dma_start3A_165 = tpu.memref_squeeze %dma_start3A_164 : memref<1x1x80xi32, #tpu.memory_space<hbm>> -> memref<80xi32, #tpu.memory_space<hbm>>
      %dma_start3A_166 = arith.constant 0 : i32
      %dma_start3A_167 = tpu.memref_slice %arg9[%run_scoped3A_3, %dma_start3A_166] : memref<4x80xi32, #tpu.memory_space<vmem>> -> memref<1x80xi32, #tpu.memory_space<vmem>>
      %dma_start3A_168 = tpu.memref_squeeze %dma_start3A_167 : memref<1x80xi32, #tpu.memory_space<vmem>> -> memref<80xi32, #tpu.memory_space<vmem>>
      %dma_start3A_169 = arith.constant 0 : i32
      %dma_start3A_170 = tpu.memref_slice %arg4[%add3A, %run_scoped3A, %dma_start3A_169] : memref<32x65x80xi32, #tpu.memory_space<hbm>> -> memref<1x1x80xi32, #tpu.memory_space<hbm>>
      %dma_start3A_171 = tpu.memref_squeeze %dma_start3A_170 : memref<1x1x80xi32, #tpu.memory_space<hbm>> -> memref<80xi32, #tpu.memory_space<hbm>>
      tpu.enqueue_dma source(%dma_start3A_171 : memref<80xi32, #tpu.memory_space<hbm>>) target(%dma_start3A_168 : memref<80xi32, #tpu.memory_space<vmem>>) target_semaphore(%run_scoped3A_159 : memref<!tpu.dma_semaphore, #tpu.memory_space<semaphore_mem>>)
      %dma_wait3A_172 = arith.constant 0 : i32
      %dma_wait3A_173 = tpu.memref_slice %arg9[%run_scoped3A_3, %dma_wait3A_172] : memref<4x80xi32, #tpu.memory_space<vmem>> -> memref<1x80xi32, #tpu.memory_space<vmem>>
      %dma_wait3A_174 = tpu.memref_squeeze %dma_wait3A_173 : memref<1x80xi32, #tpu.memory_space<vmem>> -> memref<80xi32, #tpu.memory_space<vmem>>
      %dma_wait3A_175 = arith.constant 0 : i32
      %dma_wait3A_176 = tpu.memref_slice %arg4[%add3A, %run_scoped3A, %dma_wait3A_175] : memref<32x65x80xi32, #tpu.memory_space<hbm>> -> memref<1x1x80xi32, #tpu.memory_space<hbm>>
      %dma_wait3A_177 = tpu.memref_squeeze %dma_wait3A_176 : memref<1x1x80xi32, #tpu.memory_space<hbm>> -> memref<80xi32, #tpu.memory_space<hbm>>
      %dma_wait3A_178 = arith.constant 0 : i32
      %dma_wait3A_179 = tpu.memref_slice %arg9[%run_scoped3A_3, %dma_wait3A_178] : memref<4x80xi32, #tpu.memory_space<vmem>> -> memref<1x80xi32, #tpu.memory_space<vmem>>
      %dma_wait3A_180 = tpu.memref_squeeze %dma_wait3A_179 : memref<1x80xi32, #tpu.memory_space<vmem>> -> memref<80xi32, #tpu.memory_space<vmem>>
      %dma_wait3A_181 = arith.constant 0 : i32
      %dma_wait3A_182 = tpu.memref_slice %arg4[%add3A, %run_scoped3A, %dma_wait3A_181] : memref<32x65x80xi32, #tpu.memory_space<hbm>> -> memref<1x1x80xi32, #tpu.memory_space<hbm>>
      %dma_wait3A_183 = tpu.memref_squeeze %dma_wait3A_182 : memref<1x1x80xi32, #tpu.memory_space<hbm>> -> memref<80xi32, #tpu.memory_space<hbm>>
      tpu.wait_dma2 semaphore(%run_scoped3A_159 : memref<!tpu.dma_semaphore, #tpu.memory_space<semaphore_mem>>) src(%dma_wait3A_183 : memref<80xi32, #tpu.memory_space<hbm>>) dst(%dma_wait3A_180 : memref<80xi32, #tpu.memory_space<vmem>>)
      tpu.yield
    }) : () -> ()
    %run_scoped3A_4 = arith.constant 0 : i32
    %run_scoped3A_5 = arith.constant 0 : i32
    "tpu.region"() ({
      %run_scoped3A_159 = tpu.sem_alloc : memref<!tpu.dma_semaphore, #tpu.memory_space<semaphore_mem>>
      %dma_start3A_160 = arith.constant 0 : i32
      %dma_start3A_161 = tpu.memref_slice %arg10[%run_scoped3A_5, %dma_start3A_160] : memref<4x80xi32, #tpu.memory_space<vmem>> -> memref<1x80xi32, #tpu.memory_space<vmem>>
      %dma_start3A_162 = tpu.memref_squeeze %dma_start3A_161 : memref<1x80xi32, #tpu.memory_space<vmem>> -> memref<80xi32, #tpu.memory_space<vmem>>
      %dma_start3A_163 = arith.constant 0 : i32
      %dma_start3A_164 = tpu.memref_slice %arg5[%add3A, %run_scoped3A_4, %dma_start3A_163] : memref<32x65x80xi32, #tpu.memory_space<hbm>> -> memref<1x1x80xi32, #tpu.memory_space<hbm>>
      %dma_start3A_165 = tpu.memref_squeeze %dma_start3A_164 : memref<1x1x80xi32, #tpu.memory_space<hbm>> -> memref<80xi32, #tpu.memory_space<hbm>>
      %dma_start3A_166 = arith.constant 0 : i32
      %dma_start3A_167 = tpu.memref_slice %arg10[%run_scoped3A_5, %dma_start3A_166] : memref<4x80xi32, #tpu.memory_space<vmem>> -> memref<1x80xi32, #tpu.memory_space<vmem>>
      %dma_start3A_168 = tpu.memref_squeeze %dma_start3A_167 : memref<1x80xi32, #tpu.memory_space<vmem>> -> memref<80xi32, #tpu.memory_space<vmem>>
      %dma_start3A_169 = arith.constant 0 : i32
      %dma_start3A_170 = tpu.memref_slice %arg5[%add3A, %run_scoped3A_4, %dma_start3A_169] : memref<32x65x80xi32, #tpu.memory_space<hbm>> -> memref<1x1x80xi32, #tpu.memory_space<hbm>>
      %dma_start3A_171 = tpu.memref_squeeze %dma_start3A_170 : memref<1x1x80xi32, #tpu.memory_space<hbm>> -> memref<80xi32, #tpu.memory_space<hbm>>
      tpu.enqueue_dma source(%dma_start3A_171 : memref<80xi32, #tpu.memory_space<hbm>>) target(%dma_start3A_168 : memref<80xi32, #tpu.memory_space<vmem>>) target_semaphore(%run_scoped3A_159 : memref<!tpu.dma_semaphore, #tpu.memory_space<semaphore_mem>>)
      %dma_wait3A_172 = arith.constant 0 : i32
      %dma_wait3A_173 = tpu.memref_slice %arg10[%run_scoped3A_5, %dma_wait3A_172] : memref<4x80xi32, #tpu.memory_space<vmem>> -> memref<1x80xi32, #tpu.memory_space<vmem>>
      %dma_wait3A_174 = tpu.memref_squeeze %dma_wait3A_173 : memref<1x80xi32, #tpu.memory_space<vmem>> -> memref<80xi32, #tpu.memory_space<vmem>>
      %dma_wait3A_175 = arith.constant 0 : i32
      %dma_wait3A_176 = tpu.memref_slice %arg5[%add3A, %run_scoped3A_4, %dma_wait3A_175] : memref<32x65x80xi32, #tpu.memory_space<hbm>> -> memref<1x1x80xi32, #tpu.memory_space<hbm>>
      %dma_wait3A_177 = tpu.memref_squeeze %dma_wait3A_176 : memref<1x1x80xi32, #tpu.memory_space<hbm>> -> memref<80xi32, #tpu.memory_space<hbm>>
      %dma_wait3A_178 = arith.constant 0 : i32
      %dma_wait3A_179 = tpu.memref_slice %arg10[%run_scoped3A_5, %dma_wait3A_178] : memref<4x80xi32, #tpu.memory_space<vmem>> -> memref<1x80xi32, #tpu.memory_space<vmem>>
      %dma_wait3A_180 = tpu.memref_squeeze %dma_wait3A_179 : memref<1x80xi32, #tpu.memory_space<vmem>> -> memref<80xi32, #tpu.memory_space<vmem>>
      %dma_wait3A_181 = arith.constant 0 : i32
      %dma_wait3A_182 = tpu.memref_slice %arg5[%add3A, %run_scoped3A_4, %dma_wait3A_181] : memref<32x65x80xi32, #tpu.memory_space<hbm>> -> memref<1x1x80xi32, #tpu.memory_space<hbm>>
      %dma_wait3A_183 = tpu.memref_squeeze %dma_wait3A_182 : memref<1x1x80xi32, #tpu.memory_space<hbm>> -> memref<80xi32, #tpu.memory_space<hbm>>
      tpu.wait_dma2 semaphore(%run_scoped3A_159 : memref<!tpu.dma_semaphore, #tpu.memory_space<semaphore_mem>>) src(%dma_wait3A_183 : memref<80xi32, #tpu.memory_space<hbm>>) dst(%dma_wait3A_180 : memref<80xi32, #tpu.memory_space<vmem>>)
      tpu.yield
    }) : () -> ()
    %and3A = arith.constant 0 : i32
    %and3A_6 = arith.constant 1 : i32
    %and3A_7 = arith.andi %and3A, %and3A_6 : i32
    %and3A_8 = arith.constant 0 : i32
    %and3A_9 = arith.constant 3 : i32
    %and3A_10 = arith.andi %and3A_8, %and3A_9 : i32
    %mul3A_11 = arith.constant 5200 : i32
    %mul3A_12 = arith.muli %add3A, %mul3A_11 : i32
    %add3A_13 = arith.constant 0 : i32
    %add3A_14 = arith.addi %mul3A_12, %add3A_13 : i32
    %dma_start3A = arith.constant 0 : i32
    %dma_start3A_15 = arith.constant 0 : i32
    %dma_start3A_16 = tpu.memref_slice %arg11[%and3A_7, %dma_start3A, %dma_start3A_15] : memref<2x80x128xf32, #tpu.memory_space<vmem>> -> memref<1x80x128xf32, #tpu.memory_space<vmem>>
    %dma_start3A_17 = tpu.memref_squeeze %dma_start3A_16 : memref<1x80x128xf32, #tpu.memory_space<vmem>> -> memref<80x128xf32, #tpu.memory_space<vmem>>
    %dma_start3A_18 = arith.constant 0 : i32
    %dma_start3A_19 = tpu.memref_slice %arg9[%and3A_10, %dma_start3A_18] : memref<4x80xi32, #tpu.memory_space<vmem>> -> memref<1x80xi32, #tpu.memory_space<vmem>>
    %dma_start3A_20 = tpu.memref_squeeze %dma_start3A_19 : memref<1x80xi32, #tpu.memory_space<vmem>> -> memref<80xi32, #tpu.memory_space<vmem>>
    %dma_start3A_21 = arith.constant 0 : i32
    %dma_start3A_22 = arith.constant 0 : i32
    %dma_start3A_23 = tpu.memref_slice %arg2[%dma_start3A_21, %dma_start3A_22] : memref<10000x128xf32, #tpu.memory_space<hbm>> -> memref<10000x128xf32, #tpu.memory_space<hbm>>
    %dma_start3A_24 = tpu.memref_slice %arg15[%and3A_7] : memref<2x!tpu.dma_semaphore, #tpu.memory_space<semaphore_mem>> -> memref<1x!tpu.dma_semaphore, #tpu.memory_space<semaphore_mem>>
    %dma_start3A_25 = tpu.memref_squeeze %dma_start3A_24 : memref<1x!tpu.dma_semaphore, #tpu.memory_space<semaphore_mem>> -> memref<!tpu.dma_semaphore, #tpu.memory_space<semaphore_mem>>
    tpu.enqueue_indirect_dma source(%dma_start3A_23 : memref<10000x128xf32, #tpu.memory_space<hbm>>) target(%dma_start3A_17 : memref<80x128xf32, #tpu.memory_space<vmem>>) offsets(%dma_start3A_20 : memref<80xi32, #tpu.memory_space<vmem>>) semaphore(%dma_start3A_25 : memref<!tpu.dma_semaphore, #tpu.memory_space<semaphore_mem>>)
    %dma_start3A_26 = arith.constant 0 : i32
    %dma_start3A_27 = arith.constant 0 : i32
    %dma_start3A_28 = tpu.memref_slice %arg12[%and3A_7, %dma_start3A_26, %dma_start3A_27] : memref<2x80x64xi32, #tpu.memory_space<vmem>> -> memref<1x80x64xi32, #tpu.memory_space<vmem>>
    %dma_start3A_29 = tpu.memref_squeeze %dma_start3A_28 : memref<1x80x64xi32, #tpu.memory_space<vmem>> -> memref<80x64xi32, #tpu.memory_space<vmem>>
    %dma_start3A_30 = arith.constant 0 : i32
    %dma_start3A_31 = tpu.memref_slice %arg3[%add3A_14, %dma_start3A_30] : memref<166400x64xi32, #tpu.memory_space<hbm>> -> memref<80x64xi32, #tpu.memory_space<hbm>>
    %dma_start3A_32 = tpu.memref_slice %arg16[%and3A_7] : memref<2x!tpu.dma_semaphore, #tpu.memory_space<semaphore_mem>> -> memref<1x!tpu.dma_semaphore, #tpu.memory_space<semaphore_mem>>
    %dma_start3A_33 = tpu.memref_squeeze %dma_start3A_32 : memref<1x!tpu.dma_semaphore, #tpu.memory_space<semaphore_mem>> -> memref<!tpu.dma_semaphore, #tpu.memory_space<semaphore_mem>>
    %dma_start3A_34 = arith.constant 0 : i32
    %dma_start3A_35 = arith.constant 0 : i32
    %dma_start3A_36 = tpu.memref_slice %arg12[%and3A_7, %dma_start3A_34, %dma_start3A_35] : memref<2x80x64xi32, #tpu.memory_space<vmem>> -> memref<1x80x64xi32, #tpu.memory_space<vmem>>
    %dma_start3A_37 = tpu.memref_squeeze %dma_start3A_36 : memref<1x80x64xi32, #tpu.memory_space<vmem>> -> memref<80x64xi32, #tpu.memory_space<vmem>>
    %dma_start3A_38 = arith.constant 0 : i32
    %dma_start3A_39 = tpu.memref_slice %arg3[%add3A_14, %dma_start3A_38] : memref<166400x64xi32, #tpu.memory_space<hbm>> -> memref<80x64xi32, #tpu.memory_space<hbm>>
    tpu.enqueue_dma source(%dma_start3A_39 : memref<80x64xi32, #tpu.memory_space<hbm>>) target(%dma_start3A_37 : memref<80x64xi32, #tpu.memory_space<vmem>>) target_semaphore(%dma_start3A_33 : memref<!tpu.dma_semaphore, #tpu.memory_space<semaphore_mem>>)
    %and3A_40 = arith.constant 1 : i32
    %and3A_41 = arith.constant 3 : i32
    %and3A_42 = arith.andi %and3A_40, %and3A_41 : i32
    %dma_start3A_43 = arith.constant 1 : i32
    %dma_start3A_44 = arith.constant 0 : i32
    %dma_start3A_45 = tpu.memref_slice %arg9[%and3A_42, %dma_start3A_44] : memref<4x80xi32, #tpu.memory_space<vmem>> -> memref<1x80xi32, #tpu.memory_space<vmem>>
    %dma_start3A_46 = tpu.memref_squeeze %dma_start3A_45 : memref<1x80xi32, #tpu.memory_space<vmem>> -> memref<80xi32, #tpu.memory_space<vmem>>
    %dma_start3A_47 = arith.constant 0 : i32
    %dma_start3A_48 = tpu.memref_slice %arg4[%add3A, %dma_start3A_43, %dma_start3A_47] : memref<32x65x80xi32, #tpu.memory_space<hbm>> -> memref<1x1x80xi32, #tpu.memory_space<hbm>>
    %dma_start3A_49 = tpu.memref_squeeze %dma_start3A_48 : memref<1x1x80xi32, #tpu.memory_space<hbm>> -> memref<80xi32, #tpu.memory_space<hbm>>
    %dma_start3A_50 = tpu.memref_slice %arg14[%and3A_42] : memref<4x!tpu.dma_semaphore, #tpu.memory_space<semaphore_mem>> -> memref<1x!tpu.dma_semaphore, #tpu.memory_space<semaphore_mem>>
    %dma_start3A_51 = tpu.memref_squeeze %dma_start3A_50 : memref<1x!tpu.dma_semaphore, #tpu.memory_space<semaphore_mem>> -> memref<!tpu.dma_semaphore, #tpu.memory_space<semaphore_mem>>
    %dma_start3A_52 = arith.constant 0 : i32
    %dma_start3A_53 = tpu.memref_slice %arg9[%and3A_42, %dma_start3A_52] : memref<4x80xi32, #tpu.memory_space<vmem>> -> memref<1x80xi32, #tpu.memory_space<vmem>>
    %dma_start3A_54 = tpu.memref_squeeze %dma_start3A_53 : memref<1x80xi32, #tpu.memory_space<vmem>> -> memref<80xi32, #tpu.memory_space<vmem>>
    %dma_start3A_55 = arith.constant 0 : i32
    %dma_start3A_56 = tpu.memref_slice %arg4[%add3A, %dma_start3A_43, %dma_start3A_55] : memref<32x65x80xi32, #tpu.memory_space<hbm>> -> memref<1x1x80xi32, #tpu.memory_space<hbm>>
    %dma_start3A_57 = tpu.memref_squeeze %dma_start3A_56 : memref<1x1x80xi32, #tpu.memory_space<hbm>> -> memref<80xi32, #tpu.memory_space<hbm>>
    tpu.enqueue_dma source(%dma_start3A_57 : memref<80xi32, #tpu.memory_space<hbm>>) target(%dma_start3A_54 : memref<80xi32, #tpu.memory_space<vmem>>) target_semaphore(%dma_start3A_51 : memref<!tpu.dma_semaphore, #tpu.memory_space<semaphore_mem>>)
    %dma_start3A_58 = arith.constant 1 : i32
    %dma_start3A_59 = arith.constant 0 : i32
    %dma_start3A_60 = tpu.memref_slice %arg10[%and3A_42, %dma_start3A_59] : memref<4x80xi32, #tpu.memory_space<vmem>> -> memref<1x80xi32, #tpu.memory_space<vmem>>
    %dma_start3A_61 = tpu.memref_squeeze %dma_start3A_60 : memref<1x80xi32, #tpu.memory_space<vmem>> -> memref<80xi32, #tpu.memory_space<vmem>>
    %dma_start3A_62 = arith.constant 0 : i32
    %dma_start3A_63 = tpu.memref_slice %arg5[%add3A, %dma_start3A_58, %dma_start3A_62] : memref<32x65x80xi32, #tpu.memory_space<hbm>> -> memref<1x1x80xi32, #tpu.memory_space<hbm>>
    %dma_start3A_64 = tpu.memref_squeeze %dma_start3A_63 : memref<1x1x80xi32, #tpu.memory_space<hbm>> -> memref<80xi32, #tpu.memory_space<hbm>>
    %dma_start3A_65 = tpu.memref_slice %arg14[%and3A_42] : memref<4x!tpu.dma_semaphore, #tpu.memory_space<semaphore_mem>> -> memref<1x!tpu.dma_semaphore, #tpu.memory_space<semaphore_mem>>
    %dma_start3A_66 = tpu.memref_squeeze %dma_start3A_65 : memref<1x!tpu.dma_semaphore, #tpu.memory_space<semaphore_mem>> -> memref<!tpu.dma_semaphore, #tpu.memory_space<semaphore_mem>>
    %dma_start3A_67 = arith.constant 0 : i32
    %dma_start3A_68 = tpu.memref_slice %arg10[%and3A_42, %dma_start3A_67] : memref<4x80xi32, #tpu.memory_space<vmem>> -> memref<1x80xi32, #tpu.memory_space<vmem>>
    %dma_start3A_69 = tpu.memref_squeeze %dma_start3A_68 : memref<1x80xi32, #tpu.memory_space<vmem>> -> memref<80xi32, #tpu.memory_space<vmem>>
    %dma_start3A_70 = arith.constant 0 : i32
    %dma_start3A_71 = tpu.memref_slice %arg5[%add3A, %dma_start3A_58, %dma_start3A_70] : memref<32x65x80xi32, #tpu.memory_space<hbm>> -> memref<1x1x80xi32, #tpu.memory_space<hbm>>
    %dma_start3A_72 = tpu.memref_squeeze %dma_start3A_71 : memref<1x1x80xi32, #tpu.memory_space<hbm>> -> memref<80xi32, #tpu.memory_space<hbm>>
    tpu.enqueue_dma source(%dma_start3A_72 : memref<80xi32, #tpu.memory_space<hbm>>) target(%dma_start3A_69 : memref<80xi32, #tpu.memory_space<vmem>>) target_semaphore(%dma_start3A_66 : memref<!tpu.dma_semaphore, #tpu.memory_space<semaphore_mem>>)
    %scan3A = arith.constant 0 : i32
    %scan3A_73 = arith.constant 0 : i32
    %scan3A_74 = arith.constant 65 : i32
    %scan3A_75 = arith.addi %scan3A_73, %scan3A_74 : i32
    %scan3A_76 = arith.constant 1 : i32
    scf.for %scan3A_159 = %scan3A_73 to %scan3A_75 step %scan3A_76  : i32 {
      %and3A_160 = arith.constant 1 : i32
      %and3A_161 = arith.andi %scan3A_159, %and3A_160 : i32
      %add3A_162 = arith.constant 1 : i32
      %add3A_163 = arith.addi %scan3A_159, %add3A_162 : i32
      %and3A_164 = arith.constant 1 : i32
      %and3A_165 = arith.andi %add3A_163, %and3A_164 : i32
      %and3A_166 = arith.constant 3 : i32
      %and3A_167 = arith.andi %scan3A_159, %and3A_166 : i32
      %add3A_168 = arith.constant 1 : i32
      %add3A_169 = arith.addi %scan3A_159, %add3A_168 : i32
      %and3A_170 = arith.constant 3 : i32
      %and3A_171 = arith.andi %add3A_169, %and3A_170 : i32
      %lt3A_172 = arith.constant 64 : i32
      %lt3A_173 = arith.cmpi slt, %scan3A_159, %lt3A_172 : i32
      %convert_element_type3A_174 = arith.extui %lt3A_173 : i1 to i32
      %cond3A_175 = arith.constant 0 : i32
      %cond3A_176 = arith.cmpi ne, %convert_element_type3A_174, %cond3A_175 : i32
      scf.if %cond3A_176 {
        %dma_wait3A_251 = arith.constant 0 : i32
        %dma_wait3A_252 = arith.constant 0 : i32
        %dma_wait3A_253 = tpu.memref_slice %arg9[%and3A_171, %dma_wait3A_252] : memref<4x80xi32, #tpu.memory_space<vmem>> -> memref<1x80xi32, #tpu.memory_space<vmem>>
        %dma_wait3A_254 = tpu.memref_squeeze %dma_wait3A_253 : memref<1x80xi32, #tpu.memory_space<vmem>> -> memref<80xi32, #tpu.memory_space<vmem>>
        %dma_wait3A_255 = arith.constant 0 : i32
        %dma_wait3A_256 = tpu.memref_slice %arg4[%add3A, %dma_wait3A_251, %dma_wait3A_255] : memref<32x65x80xi32, #tpu.memory_space<hbm>> -> memref<1x1x80xi32, #tpu.memory_space<hbm>>
        %dma_wait3A_257 = tpu.memref_squeeze %dma_wait3A_256 : memref<1x1x80xi32, #tpu.memory_space<hbm>> -> memref<80xi32, #tpu.memory_space<hbm>>
        %dma_wait3A_258 = tpu.memref_slice %arg14[%and3A_171] : memref<4x!tpu.dma_semaphore, #tpu.memory_space<semaphore_mem>> -> memref<1x!tpu.dma_semaphore, #tpu.memory_space<semaphore_mem>>
        %dma_wait3A_259 = tpu.memref_squeeze %dma_wait3A_258 : memref<1x!tpu.dma_semaphore, #tpu.memory_space<semaphore_mem>> -> memref<!tpu.dma_semaphore, #tpu.memory_space<semaphore_mem>>
        %dma_wait3A_260 = arith.constant 0 : i32
        %dma_wait3A_261 = tpu.memref_slice %arg9[%and3A_171, %dma_wait3A_260] : memref<4x80xi32, #tpu.memory_space<vmem>> -> memref<1x80xi32, #tpu.memory_space<vmem>>
        %dma_wait3A_262 = tpu.memref_squeeze %dma_wait3A_261 : memref<1x80xi32, #tpu.memory_space<vmem>> -> memref<80xi32, #tpu.memory_space<vmem>>
        %dma_wait3A_263 = arith.constant 0 : i32
        %dma_wait3A_264 = tpu.memref_slice %arg4[%add3A, %dma_wait3A_251, %dma_wait3A_263] : memref<32x65x80xi32, #tpu.memory_space<hbm>> -> memref<1x1x80xi32, #tpu.memory_space<hbm>>
        %dma_wait3A_265 = tpu.memref_squeeze %dma_wait3A_264 : memref<1x1x80xi32, #tpu.memory_space<hbm>> -> memref<80xi32, #tpu.memory_space<hbm>>
        tpu.wait_dma2 semaphore(%dma_wait3A_259 : memref<!tpu.dma_semaphore, #tpu.memory_space<semaphore_mem>>) src(%dma_wait3A_265 : memref<80xi32, #tpu.memory_space<hbm>>) dst(%dma_wait3A_262 : memref<80xi32, #tpu.memory_space<vmem>>)
        %dma_wait3A_266 = arith.constant 0 : i32
        %dma_wait3A_267 = arith.constant 0 : i32
        %dma_wait3A_268 = tpu.memref_slice %arg10[%and3A_171, %dma_wait3A_267] : memref<4x80xi32, #tpu.memory_space<vmem>> -> memref<1x80xi32, #tpu.memory_space<vmem>>
        %dma_wait3A_269 = tpu.memref_squeeze %dma_wait3A_268 : memref<1x80xi32, #tpu.memory_space<vmem>> -> memref<80xi32, #tpu.memory_space<vmem>>
        %dma_wait3A_270 = arith.constant 0 : i32
        %dma_wait3A_271 = tpu.memref_slice %arg4[%add3A, %dma_wait3A_266, %dma_wait3A_270] : memref<32x65x80xi32, #tpu.memory_space<hbm>> -> memref<1x1x80xi32, #tpu.memory_space<hbm>>
        %dma_wait3A_272 = tpu.memref_squeeze %dma_wait3A_271 : memref<1x1x80xi32, #tpu.memory_space<hbm>> -> memref<80xi32, #tpu.memory_space<hbm>>
        %dma_wait3A_273 = tpu.memref_slice %arg14[%and3A_171] : memref<4x!tpu.dma_semaphore, #tpu.memory_space<semaphore_mem>> -> memref<1x!tpu.dma_semaphore, #tpu.memory_space<semaphore_mem>>
        %dma_wait3A_274 = tpu.memref_squeeze %dma_wait3A_273 : memref<1x!tpu.dma_semaphore, #tpu.memory_space<semaphore_mem>> -> memref<!tpu.dma_semaphore, #tpu.memory_space<semaphore_mem>>
        %dma_wait3A_275 = arith.constant 0 : i32
        %dma_wait3A_276 = tpu.memref_slice %arg10[%and3A_171, %dma_wait3A_275] : memref<4x80xi32, #tpu.memory_space<vmem>> -> memref<1x80xi32, #tpu.memory_space<vmem>>
        %dma_wait3A_277 = tpu.memref_squeeze %dma_wait3A_276 : memref<1x80xi32, #tpu.memory_space<vmem>> -> memref<80xi32, #tpu.memory_space<vmem>>
        %dma_wait3A_278 = arith.constant 0 : i32
        %dma_wait3A_279 = tpu.memref_slice %arg4[%add3A, %dma_wait3A_266, %dma_wait3A_278] : memref<32x65x80xi32, #tpu.memory_space<hbm>> -> memref<1x1x80xi32, #tpu.memory_space<hbm>>
        %dma_wait3A_280 = tpu.memref_squeeze %dma_wait3A_279 : memref<1x1x80xi32, #tpu.memory_space<hbm>> -> memref<80xi32, #tpu.memory_space<hbm>>
        tpu.wait_dma2 semaphore(%dma_wait3A_274 : memref<!tpu.dma_semaphore, #tpu.memory_space<semaphore_mem>>) src(%dma_wait3A_280 : memref<80xi32, #tpu.memory_space<hbm>>) dst(%dma_wait3A_277 : memref<80xi32, #tpu.memory_space<vmem>>)
        %gt3A = arith.constant 0 : i32
        %gt3A_281 = arith.cmpi sgt, %scan3A_159, %gt3A : i32
        %convert_element_type3A_282 = arith.extui %gt3A_281 : i1 to i32
        %cond3A_283 = arith.constant 0 : i32
        %cond3A_284 = arith.cmpi ne, %convert_element_type3A_282, %cond3A_283 : i32
        scf.if %cond3A_284 {
          %dma_wait3A_322 = arith.constant 0 : i32
          %dma_wait3A_323 = arith.constant 0 : i32
          %dma_wait3A_324 = tpu.memref_slice %arg11[%and3A_165, %dma_wait3A_322, %dma_wait3A_323] : memref<2x80x128xf32, #tpu.memory_space<vmem>> -> memref<1x80x128xf32, #tpu.memory_space<vmem>>
          %dma_wait3A_325 = tpu.memref_squeeze %dma_wait3A_324 : memref<1x80x128xf32, #tpu.memory_space<vmem>> -> memref<80x128xf32, #tpu.memory_space<vmem>>
          %dma_wait3A_326 = arith.constant 0 : i32
          %dma_wait3A_327 = arith.constant 0 : i32
          %dma_wait3A_328 = tpu.memref_slice %arg6[%dma_wait3A_326, %dma_wait3A_327] : memref<10000x128xf32, #tpu.memory_space<hbm>> -> memref<80x128xf32, #tpu.memory_space<hbm>>
          %dma_wait3A_329 = tpu.memref_slice %arg17[%and3A_165] : memref<2x!tpu.dma_semaphore, #tpu.memory_space<semaphore_mem>> -> memref<1x!tpu.dma_semaphore, #tpu.memory_space<semaphore_mem>>
          %dma_wait3A_330 = tpu.memref_squeeze %dma_wait3A_329 : memref<1x!tpu.dma_semaphore, #tpu.memory_space<semaphore_mem>> -> memref<!tpu.dma_semaphore, #tpu.memory_space<semaphore_mem>>
          %dma_wait3A_331 = arith.constant 0 : i32
          %dma_wait3A_332 = arith.constant 0 : i32
          %dma_wait3A_333 = tpu.memref_slice %arg11[%and3A_165, %dma_wait3A_331, %dma_wait3A_332] : memref<2x80x128xf32, #tpu.memory_space<vmem>> -> memref<1x80x128xf32, #tpu.memory_space<vmem>>
          %dma_wait3A_334 = tpu.memref_squeeze %dma_wait3A_333 : memref<1x80x128xf32, #tpu.memory_space<vmem>> -> memref<80x128xf32, #tpu.memory_space<vmem>>
          %dma_wait3A_335 = arith.constant 0 : i32
          %dma_wait3A_336 = arith.constant 0 : i32
          %dma_wait3A_337 = tpu.memref_slice %arg6[%dma_wait3A_335, %dma_wait3A_336] : memref<10000x128xf32, #tpu.memory_space<hbm>> -> memref<80x128xf32, #tpu.memory_space<hbm>>
          tpu.wait_dma2 semaphore(%dma_wait3A_330 : memref<!tpu.dma_semaphore, #tpu.memory_space<semaphore_mem>>) src(%dma_wait3A_337 : memref<80x128xf32, #tpu.memory_space<hbm>>) dst(%dma_wait3A_334 : memref<80x128xf32, #tpu.memory_space<vmem>>)
          %dma_wait3A_338 = arith.constant 0 : i32
          %dma_wait3A_339 = arith.constant 0 : i32
          %dma_wait3A_340 = tpu.memref_slice %arg11[%and3A_165, %dma_wait3A_338, %dma_wait3A_339] : memref<2x80x128xf32, #tpu.memory_space<vmem>> -> memref<1x80x128xf32, #tpu.memory_space<vmem>>
          %dma_wait3A_341 = tpu.memref_squeeze %dma_wait3A_340 : memref<1x80x128xf32, #tpu.memory_space<vmem>> -> memref<80x128xf32, #tpu.memory_space<vmem>>
          %dma_wait3A_342 = arith.constant 0 : i32
          %dma_wait3A_343 = arith.constant 0 : i32
          %dma_wait3A_344 = tpu.memref_slice %arg6[%dma_wait3A_342, %dma_wait3A_343] : memref<10000x128xf32, #tpu.memory_space<hbm>> -> memref<80x128xf32, #tpu.memory_space<hbm>>
          %dma_wait3A_345 = tpu.memref_slice %arg18[%and3A_165] : memref<2x!tpu.dma_semaphore, #tpu.memory_space<semaphore_mem>> -> memref<1x!tpu.dma_semaphore, #tpu.memory_space<semaphore_mem>>
          %dma_wait3A_346 = tpu.memref_squeeze %dma_wait3A_345 : memref<1x!tpu.dma_semaphore, #tpu.memory_space<semaphore_mem>> -> memref<!tpu.dma_semaphore, #tpu.memory_space<semaphore_mem>>
          %dma_wait3A_347 = arith.constant 0 : i32
          %dma_wait3A_348 = arith.constant 0 : i32
          %dma_wait3A_349 = tpu.memref_slice %arg11[%and3A_165, %dma_wait3A_347, %dma_wait3A_348] : memref<2x80x128xf32, #tpu.memory_space<vmem>> -> memref<1x80x128xf32, #tpu.memory_space<vmem>>
          %dma_wait3A_350 = tpu.memref_squeeze %dma_wait3A_349 : memref<1x80x128xf32, #tpu.memory_space<vmem>> -> memref<80x128xf32, #tpu.memory_space<vmem>>
          %dma_wait3A_351 = arith.constant 0 : i32
          %dma_wait3A_352 = arith.constant 0 : i32
          %dma_wait3A_353 = tpu.memref_slice %arg6[%dma_wait3A_351, %dma_wait3A_352] : memref<10000x128xf32, #tpu.memory_space<hbm>> -> memref<80x128xf32, #tpu.memory_space<hbm>>
          tpu.wait_dma2 semaphore(%dma_wait3A_346 : memref<!tpu.dma_semaphore, #tpu.memory_space<semaphore_mem>>) src(%dma_wait3A_353 : memref<80x128xf32, #tpu.memory_space<hbm>>) dst(%dma_wait3A_350 : memref<80x128xf32, #tpu.memory_space<vmem>>)
        } else {
        }
        %add3A_285 = arith.constant 1 : i32
        %add3A_286 = arith.addi %scan3A_159, %add3A_285 : i32
        %and3A_287 = arith.constant 1 : i32
        %and3A_288 = arith.andi %add3A_286, %and3A_287 : i32
        %and3A_289 = arith.constant 3 : i32
        %and3A_290 = arith.andi %add3A_286, %and3A_289 : i32
        %mul3A_291 = arith.constant 5200 : i32
        %mul3A_292 = arith.muli %add3A, %mul3A_291 : i32
        %mul3A_293 = arith.constant 80 : i32
        %mul3A_294 = arith.muli %add3A_286, %mul3A_293 : i32
        %add3A_295 = arith.addi %mul3A_292, %mul3A_294 : i32
        %dma_start3A_296 = arith.constant 0 : i32
        %dma_start3A_297 = arith.constant 0 : i32
        %dma_start3A_298 = tpu.memref_slice %arg11[%and3A_288, %dma_start3A_296, %dma_start3A_297] : memref<2x80x128xf32, #tpu.memory_space<vmem>> -> memref<1x80x128xf32, #tpu.memory_space<vmem>>
        %dma_start3A_299 = tpu.memref_squeeze %dma_start3A_298 : memref<1x80x128xf32, #tpu.memory_space<vmem>> -> memref<80x128xf32, #tpu.memory_space<vmem>>
        %dma_start3A_300 = arith.constant 0 : i32
        %dma_start3A_301 = tpu.memref_slice %arg9[%and3A_290, %dma_start3A_300] : memref<4x80xi32, #tpu.memory_space<vmem>> -> memref<1x80xi32, #tpu.memory_space<vmem>>
        %dma_start3A_302 = tpu.memref_squeeze %dma_start3A_301 : memref<1x80xi32, #tpu.memory_space<vmem>> -> memref<80xi32, #tpu.memory_space<vmem>>
        %dma_start3A_303 = arith.constant 0 : i32
        %dma_start3A_304 = arith.constant 0 : i32
        %dma_start3A_305 = tpu.memref_slice %arg2[%dma_start3A_303, %dma_start3A_304] : memref<10000x128xf32, #tpu.memory_space<hbm>> -> memref<10000x128xf32, #tpu.memory_space<hbm>>
        %dma_start3A_306 = tpu.memref_slice %arg15[%and3A_288] : memref<2x!tpu.dma_semaphore, #tpu.memory_space<semaphore_mem>> -> memref<1x!tpu.dma_semaphore, #tpu.memory_space<semaphore_mem>>
        %dma_start3A_307 = tpu.memref_squeeze %dma_start3A_306 : memref<1x!tpu.dma_semaphore, #tpu.memory_space<semaphore_mem>> -> memref<!tpu.dma_semaphore, #tpu.memory_space<semaphore_mem>>
        tpu.enqueue_indirect_dma source(%dma_start3A_305 : memref<10000x128xf32, #tpu.memory_space<hbm>>) target(%dma_start3A_299 : memref<80x128xf32, #tpu.memory_space<vmem>>) offsets(%dma_start3A_302 : memref<80xi32, #tpu.memory_space<vmem>>) semaphore(%dma_start3A_307 : memref<!tpu.dma_semaphore, #tpu.memory_space<semaphore_mem>>)
        %dma_start3A_308 = arith.constant 0 : i32
        %dma_start3A_309 = arith.constant 0 : i32
        %dma_start3A_310 = tpu.memref_slice %arg12[%and3A_288, %dma_start3A_308, %dma_start3A_309] : memref<2x80x64xi32, #tpu.memory_space<vmem>> -> memref<1x80x64xi32, #tpu.memory_space<vmem>>
        %dma_start3A_311 = tpu.memref_squeeze %dma_start3A_310 : memref<1x80x64xi32, #tpu.memory_space<vmem>> -> memref<80x64xi32, #tpu.memory_space<vmem>>
        %dma_start3A_312 = arith.constant 0 : i32
        %dma_start3A_313 = tpu.memref_slice %arg3[%add3A_295, %dma_start3A_312] : memref<166400x64xi32, #tpu.memory_space<hbm>> -> memref<80x64xi32, #tpu.memory_space<hbm>>
        %dma_start3A_314 = tpu.memref_slice %arg16[%and3A_288] : memref<2x!tpu.dma_semaphore, #tpu.memory_space<semaphore_mem>> -> memref<1x!tpu.dma_semaphore, #tpu.memory_space<semaphore_mem>>
        %dma_start3A_315 = tpu.memref_squeeze %dma_start3A_314 : memref<1x!tpu.dma_semaphore, #tpu.memory_space<semaphore_mem>> -> memref<!tpu.dma_semaphore, #tpu.memory_space<semaphore_mem>>
        %dma_start3A_316 = arith.constant 0 : i32
        %dma_start3A_317 = arith.constant 0 : i32
        %dma_start3A_318 = tpu.memref_slice %arg12[%and3A_288, %dma_start3A_316, %dma_start3A_317] : memref<2x80x64xi32, #tpu.memory_space<vmem>> -> memref<1x80x64xi32, #tpu.memory_space<vmem>>
        %dma_start3A_319 = tpu.memref_squeeze %dma_start3A_318 : memref<1x80x64xi32, #tpu.memory_space<vmem>> -> memref<80x64xi32, #tpu.memory_space<vmem>>
        %dma_start3A_320 = arith.constant 0 : i32
        %dma_start3A_321 = tpu.memref_slice %arg3[%add3A_295, %dma_start3A_320] : memref<166400x64xi32, #tpu.memory_space<hbm>> -> memref<80x64xi32, #tpu.memory_space<hbm>>
        tpu.enqueue_dma source(%dma_start3A_321 : memref<80x64xi32, #tpu.memory_space<hbm>>) target(%dma_start3A_319 : memref<80x64xi32, #tpu.memory_space<vmem>>) target_semaphore(%dma_start3A_315 : memref<!tpu.dma_semaphore, #tpu.memory_space<semaphore_mem>>)
      } else {
      }
      %dma_wait3A_177 = arith.constant 0 : i32
      %dma_wait3A_178 = arith.constant 0 : i32
      %dma_wait3A_179 = tpu.memref_slice %arg11[%and3A_161, %dma_wait3A_177, %dma_wait3A_178] : memref<2x80x128xf32, #tpu.memory_space<vmem>> -> memref<1x80x128xf32, #tpu.memory_space<vmem>>
      %dma_wait3A_180 = tpu.memref_squeeze %dma_wait3A_179 : memref<1x80x128xf32, #tpu.memory_space<vmem>> -> memref<80x128xf32, #tpu.memory_space<vmem>>
      %dma_wait3A_181 = arith.constant 0 : i32
      %dma_wait3A_182 = arith.constant 0 : i32
      %dma_wait3A_183 = tpu.memref_slice %arg6[%dma_wait3A_181, %dma_wait3A_182] : memref<10000x128xf32, #tpu.memory_space<hbm>> -> memref<80x128xf32, #tpu.memory_space<hbm>>
      %dma_wait3A_184 = tpu.memref_slice %arg15[%and3A_161] : memref<2x!tpu.dma_semaphore, #tpu.memory_space<semaphore_mem>> -> memref<1x!tpu.dma_semaphore, #tpu.memory_space<semaphore_mem>>
      %dma_wait3A_185 = tpu.memref_squeeze %dma_wait3A_184 : memref<1x!tpu.dma_semaphore, #tpu.memory_space<semaphore_mem>> -> memref<!tpu.dma_semaphore, #tpu.memory_space<semaphore_mem>>
      %dma_wait3A_186 = arith.constant 0 : i32
      %dma_wait3A_187 = arith.constant 0 : i32
      %dma_wait3A_188 = tpu.memref_slice %arg11[%and3A_161, %dma_wait3A_186, %dma_wait3A_187] : memref<2x80x128xf32, #tpu.memory_space<vmem>> -> memref<1x80x128xf32, #tpu.memory_space<vmem>>
      %dma_wait3A_189 = tpu.memref_squeeze %dma_wait3A_188 : memref<1x80x128xf32, #tpu.memory_space<vmem>> -> memref<80x128xf32, #tpu.memory_space<vmem>>
      %dma_wait3A_190 = arith.constant 0 : i32
      %dma_wait3A_191 = arith.constant 0 : i32
      %dma_wait3A_192 = tpu.memref_slice %arg6[%dma_wait3A_190, %dma_wait3A_191] : memref<10000x128xf32, #tpu.memory_space<hbm>> -> memref<80x128xf32, #tpu.memory_space<hbm>>
      tpu.wait_dma2 semaphore(%dma_wait3A_185 : memref<!tpu.dma_semaphore, #tpu.memory_space<semaphore_mem>>) src(%dma_wait3A_192 : memref<80x128xf32, #tpu.memory_space<hbm>>) dst(%dma_wait3A_189 : memref<80x128xf32, #tpu.memory_space<vmem>>)
      %dma_wait3A_193 = arith.constant 0 : i32
      %dma_wait3A_194 = arith.constant 0 : i32
      %dma_wait3A_195 = tpu.memref_slice %arg12[%and3A_161, %dma_wait3A_193, %dma_wait3A_194] : memref<2x80x64xi32, #tpu.memory_space<vmem>> -> memref<1x80x64xi32, #tpu.memory_space<vmem>>
      %dma_wait3A_196 = tpu.memref_squeeze %dma_wait3A_195 : memref<1x80x64xi32, #tpu.memory_space<vmem>> -> memref<80x64xi32, #tpu.memory_space<vmem>>
      %dma_wait3A_197 = arith.constant 0 : i32
      %dma_wait3A_198 = arith.constant 0 : i32
      %dma_wait3A_199 = tpu.memref_slice %arg3[%dma_wait3A_197, %dma_wait3A_198] : memref<166400x64xi32, #tpu.memory_space<hbm>> -> memref<80x64xi32, #tpu.memory_space<hbm>>
      %dma_wait3A_200 = tpu.memref_slice %arg16[%and3A_161] : memref<2x!tpu.dma_semaphore, #tpu.memory_space<semaphore_mem>> -> memref<1x!tpu.dma_semaphore, #tpu.memory_space<semaphore_mem>>
      %dma_wait3A_201 = tpu.memref_squeeze %dma_wait3A_200 : memref<1x!tpu.dma_semaphore, #tpu.memory_space<semaphore_mem>> -> memref<!tpu.dma_semaphore, #tpu.memory_space<semaphore_mem>>
      %dma_wait3A_202 = arith.constant 0 : i32
      %dma_wait3A_203 = arith.constant 0 : i32
      %dma_wait3A_204 = tpu.memref_slice %arg12[%and3A_161, %dma_wait3A_202, %dma_wait3A_203] : memref<2x80x64xi32, #tpu.memory_space<vmem>> -> memref<1x80x64xi32, #tpu.memory_space<vmem>>
      %dma_wait3A_205 = tpu.memref_squeeze %dma_wait3A_204 : memref<1x80x64xi32, #tpu.memory_space<vmem>> -> memref<80x64xi32, #tpu.memory_space<vmem>>
      %dma_wait3A_206 = arith.constant 0 : i32
      %dma_wait3A_207 = arith.constant 0 : i32
      %dma_wait3A_208 = tpu.memref_slice %arg3[%dma_wait3A_206, %dma_wait3A_207] : memref<166400x64xi32, #tpu.memory_space<hbm>> -> memref<80x64xi32, #tpu.memory_space<hbm>>
      tpu.wait_dma2 semaphore(%dma_wait3A_201 : memref<!tpu.dma_semaphore, #tpu.memory_space<semaphore_mem>>) src(%dma_wait3A_208 : memref<80x64xi32, #tpu.memory_space<hbm>>) dst(%dma_wait3A_205 : memref<80x64xi32, #tpu.memory_space<vmem>>)
      %scan3A_209 = arith.constant 0 : i32
      %scan3A_210 = arith.constant 0 : i32
      %scan3A_211 = arith.constant 80 : i32
      %scan3A_212 = arith.addi %scan3A_210, %scan3A_211 : i32
      %scan3A_213 = arith.constant 2 : i32
      scf.for %scan3A_251 = %scan3A_210 to %scan3A_212 step %scan3A_213  : i32 {
        %get3A = arith.index_cast %and3A_161 : i32 to index
        %get3A_252 = arith.index_cast %scan3A_251 : i32 to index
        %get3A_253 = arith.constant 0 : index
        %get3A_254 = tpu.vector_load %arg12[%get3A, %get3A_252, %get3A_253] {strides = array<i32>} : memref<2x80x64xi32, #tpu.memory_space<vmem>>, vector<1x1x16xi32>,
        %get3A_255 = vector.shape_cast %get3A_254 : vector<1x1x16xi32> to vector<16xi32>
        %shift_left3A = arith.constant 16 : i32
        %shift_left3A_256 = vector.broadcast %shift_left3A : i32 to vector<16xi32>
        %shift_left3A_257 = arith.shli %get3A_255, %shift_left3A_256 : vector<16xi32>
        %bitcast_convert_type3A = tpu.bitcast %shift_left3A_257 : vector<16xi32> -> vector<16xf32>
        %and3A_258 = arith.constant -65536 : i32
        %and3A_259 = vector.broadcast %and3A_258 : i32 to vector<16xi32>
        %and3A_260 = arith.andi %get3A_255, %and3A_259 : vector<16xi32>
        %bitcast_convert_type3A_261 = tpu.bitcast %and3A_260 : vector<16xi32> -> vector<16xf32>
        %get3A_262 = arith.index_cast %and3A_161 : i32 to index
        %get3A_263 = arith.index_cast %scan3A_251 : i32 to index
        %get3A_264 = arith.constant 0 : index
        %get3A_265 = tpu.vector_load %arg11[%get3A_262, %get3A_263, %get3A_264] {strides = array<i32>} : memref<2x80x128xf32, #tpu.memory_space<vmem>>, vector<1x1x16xf32>,
        %get3A_266 = vector.shape_cast %get3A_265 : vector<1x1x16xf32> to vector<16xf32>
        %add3A_267 = arith.addf %get3A_266, %bitcast_convert_type3A : vector<16xf32>
        %max3A = arith.constant 0.000000e+00 : f32
        %max3A_268 = vector.broadcast %max3A : f32 to vector<16xf32>
        %max3A_269 = arith.maximumf %add3A_267, %max3A_268 : vector<16xf32>
        %swap3A = arith.index_cast %and3A_161 : i32 to index
        %swap3A_270 = arith.index_cast %scan3A_251 : i32 to index
        %swap3A_271 = arith.constant 0 : index
        %swap3A_272 = tpu.vector_load %arg11[%swap3A, %swap3A_270, %swap3A_271] {strides = array<i32>} : memref<2x80x128xf32, #tpu.memory_space<vmem>>, vector<1x1x16xf32>,
        %swap3A_273 = vector.shape_cast %swap3A_272 : vector<1x1x16xf32> to vector<16xf32>
        %swap3A_274 = vector.shape_cast %max3A_269 : vector<16xf32> to vector<1x1x16xf32>
        tpu.vector_store %arg11[%swap3A, %swap3A_270, %swap3A_271], %swap3A_274 {strides = array<i32>} : memref<2x80x128xf32, #tpu.memory_space<vmem>>, vector<1x1x16xf32>,
        %get3A_275 = arith.index_cast %and3A_161 : i32 to index
        %get3A_276 = arith.index_cast %scan3A_251 : i32 to index
        %get3A_277 = arith.constant 64 : index
        %get3A_278 = tpu.vector_load %arg11[%get3A_275, %get3A_276, %get3A_277] {strides = array<i32>} : memref<2x80x128xf32, #tpu.memory_space<vmem>>, vector<1x1x16xf32>,
        %get3A_279 = vector.shape_cast %get3A_278 : vector<1x1x16xf32> to vector<16xf32>
        %add3A_280 = arith.addf %get3A_279, %bitcast_convert_type3A_261 : vector<16xf32>
        %max3A_281 = arith.constant 0.000000e+00 : f32
        %max3A_282 = vector.broadcast %max3A_281 : f32 to vector<16xf32>
        %max3A_283 = arith.maximumf %add3A_280, %max3A_282 : vector<16xf32>
        %swap3A_284 = arith.index_cast %and3A_161 : i32 to index
        %swap3A_285 = arith.index_cast %scan3A_251 : i32 to index
        %swap3A_286 = arith.constant 64 : index
        %swap3A_287 = tpu.vector_load %arg11[%swap3A_284, %swap3A_285, %swap3A_286] {strides = array<i32>} : memref<2x80x128xf32, #tpu.memory_space<vmem>>, vector<1x1x16xf32>,
        %swap3A_288 = vector.shape_cast %swap3A_287 : vector<1x1x16xf32> to vector<16xf32>
        %swap3A_289 = vector.shape_cast %max3A_283 : vector<16xf32> to vector<1x1x16xf32>
        tpu.vector_store %arg11[%swap3A_284, %swap3A_285, %swap3A_286], %swap3A_289 {strides = array<i32>} : memref<2x80x128xf32, #tpu.memory_space<vmem>>, vector<1x1x16xf32>,
        %get3A_290 = arith.index_cast %and3A_161 : i32 to index
        %get3A_291 = arith.index_cast %scan3A_251 : i32 to index
        %get3A_292 = arith.constant 16 : index
        %get3A_293 = tpu.vector_load %arg12[%get3A_290, %get3A_291, %get3A_292] {strides = array<i32>} : memref<2x80x64xi32, #tpu.memory_space<vmem>>, vector<1x1x16xi32>,
        %get3A_294 = vector.shape_cast %get3A_293 : vector<1x1x16xi32> to vector<16xi32>
        %shift_left3A_295 = arith.constant 16 : i32
        %shift_left3A_296 = vector.broadcast %shift_left3A_295 : i32 to vector<16xi32>
        %shift_left3A_297 = arith.shli %get3A_294, %shift_left3A_296 : vector<16xi32>
        %bitcast_convert_type3A_298 = tpu.bitcast %shift_left3A_297 : vector<16xi32> -> vector<16xf32>
        %and3A_299 = arith.constant -65536 : i32
        %and3A_300 = vector.broadcast %and3A_299 : i32 to vector<16xi32>
        %and3A_301 = arith.andi %get3A_294, %and3A_300 : vector<16xi32>
        %bitcast_convert_type3A_302 = tpu.bitcast %and3A_301 : vector<16xi32> -> vector<16xf32>
        %get3A_303 = arith.index_cast %and3A_161 : i32 to index
        %get3A_304 = arith.index_cast %scan3A_251 : i32 to index
        %get3A_305 = arith.constant 16 : index
        %get3A_306 = tpu.vector_load %arg11[%get3A_303, %get3A_304, %get3A_305] {strides = array<i32>} : memref<2x80x128xf32, #tpu.memory_space<vmem>>, vector<1x1x16xf32>,
        %get3A_307 = vector.shape_cast %get3A_306 : vector<1x1x16xf32> to vector<16xf32>
        %add3A_308 = arith.addf %get3A_307, %bitcast_convert_type3A_298 : vector<16xf32>
        %max3A_309 = arith.constant 0.000000e+00 : f32
        %max3A_310 = vector.broadcast %max3A_309 : f32 to vector<16xf32>
        %max3A_311 = arith.maximumf %add3A_308, %max3A_310 : vector<16xf32>
        %swap3A_312 = arith.index_cast %and3A_161 : i32 to index
        %swap3A_313 = arith.index_cast %scan3A_251 : i32 to index
        %swap3A_314 = arith.constant 16 : index
        %swap3A_315 = tpu.vector_load %arg11[%swap3A_312, %swap3A_313, %swap3A_314] {strides = array<i32>} : memref<2x80x128xf32, #tpu.memory_space<vmem>>, vector<1x1x16xf32>,
        %swap3A_316 = vector.shape_cast %swap3A_315 : vector<1x1x16xf32> to vector<16xf32>
        %swap3A_317 = vector.shape_cast %max3A_311 : vector<16xf32> to vector<1x1x16xf32>
        tpu.vector_store %arg11[%swap3A_312, %swap3A_313, %swap3A_314], %swap3A_317 {strides = array<i32>} : memref<2x80x128xf32, #tpu.memory_space<vmem>>, vector<1x1x16xf32>,
        %get3A_318 = arith.index_cast %and3A_161 : i32 to index
        %get3A_319 = arith.index_cast %scan3A_251 : i32 to index
        %get3A_320 = arith.constant 80 : index
        %get3A_321 = tpu.vector_load %arg11[%get3A_318, %get3A_319, %get3A_320] {strides = array<i32>} : memref<2x80x128xf32, #tpu.memory_space<vmem>>, vector<1x1x16xf32>,
        %get3A_322 = vector.shape_cast %get3A_321 : vector<1x1x16xf32> to vector<16xf32>
        %add3A_323 = arith.addf %get3A_322, %bitcast_convert_type3A_302 : vector<16xf32>
        %max3A_324 = arith.constant 0.000000e+00 : f32
        %max3A_325 = vector.broadcast %max3A_324 : f32 to vector<16xf32>
        %max3A_326 = arith.maximumf %add3A_323, %max3A_325 : vector<16xf32>
        %swap3A_327 = arith.index_cast %and3A_161 : i32 to index
        %swap3A_328 = arith.index_cast %scan3A_251 : i32 to index
        %swap3A_329 = arith.constant 80 : index
        %swap3A_330 = tpu.vector_load %arg11[%swap3A_327, %swap3A_328, %swap3A_329] {strides = array<i32>} : memref<2x80x128xf32, #tpu.memory_space<vmem>>, vector<1x1x16xf32>,
        %swap3A_331 = vector.shape_cast %swap3A_330 : vector<1x1x16xf32> to vector<16xf32>
        %swap3A_332 = vector.shape_cast %max3A_326 : vector<16xf32> to vector<1x1x16xf32>
        tpu.vector_store %arg11[%swap3A_327, %swap3A_328, %swap3A_329], %swap3A_332 {strides = array<i32>} : memref<2x80x128xf32, #tpu.memory_space<vmem>>, vector<1x1x16xf32>,
        %get3A_333 = arith.index_cast %and3A_161 : i32 to index
        %get3A_334 = arith.index_cast %scan3A_251 : i32 to index
        %get3A_335 = arith.constant 32 : index
        %get3A_336 = tpu.vector_load %arg12[%get3A_333, %get3A_334, %get3A_335] {strides = array<i32>} : memref<2x80x64xi32, #tpu.memory_space<vmem>>, vector<1x1x16xi32>,
        %get3A_337 = vector.shape_cast %get3A_336 : vector<1x1x16xi32> to vector<16xi32>
        %shift_left3A_338 = arith.constant 16 : i32
        %shift_left3A_339 = vector.broadcast %shift_left3A_338 : i32 to vector<16xi32>
        %shift_left3A_340 = arith.shli %get3A_337, %shift_left3A_339 : vector<16xi32>
        %bitcast_convert_type3A_341 = tpu.bitcast %shift_left3A_340 : vector<16xi32> -> vector<16xf32>
        %and3A_342 = arith.constant -65536 : i32
        %and3A_343 = vector.broadcast %and3A_342 : i32 to vector<16xi32>
        %and3A_344 = arith.andi %get3A_337, %and3A_343 : vector<16xi32>
        %bitcast_convert_type3A_345 = tpu.bitcast %and3A_344 : vector<16xi32> -> vector<16xf32>
        %get3A_346 = arith.index_cast %and3A_161 : i32 to index
        %get3A_347 = arith.index_cast %scan3A_251 : i32 to index
        %get3A_348 = arith.constant 32 : index
        %get3A_349 = tpu.vector_load %arg11[%get3A_346, %get3A_347, %get3A_348] {strides = array<i32>} : memref<2x80x128xf32, #tpu.memory_space<vmem>>, vector<1x1x16xf32>,
        %get3A_350 = vector.shape_cast %get3A_349 : vector<1x1x16xf32> to vector<16xf32>
        %add3A_351 = arith.addf %get3A_350, %bitcast_convert_type3A_341 : vector<16xf32>
        %max3A_352 = arith.constant 0.000000e+00 : f32
        %max3A_353 = vector.broadcast %max3A_352 : f32 to vector<16xf32>
        %max3A_354 = arith.maximumf %add3A_351, %max3A_353 : vector<16xf32>
        %swap3A_355 = arith.index_cast %and3A_161 : i32 to index
        %swap3A_356 = arith.index_cast %scan3A_251 : i32 to index
        %swap3A_357 = arith.constant 32 : index
        %swap3A_358 = tpu.vector_load %arg11[%swap3A_355, %swap3A_356, %swap3A_357] {strides = array<i32>} : memref<2x80x128xf32, #tpu.memory_space<vmem>>, vector<1x1x16xf32>,
        %swap3A_359 = vector.shape_cast %swap3A_358 : vector<1x1x16xf32> to vector<16xf32>
        %swap3A_360 = vector.shape_cast %max3A_354 : vector<16xf32> to vector<1x1x16xf32>
        tpu.vector_store %arg11[%swap3A_355, %swap3A_356, %swap3A_357], %swap3A_360 {strides = array<i32>} : memref<2x80x128xf32, #tpu.memory_space<vmem>>, vector<1x1x16xf32>,
        %get3A_361 = arith.index_cast %and3A_161 : i32 to index
        %get3A_362 = arith.index_cast %scan3A_251 : i32 to index
        %get3A_363 = arith.constant 96 : index
        %get3A_364 = tpu.vector_load %arg11[%get3A_361, %get3A_362, %get3A_363] {strides = array<i32>} : memref<2x80x128xf32, #tpu.memory_space<vmem>>, vector<1x1x16xf32>,
        %get3A_365 = vector.shape_cast %get3A_364 : vector<1x1x16xf32> to vector<16xf32>
        %add3A_366 = arith.addf %get3A_365, %bitcast_convert_type3A_345 : vector<16xf32>
        %max3A_367 = arith.constant 0.000000e+00 : f32
        %max3A_368 = vector.broadcast %max3A_367 : f32 to vector<16xf32>
        %max3A_369 = arith.maximumf %add3A_366, %max3A_368 : vector<16xf32>
        %swap3A_370 = arith.index_cast %and3A_161 : i32 to index
        %swap3A_371 = arith.index_cast %scan3A_251 : i32 to index
        %swap3A_372 = arith.constant 96 : index
        %swap3A_373 = tpu.vector_load %arg11[%swap3A_370, %swap3A_371, %swap3A_372] {strides = array<i32>} : memref<2x80x128xf32, #tpu.memory_space<vmem>>, vector<1x1x16xf32>,
        %swap3A_374 = vector.shape_cast %swap3A_373 : vector<1x1x16xf32> to vector<16xf32>
        %swap3A_375 = vector.shape_cast %max3A_369 : vector<16xf32> to vector<1x1x16xf32>
        tpu.vector_store %arg11[%swap3A_370, %swap3A_371, %swap3A_372], %swap3A_375 {strides = array<i32>} : memref<2x80x128xf32, #tpu.memory_space<vmem>>, vector<1x1x16xf32>,
        %get3A_376 = arith.index_cast %and3A_161 : i32 to index
        %get3A_377 = arith.index_cast %scan3A_251 : i32 to index
        %get3A_378 = arith.constant 48 : index
        %get3A_379 = tpu.vector_load %arg12[%get3A_376, %get3A_377, %get3A_378] {strides = array<i32>} : memref<2x80x64xi32, #tpu.memory_space<vmem>>, vector<1x1x16xi32>,
        %get3A_380 = vector.shape_cast %get3A_379 : vector<1x1x16xi32> to vector<16xi32>
        %shift_left3A_381 = arith.constant 16 : i32
        %shift_left3A_382 = vector.broadcast %shift_left3A_381 : i32 to vector<16xi32>
        %shift_left3A_383 = arith.shli %get3A_380, %shift_left3A_382 : vector<16xi32>
        %bitcast_convert_type3A_384 = tpu.bitcast %shift_left3A_383 : vector<16xi32> -> vector<16xf32>
        %and3A_385 = arith.constant -65536 : i32
        %and3A_386 = vector.broadcast %and3A_385 : i32 to vector<16xi32>
        %and3A_387 = arith.andi %get3A_380, %and3A_386 : vector<16xi32>
        %bitcast_convert_type3A_388 = tpu.bitcast %and3A_387 : vector<16xi32> -> vector<16xf32>
        %get3A_389 = arith.index_cast %and3A_161 : i32 to index
        %get3A_390 = arith.index_cast %scan3A_251 : i32 to index
        %get3A_391 = arith.constant 48 : index
        %get3A_392 = tpu.vector_load %arg11[%get3A_389, %get3A_390, %get3A_391] {strides = array<i32>} : memref<2x80x128xf32, #tpu.memory_space<vmem>>, vector<1x1x16xf32>,
        %get3A_393 = vector.shape_cast %get3A_392 : vector<1x1x16xf32> to vector<16xf32>
        %add3A_394 = arith.addf %get3A_393, %bitcast_convert_type3A_384 : vector<16xf32>
        %max3A_395 = arith.constant 0.000000e+00 : f32
        %max3A_396 = vector.broadcast %max3A_395 : f32 to vector<16xf32>
        %max3A_397 = arith.maximumf %add3A_394, %max3A_396 : vector<16xf32>
        %swap3A_398 = arith.index_cast %and3A_161 : i32 to index
        %swap3A_399 = arith.index_cast %scan3A_251 : i32 to index
        %swap3A_400 = arith.constant 48 : index
        %swap3A_401 = tpu.vector_load %arg11[%swap3A_398, %swap3A_399, %swap3A_400] {strides = array<i32>} : memref<2x80x128xf32, #tpu.memory_space<vmem>>, vector<1x1x16xf32>,
        %swap3A_402 = vector.shape_cast %swap3A_401 : vector<1x1x16xf32> to vector<16xf32>
        %swap3A_403 = vector.shape_cast %max3A_397 : vector<16xf32> to vector<1x1x16xf32>
        tpu.vector_store %arg11[%swap3A_398, %swap3A_399, %swap3A_400], %swap3A_403 {strides = array<i32>} : memref<2x80x128xf32, #tpu.memory_space<vmem>>, vector<1x1x16xf32>,
        %get3A_404 = arith.index_cast %and3A_161 : i32 to index
        %get3A_405 = arith.index_cast %scan3A_251 : i32 to index
        %get3A_406 = arith.constant 112 : index
        %get3A_407 = tpu.vector_load %arg11[%get3A_404, %get3A_405, %get3A_406] {strides = array<i32>} : memref<2x80x128xf32, #tpu.memory_space<vmem>>, vector<1x1x16xf32>,
        %get3A_408 = vector.shape_cast %get3A_407 : vector<1x1x16xf32> to vector<16xf32>
        %add3A_409 = arith.addf %get3A_408, %bitcast_convert_type3A_388 : vector<16xf32>
        %max3A_410 = arith.constant 0.000000e+00 : f32
        %max3A_411 = vector.broadcast %max3A_410 : f32 to vector<16xf32>
        %max3A_412 = arith.maximumf %add3A_409, %max3A_411 : vector<16xf32>
        %swap3A_413 = arith.index_cast %and3A_161 : i32 to index
        %swap3A_414 = arith.index_cast %scan3A_251 : i32 to index
        %swap3A_415 = arith.constant 112 : index
        %swap3A_416 = tpu.vector_load %arg11[%swap3A_413, %swap3A_414, %swap3A_415] {strides = array<i32>} : memref<2x80x128xf32, #tpu.memory_space<vmem>>, vector<1x1x16xf32>,
        %swap3A_417 = vector.shape_cast %swap3A_416 : vector<1x1x16xf32> to vector<16xf32>
        %swap3A_418 = vector.shape_cast %max3A_412 : vector<16xf32> to vector<1x1x16xf32>
        tpu.vector_store %arg11[%swap3A_413, %swap3A_414, %swap3A_415], %swap3A_418 {strides = array<i32>} : memref<2x80x128xf32, #tpu.memory_space<vmem>>, vector<1x1x16xf32>,
        %scan3A_419 = arith.constant 1 : i32
        %scan3A_420 = arith.addi %scan3A_251, %scan3A_419 : i32
        %get3A_421 = arith.index_cast %and3A_161 : i32 to index
        %get3A_422 = arith.index_cast %scan3A_420 : i32 to index
        %get3A_423 = arith.constant 0 : index
        %get3A_424 = tpu.vector_load %arg12[%get3A_421, %get3A_422, %get3A_423] {strides = array<i32>} : memref<2x80x64xi32, #tpu.memory_space<vmem>>, vector<1x1x16xi32>,
        %get3A_425 = vector.shape_cast %get3A_424 : vector<1x1x16xi32> to vector<16xi32>
        %shift_left3A_426 = arith.constant 16 : i32
        %shift_left3A_427 = vector.broadcast %shift_left3A_426 : i32 to vector<16xi32>
        %shift_left3A_428 = arith.shli %get3A_425, %shift_left3A_427 : vector<16xi32>
        %bitcast_convert_type3A_429 = tpu.bitcast %shift_left3A_428 : vector<16xi32> -> vector<16xf32>
        %and3A_430 = arith.constant -65536 : i32
        %and3A_431 = vector.broadcast %and3A_430 : i32 to vector<16xi32>
        %and3A_432 = arith.andi %get3A_425, %and3A_431 : vector<16xi32>
        %bitcast_convert_type3A_433 = tpu.bitcast %and3A_432 : vector<16xi32> -> vector<16xf32>
        %get3A_434 = arith.index_cast %and3A_161 : i32 to index
        %get3A_435 = arith.index_cast %scan3A_420 : i32 to index
        %get3A_436 = arith.constant 0 : index
        %get3A_437 = tpu.vector_load %arg11[%get3A_434, %get3A_435, %get3A_436] {strides = array<i32>} : memref<2x80x128xf32, #tpu.memory_space<vmem>>, vector<1x1x16xf32>,
        %get3A_438 = vector.shape_cast %get3A_437 : vector<1x1x16xf32> to vector<16xf32>
        %add3A_439 = arith.addf %get3A_438, %bitcast_convert_type3A_429 : vector<16xf32>
        %max3A_440 = arith.constant 0.000000e+00 : f32
        %max3A_441 = vector.broadcast %max3A_440 : f32 to vector<16xf32>
        %max3A_442 = arith.maximumf %add3A_439, %max3A_441 : vector<16xf32>
        %swap3A_443 = arith.index_cast %and3A_161 : i32 to index
        %swap3A_444 = arith.index_cast %scan3A_420 : i32 to index
        %swap3A_445 = arith.constant 0 : index
        %swap3A_446 = tpu.vector_load %arg11[%swap3A_443, %swap3A_444, %swap3A_445] {strides = array<i32>} : memref<2x80x128xf32, #tpu.memory_space<vmem>>, vector<1x1x16xf32>,
        %swap3A_447 = vector.shape_cast %swap3A_446 : vector<1x1x16xf32> to vector<16xf32>
        %swap3A_448 = vector.shape_cast %max3A_442 : vector<16xf32> to vector<1x1x16xf32>
        tpu.vector_store %arg11[%swap3A_443, %swap3A_444, %swap3A_445], %swap3A_448 {strides = array<i32>} : memref<2x80x128xf32, #tpu.memory_space<vmem>>, vector<1x1x16xf32>,
        %get3A_449 = arith.index_cast %and3A_161 : i32 to index
        %get3A_450 = arith.index_cast %scan3A_420 : i32 to index
        %get3A_451 = arith.constant 64 : index
        %get3A_452 = tpu.vector_load %arg11[%get3A_449, %get3A_450, %get3A_451] {strides = array<i32>} : memref<2x80x128xf32, #tpu.memory_space<vmem>>, vector<1x1x16xf32>,
        %get3A_453 = vector.shape_cast %get3A_452 : vector<1x1x16xf32> to vector<16xf32>
        %add3A_454 = arith.addf %get3A_453, %bitcast_convert_type3A_433 : vector<16xf32>
        %max3A_455 = arith.constant 0.000000e+00 : f32
        %max3A_456 = vector.broadcast %max3A_455 : f32 to vector<16xf32>
        %max3A_457 = arith.maximumf %add3A_454, %max3A_456 : vector<16xf32>
        %swap3A_458 = arith.index_cast %and3A_161 : i32 to index
        %swap3A_459 = arith.index_cast %scan3A_420 : i32 to index
        %swap3A_460 = arith.constant 64 : index
        %swap3A_461 = tpu.vector_load %arg11[%swap3A_458, %swap3A_459, %swap3A_460] {strides = array<i32>} : memref<2x80x128xf32, #tpu.memory_space<vmem>>, vector<1x1x16xf32>,
        %swap3A_462 = vector.shape_cast %swap3A_461 : vector<1x1x16xf32> to vector<16xf32>
        %swap3A_463 = vector.shape_cast %max3A_457 : vector<16xf32> to vector<1x1x16xf32>
        tpu.vector_store %arg11[%swap3A_458, %swap3A_459, %swap3A_460], %swap3A_463 {strides = array<i32>} : memref<2x80x128xf32, #tpu.memory_space<vmem>>, vector<1x1x16xf32>,
        %get3A_464 = arith.index_cast %and3A_161 : i32 to index
        %get3A_465 = arith.index_cast %scan3A_420 : i32 to index
        %get3A_466 = arith.constant 16 : index
        %get3A_467 = tpu.vector_load %arg12[%get3A_464, %get3A_465, %get3A_466] {strides = array<i32>} : memref<2x80x64xi32, #tpu.memory_space<vmem>>, vector<1x1x16xi32>,
        %get3A_468 = vector.shape_cast %get3A_467 : vector<1x1x16xi32> to vector<16xi32>
        %shift_left3A_469 = arith.constant 16 : i32
        %shift_left3A_470 = vector.broadcast %shift_left3A_469 : i32 to vector<16xi32>
        %shift_left3A_471 = arith.shli %get3A_468, %shift_left3A_470 : vector<16xi32>
        %bitcast_convert_type3A_472 = tpu.bitcast %shift_left3A_471 : vector<16xi32> -> vector<16xf32>
        %and3A_473 = arith.constant -65536 : i32
        %and3A_474 = vector.broadcast %and3A_473 : i32 to vector<16xi32>
        %and3A_475 = arith.andi %get3A_468, %and3A_474 : vector<16xi32>
        %bitcast_convert_type3A_476 = tpu.bitcast %and3A_475 : vector<16xi32> -> vector<16xf32>
        %get3A_477 = arith.index_cast %and3A_161 : i32 to index
        %get3A_478 = arith.index_cast %scan3A_420 : i32 to index
        %get3A_479 = arith.constant 16 : index
        %get3A_480 = tpu.vector_load %arg11[%get3A_477, %get3A_478, %get3A_479] {strides = array<i32>} : memref<2x80x128xf32, #tpu.memory_space<vmem>>, vector<1x1x16xf32>,
        %get3A_481 = vector.shape_cast %get3A_480 : vector<1x1x16xf32> to vector<16xf32>
        %add3A_482 = arith.addf %get3A_481, %bitcast_convert_type3A_472 : vector<16xf32>
        %max3A_483 = arith.constant 0.000000e+00 : f32
        %max3A_484 = vector.broadcast %max3A_483 : f32 to vector<16xf32>
        %max3A_485 = arith.maximumf %add3A_482, %max3A_484 : vector<16xf32>
        %swap3A_486 = arith.index_cast %and3A_161 : i32 to index
        %swap3A_487 = arith.index_cast %scan3A_420 : i32 to index
        %swap3A_488 = arith.constant 16 : index
        %swap3A_489 = tpu.vector_load %arg11[%swap3A_486, %swap3A_487, %swap3A_488] {strides = array<i32>} : memref<2x80x128xf32, #tpu.memory_space<vmem>>, vector<1x1x16xf32>,
        %swap3A_490 = vector.shape_cast %swap3A_489 : vector<1x1x16xf32> to vector<16xf32>
        %swap3A_491 = vector.shape_cast %max3A_485 : vector<16xf32> to vector<1x1x16xf32>
        tpu.vector_store %arg11[%swap3A_486, %swap3A_487, %swap3A_488], %swap3A_491 {strides = array<i32>} : memref<2x80x128xf32, #tpu.memory_space<vmem>>, vector<1x1x16xf32>,
        %get3A_492 = arith.index_cast %and3A_161 : i32 to index
        %get3A_493 = arith.index_cast %scan3A_420 : i32 to index
        %get3A_494 = arith.constant 80 : index
        %get3A_495 = tpu.vector_load %arg11[%get3A_492, %get3A_493, %get3A_494] {strides = array<i32>} : memref<2x80x128xf32, #tpu.memory_space<vmem>>, vector<1x1x16xf32>,
        %get3A_496 = vector.shape_cast %get3A_495 : vector<1x1x16xf32> to vector<16xf32>
        %add3A_497 = arith.addf %get3A_496, %bitcast_convert_type3A_476 : vector<16xf32>
        %max3A_498 = arith.constant 0.000000e+00 : f32
        %max3A_499 = vector.broadcast %max3A_498 : f32 to vector<16xf32>
        %max3A_500 = arith.maximumf %add3A_497, %max3A_499 : vector<16xf32>
        %swap3A_501 = arith.index_cast %and3A_161 : i32 to index
        %swap3A_502 = arith.index_cast %scan3A_420 : i32 to index
        %swap3A_503 = arith.constant 80 : index
        %swap3A_504 = tpu.vector_load %arg11[%swap3A_501, %swap3A_502, %swap3A_503] {strides = array<i32>} : memref<2x80x128xf32, #tpu.memory_space<vmem>>, vector<1x1x16xf32>,
        %swap3A_505 = vector.shape_cast %swap3A_504 : vector<1x1x16xf32> to vector<16xf32>
        %swap3A_506 = vector.shape_cast %max3A_500 : vector<16xf32> to vector<1x1x16xf32>
        tpu.vector_store %arg11[%swap3A_501, %swap3A_502, %swap3A_503], %swap3A_506 {strides = array<i32>} : memref<2x80x128xf32, #tpu.memory_space<vmem>>, vector<1x1x16xf32>,
        %get3A_507 = arith.index_cast %and3A_161 : i32 to index
        %get3A_508 = arith.index_cast %scan3A_420 : i32 to index
        %get3A_509 = arith.constant 32 : index
        %get3A_510 = tpu.vector_load %arg12[%get3A_507, %get3A_508, %get3A_509] {strides = array<i32>} : memref<2x80x64xi32, #tpu.memory_space<vmem>>, vector<1x1x16xi32>,
        %get3A_511 = vector.shape_cast %get3A_510 : vector<1x1x16xi32> to vector<16xi32>
        %shift_left3A_512 = arith.constant 16 : i32
        %shift_left3A_513 = vector.broadcast %shift_left3A_512 : i32 to vector<16xi32>
        %shift_left3A_514 = arith.shli %get3A_511, %shift_left3A_513 : vector<16xi32>
        %bitcast_convert_type3A_515 = tpu.bitcast %shift_left3A_514 : vector<16xi32> -> vector<16xf32>
        %and3A_516 = arith.constant -65536 : i32
        %and3A_517 = vector.broadcast %and3A_516 : i32 to vector<16xi32>
        %and3A_518 = arith.andi %get3A_511, %and3A_517 : vector<16xi32>
        %bitcast_convert_type3A_519 = tpu.bitcast %and3A_518 : vector<16xi32> -> vector<16xf32>
        %get3A_520 = arith.index_cast %and3A_161 : i32 to index
        %get3A_521 = arith.index_cast %scan3A_420 : i32 to index
        %get3A_522 = arith.constant 32 : index
        %get3A_523 = tpu.vector_load %arg11[%get3A_520, %get3A_521, %get3A_522] {strides = array<i32>} : memref<2x80x128xf32, #tpu.memory_space<vmem>>, vector<1x1x16xf32>,
        %get3A_524 = vector.shape_cast %get3A_523 : vector<1x1x16xf32> to vector<16xf32>
        %add3A_525 = arith.addf %get3A_524, %bitcast_convert_type3A_515 : vector<16xf32>
        %max3A_526 = arith.constant 0.000000e+00 : f32
        %max3A_527 = vector.broadcast %max3A_526 : f32 to vector<16xf32>
        %max3A_528 = arith.maximumf %add3A_525, %max3A_527 : vector<16xf32>
        %swap3A_529 = arith.index_cast %and3A_161 : i32 to index
        %swap3A_530 = arith.index_cast %scan3A_420 : i32 to index
        %swap3A_531 = arith.constant 32 : index
        %swap3A_532 = tpu.vector_load %arg11[%swap3A_529, %swap3A_530, %swap3A_531] {strides = array<i32>} : memref<2x80x128xf32, #tpu.memory_space<vmem>>, vector<1x1x16xf32>,
        %swap3A_533 = vector.shape_cast %swap3A_532 : vector<1x1x16xf32> to vector<16xf32>
        %swap3A_534 = vector.shape_cast %max3A_528 : vector<16xf32> to vector<1x1x16xf32>
        tpu.vector_store %arg11[%swap3A_529, %swap3A_530, %swap3A_531], %swap3A_534 {strides = array<i32>} : memref<2x80x128xf32, #tpu.memory_space<vmem>>, vector<1x1x16xf32>,
        %get3A_535 = arith.index_cast %and3A_161 : i32 to index
        %get3A_536 = arith.index_cast %scan3A_420 : i32 to index
        %get3A_537 = arith.constant 96 : index
        %get3A_538 = tpu.vector_load %arg11[%get3A_535, %get3A_536, %get3A_537] {strides = array<i32>} : memref<2x80x128xf32, #tpu.memory_space<vmem>>, vector<1x1x16xf32>,
        %get3A_539 = vector.shape_cast %get3A_538 : vector<1x1x16xf32> to vector<16xf32>
        %add3A_540 = arith.addf %get3A_539, %bitcast_convert_type3A_519 : vector<16xf32>
        %max3A_541 = arith.constant 0.000000e+00 : f32
        %max3A_542 = vector.broadcast %max3A_541 : f32 to vector<16xf32>
        %max3A_543 = arith.maximumf %add3A_540, %max3A_542 : vector<16xf32>
        %swap3A_544 = arith.index_cast %and3A_161 : i32 to index
        %swap3A_545 = arith.index_cast %scan3A_420 : i32 to index
        %swap3A_546 = arith.constant 96 : index
        %swap3A_547 = tpu.vector_load %arg11[%swap3A_544, %swap3A_545, %swap3A_546] {strides = array<i32>} : memref<2x80x128xf32, #tpu.memory_space<vmem>>, vector<1x1x16xf32>,
        %swap3A_548 = vector.shape_cast %swap3A_547 : vector<1x1x16xf32> to vector<16xf32>
        %swap3A_549 = vector.shape_cast %max3A_543 : vector<16xf32> to vector<1x1x16xf32>
        tpu.vector_store %arg11[%swap3A_544, %swap3A_545, %swap3A_546], %swap3A_549 {strides = array<i32>} : memref<2x80x128xf32, #tpu.memory_space<vmem>>, vector<1x1x16xf32>,
        %get3A_550 = arith.index_cast %and3A_161 : i32 to index
        %get3A_551 = arith.index_cast %scan3A_420 : i32 to index
        %get3A_552 = arith.constant 48 : index
        %get3A_553 = tpu.vector_load %arg12[%get3A_550, %get3A_551, %get3A_552] {strides = array<i32>} : memref<2x80x64xi32, #tpu.memory_space<vmem>>, vector<1x1x16xi32>,
        %get3A_554 = vector.shape_cast %get3A_553 : vector<1x1x16xi32> to vector<16xi32>
        %shift_left3A_555 = arith.constant 16 : i32
        %shift_left3A_556 = vector.broadcast %shift_left3A_555 : i32 to vector<16xi32>
        %shift_left3A_557 = arith.shli %get3A_554, %shift_left3A_556 : vector<16xi32>
        %bitcast_convert_type3A_558 = tpu.bitcast %shift_left3A_557 : vector<16xi32> -> vector<16xf32>
        %and3A_559 = arith.constant -65536 : i32
        %and3A_560 = vector.broadcast %and3A_559 : i32 to vector<16xi32>
        %and3A_561 = arith.andi %get3A_554, %and3A_560 : vector<16xi32>
        %bitcast_convert_type3A_562 = tpu.bitcast %and3A_561 : vector<16xi32> -> vector<16xf32>
        %get3A_563 = arith.index_cast %and3A_161 : i32 to index
        %get3A_564 = arith.index_cast %scan3A_420 : i32 to index
        %get3A_565 = arith.constant 48 : index
        %get3A_566 = tpu.vector_load %arg11[%get3A_563, %get3A_564, %get3A_565] {strides = array<i32>} : memref<2x80x128xf32, #tpu.memory_space<vmem>>, vector<1x1x16xf32>,
        %get3A_567 = vector.shape_cast %get3A_566 : vector<1x1x16xf32> to vector<16xf32>
        %add3A_568 = arith.addf %get3A_567, %bitcast_convert_type3A_558 : vector<16xf32>
        %max3A_569 = arith.constant 0.000000e+00 : f32
        %max3A_570 = vector.broadcast %max3A_569 : f32 to vector<16xf32>
        %max3A_571 = arith.maximumf %add3A_568, %max3A_570 : vector<16xf32>
        %swap3A_572 = arith.index_cast %and3A_161 : i32 to index
        %swap3A_573 = arith.index_cast %scan3A_420 : i32 to index
        %swap3A_574 = arith.constant 48 : index
        %swap3A_575 = tpu.vector_load %arg11[%swap3A_572, %swap3A_573, %swap3A_574] {strides = array<i32>} : memref<2x80x128xf32, #tpu.memory_space<vmem>>, vector<1x1x16xf32>,
        %swap3A_576 = vector.shape_cast %swap3A_575 : vector<1x1x16xf32> to vector<16xf32>
        %swap3A_577 = vector.shape_cast %max3A_571 : vector<16xf32> to vector<1x1x16xf32>
        tpu.vector_store %arg11[%swap3A_572, %swap3A_573, %swap3A_574], %swap3A_577 {strides = array<i32>} : memref<2x80x128xf32, #tpu.memory_space<vmem>>, vector<1x1x16xf32>,
        %get3A_578 = arith.index_cast %and3A_161 : i32 to index
        %get3A_579 = arith.index_cast %scan3A_420 : i32 to index
        %get3A_580 = arith.constant 112 : index
        %get3A_581 = tpu.vector_load %arg11[%get3A_578, %get3A_579, %get3A_580] {strides = array<i32>} : memref<2x80x128xf32, #tpu.memory_space<vmem>>, vector<1x1x16xf32>,
        %get3A_582 = vector.shape_cast %get3A_581 : vector<1x1x16xf32> to vector<16xf32>
        %add3A_583 = arith.addf %get3A_582, %bitcast_convert_type3A_562 : vector<16xf32>
        %max3A_584 = arith.constant 0.000000e+00 : f32
        %max3A_585 = vector.broadcast %max3A_584 : f32 to vector<16xf32>
        %max3A_586 = arith.maximumf %add3A_583, %max3A_585 : vector<16xf32>
        %swap3A_587 = arith.index_cast %and3A_161 : i32 to index
        %swap3A_588 = arith.index_cast %scan3A_420 : i32 to index
        %swap3A_589 = arith.constant 112 : index
        %swap3A_590 = tpu.vector_load %arg11[%swap3A_587, %swap3A_588, %swap3A_589] {strides = array<i32>} : memref<2x80x128xf32, #tpu.memory_space<vmem>>, vector<1x1x16xf32>,
        %swap3A_591 = vector.shape_cast %swap3A_590 : vector<1x1x16xf32> to vector<16xf32>
        %swap3A_592 = vector.shape_cast %max3A_586 : vector<16xf32> to vector<1x1x16xf32>
        tpu.vector_store %arg11[%swap3A_587, %swap3A_588, %swap3A_589], %swap3A_592 {strides = array<i32>} : memref<2x80x128xf32, #tpu.memory_space<vmem>>, vector<1x1x16xf32>,
      }
      %scan3A_214 = arith.constant 80 : i32
      %dma_start3A_215 = arith.constant 0 : i32
      %dma_start3A_216 = arith.constant 0 : i32
      %dma_start3A_217 = tpu.memref_slice %arg11[%and3A_161, %dma_start3A_215, %dma_start3A_216] : memref<2x80x128xf32, #tpu.memory_space<vmem>> -> memref<1x80x128xf32, #tpu.memory_space<vmem>>
      %dma_start3A_218 = tpu.memref_squeeze %dma_start3A_217 : memref<1x80x128xf32, #tpu.memory_space<vmem>> -> memref<80x128xf32, #tpu.memory_space<vmem>>
      %dma_start3A_219 = arith.constant 0 : i32
      %dma_start3A_220 = tpu.memref_slice %arg10[%and3A_167, %dma_start3A_219] : memref<4x80xi32, #tpu.memory_space<vmem>> -> memref<1x80xi32, #tpu.memory_space<vmem>>
      %dma_start3A_221 = tpu.memref_squeeze %dma_start3A_220 : memref<1x80xi32, #tpu.memory_space<vmem>> -> memref<80xi32, #tpu.memory_space<vmem>>
      %dma_start3A_222 = arith.constant 0 : i32
      %dma_start3A_223 = arith.constant 0 : i32
      %dma_start3A_224 = tpu.memref_slice %arg13[%dma_start3A_222, %dma_start3A_223] : memref<10000x128xf32, #tpu.memory_space<vmem_shared>> -> memref<10000x128xf32, #tpu.memory_space<vmem_shared>>
      %dma_start3A_225 = tpu.memref_slice %arg17[%and3A_161] : memref<2x!tpu.dma_semaphore, #tpu.memory_space<semaphore_mem>> -> memref<1x!tpu.dma_semaphore, #tpu.memory_space<semaphore_mem>>
      %dma_start3A_226 = tpu.memref_squeeze %dma_start3A_225 : memref<1x!tpu.dma_semaphore, #tpu.memory_space<semaphore_mem>> -> memref<!tpu.dma_semaphore, #tpu.memory_space<semaphore_mem>>
      tpu.enqueue_indirect_dma source(%dma_start3A_218 : memref<80x128xf32, #tpu.memory_space<vmem>>) target(%dma_start3A_224 : memref<10000x128xf32, #tpu.memory_space<vmem_shared>>) offsets(%dma_start3A_221 : memref<80xi32, #tpu.memory_space<vmem>>) semaphore(%dma_start3A_226 : memref<!tpu.dma_semaphore, #tpu.memory_space<semaphore_mem>>) {add = true}
      %mul3A_227 = arith.constant 5200 : i32
      %mul3A_228 = arith.muli %add3A, %mul3A_227 : i32
      %mul3A_229 = arith.constant 80 : i32
      %mul3A_230 = arith.muli %scan3A_159, %mul3A_229 : i32
      %add3A_231 = arith.addi %mul3A_228, %mul3A_230 : i32
      %dma_start3A_232 = arith.constant 0 : i32
      %dma_start3A_233 = arith.constant 0 : i32
      %dma_start3A_234 = tpu.memref_slice %arg11[%and3A_161, %dma_start3A_232, %dma_start3A_233] : memref<2x80x128xf32, #tpu.memory_space<vmem>> -> memref<1x80x128xf32, #tpu.memory_space<vmem>>
      %dma_start3A_235 = tpu.memref_squeeze %dma_start3A_234 : memref<1x80x128xf32, #tpu.memory_space<vmem>> -> memref<80x128xf32, #tpu.memory_space<vmem>>
      %dma_start3A_236 = arith.constant 0 : i32
      %dma_start3A_237 = tpu.memref_slice %arg8[%add3A_231, %dma_start3A_236] : memref<166400x128xf32, #tpu.memory_space<hbm>> -> memref<80x128xf32, #tpu.memory_space<hbm>>
      %dma_start3A_238 = tpu.memref_slice %arg18[%and3A_161] : memref<2x!tpu.dma_semaphore, #tpu.memory_space<semaphore_mem>> -> memref<1x!tpu.dma_semaphore, #tpu.memory_space<semaphore_mem>>
      %dma_start3A_239 = tpu.memref_squeeze %dma_start3A_238 : memref<1x!tpu.dma_semaphore, #tpu.memory_space<semaphore_mem>> -> memref<!tpu.dma_semaphore, #tpu.memory_space<semaphore_mem>>
      %dma_start3A_240 = arith.constant 0 : i32
      %dma_start3A_241 = tpu.memref_slice %arg8[%add3A_231, %dma_start3A_240] : memref<166400x128xf32, #tpu.memory_space<hbm>> -> memref<80x128xf32, #tpu.memory_space<hbm>>
      %dma_start3A_242 = arith.constant 0 : i32
      %dma_start3A_243 = arith.constant 0 : i32
      %dma_start3A_244 = tpu.memref_slice %arg11[%and3A_161, %dma_start3A_242, %dma_start3A_243] : memref<2x80x128xf32, #tpu.memory_space<vmem>> -> memref<1x80x128xf32, #tpu.memory_space<vmem>>
      %dma_start3A_245 = tpu.memref_squeeze %dma_start3A_244 : memref<1x80x128xf32, #tpu.memory_space<vmem>> -> memref<80x128xf32, #tpu.memory_space<vmem>>
      tpu.enqueue_dma source(%dma_start3A_245 : memref<80x128xf32, #tpu.memory_space<vmem>>) target(%dma_start3A_241 : memref<80x128xf32, #tpu.memory_space<hbm>>) target_semaphore(%dma_start3A_239 : memref<!tpu.dma_semaphore, #tpu.memory_space<semaphore_mem>>)
      %lt3A_246 = arith.constant 63 : i32
      %lt3A_247 = arith.cmpi slt, %scan3A_159, %lt3A_246 : i32
      %convert_element_type3A_248 = arith.extui %lt3A_247 : i1 to i32
      %cond3A_249 = arith.constant 0 : i32
      %cond3A_250 = arith.cmpi ne, %convert_element_type3A_248, %cond3A_249 : i32
      scf.if %cond3A_250 {
        %add3A_251 = arith.constant 2 : i32
        %add3A_252 = arith.addi %scan3A_159, %add3A_251 : i32
        %and3A_253 = arith.constant 3 : i32
        %and3A_254 = arith.andi %add3A_252, %and3A_253 : i32
        %dma_start3A_255 = arith.constant 0 : i32
        %dma_start3A_256 = tpu.memref_slice %arg9[%and3A_254, %dma_start3A_255] : memref<4x80xi32, #tpu.memory_space<vmem>> -> memref<1x80xi32, #tpu.memory_space<vmem>>
        %dma_start3A_257 = tpu.memref_squeeze %dma_start3A_256 : memref<1x80xi32, #tpu.memory_space<vmem>> -> memref<80xi32, #tpu.memory_space<vmem>>
        %dma_start3A_258 = arith.constant 0 : i32
        %dma_start3A_259 = tpu.memref_slice %arg4[%add3A, %add3A_252, %dma_start3A_258] : memref<32x65x80xi32, #tpu.memory_space<hbm>> -> memref<1x1x80xi32, #tpu.memory_space<hbm>>
        %dma_start3A_260 = tpu.memref_squeeze %dma_start3A_259 : memref<1x1x80xi32, #tpu.memory_space<hbm>> -> memref<80xi32, #tpu.memory_space<hbm>>
        %dma_start3A_261 = tpu.memref_slice %arg14[%and3A_254] : memref<4x!tpu.dma_semaphore, #tpu.memory_space<semaphore_mem>> -> memref<1x!tpu.dma_semaphore, #tpu.memory_space<semaphore_mem>>
        %dma_start3A_262 = tpu.memref_squeeze %dma_start3A_261 : memref<1x!tpu.dma_semaphore, #tpu.memory_space<semaphore_mem>> -> memref<!tpu.dma_semaphore, #tpu.memory_space<semaphore_mem>>
        %dma_start3A_263 = arith.constant 0 : i32
        %dma_start3A_264 = tpu.memref_slice %arg9[%and3A_254, %dma_start3A_263] : memref<4x80xi32, #tpu.memory_space<vmem>> -> memref<1x80xi32, #tpu.memory_space<vmem>>
        %dma_start3A_265 = tpu.memref_squeeze %dma_start3A_264 : memref<1x80xi32, #tpu.memory_space<vmem>> -> memref<80xi32, #tpu.memory_space<vmem>>
        %dma_start3A_266 = arith.constant 0 : i32
        %dma_start3A_267 = tpu.memref_slice %arg4[%add3A, %add3A_252, %dma_start3A_266] : memref<32x65x80xi32, #tpu.memory_space<hbm>> -> memref<1x1x80xi32, #tpu.memory_space<hbm>>
        %dma_start3A_268 = tpu.memref_squeeze %dma_start3A_267 : memref<1x1x80xi32, #tpu.memory_space<hbm>> -> memref<80xi32, #tpu.memory_space<hbm>>
        tpu.enqueue_dma source(%dma_start3A_268 : memref<80xi32, #tpu.memory_space<hbm>>) target(%dma_start3A_265 : memref<80xi32, #tpu.memory_space<vmem>>) target_semaphore(%dma_start3A_262 : memref<!tpu.dma_semaphore, #tpu.memory_space<semaphore_mem>>)
        %dma_start3A_269 = arith.constant 0 : i32
        %dma_start3A_270 = tpu.memref_slice %arg10[%and3A_254, %dma_start3A_269] : memref<4x80xi32, #tpu.memory_space<vmem>> -> memref<1x80xi32, #tpu.memory_space<vmem>>
        %dma_start3A_271 = tpu.memref_squeeze %dma_start3A_270 : memref<1x80xi32, #tpu.memory_space<vmem>> -> memref<80xi32, #tpu.memory_space<vmem>>
        %dma_start3A_272 = arith.constant 0 : i32
        %dma_start3A_273 = tpu.memref_slice %arg5[%add3A, %add3A_252, %dma_start3A_272] : memref<32x65x80xi32, #tpu.memory_space<hbm>> -> memref<1x1x80xi32, #tpu.memory_space<hbm>>
        %dma_start3A_274 = tpu.memref_squeeze %dma_start3A_273 : memref<1x1x80xi32, #tpu.memory_space<hbm>> -> memref<80xi32, #tpu.memory_space<hbm>>
        %dma_start3A_275 = tpu.memref_slice %arg14[%and3A_254] : memref<4x!tpu.dma_semaphore, #tpu.memory_space<semaphore_mem>> -> memref<1x!tpu.dma_semaphore, #tpu.memory_space<semaphore_mem>>
        %dma_start3A_276 = tpu.memref_squeeze %dma_start3A_275 : memref<1x!tpu.dma_semaphore, #tpu.memory_space<semaphore_mem>> -> memref<!tpu.dma_semaphore, #tpu.memory_space<semaphore_mem>>
        %dma_start3A_277 = arith.constant 0 : i32
        %dma_start3A_278 = tpu.memref_slice %arg10[%and3A_254, %dma_start3A_277] : memref<4x80xi32, #tpu.memory_space<vmem>> -> memref<1x80xi32, #tpu.memory_space<vmem>>
        %dma_start3A_279 = tpu.memref_squeeze %dma_start3A_278 : memref<1x80xi32, #tpu.memory_space<vmem>> -> memref<80xi32, #tpu.memory_space<vmem>>
        %dma_start3A_280 = arith.constant 0 : i32
        %dma_start3A_281 = tpu.memref_slice %arg5[%add3A, %add3A_252, %dma_start3A_280] : memref<32x65x80xi32, #tpu.memory_space<hbm>> -> memref<1x1x80xi32, #tpu.memory_space<hbm>>
        %dma_start3A_282 = tpu.memref_squeeze %dma_start3A_281 : memref<1x1x80xi32, #tpu.memory_space<hbm>> -> memref<80xi32, #tpu.memory_space<hbm>>
        tpu.enqueue_dma source(%dma_start3A_282 : memref<80xi32, #tpu.memory_space<hbm>>) target(%dma_start3A_279 : memref<80xi32, #tpu.memory_space<vmem>>) target_semaphore(%dma_start3A_276 : memref<!tpu.dma_semaphore, #tpu.memory_space<semaphore_mem>>)
      } else {
      }
    }
    %scan3A_77 = arith.constant 65 : i32
    %dma_wait3A = arith.constant 0 : i32
    %dma_wait3A_78 = arith.constant 0 : i32
    %dma_wait3A_79 = arith.constant 0 : i32
    %dma_wait3A_80 = arith.constant 0 : i32
    %dma_wait3A_81 = tpu.memref_slice %arg11[%dma_wait3A, %dma_wait3A_79, %dma_wait3A_80] : memref<2x80x128xf32, #tpu.memory_space<vmem>> -> memref<1x80x128xf32, #tpu.memory_space<vmem>>
    %dma_wait3A_82 = tpu.memref_squeeze %dma_wait3A_81 : memref<1x80x128xf32, #tpu.memory_space<vmem>> -> memref<80x128xf32, #tpu.memory_space<vmem>>
    %dma_wait3A_83 = arith.constant 0 : i32
    %dma_wait3A_84 = arith.constant 0 : i32
    %dma_wait3A_85 = tpu.memref_slice %arg6[%dma_wait3A_83, %dma_wait3A_84] : memref<10000x128xf32, #tpu.memory_space<hbm>> -> memref<80x128xf32, #tpu.memory_space<hbm>>
    %dma_wait3A_86 = tpu.memref_slice %arg17[%dma_wait3A_78] : memref<2x!tpu.dma_semaphore, #tpu.memory_space<semaphore_mem>> -> memref<1x!tpu.dma_semaphore, #tpu.memory_space<semaphore_mem>>
    %dma_wait3A_87 = tpu.memref_squeeze %dma_wait3A_86 : memref<1x!tpu.dma_semaphore, #tpu.memory_space<semaphore_mem>> -> memref<!tpu.dma_semaphore, #tpu.memory_space<semaphore_mem>>
    %dma_wait3A_88 = arith.constant 0 : i32
    %dma_wait3A_89 = arith.constant 0 : i32
    %dma_wait3A_90 = tpu.memref_slice %arg11[%dma_wait3A, %dma_wait3A_88, %dma_wait3A_89] : memref<2x80x128xf32, #tpu.memory_space<vmem>> -> memref<1x80x128xf32, #tpu.memory_space<vmem>>
    %dma_wait3A_91 = tpu.memref_squeeze %dma_wait3A_90 : memref<1x80x128xf32, #tpu.memory_space<vmem>> -> memref<80x128xf32, #tpu.memory_space<vmem>>
    %dma_wait3A_92 = arith.constant 0 : i32
    %dma_wait3A_93 = arith.constant 0 : i32
    %dma_wait3A_94 = tpu.memref_slice %arg6[%dma_wait3A_92, %dma_wait3A_93] : memref<10000x128xf32, #tpu.memory_space<hbm>> -> memref<80x128xf32, #tpu.memory_space<hbm>>
    tpu.wait_dma2 semaphore(%dma_wait3A_87 : memref<!tpu.dma_semaphore, #tpu.memory_space<semaphore_mem>>) src(%dma_wait3A_94 : memref<80x128xf32, #tpu.memory_space<hbm>>) dst(%dma_wait3A_91 : memref<80x128xf32, #tpu.memory_space<vmem>>)
    %dma_wait3A_95 = arith.constant 0 : i32
    %dma_wait3A_96 = arith.constant 0 : i32
    %dma_wait3A_97 = arith.constant 0 : i32
    %dma_wait3A_98 = arith.constant 0 : i32
    %dma_wait3A_99 = tpu.memref_slice %arg11[%dma_wait3A_95, %dma_wait3A_97, %dma_wait3A_98] : memref<2x80x128xf32, #tpu.memory_space<vmem>> -> memref<1x80x128xf32, #tpu.memory_space<vmem>>
    %dma_wait3A_100 = tpu.memref_squeeze %dma_wait3A_99 : memref<1x80x128xf32, #tpu.memory_space<vmem>> -> memref<80x128xf32, #tpu.memory_space<vmem>>
    %dma_wait3A_101 = arith.constant 0 : i32
    %dma_wait3A_102 = arith.constant 0 : i32
    %dma_wait3A_103 = tpu.memref_slice %arg6[%dma_wait3A_101, %dma_wait3A_102] : memref<10000x128xf32, #tpu.memory_space<hbm>> -> memref<80x128xf32, #tpu.memory_space<hbm>>
    %dma_wait3A_104 = tpu.memref_slice %arg18[%dma_wait3A_96] : memref<2x!tpu.dma_semaphore, #tpu.memory_space<semaphore_mem>> -> memref<1x!tpu.dma_semaphore, #tpu.memory_space<semaphore_mem>>
    %dma_wait3A_105 = tpu.memref_squeeze %dma_wait3A_104 : memref<1x!tpu.dma_semaphore, #tpu.memory_space<semaphore_mem>> -> memref<!tpu.dma_semaphore, #tpu.memory_space<semaphore_mem>>
    %dma_wait3A_106 = arith.constant 0 : i32
    %dma_wait3A_107 = arith.constant 0 : i32
    %dma_wait3A_108 = tpu.memref_slice %arg11[%dma_wait3A_95, %dma_wait3A_106, %dma_wait3A_107] : memref<2x80x128xf32, #tpu.memory_space<vmem>> -> memref<1x80x128xf32, #tpu.memory_space<vmem>>
    %dma_wait3A_109 = tpu.memref_squeeze %dma_wait3A_108 : memref<1x80x128xf32, #tpu.memory_space<vmem>> -> memref<80x128xf32, #tpu.memory_space<vmem>>
    %dma_wait3A_110 = arith.constant 0 : i32
    %dma_wait3A_111 = arith.constant 0 : i32
    %dma_wait3A_112 = tpu.memref_slice %arg6[%dma_wait3A_110, %dma_wait3A_111] : memref<10000x128xf32, #tpu.memory_space<hbm>> -> memref<80x128xf32, #tpu.memory_space<hbm>>
    tpu.wait_dma2 semaphore(%dma_wait3A_105 : memref<!tpu.dma_semaphore, #tpu.memory_space<semaphore_mem>>) src(%dma_wait3A_112 : memref<80x128xf32, #tpu.memory_space<hbm>>) dst(%dma_wait3A_109 : memref<80x128xf32, #tpu.memory_space<vmem>>)
    %dma_wait3A_113 = arith.constant 1 : i32
    %dma_wait3A_114 = arith.constant 1 : i32
    %dma_wait3A_115 = arith.constant 0 : i32
    %dma_wait3A_116 = arith.constant 0 : i32
    %dma_wait3A_117 = tpu.memref_slice %arg11[%dma_wait3A_113, %dma_wait3A_115, %dma_wait3A_116] : memref<2x80x128xf32, #tpu.memory_space<vmem>> -> memref<1x80x128xf32, #tpu.memory_space<vmem>>
    %dma_wait3A_118 = tpu.memref_squeeze %dma_wait3A_117 : memref<1x80x128xf32, #tpu.memory_space<vmem>> -> memref<80x128xf32, #tpu.memory_space<vmem>>
    %dma_wait3A_119 = arith.constant 0 : i32
    %dma_wait3A_120 = arith.constant 0 : i32
    %dma_wait3A_121 = tpu.memref_slice %arg6[%dma_wait3A_119, %dma_wait3A_120] : memref<10000x128xf32, #tpu.memory_space<hbm>> -> memref<80x128xf32, #tpu.memory_space<hbm>>
    %dma_wait3A_122 = tpu.memref_slice %arg17[%dma_wait3A_114] : memref<2x!tpu.dma_semaphore, #tpu.memory_space<semaphore_mem>> -> memref<1x!tpu.dma_semaphore, #tpu.memory_space<semaphore_mem>>
    %dma_wait3A_123 = tpu.memref_squeeze %dma_wait3A_122 : memref<1x!tpu.dma_semaphore, #tpu.memory_space<semaphore_mem>> -> memref<!tpu.dma_semaphore, #tpu.memory_space<semaphore_mem>>
    %dma_wait3A_124 = arith.constant 0 : i32
    %dma_wait3A_125 = arith.constant 0 : i32
    %dma_wait3A_126 = tpu.memref_slice %arg11[%dma_wait3A_113, %dma_wait3A_124, %dma_wait3A_125] : memref<2x80x128xf32, #tpu.memory_space<vmem>> -> memref<1x80x128xf32, #tpu.memory_space<vmem>>
    %dma_wait3A_127 = tpu.memref_squeeze %dma_wait3A_126 : memref<1x80x128xf32, #tpu.memory_space<vmem>> -> memref<80x128xf32, #tpu.memory_space<vmem>>
    %dma_wait3A_128 = arith.constant 0 : i32
    %dma_wait3A_129 = arith.constant 0 : i32
    %dma_wait3A_130 = tpu.memref_slice %arg6[%dma_wait3A_128, %dma_wait3A_129] : memref<10000x128xf32, #tpu.memory_space<hbm>> -> memref<80x128xf32, #tpu.memory_space<hbm>>
    tpu.wait_dma2 semaphore(%dma_wait3A_123 : memref<!tpu.dma_semaphore, #tpu.memory_space<semaphore_mem>>) src(%dma_wait3A_130 : memref<80x128xf32, #tpu.memory_space<hbm>>) dst(%dma_wait3A_127 : memref<80x128xf32, #tpu.memory_space<vmem>>)
    %dma_wait3A_131 = arith.constant 1 : i32
    %dma_wait3A_132 = arith.constant 1 : i32
    %dma_wait3A_133 = arith.constant 0 : i32
    %dma_wait3A_134 = arith.constant 0 : i32
    %dma_wait3A_135 = tpu.memref_slice %arg11[%dma_wait3A_131, %dma_wait3A_133, %dma_wait3A_134] : memref<2x80x128xf32, #tpu.memory_space<vmem>> -> memref<1x80x128xf32, #tpu.memory_space<vmem>>
    %dma_wait3A_136 = tpu.memref_squeeze %dma_wait3A_135 : memref<1x80x128xf32, #tpu.memory_space<vmem>> -> memref<80x128xf32, #tpu.memory_space<vmem>>
    %dma_wait3A_137 = arith.constant 0 : i32
    %dma_wait3A_138 = arith.constant 0 : i32
    %dma_wait3A_139 = tpu.memref_slice %arg6[%dma_wait3A_137, %dma_wait3A_138] : memref<10000x128xf32, #tpu.memory_space<hbm>> -> memref<80x128xf32, #tpu.memory_space<hbm>>
    %dma_wait3A_140 = tpu.memref_slice %arg18[%dma_wait3A_132] : memref<2x!tpu.dma_semaphore, #tpu.memory_space<semaphore_mem>> -> memref<1x!tpu.dma_semaphore, #tpu.memory_space<semaphore_mem>>
    %dma_wait3A_141 = tpu.memref_squeeze %dma_wait3A_140 : memref<1x!tpu.dma_semaphore, #tpu.memory_space<semaphore_mem>> -> memref<!tpu.dma_semaphore, #tpu.memory_space<semaphore_mem>>
    %dma_wait3A_142 = arith.constant 0 : i32
    %dma_wait3A_143 = arith.constant 0 : i32
    %dma_wait3A_144 = tpu.memref_slice %arg11[%dma_wait3A_131, %dma_wait3A_142, %dma_wait3A_143] : memref<2x80x128xf32, #tpu.memory_space<vmem>> -> memref<1x80x128xf32, #tpu.memory_space<vmem>>
    %dma_wait3A_145 = tpu.memref_squeeze %dma_wait3A_144 : memref<1x80x128xf32, #tpu.memory_space<vmem>> -> memref<80x128xf32, #tpu.memory_space<vmem>>
    %dma_wait3A_146 = arith.constant 0 : i32
    %dma_wait3A_147 = arith.constant 0 : i32
    %dma_wait3A_148 = tpu.memref_slice %arg6[%dma_wait3A_146, %dma_wait3A_147] : memref<10000x128xf32, #tpu.memory_space<hbm>> -> memref<80x128xf32, #tpu.memory_space<hbm>>
    tpu.wait_dma2 semaphore(%dma_wait3A_141 : memref<!tpu.dma_semaphore, #tpu.memory_space<semaphore_mem>>) src(%dma_wait3A_148 : memref<80x128xf32, #tpu.memory_space<hbm>>) dst(%dma_wait3A_145 : memref<80x128xf32, #tpu.memory_space<vmem>>)
    %barrier3A_149 = arith.constant 0 : index
    tpu.barrier barrier_id(%barrier3A_149)
    %lt3A = arith.constant 15 : i32
    %lt3A_150 = arith.cmpi slt, %arg1, %lt3A : i32
    %convert_element_type3A_151 = arith.extui %lt3A_150 : i1 to i32
    %cond3A_152 = arith.constant 0 : i32
    %cond3A_153 = arith.cmpi ne, %convert_element_type3A_151, %cond3A_152 : i32
    scf.if %cond3A_153 {
      %mul3A_159 = arith.constant 640 : i32
      %mul3A_160 = arith.muli %arg1, %mul3A_159 : i32
      %mul3A_161 = arith.constant 640 : i32
      %mul3A_162 = arith.muli %arg1, %mul3A_161 : i32
      "tpu.region"() ({
        %run_scoped3A_163 = tpu.sem_alloc : memref<!tpu.dma_semaphore, #tpu.memory_space<semaphore_mem>>
        %dma_start3A_164 = arith.constant 0 : i32
        %dma_start3A_165 = tpu.memref_slice %arg7[%arg0, %mul3A_162, %dma_start3A_164] : memref<2x10000x128xf32, #tpu.memory_space<hbm>> -> memref<1x640x128xf32, #tpu.memory_space<hbm>>
        %dma_start3A_166 = tpu.memref_squeeze %dma_start3A_165 : memref<1x640x128xf32, #tpu.memory_space<hbm>> -> memref<640x128xf32, #tpu.memory_space<hbm>>
        %dma_start3A_167 = arith.constant 0 : i32
        %dma_start3A_168 = tpu.memref_slice %arg13[%mul3A_160, %dma_start3A_167] : memref<10000x128xf32, #tpu.memory_space<vmem_shared>> -> memref<640x128xf32, #tpu.memory_space<vmem_shared>>
        tpu.enqueue_dma source(%dma_start3A_168 : memref<640x128xf32, #tpu.memory_space<vmem_shared>>) target(%dma_start3A_166 : memref<640x128xf32, #tpu.memory_space<hbm>>) target_semaphore(%run_scoped3A_163 : memref<!tpu.dma_semaphore, #tpu.memory_space<semaphore_mem>>)
        %dma_wait3A_169 = arith.constant 0 : i32
        %dma_wait3A_170 = tpu.memref_slice %arg7[%arg0, %mul3A_162, %dma_wait3A_169] : memref<2x10000x128xf32, #tpu.memory_space<hbm>> -> memref<1x640x128xf32, #tpu.memory_space<hbm>>
        %dma_wait3A_171 = tpu.memref_squeeze %dma_wait3A_170 : memref<1x640x128xf32, #tpu.memory_space<hbm>> -> memref<640x128xf32, #tpu.memory_space<hbm>>
        %dma_wait3A_172 = arith.constant 0 : i32
        %dma_wait3A_173 = tpu.memref_slice %arg13[%mul3A_160, %dma_wait3A_172] : memref<10000x128xf32, #tpu.memory_space<vmem_shared>> -> memref<640x128xf32, #tpu.memory_space<vmem_shared>>
        tpu.wait_dma2 semaphore(%run_scoped3A_163 : memref<!tpu.dma_semaphore, #tpu.memory_space<semaphore_mem>>) src(%dma_wait3A_173 : memref<640x128xf32, #tpu.memory_space<vmem_shared>>) dst(%dma_wait3A_171 : memref<640x128xf32, #tpu.memory_space<hbm>>)
        tpu.yield
      }) : () -> ()
    } else {
    }
    %eq3A_154 = arith.constant 15 : i32
    %eq3A_155 = arith.cmpi eq, %arg1, %eq3A_154 : i32
    %convert_element_type3A_156 = arith.extui %eq3A_155 : i1 to i32
    %cond3A_157 = arith.constant 0 : i32
    %cond3A_158 = arith.cmpi ne, %convert_element_type3A_156, %cond3A_157 : i32
    scf.if %cond3A_158 {
      "tpu.region"() ({
        %run_scoped3A_159 = tpu.sem_alloc : memref<!tpu.dma_semaphore, #tpu.memory_space<semaphore_mem>>
        %dma_start3A_160 = arith.constant 9600 : i32
        %dma_start3A_161 = arith.constant 0 : i32
        %dma_start3A_162 = tpu.memref_slice %arg7[%arg0, %dma_start3A_160, %dma_start3A_161] : memref<2x10000x128xf32, #tpu.memory_space<hbm>> -> memref<1x400x128xf32, #tpu.memory_space<hbm>>
        %dma_start3A_163 = tpu.memref_squeeze %dma_start3A_162 : memref<1x400x128xf32, #tpu.memory_space<hbm>> -> memref<400x128xf32, #tpu.memory_space<hbm>>
        %dma_start3A_164 = arith.constant 9600 : i32
        %dma_start3A_165 = arith.constant 0 : i32
        %dma_start3A_166 = tpu.memref_slice %arg13[%dma_start3A_164, %dma_start3A_165] : memref<10000x128xf32, #tpu.memory_space<vmem_shared>> -> memref<400x128xf32, #tpu.memory_space<vmem_shared>>
        tpu.enqueue_dma source(%dma_start3A_166 : memref<400x128xf32, #tpu.memory_space<vmem_shared>>) target(%dma_start3A_163 : memref<400x128xf32, #tpu.memory_space<hbm>>) target_semaphore(%run_scoped3A_159 : memref<!tpu.dma_semaphore, #tpu.memory_space<semaphore_mem>>)
        %dma_wait3A_167 = arith.constant 9600 : i32
        %dma_wait3A_168 = arith.constant 0 : i32
        %dma_wait3A_169 = tpu.memref_slice %arg7[%arg0, %dma_wait3A_167, %dma_wait3A_168] : memref<2x10000x128xf32, #tpu.memory_space<hbm>> -> memref<1x400x128xf32, #tpu.memory_space<hbm>>
        %dma_wait3A_170 = tpu.memref_squeeze %dma_wait3A_169 : memref<1x400x128xf32, #tpu.memory_space<hbm>> -> memref<400x128xf32, #tpu.memory_space<hbm>>
        %dma_wait3A_171 = arith.constant 9600 : i32
        %dma_wait3A_172 = arith.constant 0 : i32
        %dma_wait3A_173 = tpu.memref_slice %arg13[%dma_wait3A_171, %dma_wait3A_172] : memref<10000x128xf32, #tpu.memory_space<vmem_shared>> -> memref<400x128xf32, #tpu.memory_space<vmem_shared>>
        tpu.wait_dma2 semaphore(%run_scoped3A_159 : memref<!tpu.dma_semaphore, #tpu.memory_space<semaphore_mem>>) src(%dma_wait3A_173 : memref<400x128xf32, #tpu.memory_space<vmem_shared>>) dst(%dma_wait3A_170 : memref<400x128xf32, #tpu.memory_space<hbm>>)
        tpu.yield
      }) : () -> ()
    } else {
    }
    return
  }
}

module attributes {stable_mosaic.version = 14 : i64} {
  func.func @_mmh_body(%arg0: i32, %arg1: memref<3200x128xf32, #tpu.memory_space<vmem>>, %arg2: memref<128x128xf32, #tpu.memory_space<vmem>>, %arg3: memref<3200x64xi32, #tpu.memory_space<vmem>>) attributes {dimension_semantics = [#tpu.dimension_semantics<arbitrary>], iteration_bounds = array<i64: 52>, scalar_prefetch = 0 : i64, scratch_operands = 0 : i64, tpu.core_type = #tpu.core_type<tc>, window_params = [{transform_indices = @transform_0, window_bounds = array<i64: 3200, 128>}, {pipeline_mode = #tpu.pipeline_mode<synchronous>, transform_indices = @transform_1, window_bounds = array<i64: 128, 128>}, {transform_indices = @transform_2, window_bounds = array<i64: 3200, 64>}]} {
    %get3A = arith.constant 0 : index
    %get3A_0 = arith.constant 0 : index
    %get3A_1 = vector.load %arg1[%get3A, %get3A_0] : memref<3200x128xf32, #tpu.memory_space<vmem>>, vector<3200x128xf32>
    %get3A_2 = arith.constant 0 : index
    %get3A_3 = arith.constant 0 : index
    %get3A_4 = vector.load %arg2[%get3A_2, %get3A_3] : memref<128x128xf32, #tpu.memory_space<vmem>>, vector<128x128xf32>
    %dot_general3A = arith.constant dense<0.000000e+00> : vector<3200x128xf32>
    %dot_general3A_5 = tpu.matmul %get3A_1, %get3A_4, %dot_general3A {dimension_numbers = #tpu.dot_dimension_numbers<[1], [0], [0], [1], [0, 0, 1, 1], [], []>, transpose_lhs_hint = false} : vector<3200x128xf32>, vector<128x128xf32>, vector<3200x128xf32> -> vector<3200x128xf32>
    %slice3A = vector.extract_strided_slice %dot_general3A_5 {offsets = [0, 0], sizes = [3200, 64], strides = [1, 1]} : vector<3200x128xf32> to vector<3200x64xf32>
    %convert_element_type3A = arith.truncf %slice3A : vector<3200x64xf32> to vector<3200x64xbf16>
    %bitcast_convert_type3A = tpu.bitcast %convert_element_type3A : vector<3200x64xbf16> -> vector<3200x64xi16>
    %convert_element_type3A_6 = arith.extui %bitcast_convert_type3A : vector<3200x64xi16> to vector<3200x64xi32>
    %slice3A_7 = vector.extract_strided_slice %dot_general3A_5 {offsets = [0, 64], sizes = [3200, 64], strides = [1, 1]} : vector<3200x128xf32> to vector<3200x64xf32>
    %convert_element_type3A_8 = arith.truncf %slice3A_7 : vector<3200x64xf32> to vector<3200x64xbf16>
    %bitcast_convert_type3A_9 = tpu.bitcast %convert_element_type3A_8 : vector<3200x64xbf16> -> vector<3200x64xi16>
    %convert_element_type3A_10 = arith.extui %bitcast_convert_type3A_9 : vector<3200x64xi16> to vector<3200x64xi32>
    %shift_left3A = arith.constant 16 : i32
    %shift_left3A_11 = vector.broadcast %shift_left3A : i32 to vector<3200x64xi32>
    %shift_left3A_12 = arith.shli %convert_element_type3A_10, %shift_left3A_11 : vector<3200x64xi32>
    %or3A = arith.ori %convert_element_type3A_6, %shift_left3A_12 : vector<3200x64xi32>
    %bitcast_convert_type3A_13 = tpu.bitcast %or3A : vector<3200x64xi32> -> vector<3200x64xi32>
    %swap3A = arith.constant 0 : index
    %swap3A_14 = arith.constant 0 : index
    %swap3A_15 = vector.load %arg3[%swap3A, %swap3A_14] : memref<3200x64xi32, #tpu.memory_space<vmem>>, vector<3200x64xi32>
    tpu.vector_store %arg3[%swap3A, %swap3A_14], %bitcast_convert_type3A_13 {strides = array<i32>} : memref<3200x64xi32, #tpu.memory_space<vmem>>, vector<3200x64xi32>,
    return
  }
  func.func @transform_0(%arg0: i32) -> (i32, i32) {
    %c0_i32 = arith.constant 0 : i32
    %c0_i32_0 = arith.constant 0 : i32
    return %arg0, %c0_i32 : i32, i32
  }
  func.func @transform_1(%arg0: i32) -> (i32, i32) {
    %c0_i32 = arith.constant 0 : i32
    %c0_i32_0 = arith.constant 0 : i32
    %c0_i32_1 = arith.constant 0 : i32
    return %c0_i32, %c0_i32_0 : i32, i32
  }
  func.func @transform_2(%arg0: i32) -> (i32, i32) {
    %c0_i32 = arith.constant 0 : i32
    %c0_i32_0 = arith.constant 0 : i32
    return %arg0, %c0_i32 : i32, i32
  }
}

module attributes {stable_mosaic.version = 14 : i64} {
  func.func @_mm_body(%arg0: i32, %arg1: memref<2000x128xf32, #tpu.memory_space<vmem>>, %arg2: memref<128x128xf32, #tpu.memory_space<vmem>>, %arg3: memref<2000x128xf32, #tpu.memory_space<vmem>>) attributes {dimension_semantics = [#tpu.dimension_semantics<arbitrary>], iteration_bounds = array<i64: 5>, scalar_prefetch = 0 : i64, scratch_operands = 0 : i64, tpu.core_type = #tpu.core_type<tc>, window_params = [{transform_indices = @transform_0, window_bounds = array<i64: 2000, 128>}, {pipeline_mode = #tpu.pipeline_mode<synchronous>, transform_indices = @transform_1, window_bounds = array<i64: 128, 128>}, {transform_indices = @transform_2, window_bounds = array<i64: 2000, 128>}]} {
    %get3A = arith.constant 0 : index
    %get3A_0 = arith.constant 0 : index
    %get3A_1 = vector.load %arg1[%get3A, %get3A_0] : memref<2000x128xf32, #tpu.memory_space<vmem>>, vector<2000x128xf32>
    %get3A_2 = arith.constant 0 : index
    %get3A_3 = arith.constant 0 : index
    %get3A_4 = vector.load %arg2[%get3A_2, %get3A_3] : memref<128x128xf32, #tpu.memory_space<vmem>>, vector<128x128xf32>
    %dot_general3A = arith.constant dense<0.000000e+00> : vector<2000x128xf32>
    %dot_general3A_5 = tpu.matmul %get3A_1, %get3A_4, %dot_general3A {dimension_numbers = #tpu.dot_dimension_numbers<[1], [0], [0], [1], [0, 0, 1, 1], [], []>, transpose_lhs_hint = false} : vector<2000x128xf32>, vector<128x128xf32>, vector<2000x128xf32> -> vector<2000x128xf32>
    %swap3A = arith.constant 0 : index
    %swap3A_6 = arith.constant 0 : index
    %swap3A_7 = vector.load %arg3[%swap3A, %swap3A_6] : memref<2000x128xf32, #tpu.memory_space<vmem>>, vector<2000x128xf32>
    tpu.vector_store %arg3[%swap3A, %swap3A_6], %dot_general3A_5 {strides = array<i32>} : memref<2000x128xf32, #tpu.memory_space<vmem>>, vector<2000x128xf32>,
    return
  }
  func.func @transform_0(%arg0: i32) -> (i32, i32) {
    %c0_i32 = arith.constant 0 : i32
    %c0_i32_0 = arith.constant 0 : i32
    return %arg0, %c0_i32 : i32, i32
  }
  func.func @transform_1(%arg0: i32) -> (i32, i32) {
    %c0_i32 = arith.constant 0 : i32
    %c0_i32_0 = arith.constant 0 : i32
    %c0_i32_1 = arith.constant 0 : i32
    return %c0_i32, %c0_i32_0 : i32, i32
  }
  func.func @transform_2(%arg0: i32) -> (i32, i32) {
    %c0_i32 = arith.constant 0 : i32
    %c0_i32_0 = arith.constant 0 : i32
    return %arg0, %c0_i32 : i32, i32
  }
}

module attributes {stable_mosaic.version = 14 : i64} {
  func.func @_mmh_body(%arg0: i32, %arg1: memref<3200x128xf32, #tpu.memory_space<vmem>>, %arg2: memref<128x128xf32, #tpu.memory_space<vmem>>, %arg3: memref<3200x64xi32, #tpu.memory_space<vmem>>) attributes {dimension_semantics = [#tpu.dimension_semantics<arbitrary>], iteration_bounds = array<i64: 48>, scalar_prefetch = 0 : i64, scratch_operands = 0 : i64, tpu.core_type = #tpu.core_type<tc>, window_params = [{transform_indices = @transform_0, window_bounds = array<i64: 3200, 128>}, {pipeline_mode = #tpu.pipeline_mode<synchronous>, transform_indices = @transform_1, window_bounds = array<i64: 128, 128>}, {transform_indices = @transform_2, window_bounds = array<i64: 3200, 64>}]} {
    %get3A = arith.constant 0 : index
    %get3A_0 = arith.constant 0 : index
    %get3A_1 = vector.load %arg1[%get3A, %get3A_0] : memref<3200x128xf32, #tpu.memory_space<vmem>>, vector<3200x128xf32>
    %get3A_2 = arith.constant 0 : index
    %get3A_3 = arith.constant 0 : index
    %get3A_4 = vector.load %arg2[%get3A_2, %get3A_3] : memref<128x128xf32, #tpu.memory_space<vmem>>, vector<128x128xf32>
    %dot_general3A = arith.constant dense<0.000000e+00> : vector<3200x128xf32>
    %dot_general3A_5 = tpu.matmul %get3A_1, %get3A_4, %dot_general3A {dimension_numbers = #tpu.dot_dimension_numbers<[1], [0], [0], [1], [0, 0, 1, 1], [], []>, transpose_lhs_hint = false} : vector<3200x128xf32>, vector<128x128xf32>, vector<3200x128xf32> -> vector<3200x128xf32>
    %slice3A = vector.extract_strided_slice %dot_general3A_5 {offsets = [0, 0], sizes = [3200, 64], strides = [1, 1]} : vector<3200x128xf32> to vector<3200x64xf32>
    %convert_element_type3A = arith.truncf %slice3A : vector<3200x64xf32> to vector<3200x64xbf16>
    %bitcast_convert_type3A = tpu.bitcast %convert_element_type3A : vector<3200x64xbf16> -> vector<3200x64xi16>
    %convert_element_type3A_6 = arith.extui %bitcast_convert_type3A : vector<3200x64xi16> to vector<3200x64xi32>
    %slice3A_7 = vector.extract_strided_slice %dot_general3A_5 {offsets = [0, 64], sizes = [3200, 64], strides = [1, 1]} : vector<3200x128xf32> to vector<3200x64xf32>
    %convert_element_type3A_8 = arith.truncf %slice3A_7 : vector<3200x64xf32> to vector<3200x64xbf16>
    %bitcast_convert_type3A_9 = tpu.bitcast %convert_element_type3A_8 : vector<3200x64xbf16> -> vector<3200x64xi16>
    %convert_element_type3A_10 = arith.extui %bitcast_convert_type3A_9 : vector<3200x64xi16> to vector<3200x64xi32>
    %shift_left3A = arith.constant 16 : i32
    %shift_left3A_11 = vector.broadcast %shift_left3A : i32 to vector<3200x64xi32>
    %shift_left3A_12 = arith.shli %convert_element_type3A_10, %shift_left3A_11 : vector<3200x64xi32>
    %or3A = arith.ori %convert_element_type3A_6, %shift_left3A_12 : vector<3200x64xi32>
    %bitcast_convert_type3A_13 = tpu.bitcast %or3A : vector<3200x64xi32> -> vector<3200x64xi32>
    %swap3A = arith.constant 0 : index
    %swap3A_14 = arith.constant 0 : index
    %swap3A_15 = vector.load %arg3[%swap3A, %swap3A_14] : memref<3200x64xi32, #tpu.memory_space<vmem>>, vector<3200x64xi32>
    tpu.vector_store %arg3[%swap3A, %swap3A_14], %bitcast_convert_type3A_13 {strides = array<i32>} : memref<3200x64xi32, #tpu.memory_space<vmem>>, vector<3200x64xi32>,
    return
  }
  func.func @transform_0(%arg0: i32) -> (i32, i32) {
    %c0_i32 = arith.constant 0 : i32
    %c0_i32_0 = arith.constant 0 : i32
    return %arg0, %c0_i32 : i32, i32
  }
  func.func @transform_1(%arg0: i32) -> (i32, i32) {
    %c0_i32 = arith.constant 0 : i32
    %c0_i32_0 = arith.constant 0 : i32
    %c0_i32_1 = arith.constant 0 : i32
    return %c0_i32, %c0_i32_0 : i32, i32
  }
  func.func @transform_2(%arg0: i32) -> (i32, i32) {
    %c0_i32 = arith.constant 0 : i32
    %c0_i32_0 = arith.constant 0 : i32
    return %arg0, %c0_i32 : i32, i32
  }
}

module attributes {stable_mosaic.version = 14 : i64} {
  func.func @_h2_mm_body(%arg0: i32, %arg1: memref<3200x128xf32, #tpu.memory_space<vmem>>, %arg2: memref<3200x128xf32, #tpu.memory_space<vmem>>, %arg3: memref<128x128xf32, #tpu.memory_space<vmem>>, %arg4: memref<3200x64xi32, #tpu.memory_space<vmem>>) attributes {dimension_semantics = [#tpu.dimension_semantics<arbitrary>], iteration_bounds = array<i64: 52>, scalar_prefetch = 0 : i64, scratch_operands = 0 : i64, tpu.core_type = #tpu.core_type<tc>, window_params = [{transform_indices = @transform_0, window_bounds = array<i64: 3200, 128>}, {transform_indices = @transform_1, window_bounds = array<i64: 3200, 128>}, {pipeline_mode = #tpu.pipeline_mode<synchronous>, transform_indices = @transform_2, window_bounds = array<i64: 128, 128>}, {transform_indices = @transform_3, window_bounds = array<i64: 3200, 64>}]} {
    %get3A = arith.constant 0 : index
    %get3A_0 = arith.constant 0 : index
    %get3A_1 = vector.load %arg1[%get3A, %get3A_0] : memref<3200x128xf32, #tpu.memory_space<vmem>>, vector<3200x128xf32>
    %get3A_2 = arith.constant 0 : index
    %get3A_3 = arith.constant 0 : index
    %get3A_4 = vector.load %arg2[%get3A_2, %get3A_3] : memref<3200x128xf32, #tpu.memory_space<vmem>>, vector<3200x128xf32>
    %add3A = arith.addf %get3A_1, %get3A_4 : vector<3200x128xf32>
    %get3A_5 = arith.constant 0 : index
    %get3A_6 = arith.constant 0 : index
    %get3A_7 = vector.load %arg3[%get3A_5, %get3A_6] : memref<128x128xf32, #tpu.memory_space<vmem>>, vector<128x128xf32>
    %dot_general3A = arith.constant dense<0.000000e+00> : vector<3200x128xf32>
    %dot_general3A_8 = tpu.matmul %add3A, %get3A_7, %dot_general3A {dimension_numbers = #tpu.dot_dimension_numbers<[1], [0], [0], [1], [0, 0, 1, 1], [], []>, transpose_lhs_hint = false} : vector<3200x128xf32>, vector<128x128xf32>, vector<3200x128xf32> -> vector<3200x128xf32>
    %slice3A = vector.extract_strided_slice %dot_general3A_8 {offsets = [0, 0], sizes = [3200, 64], strides = [1, 1]} : vector<3200x128xf32> to vector<3200x64xf32>
    %convert_element_type3A = arith.truncf %slice3A : vector<3200x64xf32> to vector<3200x64xbf16>
    %bitcast_convert_type3A = tpu.bitcast %convert_element_type3A : vector<3200x64xbf16> -> vector<3200x64xi16>
    %convert_element_type3A_9 = arith.extui %bitcast_convert_type3A : vector<3200x64xi16> to vector<3200x64xi32>
    %slice3A_10 = vector.extract_strided_slice %dot_general3A_8 {offsets = [0, 64], sizes = [3200, 64], strides = [1, 1]} : vector<3200x128xf32> to vector<3200x64xf32>
    %convert_element_type3A_11 = arith.truncf %slice3A_10 : vector<3200x64xf32> to vector<3200x64xbf16>
    %bitcast_convert_type3A_12 = tpu.bitcast %convert_element_type3A_11 : vector<3200x64xbf16> -> vector<3200x64xi16>
    %convert_element_type3A_13 = arith.extui %bitcast_convert_type3A_12 : vector<3200x64xi16> to vector<3200x64xi32>
    %shift_left3A = arith.constant 16 : i32
    %shift_left3A_14 = vector.broadcast %shift_left3A : i32 to vector<3200x64xi32>
    %shift_left3A_15 = arith.shli %convert_element_type3A_13, %shift_left3A_14 : vector<3200x64xi32>
    %or3A = arith.ori %convert_element_type3A_9, %shift_left3A_15 : vector<3200x64xi32>
    %bitcast_convert_type3A_16 = tpu.bitcast %or3A : vector<3200x64xi32> -> vector<3200x64xi32>
    %swap3A = arith.constant 0 : index
    %swap3A_17 = arith.constant 0 : index
    %swap3A_18 = vector.load %arg4[%swap3A, %swap3A_17] : memref<3200x64xi32, #tpu.memory_space<vmem>>, vector<3200x64xi32>
    tpu.vector_store %arg4[%swap3A, %swap3A_17], %bitcast_convert_type3A_16 {strides = array<i32>} : memref<3200x64xi32, #tpu.memory_space<vmem>>, vector<3200x64xi32>,
    return
  }
  func.func @transform_0(%arg0: i32) -> (i32, i32) {
    %c0_i32 = arith.constant 0 : i32
    %c0_i32_0 = arith.constant 0 : i32
    return %arg0, %c0_i32 : i32, i32
  }
  func.func @transform_1(%arg0: i32) -> (i32, i32) {
    %c0_i32 = arith.constant 0 : i32
    %c0_i32_0 = arith.constant 0 : i32
    return %arg0, %c0_i32 : i32, i32
  }
  func.func @transform_2(%arg0: i32) -> (i32, i32) {
    %c0_i32 = arith.constant 0 : i32
    %c0_i32_0 = arith.constant 0 : i32
    %c0_i32_1 = arith.constant 0 : i32
    return %c0_i32, %c0_i32_0 : i32, i32
  }
  func.func @transform_3(%arg0: i32) -> (i32, i32) {
    %c0_i32 = arith.constant 0 : i32
    %c0_i32_0 = arith.constant 0 : i32
    return %arg0, %c0_i32 : i32, i32
  }
}

module attributes {stable_mosaic.version = 14 : i64} {
  func.func @_upd_body(%arg0: i32, %arg1: memref<2000x128xf32, #tpu.memory_space<vmem>>, %arg2: memref<2x2000x128xf32, #tpu.memory_space<vmem>>, %arg3: memref<2x2000x128xf32, #tpu.memory_space<vmem>>, %arg4: memref<128x128xf32, #tpu.memory_space<vmem>>, %arg5: memref<1x128xf32, #tpu.memory_space<vmem>>, %arg6: memref<128x128xf32, #tpu.memory_space<vmem>>, %arg7: memref<2000x128xf32, #tpu.memory_space<vmem>>, %arg8: memref<2000x128xf32, #tpu.memory_space<vmem>>) attributes {dimension_semantics = [#tpu.dimension_semantics<arbitrary>], iteration_bounds = array<i64: 5>, scalar_prefetch = 0 : i64, scratch_operands = 0 : i64, tpu.core_type = #tpu.core_type<tc>, window_params = [{transform_indices = @transform_0, window_bounds = array<i64: 2000, 128>}, {transform_indices = @transform_1, window_bounds = array<i64: 2, 2000, 128>}, {transform_indices = @transform_2, window_bounds = array<i64: 2, 2000, 128>}, {pipeline_mode = #tpu.pipeline_mode<synchronous>, transform_indices = @transform_3, window_bounds = array<i64: 128, 128>}, {pipeline_mode = #tpu.pipeline_mode<synchronous>, transform_indices = @transform_4, window_bounds = array<i64: 1, 128>}, {pipeline_mode = #tpu.pipeline_mode<synchronous>, transform_indices = @transform_5, window_bounds = array<i64: 128, 128>}, {transform_indices = @transform_6, window_bounds = array<i64: 2000, 128>}, {transform_indices = @transform_7, window_bounds = array<i64: 2000, 128>}]} {
    %get3A = arith.constant 0 : index
    %get3A_0 = arith.constant 0 : index
    %get3A_1 = arith.constant 0 : index
    %get3A_2 = vector.load %arg2[%get3A, %get3A_0, %get3A_1] : memref<2x2000x128xf32, #tpu.memory_space<vmem>>, vector<1x2000x128xf32>
    %get3A_3 = vector.shape_cast %get3A_2 : vector<1x2000x128xf32> to vector<2000x128xf32>
    %get3A_4 = arith.constant 1 : index
    %get3A_5 = arith.constant 0 : index
    %get3A_6 = arith.constant 0 : index
    %get3A_7 = vector.load %arg2[%get3A_4, %get3A_5, %get3A_6] : memref<2x2000x128xf32, #tpu.memory_space<vmem>>, vector<1x2000x128xf32>
    %get3A_8 = vector.shape_cast %get3A_7 : vector<1x2000x128xf32> to vector<2000x128xf32>
    %add3A = arith.addf %get3A_3, %get3A_8 : vector<2000x128xf32>
    %get3A_9 = arith.constant 0 : index
    %get3A_10 = arith.constant 0 : index
    %get3A_11 = arith.constant 0 : index
    %get3A_12 = vector.load %arg3[%get3A_9, %get3A_10, %get3A_11] : memref<2x2000x128xf32, #tpu.memory_space<vmem>>, vector<1x2000x128xf32>
    %get3A_13 = vector.shape_cast %get3A_12 : vector<1x2000x128xf32> to vector<2000x128xf32>
    %get3A_14 = arith.constant 1 : index
    %get3A_15 = arith.constant 0 : index
    %get3A_16 = arith.constant 0 : index
    %get3A_17 = vector.load %arg3[%get3A_14, %get3A_15, %get3A_16] : memref<2x2000x128xf32, #tpu.memory_space<vmem>>, vector<1x2000x128xf32>
    %get3A_18 = vector.shape_cast %get3A_17 : vector<1x2000x128xf32> to vector<2000x128xf32>
    %add3A_19 = arith.addf %get3A_13, %get3A_18 : vector<2000x128xf32>
    %add3A_20 = arith.addf %add3A, %add3A_19 : vector<2000x128xf32>
    %get3A_21 = arith.constant 0 : index
    %get3A_22 = arith.constant 0 : index
    %get3A_23 = vector.load %arg1[%get3A_21, %get3A_22] : memref<2000x128xf32, #tpu.memory_space<vmem>>, vector<2000x128xf32>
    %get3A_24 = arith.constant 0 : index
    %get3A_25 = arith.constant 0 : index
    %get3A_26 = vector.load %arg4[%get3A_24, %get3A_25] : memref<128x128xf32, #tpu.memory_space<vmem>>, vector<128x128xf32>
    %dot_general3A = arith.constant dense<0.000000e+00> : vector<2000x128xf32>
    %dot_general3A_27 = tpu.matmul %add3A_20, %get3A_26, %dot_general3A {dimension_numbers = #tpu.dot_dimension_numbers<[1], [0], [0], [1], [0, 0, 1, 1], [], []>, transpose_lhs_hint = false} : vector<2000x128xf32>, vector<128x128xf32>, vector<2000x128xf32> -> vector<2000x128xf32>
    %get3A_28 = arith.constant 0 : index
    %get3A_29 = arith.constant 0 : index
    %get3A_30 = vector.load %arg5[%get3A_28, %get3A_29] : memref<1x128xf32, #tpu.memory_space<vmem>>, vector<1x128xf32>
    %add3A_31 = vector.broadcast %get3A_30 : vector<1x128xf32> to vector<2000x128xf32>
    %add3A_32 = arith.addf %dot_general3A_27, %add3A_31 : vector<2000x128xf32>
    %max3A = arith.constant 0.000000e+00 : f32
    %max3A_33 = vector.broadcast %max3A : f32 to vector<2000x128xf32>
    %max3A_34 = arith.maximumf %add3A_32, %max3A_33 : vector<2000x128xf32>
    %add3A_35 = arith.addf %get3A_23, %max3A_34 : vector<2000x128xf32>
    %swap3A = arith.constant 0 : index
    %swap3A_36 = arith.constant 0 : index
    %swap3A_37 = vector.load %arg7[%swap3A, %swap3A_36] : memref<2000x128xf32, #tpu.memory_space<vmem>>, vector<2000x128xf32>
    tpu.vector_store %arg7[%swap3A, %swap3A_36], %add3A_35 {strides = array<i32>} : memref<2000x128xf32, #tpu.memory_space<vmem>>, vector<2000x128xf32>,
    %get3A_38 = arith.constant 0 : index
    %get3A_39 = arith.constant 0 : index
    %get3A_40 = vector.load %arg6[%get3A_38, %get3A_39] : memref<128x128xf32, #tpu.memory_space<vmem>>, vector<128x128xf32>
    %dot_general3A_41 = arith.constant dense<0.000000e+00> : vector<2000x128xf32>
    %dot_general3A_42 = tpu.matmul %add3A_35, %get3A_40, %dot_general3A_41 {dimension_numbers = #tpu.dot_dimension_numbers<[1], [0], [0], [1], [0, 0, 1, 1], [], []>, transpose_lhs_hint = false} : vector<2000x128xf32>, vector<128x128xf32>, vector<2000x128xf32> -> vector<2000x128xf32>
    %swap3A_43 = arith.constant 0 : index
    %swap3A_44 = arith.constant 0 : index
    %swap3A_45 = vector.load %arg8[%swap3A_43, %swap3A_44] : memref<2000x128xf32, #tpu.memory_space<vmem>>, vector<2000x128xf32>
    tpu.vector_store %arg8[%swap3A_43, %swap3A_44], %dot_general3A_42 {strides = array<i32>} : memref<2000x128xf32, #tpu.memory_space<vmem>>, vector<2000x128xf32>,
    return
  }
  func.func @transform_0(%arg0: i32) -> (i32, i32) {
    %c0_i32 = arith.constant 0 : i32
    %c0_i32_0 = arith.constant 0 : i32
    return %arg0, %c0_i32 : i32, i32
  }
  func.func @transform_1(%arg0: i32) -> (i32, i32, i32) {
    %c0_i32 = arith.constant 0 : i32
    %c0_i32_0 = arith.constant 0 : i32
    %c0_i32_1 = arith.constant 0 : i32
    return %c0_i32, %arg0, %c0_i32_0 : i32, i32, i32
  }
  func.func @transform_2(%arg0: i32) -> (i32, i32, i32) {
    %c0_i32 = arith.constant 0 : i32
    %c0_i32_0 = arith.constant 0 : i32
    %c0_i32_1 = arith.constant 0 : i32
    return %c0_i32, %arg0, %c0_i32_0 : i32, i32, i32
  }
  func.func @transform_3(%arg0: i32) -> (i32, i32) {
    %c0_i32 = arith.constant 0 : i32
    %c0_i32_0 = arith.constant 0 : i32
    %c0_i32_1 = arith.constant 0 : i32
    return %c0_i32, %c0_i32_0 : i32, i32
  }
  func.func @transform_4(%arg0: i32) -> (i32, i32) {
    %c0_i32 = arith.constant 0 : i32
    %c0_i32_0 = arith.constant 0 : i32
    %c0_i32_1 = arith.constant 0 : i32
    return %c0_i32, %c0_i32_0 : i32, i32
  }
  func.func @transform_5(%arg0: i32) -> (i32, i32) {
    %c0_i32 = arith.constant 0 : i32
    %c0_i32_0 = arith.constant 0 : i32
    %c0_i32_1 = arith.constant 0 : i32
    return %c0_i32, %c0_i32_0 : i32, i32
  }
  func.func @transform_6(%arg0: i32) -> (i32, i32) {
    %c0_i32 = arith.constant 0 : i32
    %c0_i32_0 = arith.constant 0 : i32
    return %arg0, %c0_i32 : i32, i32
  }
  func.func @transform_7(%arg0: i32) -> (i32, i32) {
    %c0_i32 = arith.constant 0 : i32
    %c0_i32_0 = arith.constant 0 : i32
    return %arg0, %c0_i32 : i32, i32
  }
}

module attributes {stable_mosaic.version = 14 : i64} {
  func.func @_h2_mm_body(%arg0: i32, %arg1: memref<3200x128xf32, #tpu.memory_space<vmem>>, %arg2: memref<3200x128xf32, #tpu.memory_space<vmem>>, %arg3: memref<128x128xf32, #tpu.memory_space<vmem>>, %arg4: memref<3200x64xi32, #tpu.memory_space<vmem>>) attributes {dimension_semantics = [#tpu.dimension_semantics<arbitrary>], iteration_bounds = array<i64: 48>, scalar_prefetch = 0 : i64, scratch_operands = 0 : i64, tpu.core_type = #tpu.core_type<tc>, window_params = [{transform_indices = @transform_0, window_bounds = array<i64: 3200, 128>}, {transform_indices = @transform_1, window_bounds = array<i64: 3200, 128>}, {pipeline_mode = #tpu.pipeline_mode<synchronous>, transform_indices = @transform_2, window_bounds = array<i64: 128, 128>}, {transform_indices = @transform_3, window_bounds = array<i64: 3200, 64>}]} {
    %get3A = arith.constant 0 : index
    %get3A_0 = arith.constant 0 : index
    %get3A_1 = vector.load %arg1[%get3A, %get3A_0] : memref<3200x128xf32, #tpu.memory_space<vmem>>, vector<3200x128xf32>
    %get3A_2 = arith.constant 0 : index
    %get3A_3 = arith.constant 0 : index
    %get3A_4 = vector.load %arg2[%get3A_2, %get3A_3] : memref<3200x128xf32, #tpu.memory_space<vmem>>, vector<3200x128xf32>
    %add3A = arith.addf %get3A_1, %get3A_4 : vector<3200x128xf32>
    %get3A_5 = arith.constant 0 : index
    %get3A_6 = arith.constant 0 : index
    %get3A_7 = vector.load %arg3[%get3A_5, %get3A_6] : memref<128x128xf32, #tpu.memory_space<vmem>>, vector<128x128xf32>
    %dot_general3A = arith.constant dense<0.000000e+00> : vector<3200x128xf32>
    %dot_general3A_8 = tpu.matmul %add3A, %get3A_7, %dot_general3A {dimension_numbers = #tpu.dot_dimension_numbers<[1], [0], [0], [1], [0, 0, 1, 1], [], []>, transpose_lhs_hint = false} : vector<3200x128xf32>, vector<128x128xf32>, vector<3200x128xf32> -> vector<3200x128xf32>
    %slice3A = vector.extract_strided_slice %dot_general3A_8 {offsets = [0, 0], sizes = [3200, 64], strides = [1, 1]} : vector<3200x128xf32> to vector<3200x64xf32>
    %convert_element_type3A = arith.truncf %slice3A : vector<3200x64xf32> to vector<3200x64xbf16>
    %bitcast_convert_type3A = tpu.bitcast %convert_element_type3A : vector<3200x64xbf16> -> vector<3200x64xi16>
    %convert_element_type3A_9 = arith.extui %bitcast_convert_type3A : vector<3200x64xi16> to vector<3200x64xi32>
    %slice3A_10 = vector.extract_strided_slice %dot_general3A_8 {offsets = [0, 64], sizes = [3200, 64], strides = [1, 1]} : vector<3200x128xf32> to vector<3200x64xf32>
    %convert_element_type3A_11 = arith.truncf %slice3A_10 : vector<3200x64xf32> to vector<3200x64xbf16>
    %bitcast_convert_type3A_12 = tpu.bitcast %convert_element_type3A_11 : vector<3200x64xbf16> -> vector<3200x64xi16>
    %convert_element_type3A_13 = arith.extui %bitcast_convert_type3A_12 : vector<3200x64xi16> to vector<3200x64xi32>
    %shift_left3A = arith.constant 16 : i32
    %shift_left3A_14 = vector.broadcast %shift_left3A : i32 to vector<3200x64xi32>
    %shift_left3A_15 = arith.shli %convert_element_type3A_13, %shift_left3A_14 : vector<3200x64xi32>
    %or3A = arith.ori %convert_element_type3A_9, %shift_left3A_15 : vector<3200x64xi32>
    %bitcast_convert_type3A_16 = tpu.bitcast %or3A : vector<3200x64xi32> -> vector<3200x64xi32>
    %swap3A = arith.constant 0 : index
    %swap3A_17 = arith.constant 0 : index
    %swap3A_18 = vector.load %arg4[%swap3A, %swap3A_17] : memref<3200x64xi32, #tpu.memory_space<vmem>>, vector<3200x64xi32>
    tpu.vector_store %arg4[%swap3A, %swap3A_17], %bitcast_convert_type3A_16 {strides = array<i32>} : memref<3200x64xi32, #tpu.memory_space<vmem>>, vector<3200x64xi32>,
    return
  }
  func.func @transform_0(%arg0: i32) -> (i32, i32) {
    %c0_i32 = arith.constant 0 : i32
    %c0_i32_0 = arith.constant 0 : i32
    return %arg0, %c0_i32 : i32, i32
  }
  func.func @transform_1(%arg0: i32) -> (i32, i32) {
    %c0_i32 = arith.constant 0 : i32
    %c0_i32_0 = arith.constant 0 : i32
    return %arg0, %c0_i32 : i32, i32
  }
  func.func @transform_2(%arg0: i32) -> (i32, i32) {
    %c0_i32 = arith.constant 0 : i32
    %c0_i32_0 = arith.constant 0 : i32
    %c0_i32_1 = arith.constant 0 : i32
    return %c0_i32, %c0_i32_0 : i32, i32
  }
  func.func @transform_3(%arg0: i32) -> (i32, i32) {
    %c0_i32 = arith.constant 0 : i32
    %c0_i32_0 = arith.constant 0 : i32
    return %arg0, %c0_i32 : i32, i32
  }
}

module attributes {stable_mosaic.version = 14 : i64} {
  func.func @_upd_body(%arg0: i32, %arg1: memref<2000x128xf32, #tpu.memory_space<vmem>>, %arg2: memref<2x2000x128xf32, #tpu.memory_space<vmem>>, %arg3: memref<2x2000x128xf32, #tpu.memory_space<vmem>>, %arg4: memref<128x128xf32, #tpu.memory_space<vmem>>, %arg5: memref<1x128xf32, #tpu.memory_space<vmem>>, %arg6: memref<128x128xf32, #tpu.memory_space<vmem>>, %arg7: memref<2000x128xf32, #tpu.memory_space<vmem>>, %arg8: memref<2000x128xf32, #tpu.memory_space<vmem>>) attributes {dimension_semantics = [#tpu.dimension_semantics<arbitrary>], iteration_bounds = array<i64: 5>, scalar_prefetch = 0 : i64, scratch_operands = 0 : i64, tpu.core_type = #tpu.core_type<tc>, window_params = [{transform_indices = @transform_0, window_bounds = array<i64: 2000, 128>}, {transform_indices = @transform_1, window_bounds = array<i64: 2, 2000, 128>}, {transform_indices = @transform_2, window_bounds = array<i64: 2, 2000, 128>}, {pipeline_mode = #tpu.pipeline_mode<synchronous>, transform_indices = @transform_3, window_bounds = array<i64: 128, 128>}, {pipeline_mode = #tpu.pipeline_mode<synchronous>, transform_indices = @transform_4, window_bounds = array<i64: 1, 128>}, {pipeline_mode = #tpu.pipeline_mode<synchronous>, transform_indices = @transform_5, window_bounds = array<i64: 128, 128>}, {transform_indices = @transform_6, window_bounds = array<i64: 2000, 128>}, {transform_indices = @transform_7, window_bounds = array<i64: 2000, 128>}]} {
    %get3A = arith.constant 0 : index
    %get3A_0 = arith.constant 0 : index
    %get3A_1 = arith.constant 0 : index
    %get3A_2 = vector.load %arg2[%get3A, %get3A_0, %get3A_1] : memref<2x2000x128xf32, #tpu.memory_space<vmem>>, vector<1x2000x128xf32>
    %get3A_3 = vector.shape_cast %get3A_2 : vector<1x2000x128xf32> to vector<2000x128xf32>
    %get3A_4 = arith.constant 1 : index
    %get3A_5 = arith.constant 0 : index
    %get3A_6 = arith.constant 0 : index
    %get3A_7 = vector.load %arg2[%get3A_4, %get3A_5, %get3A_6] : memref<2x2000x128xf32, #tpu.memory_space<vmem>>, vector<1x2000x128xf32>
    %get3A_8 = vector.shape_cast %get3A_7 : vector<1x2000x128xf32> to vector<2000x128xf32>
    %add3A = arith.addf %get3A_3, %get3A_8 : vector<2000x128xf32>
    %get3A_9 = arith.constant 0 : index
    %get3A_10 = arith.constant 0 : index
    %get3A_11 = arith.constant 0 : index
    %get3A_12 = vector.load %arg3[%get3A_9, %get3A_10, %get3A_11] : memref<2x2000x128xf32, #tpu.memory_space<vmem>>, vector<1x2000x128xf32>
    %get3A_13 = vector.shape_cast %get3A_12 : vector<1x2000x128xf32> to vector<2000x128xf32>
    %get3A_14 = arith.constant 1 : index
    %get3A_15 = arith.constant 0 : index
    %get3A_16 = arith.constant 0 : index
    %get3A_17 = vector.load %arg3[%get3A_14, %get3A_15, %get3A_16] : memref<2x2000x128xf32, #tpu.memory_space<vmem>>, vector<1x2000x128xf32>
    %get3A_18 = vector.shape_cast %get3A_17 : vector<1x2000x128xf32> to vector<2000x128xf32>
    %add3A_19 = arith.addf %get3A_13, %get3A_18 : vector<2000x128xf32>
    %add3A_20 = arith.addf %add3A, %add3A_19 : vector<2000x128xf32>
    %get3A_21 = arith.constant 0 : index
    %get3A_22 = arith.constant 0 : index
    %get3A_23 = vector.load %arg1[%get3A_21, %get3A_22] : memref<2000x128xf32, #tpu.memory_space<vmem>>, vector<2000x128xf32>
    %get3A_24 = arith.constant 0 : index
    %get3A_25 = arith.constant 0 : index
    %get3A_26 = vector.load %arg4[%get3A_24, %get3A_25] : memref<128x128xf32, #tpu.memory_space<vmem>>, vector<128x128xf32>
    %dot_general3A = arith.constant dense<0.000000e+00> : vector<2000x128xf32>
    %dot_general3A_27 = tpu.matmul %add3A_20, %get3A_26, %dot_general3A {dimension_numbers = #tpu.dot_dimension_numbers<[1], [0], [0], [1], [0, 0, 1, 1], [], []>, transpose_lhs_hint = false} : vector<2000x128xf32>, vector<128x128xf32>, vector<2000x128xf32> -> vector<2000x128xf32>
    %get3A_28 = arith.constant 0 : index
    %get3A_29 = arith.constant 0 : index
    %get3A_30 = vector.load %arg5[%get3A_28, %get3A_29] : memref<1x128xf32, #tpu.memory_space<vmem>>, vector<1x128xf32>
    %add3A_31 = vector.broadcast %get3A_30 : vector<1x128xf32> to vector<2000x128xf32>
    %add3A_32 = arith.addf %dot_general3A_27, %add3A_31 : vector<2000x128xf32>
    %max3A = arith.constant 0.000000e+00 : f32
    %max3A_33 = vector.broadcast %max3A : f32 to vector<2000x128xf32>
    %max3A_34 = arith.maximumf %add3A_32, %max3A_33 : vector<2000x128xf32>
    %add3A_35 = arith.addf %get3A_23, %max3A_34 : vector<2000x128xf32>
    %swap3A = arith.constant 0 : index
    %swap3A_36 = arith.constant 0 : index
    %swap3A_37 = vector.load %arg7[%swap3A, %swap3A_36] : memref<2000x128xf32, #tpu.memory_space<vmem>>, vector<2000x128xf32>
    tpu.vector_store %arg7[%swap3A, %swap3A_36], %add3A_35 {strides = array<i32>} : memref<2000x128xf32, #tpu.memory_space<vmem>>, vector<2000x128xf32>,
    %get3A_38 = arith.constant 0 : index
    %get3A_39 = arith.constant 0 : index
    %get3A_40 = vector.load %arg6[%get3A_38, %get3A_39] : memref<128x128xf32, #tpu.memory_space<vmem>>, vector<128x128xf32>
    %dot_general3A_41 = arith.constant dense<0.000000e+00> : vector<2000x128xf32>
    %dot_general3A_42 = tpu.matmul %add3A_35, %get3A_40, %dot_general3A_41 {dimension_numbers = #tpu.dot_dimension_numbers<[1], [0], [0], [1], [0, 0, 1, 1], [], []>, transpose_lhs_hint = false} : vector<2000x128xf32>, vector<128x128xf32>, vector<2000x128xf32> -> vector<2000x128xf32>
    %swap3A_43 = arith.constant 0 : index
    %swap3A_44 = arith.constant 0 : index
    %swap3A_45 = vector.load %arg8[%swap3A_43, %swap3A_44] : memref<2000x128xf32, #tpu.memory_space<vmem>>, vector<2000x128xf32>
    tpu.vector_store %arg8[%swap3A_43, %swap3A_44], %dot_general3A_42 {strides = array<i32>} : memref<2000x128xf32, #tpu.memory_space<vmem>>, vector<2000x128xf32>,
    return
  }
  func.func @transform_0(%arg0: i32) -> (i32, i32) {
    %c0_i32 = arith.constant 0 : i32
    %c0_i32_0 = arith.constant 0 : i32
    return %arg0, %c0_i32 : i32, i32
  }
  func.func @transform_1(%arg0: i32) -> (i32, i32, i32) {
    %c0_i32 = arith.constant 0 : i32
    %c0_i32_0 = arith.constant 0 : i32
    %c0_i32_1 = arith.constant 0 : i32
    return %c0_i32, %arg0, %c0_i32_0 : i32, i32, i32
  }
  func.func @transform_2(%arg0: i32) -> (i32, i32, i32) {
    %c0_i32 = arith.constant 0 : i32
    %c0_i32_0 = arith.constant 0 : i32
    %c0_i32_1 = arith.constant 0 : i32
    return %c0_i32, %arg0, %c0_i32_0 : i32, i32, i32
  }
  func.func @transform_3(%arg0: i32) -> (i32, i32) {
    %c0_i32 = arith.constant 0 : i32
    %c0_i32_0 = arith.constant 0 : i32
    %c0_i32_1 = arith.constant 0 : i32
    return %c0_i32, %c0_i32_0 : i32, i32
  }
  func.func @transform_4(%arg0: i32) -> (i32, i32) {
    %c0_i32 = arith.constant 0 : i32
    %c0_i32_0 = arith.constant 0 : i32
    %c0_i32_1 = arith.constant 0 : i32
    return %c0_i32, %c0_i32_0 : i32, i32
  }
  func.func @transform_5(%arg0: i32) -> (i32, i32) {
    %c0_i32 = arith.constant 0 : i32
    %c0_i32_0 = arith.constant 0 : i32
    %c0_i32_1 = arith.constant 0 : i32
    return %c0_i32, %c0_i32_0 : i32, i32
  }
  func.func @transform_6(%arg0: i32) -> (i32, i32) {
    %c0_i32 = arith.constant 0 : i32
    %c0_i32_0 = arith.constant 0 : i32
    return %arg0, %c0_i32 : i32, i32
  }
  func.func @transform_7(%arg0: i32) -> (i32, i32) {
    %c0_i32 = arith.constant 0 : i32
    %c0_i32_0 = arith.constant 0 : i32
    return %arg0, %c0_i32 : i32, i32
  }
}

</mosaic_0001>

<sc_bundles>
// kernel: kernel.13.cloned.1.call-start
scs
__scs_entry_jumppad:
0x0: {  	(pc) =	sbr.rel $0x88, $3  }
0x1: {  	(tag) =	ssettag $0x0;
	lr =	simm.s32 $0x1  }
0x2: {  	[smem:$0x3F9A] =	sst lr;
	_ =	strace $0xD0000000  }
0x3: {  	_ = 	snop  }
0x4: {  	_ = 	snop  }
0x5: {  	_ = 	snop  }
0x6: {  	_ = 	snop  }
0x7: {  	_ = 	snop  }
__scs_overlays_trampoline_lowered:
0x8: {  	[smem:$0x3FA9] =	sst s0  }
0x9: {  	[smem:$0x3FAA] =	sst s1  }
0xa: {  	[smem:$0x3FAB] =	sst s2  }
0xb: {  	[smem:$0x3FAC] =	sst s3  }
0xc: {  	[smem:$0x3FAD] =	sst s4  }
0xd: {  	[smem:$0x3FAE] =	sst s5  }
0xe: {  	[smem:$0x3FAF] =	sst s6  }
0xf: {  	[smem:$0x3FB0] =	sst s7  }
0x10: {  	[smem:$0x3FB1] =	sst s8  }
0x11: {  	[smem:$0x3FB2] =	sst s9;
	s0 =	simm.s32 @!p0 $0x0  }
0x12: {  	s1 =	sld [smem:$0x3F98];
	s0 =	simm.s32 @p0 $0x1  }
0x13: {  	[smem:$0x3FB3] =	sst s0;
	s0 =	simm.s32 @!p1 $0x0  }
0x14: {  	s2 =	sld [smem:$0x3F97];
	s0 =	simm.s32 @p1 $0x1  }
0x15: {  	[smem:$0x3FB4] =	sst s0;
	s0 =	simm.s32 @!p2 $0x0  }
0x16: {  	s3 =	sld [smem:$0x3FDB];
	s0 =	simm.s32 @p2 $0x1  }
0x17: {  	s4 =	simm.s32 $0x1BF5;
	[smem:$0x3FB6] =	sst s0  }
0x18: {  	s0 =	sld [smem:$0x3F99];
	_ =	swait.ge [sflag:s4], $0x0  }
0x19: {  	s7 =	sld [smem:$0x3F9A]  }
0x1a: {  	s8 =	sadd.s32 $0xFFFFE003, lr  }
0x1b: {  	s9 =	sadd.s32 $0xFFFFFEF7, lr;
	s5 =	simm.s32 $0xFFFFFFFF;
	p2 =	slt.u32 s8, $0xFFFFF086  }
0x1c: {  	p1 =	slt.u32 s9, $0xF7A;
	s5 =	simm.s32 @!p2 $0x0  }
0x1d: {  	s5 =	simm.s32 @p1 $0x1;
	p0 =	seq.s32 s7, s2  }
0x1e: {  	s7 =	smul.u32 @!p0 $0xF7A, s2;
	p2 =	seq.s32 @!p0 s5, $0x0  }
0x1f: {  	s9 =	smul.u32 $0xF7A, s1;
	s8 =	simm.s32 @!p0 $0x1BF5;
	p2 =	por !p2, p0  }
0x20: {  	[sflag:s8] =	ssyncset.s32 @!p0 $0xFFFFF086;
	s6 =	sadd.s32 @!p0 s3, s7;
	s7 =	simm.s32 @!p0 $0x108  }
0x21: {  	s3 =	sadd.s32 s3, s9;
	s6 =	sadd.s32 @!p0 $0x88, s6;
	s7 =	simm.s32 @p2 $0x1082  }
0x22: {  	[simem:s7], [sflag:s8] =	dma.local @!p0 [hbm:s6], $0xF7A  }
0x23: {  	s9 =	sor.u32 $0xD0000000, s2;
	s6 =	simm.s32 $0x108;
	_ =	swait.ge @!p0 [sflag:s8], $0x0  }
0x24: {  	s3 =	sadd.s32 $0x88, s3;
	s6 =	simm.s32 @!p1 $0x1082;
	[sflag:s4] =	ssyncset.s32 $0xFFFFF086  }
0x25: {  	[simem:s6], [sflag:s4] =	dma.local [hbm:s3], $0xF7A  }
0x26: {  	[smem:$0x3F9A] =	sst s1;
	(tag) =	ssettag s2;
	_ =	strace s9  }
0x27: {  	s1 =	sld [smem:$0x3FAA]  }
0x28: {  	s2 =	sld [smem:$0x3FAB]  }
0x29: {  	s4 =	sld [smem:$0x3FAD]  }
0x2a: {  	p0 =	seq.s32 s5, $0x0;
	s5 =	sld [smem:$0x3FAE]  }
0x2b: {  	s6 =	sld [smem:$0x3FAF]  }
0x2c: {  	s7 =	sld [smem:$0x3FB0]  }
0x2d: {  	s3 =	simm.s32 $0x108;
	s8 =	sld [smem:$0x3FB1]  }
0x2e: {  	s3 =	simm.s32 @!p0 $0x1082;
	s9 =	sld [smem:$0x3FB2]  }
0x2f: {  	lr =	sadd.s32 s0, s3;
	s0 =	sld [smem:$0x3FA9]  }
0x30: {  	s3 =	sld [smem:$0x3FAC]  }
0x31: {  	[smem:$0x3FB5] =	sst s10  }
0x32: {  	s10 =	sld [smem:$0x3FB3];
	_ =	sdelay $0x3  }
0x33: {  	p0 =	seq.s32 s10, $0x1;
	s10 =	sld [smem:$0x3FB5];
	_ =	sdelay $0x3  }
0x34: {  	[smem:$0x3FB5] =	sst s10  }
0x35: {  	s10 =	sld [smem:$0x3FB4];
	_ =	sdelay $0x3  }
0x36: {  	p1 =	seq.s32 s10, $0x1;
	s10 =	sld [smem:$0x3FB5];
	_ =	sdelay $0x3  }
0x37: {  	[smem:$0x3FB5] =	sst s10  }
0x38: {  	s10 =	sld [smem:$0x3FB6]  }
0x39: {  	_ = 	snop;
	(pc) =	sbr.ind lr, $3  }
0x3a: {  	_ = 	snop  }
0x3b: {  	_ = 	snop  }
0x3c: {  	p2 =	seq.s32 s10, $0x1;
	s10 =	sld [smem:$0x3FB5]  }
0x3d: {  	_ =	shalt  }
0x3e: {  	_ =	shalt  }
0x3f: {  	_ =	shalt  }
0x40: {  	_ =	shalt  }
0x41: {  	_ =	shalt  }
0x42: {  	_ =	shalt  }
0x43: {  	_ =	shalt  }
0x44: {  	_ =	shalt  }
0x45: {  	_ =	shalt  }
0x46: {  	_ =	shalt  }
0x47: {  	_ =	shalt  }
0x48: {  	_ =	shalt  }
0x49: {  	_ =	shalt  }
0x4a: {  	_ =	shalt  }
0x4b: {  	_ =	shalt  }
0x4c: {  	_ =	shalt  }
0x4d: {  	_ =	shalt  }
0x4e: {  	_ =	shalt  }
0x4f: {  	_ =	shalt  }
0x50: {  	_ =	shalt  }
0x51: {  	_ =	shalt  }
0x52: {  	_ =	shalt  }
0x53: {  	_ =	shalt  }
0x54: {  	_ =	shalt  }
0x55: {  	_ =	shalt  }
0x56: {  	_ =	shalt  }
0x57: {  	_ =	shalt  }
0x58: {  	_ =	shalt  }
0x59: {  	_ =	shalt  }
0x5a: {  	_ =	shalt  }
0x5b: {  	_ =	shalt  }
0x5c: {  	_ =	shalt  }
0x5d: {  	_ =	shalt  }
0x5e: {  	_ =	shalt  }
0x5f: {  	_ =	shalt  }
0x60: {  	_ =	shalt  }
0x61: {  	_ =	shalt  }
0x62: {  	_ =	shalt  }
0x63: {  	_ =	shalt  }
0x64: {  	_ =	shalt  }
0x65: {  	_ =	shalt  }
0x66: {  	_ =	shalt  }
0x67: {  	_ =	shalt  }
0x68: {  	_ =	shalt  }
0x69: {  	_ =	shalt  }
0x6a: {  	_ =	shalt  }
0x6b: {  	_ =	shalt  }
0x6c: {  	_ =	shalt  }
0x6d: {  	_ =	shalt  }
0x6e: {  	_ =	shalt  }
0x6f: {  	_ =	shalt  }
0x70: {  	_ =	shalt  }
0x71: {  	_ =	shalt  }
0x72: {  	_ =	shalt  }
0x73: {  	_ =	shalt  }
0x74: {  	_ =	shalt  }
0x75: {  	_ =	shalt  }
0x76: {  	_ =	shalt  }
0x77: {  	_ =	shalt  }
0x78: {  	_ =	shalt  }
0x79: {  	_ =	shalt  }
0x7a: {  	_ =	shalt  }
0x7b: {  	_ =	shalt  }
0x7c: {  	_ =	shalt  }
0x7d: {  	_ =	shalt  }
0x7e: {  	_ =	shalt  }
0x7f: {  	_ =	shalt  }
0x80: {  	_ =	shalt  }
0x81: {  	_ =	shalt  }
0x82: {  	_ =	shalt  }
0x83: {  	_ =	shalt  }
0x84: {  	_ =	shalt  }
0x85: {  	_ =	shalt  }
0x86: {  	_ =	shalt  }
0x87: {  	_ =	shalt  }
.Lfunc_end0:
.L_simem_size_0:
called_computation_lowered:
.L_overlay_start_0:
0x88: {  	s2 =	sld [smem:$0x3FD9]  }
0x89: {  	s3 =	sld [smem:$0x3FFE];
	_ =	sdelay $0x1  }
0x8a: {  	s1 =	srdreg.scid  }
0x8b: {  	s0 =	sand.u32 $0x1, s1  }
0x8c: {  	s17 =	sshll.u32 s0, $0xA;
	s2 =	sadd.s32 s3, s2  }
0x8d: {  	s2 =	sadd.s32 s2, s17  }
0x8e: {  	[smem:$0x3FC1] =	sst s2  }
0x8f: {  	_ = 	snop  }
0x90: {  	s18 =	sld [smem:$0x3FD0];
	(tm) =	ssettm $0x1  }
0x91: {  	s19 =	sld [smem:$0x3FFB];
	_ =	sdelay $0x3  }
0x92: {  	_ =	strace s19  }
0x93: {  	s2 =	sld [smem:$0x3FFC];
	_ =	sdelay $0x3  }
0x94: {  	_ =	strace s2  }
0x95: {  	s2 =	sld [smem:$0x3FFD];
	_ =	sdelay $0x3  }
0x96: {  	_ =	strace s2  }
0x97: {  	_ =	strace $0x8FFFFFFF  }
0x98: {  	s20 =	sld [smem:$0x3FDB];
	_ =	sdelay $0x1  }
0x99: {  	s4 =	simm.s32 $_scs_section_size  }
0x9a: {  	s5 =	simm.s32 $_size__tile_overlayer_lowered;
	s6 =	simm.s32 $_tile_overlayer_lowered  }
0x9b: {  	s7 =	simm.s32 $0x1BFF;
	s21 =	sshll.u32 s6, $0x1;
	s4 =	sadd.s32 s4, s20  }
0x9c: {  	s22 =	simm.s32 $0x0;
	s5 =	sshll.u32 s5, $0x1;
	s6 =	sadd.s32 s21, s4  }
0x9d: {  	[timem:s22], [sflag:s7] =	dma.local [hbm:s6], s5  }
0x9e: {  	_ =	swait.ge [sflag:s7], s5  }
0x9f: {  	s5 =	ssub.s32 $0x0, s5;
	[sflag:s7] =	ssyncset.done $0x0  }
0xa0: {  	[sflag:s7] =	ssyncadd.s32 s5;
	_ =	sdelay $0x1  }
0xa1: {  	s23 =	simm.s32 $0x1B8B  }
0xa2: {  	_ =	swait.ge [sflag:s23], $0x1  }
0xa3: {  	[sflag:s23] =	ssyncset.done $0x0  }
0xa4: {  	[sflag:s23] =	ssyncadd.s32 $0xFFFFFFFF  }
0xa5: {  	s5 =	sld [smem:$0x0]  }
0xa6: {  	s6 =	sand.u32 $0xFFFFFFFE, s1  }
0xa7: {  	p0 =	sne.s32 s1, s6  }
0xa8: {  	s6 =	sshll.u32 @p0 s6, $0xE  }
0xa9: {  	s6 =	sadd.s32 @p0 $0x11B8D, s6;
	s7 =	sshll.u32 @p0 s5, $0x11  }
0xaa: {  	s6 =	sor.u32 @p0 s7, s6  }
0xab: {  	[sflag:s6] =	ssyncadd.remote.s32 @p0 $0x1;
	_ =	sdelay $0x1  }
0xac: {  	s6 =	simm.s32 @p0 $0x1B8D  }
0xad: {  	_ =	swait.eq @p0 [sflag:s6], $0x1  }
0xae: {  	[sflag:s6] =	ssyncadd.s32 @p0 $0xFFFFFFFF  }
0xaf: {  	s7 =	sshll.u32 @!p0 s1, $0xE  }
0xb0: {  	s7 =	sor.u32 @!p0 $0x4000, s7;
	s6 =	simm.s32 @!p0 $0x1B8D  }
0xb1: {  	s5 =	sshll.u32 @!p0 s5, $0x11;
	s7 =	sadd.s32 @!p0 $0x11B8D, s7;
	_ =	swait.eq @!p0 [sflag:s6], $0x1  }
0xb2: {  	s5 =	sor.u32 @!p0 s5, s7;
	[sflag:s6] =	ssyncadd.s32 @!p0 $0xFFFFFFFF  }
0xb3: {  	s25 =	simm.s32 $0x1B8E;
	s24 =	sld [smem:$0x3FFE];
	[sflag:s5] =	ssyncadd.remote.s32 @!p0 $0x1  }
0xb4: {  	s26 =	simm.s32 $execute0_lowered;
	[smem:$0x3FD2] =	sst s25  }
0xb5: {  	s6 =	sshll.u32 s26, $0x1;
	_ =	strace $0x80000049;
	[dreg:$0x1] =	wrdreg $0xFFFFFFFF  }
0xb6: {  	s28 =	simm.s32 $_size_execute0_lowered;
	s4 =	sadd.s32 s4, s6;
	[dreg:$0x0] =	wrdreg $0x0  }
0xb7: {  	s6 =	sshll.u32 s28, $0x1;
	[dreg:$0x2] =	wrdreg s4  }
0xb8: {  	[dreg:$0x3] =	wrdreg s6  }
0xb9: {  	[dreg:$0x4] =	wrdreg $0xC0  }
0xba: {  	_ =	task [dreg:s22], $0x5FFFF  }
0xbb: {  	[dreg:$0x1] =	wrdreg $0xFFFFFFFF  }
0xbc: {  	[dreg:$0x0] =	wrdreg $0x60  }
0xbd: {  	[dreg:$0x2] =	wrdreg s18  }
0xbe: {  	[dreg:$0x3] =	wrdreg s24  }
0xbf: {  	[dreg:$0x4] =	wrdreg $0x7A800  }
0xc0: {  	[dreg:$0x5] =	wrdreg $0x9  }
0xc1: {  	_ =	task.clear_ibuf [dreg:s22], $0x6FFFF;
	_ =	strace $0x90000049  }
0xc2: {  	s29 =	simm.s32 $0x9;
	_ =	strace $0x8000004B  }
0xc3: {  	_ =	swait.ge [sflag:s29], $0x1  }
0xc4: {  	[sflag:s29] =	ssyncadd.s32 $0xFFFFFFFF  }
0xc5: {  	_ =	strace $0x9000004B  }
0xc6: {  	_ =	sfence  }
0xc7: {  	s30 =	sld [smem:$0x0];
	_ =	sdelay $0x2  }
0xc8: {  	s31 =	sshll.u32 s1, $0xD;
	s1 =	sshrl.u32 s1, $0x2  }
0xc9: {  	s4 =	sand.u32 $0x4000, s31;
	s1 =	sadd.s32 s1, s30  }
0xca: {  	s0 =	sor.u32 s4, s0;
	s1 =	sshll.u32 s1, $0x11  }
0xcb: {  	s0 =	sor.u32 s1, s0  }
0xcc: {  	s0 =	sadd.s32 $0x8F2B, s0  }
0xcd: {  	[sflag:s0] =	ssyncadd.remote.s32 $0x1  }
0xce: {  	_ =	sfence.sel $0xFFFF  }
0xcf: {  	[dreg:$0x0] =	wrdreg $0xFFFFFFFF;
	(pc) =	sbr.abs _section_cstart, $3  }
0xd0: {  	[dreg:$0x1] =	wrdreg $0xFFFFFFFF  }
0xd1: {  	_ =	task.clear_ibuf [dreg:s22], $0x2FFFF;
	_ =	strace $0x9FFFFFFF  }
0xd2: {  	(tm) =	ssettm $0x7FFFFFFF  }
0xd3: {  	_ =	shalt  }
tec
execute0_lowered:
.L_overlay_start_1:
0x0: {  	(tag) =	ssettag $0x1  }
0x1: {  	s1 =	rddreg [dreg:$0x0]  }
0x2: {  	s0 =	rddreg [dreg:$0x1]  }
0x3: {  	s2 =	rddreg [dreg:$0x2]  }
0x4: {  	s3 =	simm.s32 $0x0;
	s5 =	srdreg.scid;
	s14 =	stileid.u32  }
0x5: {  	s20 =	simm.s32 $0xD;
	s29 =	simm.s32 $0x9;
	s30 =	simm.s32 $0xB  }
0x6: {  	s31 =	simm.s32 $0xA;
	[smem:$0x7FF] =	sst s3;
	s4 =	sadd.s32 $0x30DE00, s0  }
0x7: {  	s6 =	sand.u32 $0x1, s5;
	s5 =	sadd.s32 $0x43EA00, s0;
	s7 =	sadd.s32 $0x439E00, s0  }
0x8: {  	s21 =	simm.s32 $0x0;
	s9 =	sadd.s32 $0x298A00, s0;
	s11 =	sadd.s32 $0x443600, s0  }
0x9: {  	s10 =	sadd.s32 $0xB49A00, s0;
	s24 =	smul.u32 $0x14000, s14;
	p0 =	sne.s32 s14, $0x0  }
0xa: {  	p1 =	seq.s32 s14, $0xF;
	_ =	strace $0x8000004A;
	s8 =	sshll.u32 s6, $0x4  }
0xb: {  	s22 =	ssub.s32 $0x2, s6;
	s6 =	smul.u32 $0x138800, s6;
	s8 =	sor.u32 s14, s8  }
0xc: {  	[dreg:$0x4] =	wrdreg s9;
	s12 =	sshrl.u32 s22, $0x1;
	s9 =	smul.u32 $0x12C0, s8  }
0xd: {  	s19 =	sshrl.u32 @!p0 s2, $0x3;
	s8 =	smul.u32 $0x9600, s8;
	s0 =	ssub.s32 s22, s12  }
0xe: {  	s26 =	sadd.s32 s24, s6;
	s6 =	sshrl.u32 s6, $0x3;
	s22 =	simm.s32 $0x50  }
0xf: {  	s28 =	sshrl.u32 s26, $0x3;
	s6 =	sadd.s32 s11, s6;
	s18 =	smax.u32 s0, $0x1  }
0x10: {  	s0 =	simm.s32 $0xC;
	s13 =	sshrl.u32 s9, $0x3;
	s8 =	sadd.s32 s4, s8  }
0x11: {  	s16 =	sadd.s32 s11, s28;
	s17 =	sadd.s32 $0x25800, s6;
	s6 =	sadd.s32 $0x12C000, s2  }
0x12: {  	s23 =	sadd.s32 s5, s13;
	s15 =	sadd.s32 s7, s13;
	[dreg:$0x7] =	wrdreg s8  }
0x13: {  	s25 =	sadd.s32 $0xA, s13;
	s8 =	sadd.s32 s24, s2;
	[dreg:$0x5] =	wrdreg s23  }
0x14: {  	s24 =	sshrl.u32 @p1 s6, $0x3;
	[dreg:$0x6] =	wrdreg s15;
	s13 =	sadd.s32 s5, s25  }
0x15: {  	s15 =	sadd.s32 s7, s25;
	s25 =	sshrl.u32 @!p1 s8, $0x3;
	[dreg:$0x8] =	wrdreg s13  }
.LBB2_1:
0x16: {  	s6 =	simm.s32 @!p0 $0x1C0D;
	s8 =	rddreg [dreg:$0x4]  }
0x17: {  	[spmem:s19], [sflag:s6] =	dma.local @!p0 [hbm:s8], $0x27100  }
0x18: {  	s6 =	simm.s32 @!p0 $0xD  }
0x19: {  	_ =	swait.ge @!p0 [sflag:s6], $0x27100  }
0x1a: {  	[sflag:s6] =	ssyncset.done @!p0 $0x0  }
0x1b: {  	[sflag:s6] =	ssyncadd.s32 @!p0 $0xFFFD8F00  }
0x1c: {  	[bflag:$0x0] =	sbarrier.arrive $0xFFFF  }
0x1d: {  	s8 =	rddreg [dreg:$0x5]  }
0x1e: {  	[tilespmem:s3], [sflag:$0xD] =	stream.linear.gather [hbm4b:s8+s3], $0x50, $0x38;
	[tilespmem:$0x1B300] =	vst v63  }
0x1f: {  	_ =	swait.ge [sflag:s20], $0x50  }
0x20: {  	[sflag:s20] =	ssyncset.done $0x0  }
0x21: {  	s12 =	simm.s32 $0x140;
	s11 =	rddreg [dreg:$0x6];
	[sflag:s20] =	ssyncadd.s32 $0xFFFFFFB0  }
0x22: {  	[tilespmem:s12], [sflag:$0xD] =	stream.linear.gather [hbm4b:s11+s3], $0x50, $0x38;
	[tilespmem:$0x1B300] =	vst v63  }
0x23: {  	_ =	swait.ge [sflag:s20], $0x50  }
0x24: {  	[sflag:s20] =	ssyncset.done $0x0  }
0x25: {  	s13 =	simm.s32 $0x280;
	[sflag:s20] =	ssyncadd.s32 $0xFFFFFFB0  }
0x26: {  	[tilespmem:s13], [sflag:$0x5] =	stream.indirect.gather [hbm4b:s1+s22], $0x80, s3, s22, $0xb8;
	[tilespmem:$0x1B300] =	vst v63  }
0x27: {  	s23 =	simm.s32 $0x5280;
	s14 =	rddreg [dreg:$0x7]  }
0x28: {  	[tilespmem:s23], [sflag:$0x7] =	stream.linear.gather [hbm4b:s14+s3], $0x1400, $0x38;
	[tilespmem:$0x1B300] =	vst v63  }
0x29: {  	s26 =	rddreg [dreg:$0x8]  }
0x2a: {  	[tilespmem:s22], [sflag:$0x2] =	stream.linear.gather [hbm4b:s26+s3], $0x50, $0x38;
	[tilespmem:$0x1B300] =	vst v63  }
0x2b: {  	s28 =	simm.s32 $0x190;
	p2 =	por $0x0, $0x0;
	s23 =	simm.s32 $0x0  }
0x2c: {  	[tilespmem:s28], [sflag:$0x2] =	stream.linear.gather [hbm4b:s15+s3], $0x50, $0x38;
	[tilespmem:$0x1B300] =	vst v63  }
.LBB2_2:
0x2d: {  	s26 =	sadd.s32 $0x1, s23;
	p3 =	seq.s32 s23, $0x3B  }
0x2e: {  	s6 =	sand.u32 @!p3 $0x3, s26  }
0x2f: {  	s8 =	sadd.s32 @!p3 $0x1, s6  }
0x30: {  	_ =	swait.ge @!p3 [sflag:s8], $0x50  }
0x31: {  	[sflag:s8] =	ssyncset.done @!p3 $0x0  }
0x32: {  	[sflag:s8] =	ssyncadd.s32 @!p3 $0xFFFFFFB0  }
0x33: {  	p4 =	seq.s32 @!p3 s23, $0x0;
	_ =	swait.ge @!p3 [sflag:s8], $0x50  }
0x34: {  	s11 =	sand.u32 $0x1, s26;
	p4 =	por p4, p3;
	[sflag:s8] =	ssyncset.done @!p3 $0x0  }
0x35: {  	[sflag:s8] =	ssyncadd.s32 @!p3 $0xFFFFFFB0;
	s8 =	sadd.s32 @!p4 $0x9, s11  }
0x36: {  	_ =	swait.ge @!p4 [sflag:s8], $0x2800  }
0x37: {  	[sflag:s8] =	ssyncset.done @!p4 $0x0  }
0x38: {  	[sflag:s8] =	ssyncadd.s32 @!p4 $0xFFFFD800;
	s8 =	sadd.s32 @!p4 $0xB, s11  }
0x39: {  	s12 =	smul.u32 @!p3 $0xA000, s11;
	_ =	swait.ge @!p4 [sflag:s8], $0x2800  }
0x3a: {  	s6 =	smul.u32 @!p3 $0x140, s6;
	[sflag:s8] =	ssyncset.done @!p4 $0x0  }
0x3b: {  	s13 =	simm.s32 @!p3 $0x50;
	[sflag:s8] =	ssyncadd.s32 @!p4 $0xFFFFD800;
	s8 =	sshrl.u32 @!p3 s12, $0x2  }
0x3c: {  	s6 =	sshrl.u32 @!p3 s6, $0x2;
	s12 =	sadd.s32 @!p3 $0x5, s11;
	s8 =	sor.u32 @!p3 $0x280, s8  }
0x3d: {  	[tilespmem:s8], [sflag:s12] =	stream.indirect.gather @!p3 [hbm4b:s1+s13], $0x80, s6, s13, $0xb8;
	[tilespmem:$0x1B300] =	vst v63  }
0x3e: {  	s6 =	smul.u32 @!p3 $0x50, s26;
	_ =	sdelay $0x1  }
0x3f: {  	s8 =	smul.u32 @!p3 $0x5000, s11;
	s6 =	sadd.s32 @!p3 s9, s6  }
0x40: {  	s28 =	sand.u32 $0x1, s23;
	s6 =	sshll.u32 @!p3 s6, $0x3  }
0x41: {  	s11 =	sadd.s32 @!p3 $0x7, s11;
	s8 =	sshrl.u32 @!p3 s8, $0x2;
	s6 =	sand.u32 @!p3 $0x1FFFFF80, s6  }
0x42: {  	s12 =	simm.s32 @!p3 $0x0;
	s8 =	sadd.s32 @!p3 $0x5280, s8;
	s6 =	sadd.s32 @!p3 s4, s6  }
0x43: {  	[tilespmem:s8], [sflag:s11] =	stream.linear.gather @!p3 [hbm4b:s6+s12], $0x1400, $0x38;
	[tilespmem:$0x1B300] =	vst v63  }
0x44: {  	s12 =	sadd.s32 $0x5, s28  }
0x45: {  	s8 =	simm.s32 $0x1;
	_ =	swait.ge [sflag:s12], $0x2800  }
0x46: {  	s8 =	simm.s32 @!p2 $0x0;
	[sflag:s12] =	ssyncset.done $0x0  }
0x47: {  	s14 =	sadd.s32 $0x7, s28;
	s13 =	smul.u32 $0x5000, s8;
	[sflag:s12] =	ssyncadd.s32 $0xFFFFD800  }
0x48: {  	s8 =	smul.u32 $0xA000, s8;
	_ =	swait.ge [sflag:s14], $0x1400  }
0x49: {  	s13 =	sshrl.u32 s13, $0x2;
	[sflag:s14] =	ssyncset.done $0x0  }
0x4a: {  	s8 =	sshrl.u32 s8, $0x2;
	s6 =	sadd.s32 $0x52C0, s13;
	[sflag:s14] =	ssyncadd.s32 $0xFFFFEC00  }
0x4b: {  	s8 =	sor.u32 $0x300, s8;
	v0 =	vld [tilespmem:s6+$0xFFFFFFC0]  }
0x4c: {  	v1 =	vld [tilespmem:s8+$0xFFFFFF80]  }
0x4d: {  	v2 =	vld [tilespmem:s8+$0xFFFFFFC0];
	_ =	sdelay $0x2  }
0x4e: {  	v3 =	vshll.u32 v0, $0x10  }
0x4f: {  	v0 =	vand.u32 $0xFFFF0000, v0;
	v1 =	vadd.f32 v3, v1  }
0x50: {  	v0 =	vadd.f32 v0, v2  }
0x51: {  	v1 =	vmax.f32 v1, $0.0e+00  }
0x52: {  	v0 =	vmax.f32 v0, $0.0e+00;
	[tilespmem:s8+$0xFFFFFF80] =	vst v1  }
0x53: {  	[tilespmem:s8+$0xFFFFFFC0] =	vst v0  }
0x54: {  	v0 =	vld [tilespmem:s6+$0xFFFFFFD0]  }
0x55: {  	v1 =	vld [tilespmem:s8+$0xFFFFFF90]  }
0x56: {  	v2 =	vld [tilespmem:s8+$0xFFFFFFD0];
	_ =	sdelay $0x2  }
0x57: {  	v3 =	vshll.u32 v0, $0x10  }
0x58: {  	v0 =	vand.u32 $0xFFFF0000, v0;
	v1 =	vadd.f32 v3, v1  }
0x59: {  	v0 =	vadd.f32 v0, v2  }
0x5a: {  	v1 =	vmax.f32 v1, $0.0e+00  }
0x5b: {  	v0 =	vmax.f32 v0, $0.0e+00;
	[tilespmem:s8+$0xFFFFFF90] =	vst v1  }
0x5c: {  	[tilespmem:s8+$0xFFFFFFD0] =	vst v0  }
0x5d: {  	v0 =	vld [tilespmem:s6+$0xFFFFFFE0]  }
0x5e: {  	v1 =	vld [tilespmem:s8+$0xFFFFFFA0]  }
0x5f: {  	v2 =	vld [tilespmem:s8+$0xFFFFFFE0];
	_ =	sdelay $0x2  }
0x60: {  	v3 =	vshll.u32 v0, $0x10  }
0x61: {  	v0 =	vand.u32 $0xFFFF0000, v0;
	v1 =	vadd.f32 v3, v1  }
0x62: {  	v0 =	vadd.f32 v0, v2  }
0x63: {  	v1 =	vmax.f32 v1, $0.0e+00  }
0x64: {  	v0 =	vmax.f32 v0, $0.0e+00;
	[tilespmem:s8+$0xFFFFFFA0] =	vst v1  }
0x65: {  	[tilespmem:s8+$0xFFFFFFE0] =	vst v0  }
0x66: {  	v0 =	vld [tilespmem:s6+$0xFFFFFFF0]  }
0x67: {  	v2 =	vld [tilespmem:s8+$0xFFFFFFB0]  }
0x68: {  	v1 =	vld [tilespmem:s8+$0xFFFFFFF0];
	_ =	sdelay $0x2  }
0x69: {  	v3 =	vshll.u32 v0, $0x10  }
0x6a: {  	v0 =	vand.u32 $0xFFFF0000, v0;
	v2 =	vadd.f32 v3, v2  }
0x6b: {  	v0 =	vadd.f32 v0, v1  }
0x6c: {  	v1 =	vmax.f32 v2, $0.0e+00  }
0x6d: {  	v0 =	vmax.f32 v0, $0.0e+00;
	[tilespmem:s8+$0xFFFFFFB0] =	vst v1  }
0x6e: {  	[tilespmem:s8+$0xFFFFFFF0] =	vst v0  }
0x6f: {  	v0 =	vld [tilespmem:s6+$0x0]  }
0x70: {  	v1 =	vld [tilespmem:s8+$0x0]  }
0x71: {  	v2 =	vld [tilespmem:s8+$0x40];
	_ =	sdelay $0x2  }
0x72: {  	v3 =	vshll.u32 v0, $0x10  }
0x73: {  	v0 =	vand.u32 $0xFFFF0000, v0;
	v1 =	vadd.f32 v3, v1  }
0x74: {  	v0 =	vadd.f32 v0, v2  }
0x75: {  	v1 =	vmax.f32 v1, $0.0e+00  }
0x76: {  	v0 =	vmax.f32 v0, $0.0e+00;
	[tilespmem:s8+$0x0] =	vst v1  }
0x77: {  	[tilespmem:s8+$0x40] =	vst v0  }
0x78: {  	v0 =	vld [tilespmem:s6+$0x10]  }
0x79: {  	v1 =	vld [tilespmem:s8+$0x10]  }
0x7a: {  	v2 =	vld [tilespmem:s8+$0x50];
	_ =	sdelay $0x2  }
0x7b: {  	v3 =	vshll.u32 v0, $0x10  }
0x7c: {  	v0 =	vand.u32 $0xFFFF0000, v0;
	v1 =	vadd.f32 v3, v1  }
0x7d: {  	v0 =	vadd.f32 v0, v2  }
0x7e: {  	v1 =	vmax.f32 v1, $0.0e+00  }
0x7f: {  	v0 =	vmax.f32 v0, $0.0e+00;
	[tilespmem:s8+$0x10] =	vst v1  }
0x80: {  	[tilespmem:s8+$0x50] =	vst v0  }
0x81: {  	v0 =	vld [tilespmem:s6+$0x20]  }
0x82: {  	v1 =	vld [tilespmem:s8+$0x20]  }
0x83: {  	v2 =	vld [tilespmem:s8+$0x60];
	_ =	sdelay $0x2  }
0x84: {  	v3 =	vshll.u32 v0, $0x10  }
0x85: {  	v0 =	vand.u32 $0xFFFF0000, v0;
	v1 =	vadd.f32 v3, v1  }
0x86: {  	v0 =	vadd.f32 v0, v2  }
0x87: {  	v1 =	vmax.f32 v1, $0.0e+00  }
0x88: {  	s14 =	smul.u32 $0xA000, s28;
	v0 =	vmax.f32 v0, $0.0e+00;
	[tilespmem:s8+$0x20] =	vst v1  }
0x89: {  	v2 =	vld [tilespmem:s8+$0x70];
	[tilespmem:s8+$0x60] =	vst v0  }
0x8a: {  	s13 =	sand.u32 $0x3, s23;
	s11 =	sshrl.u32 s14, $0x2;
	v1 =	vld [tilespmem:s6+$0x30]  }
0x8b: {  	s12 =	smov.u32 s8;
	s14 =	simm.s32 $0x0;
	s11 =	sor.u32 $0x280, s11;
	v0 =	vld [tilespmem:s8+$0x30]  }
.LBB2_3:
0x8c: {  	s14 =	sadd.s32 $0x2, s14;
	s6 =	sadd.s32 $0x80, s6;
	s8 =	sadd.s32 $0x100, s8  }
0x8d: {  	p3 =	slt.u32 s14, $0x4E;
	_ =	sdelay $0x1  }
0x8e: {  	v3 =	vshll.u32 v1, $0x10;
	v1 =	vand.u32 $0xFFFF0000, v1  }
0x8f: {  	v0 =	vadd.f32 v3, v0;
	v1 =	vadd.f32 v1, v2;
	_ =	sdelay $0x1  }
0x90: {  	v0 =	vmax.f32 v0, $0.0e+00;
	v1 =	vmax.f32 v1, $0.0e+00  }
0x91: {  	[tilespmem:s12+$0x30] =	vst v0  }
0x92: {  	v0 =	vld [tilespmem:s8+$0xFFFFFFC0];
	[tilespmem:s12+$0x70] =	vst v1;
	s12 =	smov.u32 s8  }
0x93: {  	v1 =	vld [tilespmem:s6+$0xFFFFFFC0]  }
0x94: {  	v2 =	vld [tilespmem:s8+$0xFFFFFF80];
	_ =	sdelay $0x3  }
0x95: {  	v3 =	vshll.u32 v1, $0x10;
	v1 =	vand.u32 $0xFFFF0000, v1  }
0x96: {  	v2 =	vadd.f32 v3, v2;
	v0 =	vadd.f32 v1, v0;
	_ =	sdelay $0x1  }
0x97: {  	v1 =	vmax.f32 v2, $0.0e+00;
	v0 =	vmax.f32 v0, $0.0e+00  }
0x98: {  	[tilespmem:s8+$0xFFFFFF80] =	vst v1  }
0x99: {  	[tilespmem:s8+$0xFFFFFFC0] =	vst v0;
	v0 =	vld [tilespmem:s8+$0xFFFFFFD0]  }
0x9a: {  	v1 =	vld [tilespmem:s6+$0xFFFFFFD0]  }
0x9b: {  	v2 =	vld [tilespmem:s8+$0xFFFFFF90];
	_ =	sdelay $0x3  }
0x9c: {  	v3 =	vshll.u32 v1, $0x10;
	v1 =	vand.u32 $0xFFFF0000, v1  }
0x9d: {  	v2 =	vadd.f32 v3, v2;
	v0 =	vadd.f32 v1, v0;
	_ =	sdelay $0x1  }
0x9e: {  	v1 =	vmax.f32 v2, $0.0e+00;
	v0 =	vmax.f32 v0, $0.0e+00  }
0x9f: {  	[tilespmem:s8+$0xFFFFFF90] =	vst v1  }
0xa0: {  	[tilespmem:s8+$0xFFFFFFD0] =	vst v0;
	v0 =	vld [tilespmem:s8+$0xFFFFFFE0]  }
0xa1: {  	v1 =	vld [tilespmem:s6+$0xFFFFFFE0]  }
0xa2: {  	v2 =	vld [tilespmem:s8+$0xFFFFFFA0];
	_ =	sdelay $0x3  }
0xa3: {  	v3 =	vshll.u32 v1, $0x10;
	v1 =	vand.u32 $0xFFFF0000, v1  }
0xa4: {  	v2 =	vadd.f32 v3, v2;
	v0 =	vadd.f32 v1, v0;
	_ =	sdelay $0x1  }
0xa5: {  	v1 =	vmax.f32 v2, $0.0e+00;
	v0 =	vmax.f32 v0, $0.0e+00  }
0xa6: {  	[tilespmem:s8+$0xFFFFFFA0] =	vst v1;
	v1 =	vld [tilespmem:s8+$0xFFFFFFF0]  }
0xa7: {  	[tilespmem:s8+$0xFFFFFFE0] =	vst v0  }
0xa8: {  	v0 =	vld [tilespmem:s6+$0xFFFFFFF0]  }
0xa9: {  	v2 =	vld [tilespmem:s8+$0xFFFFFFB0];
	_ =	sdelay $0x3  }
0xaa: {  	v3 =	vshll.u32 v0, $0x10;
	v0 =	vand.u32 $0xFFFF0000, v0  }
0xab: {  	v2 =	vadd.f32 v3, v2;
	v0 =	vadd.f32 v0, v1;
	_ =	sdelay $0x1  }
0xac: {  	v1 =	vmax.f32 v2, $0.0e+00;
	v0 =	vmax.f32 v0, $0.0e+00  }
0xad: {  	[tilespmem:s8+$0xFFFFFFB0] =	vst v1  }
0xae: {  	[tilespmem:s8+$0xFFFFFFF0] =	vst v0;
	v0 =	vld [tilespmem:s8+$0x40]  }
0xaf: {  	v1 =	vld [tilespmem:s6+$0x0]  }
0xb0: {  	v2 =	vld [tilespmem:s8+$0x0];
	_ =	sdelay $0x3  }
0xb1: {  	v3 =	vshll.u32 v1, $0x10;
	v1 =	vand.u32 $0xFFFF0000, v1  }
0xb2: {  	v2 =	vadd.f32 v3, v2;
	v0 =	vadd.f32 v1, v0;
	_ =	sdelay $0x1  }
0xb3: {  	v1 =	vmax.f32 v2, $0.0e+00;
	v0 =	vmax.f32 v0, $0.0e+00  }
0xb4: {  	[tilespmem:s8+$0x0] =	vst v1  }
0xb5: {  	[tilespmem:s8+$0x40] =	vst v0;
	v0 =	vld [tilespmem:s8+$0x50]  }
0xb6: {  	v1 =	vld [tilespmem:s6+$0x10]  }
0xb7: {  	v2 =	vld [tilespmem:s8+$0x10];
	_ =	sdelay $0x3  }
0xb8: {  	v3 =	vshll.u32 v1, $0x10;
	v1 =	vand.u32 $0xFFFF0000, v1  }
0xb9: {  	v2 =	vadd.f32 v3, v2;
	v0 =	vadd.f32 v1, v0;
	_ =	sdelay $0x1  }
0xba: {  	v1 =	vmax.f32 v2, $0.0e+00;
	v0 =	vmax.f32 v0, $0.0e+00  }
0xbb: {  	[tilespmem:s8+$0x10] =	vst v1  }
0xbc: {  	[tilespmem:s8+$0x50] =	vst v0;
	v0 =	vld [tilespmem:s8+$0x60]  }
0xbd: {  	v1 =	vld [tilespmem:s6+$0x20]  }
0xbe: {  	v2 =	vld [tilespmem:s8+$0x20];
	_ =	sdelay $0x3  }
0xbf: {  	v3 =	vshll.u32 v1, $0x10;
	v1 =	vand.u32 $0xFFFF0000, v1  }
0xc0: {  	v2 =	vadd.f32 v3, v2;
	v0 =	vadd.f32 v1, v0;
	_ =	sdelay $0x1  }
.Ltmp0:
0xc1: {  	v1 =	vmax.f32 v2, $0.0e+00;
	v0 =	vmax.f32 v0, $0.0e+00;
	(pc) =	sbr.rel @p3 .LBB2_3-.Ltmp0, $4  }
0xc2: {  	[tilespmem:s8+$0x20] =	vst v1  }
0xc3: {  	[tilespmem:s8+$0x60] =	vst v0;
	v0 =	vld [tilespmem:s8+$0x30]  }
0xc4: {  	v1 =	vld [tilespmem:s6+$0x30]  }
0xc5: {  	v2 =	vld [tilespmem:s8+$0x70]  }
0xc6: {  	_ =	sdelay $0x2  }
0xc7: {  	v3 =	vshll.u32 v1, $0x10  }
0xc8: {  	v63 =	vand.u32 $0xFFFF0000, v1;
	v0 =	vadd.f32 v3, v0  }
0xc9: {  	s6 =	smul.u32 $0x140, s13;
	v1 =	vadd.f32 v63, v2  }
0xca: {  	s13 =	smul.u32 $0x50, s23;
	v0 =	vmax.f32 v0, $0.0e+00  }
0xcb: {  	s8 =	sadd.s32 $0x9, s28;
	s6 =	sshrl.u32 s6, $0x2;
	v1 =	vmax.f32 v1, $0.0e+00;
	[tilespmem:s12+$0x30] =	vst v0  }
0xcc: {  	p3 =	sgt.u32 s23, $0x39;
	s14 =	sadd.s32 s9, s13;
	s6 =	sadd.s32 $0x140, s6;
	[tilespmem:s12+$0x70] =	vst v1  }
0xcd: {  	[spmem:s2] =	stream.indirect.scatter.add.f32 [tilespmem:s11], [sflag:s8], $0x80, s6, s22, $0xb8;
	[tilespmem:$0x1B300] =	vst v63  }
0xce: {  	s6 =	sshll.u32 s14, $0x4;
	s8 =	sadd.s32 @!p3 $0x2, s23  }
0xcf: {  	s28 =	sadd.s32 $0xB, s28;
	s6 =	sadd.s32 s10, s6;
	s13 =	smul.u32 @!p3 $0x50, s8  }
0xd0: {  	[hbm4b:s6+s3] =	stream.linear.scatter [tilespmem:s11], [sflag:s28], $0x2800, $0x38;
	[tilespmem:$0x1B300] =	vst v63  }
0xd1: {  	s6 =	sand.u32 @!p3 $0x3, s8;
	s8 =	sadd.s32 @!p3 s9, s13  }
0xd2: {  	s11 =	smul.u32 @!p3 $0x50, s6;
	s8 =	sshrl.u32 @!p3 s8, $0x3  }
0xd3: {  	s6 =	sadd.s32 @!p3 $0x1, s6;
	s13 =	simm.s32 @!p3 $0x0;
	s12 =	sadd.s32 @!p3 s5, s8  }
0xd4: {  	[tilespmem:s11], [sflag:s6] =	stream.linear.gather @!p3 [hbm4b:s12+s13], $0x50, $0x38;
	[tilespmem:$0x1B300] =	vst v63  }
0xd5: {  	s8 =	sadd.s32 @!p3 s7, s8;
	s11 =	sadd.s32 @!p3 $0x140, s11  }
0xd6: {  	[tilespmem:s11], [sflag:s6] =	stream.linear.gather @!p3 [hbm4b:s8+s13], $0x50, $0x38;
	[tilespmem:$0x1B300] =	vst v63  }
0xd7: {  	p3 =	sne.s32 s26, $0x3C  }
.Ltmp1:
0xd8: {  	_ = 	snop;
	(pc) =	sbr.rel @p3 .LBB2_2-.Ltmp1, $2  }
0xd9: {  	_ =	sdelay $0x2  }
0xda: {  	p2 =	por !p2, !p2;
	s23 =	smov.u32 s26  }
0xdb: {  	_ =	swait.ge [sflag:s29], $0x2800  }
0xdc: {  	[sflag:s29] =	ssyncset.done $0x0  }
0xdd: {  	[sflag:s29] =	ssyncadd.s32 $0xFFFFD800  }
0xde: {  	_ =	swait.ge [sflag:s30], $0x2800  }
0xdf: {  	[sflag:s30] =	ssyncset.done $0x0  }
0xe0: {  	[sflag:s30] =	ssyncadd.s32 $0xFFFFD800  }
0xe1: {  	_ =	swait.ge [sflag:s31], $0x2800  }
0xe2: {  	[sflag:s31] =	ssyncset.done $0x0  }
0xe3: {  	[sflag:s31] =	ssyncadd.s32 $0xFFFFD800  }
0xe4: {  	_ =	swait.ge [sflag:s0], $0x2800  }
0xe5: {  	[sflag:s0] =	ssyncset.done $0x0  }
0xe6: {  	[sflag:s0] =	ssyncadd.s32 $0xFFFFD800  }
0xe7: {  	s6 =	simm.s32 @p1 $0x1FCD;
	[bflag:$0x0] =	sbarrier.arrive $0xFFFF  }
0xe8: {  	[hbm:s17], [sflag:s6] =	dma.local @p1 [spmem:s24], $0x1900  }
0xe9: {  	s6 =	simm.s32 @p1 $0xD  }
0xea: {  	s8 =	stileid.u32;
	_ =	swait.ge @p1 [sflag:s6], $0x1900  }
0xeb: {  	s21 =	sadd.s32 $0x1, s21;
	s8 =	sshll.u32 @!p1 s8, $0x6;
	[sflag:s6] =	ssyncset.done @p1 $0x0  }
0xec: {  	p2 =	sne.s32 s21, s18;
	[sflag:s6] =	ssyncadd.s32 @p1 $0xFFFFE700;
	s6 =	sor.u32 @!p1 $0x1C0D, s8  }
0xed: {  	[hbm:s16], [sflag:s6] =	dma.local @!p1 [spmem:s25], $0x2800  }
.Ltmp2:
0xee: {  	_ = 	snop;
	(pc) =	sbr.rel @p2 .LBB2_1-.Ltmp2, $4  }
0xef: {  	s6 =	simm.s32 @!p1 $0xD  }
0xf0: {  	_ =	swait.ge @!p1 [sflag:s6], $0x2800  }
0xf1: {  	[sflag:s6] =	ssyncset.done @!p1 $0x0  }
0xf2: {  	[sflag:s6] =	ssyncadd.s32 @!p1 $0xFFFFD800  }
0xf3: {  	_ =	sfence.sel $0x180000  }
0xf4: {  	[bflag:$0x0] =	sbarrier.arrive $0xFFFF  }
0xf5: {  	_ =	strace $0x9000004A  }
0xf6: {  	[bflag:$0x2] =	sbarrier.arrive $0xFFFF  }
0xf7: {  	s0 =	rddreg [dreg:$0x3]  }
0xf8: {  	s0 =	sadd.s32 @!p0 $0x100000, s0  }
0xf9: {  	[sflag:s0] =	ssyncadd.tile.s32 @!p0 $0x1;
	_ =	shalt  }
.Lfunc_end2:
_tile_overlayer_lowered:
.L_overlay_start_2:
0xfa: {  	(tag) =	ssettag $0x2  }
0xfb: {  	s0 =	rddreg [dreg:$0x0];
	s2 =	stileid.u32  }
0xfc: {  	s1 =	rddreg [dreg:$0x1];
	p0 =	sne.s32 s2, $0x0  }
0xfd: {  	s3 =	rddreg [dreg:$0x2];
	[bflag:$0x3] =	sbarrier.arrive $0xFFFF;
	s2 =	simm.s32 @!p0 $0x1C0D  }
0xfe: {  	[timem:s3], [sflag:s2] =	dma.local @!p0 [hbm:s0], s1  }
0xff: {  	s0 =	simm.s32 @!p0 $0xD  }
0x100: {  	_ =	swait.ge @!p0 [sflag:s0], s1  }
0x101: {  	s1 =	ssub.s32 @!p0 $0x0, s1;
	[sflag:s0] =	ssyncset.done @!p0 $0x0  }
0x102: {  	[sflag:s0] =	ssyncadd.s32 @!p0 s1  }
0x103: {  	[bflag:$0x3] =	sbarrier.arrive $0xFFFF  }
0x104: {  	_ =	shalt  }

// kernel: kernel.16.cloned.1.call-start
scs
__scs_entry_jumppad:
0x0: {  	(pc) =	sbr.rel $0x88, $3  }
0x1: {  	(tag) =	ssettag $0x0;
	lr =	simm.s32 $0x1  }
0x2: {  	[smem:$0x3F9A] =	sst lr;
	_ =	strace $0xD0000000  }
0x3: {  	_ = 	snop  }
0x4: {  	_ = 	snop  }
0x5: {  	_ = 	snop  }
0x6: {  	_ = 	snop  }
0x7: {  	_ = 	snop  }
__scs_overlays_trampoline_lowered:
0x8: {  	[smem:$0x3FA9] =	sst s0  }
0x9: {  	[smem:$0x3FAA] =	sst s1  }
0xa: {  	[smem:$0x3FAB] =	sst s2  }
0xb: {  	[smem:$0x3FAC] =	sst s3  }
0xc: {  	[smem:$0x3FAD] =	sst s4  }
0xd: {  	[smem:$0x3FAE] =	sst s5  }
0xe: {  	[smem:$0x3FAF] =	sst s6  }
0xf: {  	[smem:$0x3FB0] =	sst s7  }
0x10: {  	[smem:$0x3FB1] =	sst s8  }
0x11: {  	[smem:$0x3FB2] =	sst s9;
	s0 =	simm.s32 @!p0 $0x0  }
0x12: {  	s1 =	sld [smem:$0x3F98];
	s0 =	simm.s32 @p0 $0x1  }
0x13: {  	[smem:$0x3FB3] =	sst s0;
	s0 =	simm.s32 @!p1 $0x0  }
0x14: {  	s2 =	sld [smem:$0x3F97];
	s0 =	simm.s32 @p1 $0x1  }
0x15: {  	[smem:$0x3FB4] =	sst s0;
	s0 =	simm.s32 @!p2 $0x0  }
0x16: {  	s3 =	sld [smem:$0x3FDB];
	s0 =	simm.s32 @p2 $0x1  }
0x17: {  	s4 =	simm.s32 $0x1BF5;
	[smem:$0x3FB6] =	sst s0  }
0x18: {  	s0 =	sld [smem:$0x3F99];
	_ =	swait.ge [sflag:s4], $0x0  }
0x19: {  	s7 =	sld [smem:$0x3F9A]  }
0x1a: {  	s8 =	sadd.s32 $0xFFFFE003, lr  }
0x1b: {  	s9 =	sadd.s32 $0xFFFFFEF7, lr;
	s5 =	simm.s32 $0xFFFFFFFF;
	p2 =	slt.u32 s8, $0xFFFFF086  }
0x1c: {  	p1 =	slt.u32 s9, $0xF7A;
	s5 =	simm.s32 @!p2 $0x0  }
0x1d: {  	s5 =	simm.s32 @p1 $0x1;
	p0 =	seq.s32 s7, s2  }
0x1e: {  	s7 =	smul.u32 @!p0 $0xF7A, s2;
	p2 =	seq.s32 @!p0 s5, $0x0  }
0x1f: {  	s9 =	smul.u32 $0xF7A, s1;
	s8 =	simm.s32 @!p0 $0x1BF5;
	p2 =	por !p2, p0  }
0x20: {  	[sflag:s8] =	ssyncset.s32 @!p0 $0xFFFFF086;
	s6 =	sadd.s32 @!p0 s3, s7;
	s7 =	simm.s32 @!p0 $0x108  }
0x21: {  	s3 =	sadd.s32 s3, s9;
	s6 =	sadd.s32 @!p0 $0x88, s6;
	s7 =	simm.s32 @p2 $0x1082  }
0x22: {  	[simem:s7], [sflag:s8] =	dma.local @!p0 [hbm:s6], $0xF7A  }
0x23: {  	s9 =	sor.u32 $0xD0000000, s2;
	s6 =	simm.s32 $0x108;
	_ =	swait.ge @!p0 [sflag:s8], $0x0  }
0x24: {  	s3 =	sadd.s32 $0x88, s3;
	s6 =	simm.s32 @!p1 $0x1082;
	[sflag:s4] =	ssyncset.s32 $0xFFFFF086  }
0x25: {  	[simem:s6], [sflag:s4] =	dma.local [hbm:s3], $0xF7A  }
0x26: {  	[smem:$0x3F9A] =	sst s1;
	(tag) =	ssettag s2;
	_ =	strace s9  }
0x27: {  	s1 =	sld [smem:$0x3FAA]  }
0x28: {  	s2 =	sld [smem:$0x3FAB]  }
0x29: {  	s4 =	sld [smem:$0x3FAD]  }
0x2a: {  	p0 =	seq.s32 s5, $0x0;
	s5 =	sld [smem:$0x3FAE]  }
0x2b: {  	s6 =	sld [smem:$0x3FAF]  }
0x2c: {  	s7 =	sld [smem:$0x3FB0]  }
0x2d: {  	s3 =	simm.s32 $0x108;
	s8 =	sld [smem:$0x3FB1]  }
0x2e: {  	s3 =	simm.s32 @!p0 $0x1082;
	s9 =	sld [smem:$0x3FB2]  }
0x2f: {  	lr =	sadd.s32 s0, s3;
	s0 =	sld [smem:$0x3FA9]  }
0x30: {  	s3 =	sld [smem:$0x3FAC]  }
0x31: {  	[smem:$0x3FB5] =	sst s10  }
0x32: {  	s10 =	sld [smem:$0x3FB3];
	_ =	sdelay $0x3  }
0x33: {  	p0 =	seq.s32 s10, $0x1;
	s10 =	sld [smem:$0x3FB5];
	_ =	sdelay $0x3  }
0x34: {  	[smem:$0x3FB5] =	sst s10  }
0x35: {  	s10 =	sld [smem:$0x3FB4];
	_ =	sdelay $0x3  }
0x36: {  	p1 =	seq.s32 s10, $0x1;
	s10 =	sld [smem:$0x3FB5];
	_ =	sdelay $0x3  }
0x37: {  	[smem:$0x3FB5] =	sst s10  }
0x38: {  	s10 =	sld [smem:$0x3FB6]  }
0x39: {  	_ = 	snop;
	(pc) =	sbr.ind lr, $3  }
0x3a: {  	_ = 	snop  }
0x3b: {  	_ = 	snop  }
0x3c: {  	p2 =	seq.s32 s10, $0x1;
	s10 =	sld [smem:$0x3FB5]  }
0x3d: {  	_ =	shalt  }
0x3e: {  	_ =	shalt  }
0x3f: {  	_ =	shalt  }
0x40: {  	_ =	shalt  }
0x41: {  	_ =	shalt  }
0x42: {  	_ =	shalt  }
0x43: {  	_ =	shalt  }
0x44: {  	_ =	shalt  }
0x45: {  	_ =	shalt  }
0x46: {  	_ =	shalt  }
0x47: {  	_ =	shalt  }
0x48: {  	_ =	shalt  }
0x49: {  	_ =	shalt  }
0x4a: {  	_ =	shalt  }
0x4b: {  	_ =	shalt  }
0x4c: {  	_ =	shalt  }
0x4d: {  	_ =	shalt  }
0x4e: {  	_ =	shalt  }
0x4f: {  	_ =	shalt  }
0x50: {  	_ =	shalt  }
0x51: {  	_ =	shalt  }
0x52: {  	_ =	shalt  }
0x53: {  	_ =	shalt  }
0x54: {  	_ =	shalt  }
0x55: {  	_ =	shalt  }
0x56: {  	_ =	shalt  }
0x57: {  	_ =	shalt  }
0x58: {  	_ =	shalt  }
0x59: {  	_ =	shalt  }
0x5a: {  	_ =	shalt  }
0x5b: {  	_ =	shalt  }
0x5c: {  	_ =	shalt  }
0x5d: {  	_ =	shalt  }
0x5e: {  	_ =	shalt  }
0x5f: {  	_ =	shalt  }
0x60: {  	_ =	shalt  }
0x61: {  	_ =	shalt  }
0x62: {  	_ =	shalt  }
0x63: {  	_ =	shalt  }
0x64: {  	_ =	shalt  }
0x65: {  	_ =	shalt  }
0x66: {  	_ =	shalt  }
0x67: {  	_ =	shalt  }
0x68: {  	_ =	shalt  }
0x69: {  	_ =	shalt  }
0x6a: {  	_ =	shalt  }
0x6b: {  	_ =	shalt  }
0x6c: {  	_ =	shalt  }
0x6d: {  	_ =	shalt  }
0x6e: {  	_ =	shalt  }
0x6f: {  	_ =	shalt  }
0x70: {  	_ =	shalt  }
0x71: {  	_ =	shalt  }
0x72: {  	_ =	shalt  }
0x73: {  	_ =	shalt  }
0x74: {  	_ =	shalt  }
0x75: {  	_ =	shalt  }
0x76: {  	_ =	shalt  }
0x77: {  	_ =	shalt  }
0x78: {  	_ =	shalt  }
0x79: {  	_ =	shalt  }
0x7a: {  	_ =	shalt  }
0x7b: {  	_ =	shalt  }
0x7c: {  	_ =	shalt  }
0x7d: {  	_ =	shalt  }
0x7e: {  	_ =	shalt  }
0x7f: {  	_ =	shalt  }
0x80: {  	_ =	shalt  }
0x81: {  	_ =	shalt  }
0x82: {  	_ =	shalt  }
0x83: {  	_ =	shalt  }
0x84: {  	_ =	shalt  }
0x85: {  	_ =	shalt  }
0x86: {  	_ =	shalt  }
0x87: {  	_ =	shalt  }
.Lfunc_end0:
.L_simem_size_0:
called_computation.1_lowered:
.L_overlay_start_0:
0x88: {  	s2 =	sld [smem:$0x3FD9]  }
0x89: {  	s3 =	sld [smem:$0x3FFE];
	_ =	sdelay $0x1  }
0x8a: {  	s1 =	srdreg.scid  }
0x8b: {  	s0 =	sand.u32 $0x1, s1  }
0x8c: {  	s17 =	sshll.u32 s0, $0xA;
	s2 =	sadd.s32 s3, s2  }
0x8d: {  	s2 =	sadd.s32 s2, s17  }
0x8e: {  	[smem:$0x3FC1] =	sst s2  }
0x8f: {  	_ = 	snop  }
0x90: {  	s2 =	sld [smem:$0x3FD0];
	(tm) =	ssettm $0x1  }
0x91: {  	s18 =	sld [smem:$0x3FFB];
	_ =	sdelay $0x3  }
0x92: {  	_ =	strace s18  }
0x93: {  	s3 =	sld [smem:$0x3FFC];
	_ =	sdelay $0x3  }
0x94: {  	_ =	strace s3  }
0x95: {  	s3 =	sld [smem:$0x3FFD];
	_ =	sdelay $0x3  }
0x96: {  	_ =	strace s3  }
0x97: {  	_ =	strace $0x8FFFFFFF  }
0x98: {  	s19 =	sld [smem:$0x3FDB];
	_ =	sdelay $0x1  }
0x99: {  	s4 =	simm.s32 $_scs_section_size  }
0x9a: {  	s5 =	simm.s32 $_size__tile_overlayer_lowered;
	s6 =	simm.s32 $_tile_overlayer_lowered  }
0x9b: {  	s22 =	simm.s32 $0x1BFF;
	s21 =	sshll.u32 s6, $0x1;
	s3 =	sadd.s32 s4, s19  }
0x9c: {  	s7 =	simm.s32 $0x0;
	s20 =	sshll.u32 s5, $0x1;
	s5 =	sadd.s32 s21, s3  }
0x9d: {  	[timem:s7], [sflag:s22] =	dma.local [hbm:s5], s20  }
0x9e: {  	_ =	swait.ge [sflag:s22], s20  }
0x9f: {  	s4 =	ssub.s32 $0x0, s20;
	[sflag:s22] =	ssyncset.done $0x0  }
0xa0: {  	[sflag:s22] =	ssyncadd.s32 s4;
	_ =	sdelay $0x1  }
0xa1: {  	s23 =	simm.s32 $0x1B8B  }
0xa2: {  	_ =	swait.ge [sflag:s23], $0x1  }
0xa3: {  	[sflag:s23] =	ssyncset.done $0x0  }
0xa4: {  	s25 =	simm.s32 $0x1B8E;
	s24 =	sld [smem:$0x3FFE];
	[sflag:s23] =	ssyncadd.s32 $0xFFFFFFFF  }
0xa5: {  	s26 =	simm.s32 $execute0_lowered;
	[smem:$0x3FD2] =	sst s25  }
0xa6: {  	s5 =	sshll.u32 s26, $0x1;
	_ =	strace $0x80000046;
	[dreg:$0x1] =	wrdreg $0xFFFFFFFF  }
0xa7: {  	s28 =	simm.s32 $_size_execute0_lowered;
	s3 =	sadd.s32 s3, s5;
	[dreg:$0x0] =	wrdreg $0x0  }
0xa8: {  	s5 =	sshll.u32 s28, $0x1;
	[dreg:$0x2] =	wrdreg s3  }
0xa9: {  	[dreg:$0x3] =	wrdreg s5  }
0xaa: {  	[dreg:$0x4] =	wrdreg $0xC0  }
0xab: {  	_ =	task [dreg:s7], $0x5FFFF  }
0xac: {  	[dreg:$0x1] =	wrdreg $0xFFFFFFFF  }
0xad: {  	[dreg:$0x0] =	wrdreg $0x60  }
0xae: {  	[dreg:$0x2] =	wrdreg s2  }
0xaf: {  	[dreg:$0x3] =	wrdreg s24  }
0xb0: {  	[dreg:$0x4] =	wrdreg $0x7A800  }
0xb1: {  	[dreg:$0x5] =	wrdreg $0xA  }
0xb2: {  	_ =	task.clear_ibuf [dreg:s7], $0x6FFFF;
	_ =	strace $0x90000046  }
0xb3: {  	s29 =	simm.s32 $0xA;
	_ =	strace $0x80000048  }
0xb4: {  	_ =	swait.ge [sflag:s29], $0x1  }
0xb5: {  	[sflag:s29] =	ssyncadd.s32 $0xFFFFFFFF  }
0xb6: {  	_ =	strace $0x90000048  }
0xb7: {  	_ =	sfence  }
0xb8: {  	s30 =	sld [smem:$0x0];
	_ =	sdelay $0x2  }
0xb9: {  	s31 =	sshll.u32 s1, $0xD;
	s1 =	sshrl.u32 s1, $0x2  }
0xba: {  	s3 =	sand.u32 $0x4000, s31;
	s1 =	sadd.s32 s1, s30  }
0xbb: {  	s0 =	sor.u32 s3, s0;
	s1 =	sshll.u32 s1, $0x11  }
0xbc: {  	s0 =	sor.u32 s1, s0  }
0xbd: {  	s0 =	sadd.s32 $0x8F2B, s0  }
0xbe: {  	[sflag:s0] =	ssyncadd.remote.s32 $0x1  }
0xbf: {  	_ =	sfence.sel $0xFFFF  }
0xc0: {  	[dreg:$0x0] =	wrdreg $0xFFFFFFFF;
	(pc) =	sbr.abs _section_cstart, $3  }
0xc1: {  	[dreg:$0x1] =	wrdreg $0xFFFFFFFF  }
0xc2: {  	_ =	task.clear_ibuf [dreg:s7], $0x2FFFF;
	_ =	strace $0x9FFFFFFF  }
0xc3: {  	(tm) =	ssettm $0x7FFFFFFF  }
tec
execute0_lowered:
.L_overlay_start_1:
0x0: {  	(tag) =	ssettag $0x1  }
0x1: {  	s1 =	rddreg [dreg:$0x0]  }
0x2: {  	s0 =	rddreg [dreg:$0x1]  }
0x3: {  	s2 =	rddreg [dreg:$0x2]  }
0x4: {  	s3 =	simm.s32 $0x0;
	s4 =	srdreg.scid;
	s14 =	stileid.u32  }
0x5: {  	s20 =	simm.s32 $0xD;
	s29 =	simm.s32 $0x9;
	s30 =	simm.s32 $0xB  }
0x6: {  	s31 =	simm.s32 $0xA;
	s5 =	sand.u32 $0x1, s4;
	s4 =	sadd.s32 $0x522A00, s0  }
0x7: {  	[smem:$0x7FF] =	sst s3;
	s6 =	sadd.s32 $0x9800, s0;
	s8 =	sadd.s32 $0x298A00, s0  }
0x8: {  	s21 =	simm.s32 $0x0;
	s11 =	sadd.s32 $0x2BFC00, s0;
	s10 =	sadd.s32 $0x667A00, s0  }
0x9: {  	s24 =	smul.u32 $0x14000, s14;
	p0 =	sne.s32 s14, $0x0;
	p1 =	seq.s32 s14, $0xF  }
0xa: {  	_ =	strace $0x80000047;
	s7 =	sshll.u32 s5, $0x4;
	[dreg:$0x4] =	wrdreg s8  }
0xb: {  	s22 =	ssub.s32 $0x2, s5;
	s5 =	smul.u32 $0x138800, s5;
	s7 =	sor.u32 s14, s7  }
0xc: {  	s8 =	sadd.s32 $0x4600, s0;
	s12 =	sshrl.u32 s22, $0x1;
	s9 =	smul.u32 $0x1450, s7  }
0xd: {  	s19 =	sshrl.u32 @!p0 s2, $0x3;
	s7 =	smul.u32 $0xA280, s7;
	s0 =	ssub.s32 s22, s12  }
0xe: {  	s26 =	sadd.s32 s24, s5;
	s5 =	sshrl.u32 s5, $0x3;
	s22 =	simm.s32 $0x50  }
0xf: {  	s28 =	sshrl.u32 s26, $0x3;
	s5 =	sadd.s32 s11, s5;
	s18 =	smax.u32 s0, $0x1  }
0x10: {  	s0 =	simm.s32 $0xC;
	s13 =	sshrl.u32 s9, $0x3;
	s7 =	sadd.s32 s4, s7  }
0x11: {  	s16 =	sadd.s32 s11, s28;
	s17 =	sadd.s32 $0x25800, s5;
	s5 =	sadd.s32 $0x12C000, s2  }
0x12: {  	s23 =	sadd.s32 s6, s13;
	s15 =	sadd.s32 s8, s13;
	[dreg:$0x7] =	wrdreg s7  }
0x13: {  	s25 =	sadd.s32 $0xA, s13;
	s7 =	sadd.s32 s24, s2;
	[dreg:$0x5] =	wrdreg s23  }
0x14: {  	s24 =	sshrl.u32 @p1 s5, $0x3;
	[dreg:$0x6] =	wrdreg s15;
	s13 =	sadd.s32 s6, s25  }
0x15: {  	s15 =	sadd.s32 s8, s25;
	s25 =	sshrl.u32 @!p1 s7, $0x3;
	[dreg:$0x8] =	wrdreg s13  }
.LBB2_1:
0x16: {  	s5 =	simm.s32 @!p0 $0x1C0D;
	s7 =	rddreg [dreg:$0x4]  }
0x17: {  	[spmem:s19], [sflag:s5] =	dma.local @!p0 [hbm:s7], $0x27100  }
0x18: {  	s5 =	simm.s32 @!p0 $0xD  }
0x19: {  	_ =	swait.ge @!p0 [sflag:s5], $0x27100  }
0x1a: {  	[sflag:s5] =	ssyncset.done @!p0 $0x0  }
0x1b: {  	[sflag:s5] =	ssyncadd.s32 @!p0 $0xFFFD8F00  }
0x1c: {  	[bflag:$0x0] =	sbarrier.arrive $0xFFFF  }
0x1d: {  	s7 =	rddreg [dreg:$0x5]  }
0x1e: {  	[tilespmem:s3], [sflag:$0xD] =	stream.linear.gather [hbm4b:s7+s3], $0x50, $0x38;
	[tilespmem:$0x1B300] =	vst v63  }
0x1f: {  	_ =	swait.ge [sflag:s20], $0x50  }
0x20: {  	[sflag:s20] =	ssyncset.done $0x0  }
0x21: {  	s12 =	simm.s32 $0x140;
	s11 =	rddreg [dreg:$0x6];
	[sflag:s20] =	ssyncadd.s32 $0xFFFFFFB0  }
0x22: {  	[tilespmem:s12], [sflag:$0xD] =	stream.linear.gather [hbm4b:s11+s3], $0x50, $0x38;
	[tilespmem:$0x1B300] =	vst v63  }
0x23: {  	_ =	swait.ge [sflag:s20], $0x50  }
0x24: {  	[sflag:s20] =	ssyncset.done $0x0  }
0x25: {  	s13 =	simm.s32 $0x280;
	[sflag:s20] =	ssyncadd.s32 $0xFFFFFFB0  }
0x26: {  	[tilespmem:s13], [sflag:$0x5] =	stream.indirect.gather [hbm4b:s1+s22], $0x80, s3, s22, $0xb8;
	[tilespmem:$0x1B300] =	vst v63  }
0x27: {  	s23 =	simm.s32 $0x5280;
	s14 =	rddreg [dreg:$0x7]  }
0x28: {  	[tilespmem:s23], [sflag:$0x7] =	stream.linear.gather [hbm4b:s14+s3], $0x1400, $0x38;
	[tilespmem:$0x1B300] =	vst v63  }
0x29: {  	s26 =	rddreg [dreg:$0x8]  }
0x2a: {  	[tilespmem:s22], [sflag:$0x2] =	stream.linear.gather [hbm4b:s26+s3], $0x50, $0x38;
	[tilespmem:$0x1B300] =	vst v63  }
0x2b: {  	s28 =	simm.s32 $0x190;
	p2 =	por $0x0, $0x0;
	s23 =	simm.s32 $0x0  }
0x2c: {  	[tilespmem:s28], [sflag:$0x2] =	stream.linear.gather [hbm4b:s15+s3], $0x50, $0x38;
	[tilespmem:$0x1B300] =	vst v63  }
.LBB2_2:
0x2d: {  	s26 =	sadd.s32 $0x1, s23;
	p3 =	seq.s32 s23, $0x40  }
0x2e: {  	s5 =	sand.u32 @!p3 $0x3, s26  }
0x2f: {  	s7 =	sadd.s32 @!p3 $0x1, s5  }
0x30: {  	_ =	swait.ge @!p3 [sflag:s7], $0x50  }
0x31: {  	[sflag:s7] =	ssyncset.done @!p3 $0x0  }
0x32: {  	[sflag:s7] =	ssyncadd.s32 @!p3 $0xFFFFFFB0  }
0x33: {  	p4 =	seq.s32 @!p3 s23, $0x0;
	_ =	swait.ge @!p3 [sflag:s7], $0x50  }
0x34: {  	s11 =	sand.u32 $0x1, s26;
	p4 =	por p4, p3;
	[sflag:s7] =	ssyncset.done @!p3 $0x0  }
0x35: {  	[sflag:s7] =	ssyncadd.s32 @!p3 $0xFFFFFFB0;
	s7 =	sadd.s32 @!p4 $0x9, s11  }
0x36: {  	_ =	swait.ge @!p4 [sflag:s7], $0x2800  }
0x37: {  	[sflag:s7] =	ssyncset.done @!p4 $0x0  }
0x38: {  	[sflag:s7] =	ssyncadd.s32 @!p4 $0xFFFFD800;
	s7 =	sadd.s32 @!p4 $0xB, s11  }
0x39: {  	s12 =	smul.u32 @!p3 $0xA000, s11;
	_ =	swait.ge @!p4 [sflag:s7], $0x2800  }
0x3a: {  	s5 =	smul.u32 @!p3 $0x140, s5;
	[sflag:s7] =	ssyncset.done @!p4 $0x0  }
0x3b: {  	s13 =	simm.s32 @!p3 $0x50;
	[sflag:s7] =	ssyncadd.s32 @!p4 $0xFFFFD800;
	s7 =	sshrl.u32 @!p3 s12, $0x2  }
0x3c: {  	s5 =	sshrl.u32 @!p3 s5, $0x2;
	s12 =	sadd.s32 @!p3 $0x5, s11;
	s7 =	sor.u32 @!p3 $0x280, s7  }
0x3d: {  	[tilespmem:s7], [sflag:s12] =	stream.indirect.gather @!p3 [hbm4b:s1+s13], $0x80, s5, s13, $0xb8;
	[tilespmem:$0x1B300] =	vst v63  }
0x3e: {  	s5 =	smul.u32 @!p3 $0x50, s26;
	_ =	sdelay $0x1  }
0x3f: {  	s7 =	smul.u32 @!p3 $0x5000, s11;
	s5 =	sadd.s32 @!p3 s9, s5  }
0x40: {  	s28 =	sand.u32 $0x1, s23;
	s5 =	sshll.u32 @!p3 s5, $0x3  }
0x41: {  	s11 =	sadd.s32 @!p3 $0x7, s11;
	s7 =	sshrl.u32 @!p3 s7, $0x2;
	s5 =	sand.u32 @!p3 $0x1FFFFF80, s5  }
0x42: {  	s12 =	simm.s32 @!p3 $0x0;
	s7 =	sadd.s32 @!p3 $0x5280, s7;
	s5 =	sadd.s32 @!p3 s4, s5  }
0x43: {  	[tilespmem:s7], [sflag:s11] =	stream.linear.gather @!p3 [hbm4b:s5+s12], $0x1400, $0x38;
	[tilespmem:$0x1B300] =	vst v63  }
0x44: {  	s12 =	sadd.s32 $0x5, s28  }
0x45: {  	s7 =	simm.s32 $0x1;
	_ =	swait.ge [sflag:s12], $0x2800  }
0x46: {  	s7 =	simm.s32 @!p2 $0x0;
	[sflag:s12] =	ssyncset.done $0x0  }
0x47: {  	s14 =	sadd.s32 $0x7, s28;
	s13 =	smul.u32 $0x5000, s7;
	[sflag:s12] =	ssyncadd.s32 $0xFFFFD800  }
0x48: {  	s7 =	smul.u32 $0xA000, s7;
	_ =	swait.ge [sflag:s14], $0x1400  }
0x49: {  	s13 =	sshrl.u32 s13, $0x2;
	[sflag:s14] =	ssyncset.done $0x0  }
0x4a: {  	s7 =	sshrl.u32 s7, $0x2;
	s5 =	sadd.s32 $0x52C0, s13;
	[sflag:s14] =	ssyncadd.s32 $0xFFFFEC00  }
0x4b: {  	s7 =	sor.u32 $0x300, s7;
	v0 =	vld [tilespmem:s5+$0xFFFFFFC0]  }
0x4c: {  	v1 =	vld [tilespmem:s7+$0xFFFFFF80]  }
0x4d: {  	v2 =	vld [tilespmem:s7+$0xFFFFFFC0];
	_ =	sdelay $0x2  }
0x4e: {  	v3 =	vshll.u32 v0, $0x10  }
0x4f: {  	v0 =	vand.u32 $0xFFFF0000, v0;
	v1 =	vadd.f32 v3, v1  }
0x50: {  	v0 =	vadd.f32 v0, v2  }
0x51: {  	v1 =	vmax.f32 v1, $0.0e+00  }
0x52: {  	v0 =	vmax.f32 v0, $0.0e+00;
	[tilespmem:s7+$0xFFFFFF80] =	vst v1  }
0x53: {  	[tilespmem:s7+$0xFFFFFFC0] =	vst v0  }
0x54: {  	v0 =	vld [tilespmem:s5+$0xFFFFFFD0]  }
0x55: {  	v1 =	vld [tilespmem:s7+$0xFFFFFF90]  }
0x56: {  	v2 =	vld [tilespmem:s7+$0xFFFFFFD0];
	_ =	sdelay $0x2  }
0x57: {  	v3 =	vshll.u32 v0, $0x10  }
0x58: {  	v0 =	vand.u32 $0xFFFF0000, v0;
	v1 =	vadd.f32 v3, v1  }
0x59: {  	v0 =	vadd.f32 v0, v2  }
0x5a: {  	v1 =	vmax.f32 v1, $0.0e+00  }
0x5b: {  	v0 =	vmax.f32 v0, $0.0e+00;
	[tilespmem:s7+$0xFFFFFF90] =	vst v1  }
0x5c: {  	[tilespmem:s7+$0xFFFFFFD0] =	vst v0  }
0x5d: {  	v0 =	vld [tilespmem:s5+$0xFFFFFFE0]  }
0x5e: {  	v1 =	vld [tilespmem:s7+$0xFFFFFFA0]  }
0x5f: {  	v2 =	vld [tilespmem:s7+$0xFFFFFFE0];
	_ =	sdelay $0x2  }
0x60: {  	v3 =	vshll.u32 v0, $0x10  }
0x61: {  	v0 =	vand.u32 $0xFFFF0000, v0;
	v1 =	vadd.f32 v3, v1  }
0x62: {  	v0 =	vadd.f32 v0, v2  }
0x63: {  	v1 =	vmax.f32 v1, $0.0e+00  }
0x64: {  	v0 =	vmax.f32 v0, $0.0e+00;
	[tilespmem:s7+$0xFFFFFFA0] =	vst v1  }
0x65: {  	[tilespmem:s7+$0xFFFFFFE0] =	vst v0  }
0x66: {  	v0 =	vld [tilespmem:s5+$0xFFFFFFF0]  }
0x67: {  	v2 =	vld [tilespmem:s7+$0xFFFFFFB0]  }
0x68: {  	v1 =	vld [tilespmem:s7+$0xFFFFFFF0];
	_ =	sdelay $0x2  }
0x69: {  	v3 =	vshll.u32 v0, $0x10  }
0x6a: {  	v0 =	vand.u32 $0xFFFF0000, v0;
	v2 =	vadd.f32 v3, v2  }
0x6b: {  	v0 =	vadd.f32 v0, v1  }
0x6c: {  	v1 =	vmax.f32 v2, $0.0e+00  }
0x6d: {  	v0 =	vmax.f32 v0, $0.0e+00;
	[tilespmem:s7+$0xFFFFFFB0] =	vst v1  }
0x6e: {  	[tilespmem:s7+$0xFFFFFFF0] =	vst v0  }
0x6f: {  	v0 =	vld [tilespmem:s5+$0x0]  }
0x70: {  	v1 =	vld [tilespmem:s7+$0x0]  }
0x71: {  	v2 =	vld [tilespmem:s7+$0x40];
	_ =	sdelay $0x2  }
0x72: {  	v3 =	vshll.u32 v0, $0x10  }
0x73: {  	v0 =	vand.u32 $0xFFFF0000, v0;
	v1 =	vadd.f32 v3, v1  }
0x74: {  	v0 =	vadd.f32 v0, v2  }
0x75: {  	v1 =	vmax.f32 v1, $0.0e+00  }
0x76: {  	v0 =	vmax.f32 v0, $0.0e+00;
	[tilespmem:s7+$0x0] =	vst v1  }
0x77: {  	[tilespmem:s7+$0x40] =	vst v0  }
0x78: {  	v0 =	vld [tilespmem:s5+$0x10]  }
0x79: {  	v1 =	vld [tilespmem:s7+$0x10]  }
0x7a: {  	v2 =	vld [tilespmem:s7+$0x50];
	_ =	sdelay $0x2  }
0x7b: {  	v3 =	vshll.u32 v0, $0x10  }
0x7c: {  	v0 =	vand.u32 $0xFFFF0000, v0;
	v1 =	vadd.f32 v3, v1  }
0x7d: {  	v0 =	vadd.f32 v0, v2  }
0x7e: {  	v1 =	vmax.f32 v1, $0.0e+00  }
0x7f: {  	v0 =	vmax.f32 v0, $0.0e+00;
	[tilespmem:s7+$0x10] =	vst v1  }
0x80: {  	[tilespmem:s7+$0x50] =	vst v0  }
0x81: {  	v0 =	vld [tilespmem:s5+$0x20]  }
0x82: {  	v1 =	vld [tilespmem:s7+$0x20]  }
0x83: {  	v2 =	vld [tilespmem:s7+$0x60];
	_ =	sdelay $0x2  }
0x84: {  	v3 =	vshll.u32 v0, $0x10  }
0x85: {  	v0 =	vand.u32 $0xFFFF0000, v0;
	v1 =	vadd.f32 v3, v1  }
0x86: {  	v0 =	vadd.f32 v0, v2  }
0x87: {  	v1 =	vmax.f32 v1, $0.0e+00  }
0x88: {  	s14 =	smul.u32 $0xA000, s28;
	v0 =	vmax.f32 v0, $0.0e+00;
	[tilespmem:s7+$0x20] =	vst v1  }
0x89: {  	v2 =	vld [tilespmem:s7+$0x70];
	[tilespmem:s7+$0x60] =	vst v0  }
0x8a: {  	s13 =	sand.u32 $0x3, s23;
	s11 =	sshrl.u32 s14, $0x2;
	v1 =	vld [tilespmem:s5+$0x30]  }
0x8b: {  	s12 =	smov.u32 s7;
	s14 =	simm.s32 $0x0;
	s11 =	sor.u32 $0x280, s11;
	v0 =	vld [tilespmem:s7+$0x30]  }
.LBB2_3:
0x8c: {  	s14 =	sadd.s32 $0x2, s14;
	s5 =	sadd.s32 $0x80, s5;
	s7 =	sadd.s32 $0x100, s7  }
0x8d: {  	p3 =	slt.u32 s14, $0x4E;
	_ =	sdelay $0x1  }
0x8e: {  	v3 =	vshll.u32 v1, $0x10;
	v1 =	vand.u32 $0xFFFF0000, v1  }
0x8f: {  	v0 =	vadd.f32 v3, v0;
	v1 =	vadd.f32 v1, v2;
	_ =	sdelay $0x1  }
0x90: {  	v0 =	vmax.f32 v0, $0.0e+00;
	v1 =	vmax.f32 v1, $0.0e+00  }
0x91: {  	[tilespmem:s12+$0x30] =	vst v0  }
0x92: {  	v0 =	vld [tilespmem:s7+$0xFFFFFFC0];
	[tilespmem:s12+$0x70] =	vst v1;
	s12 =	smov.u32 s7  }
0x93: {  	v1 =	vld [tilespmem:s5+$0xFFFFFFC0]  }
0x94: {  	v2 =	vld [tilespmem:s7+$0xFFFFFF80];
	_ =	sdelay $0x3  }
0x95: {  	v3 =	vshll.u32 v1, $0x10;
	v1 =	vand.u32 $0xFFFF0000, v1  }
0x96: {  	v2 =	vadd.f32 v3, v2;
	v0 =	vadd.f32 v1, v0;
	_ =	sdelay $0x1  }
0x97: {  	v1 =	vmax.f32 v2, $0.0e+00;
	v0 =	vmax.f32 v0, $0.0e+00  }
0x98: {  	[tilespmem:s7+$0xFFFFFF80] =	vst v1  }
0x99: {  	[tilespmem:s7+$0xFFFFFFC0] =	vst v0;
	v0 =	vld [tilespmem:s7+$0xFFFFFFD0]  }
0x9a: {  	v1 =	vld [tilespmem:s5+$0xFFFFFFD0]  }
0x9b: {  	v2 =	vld [tilespmem:s7+$0xFFFFFF90];
	_ =	sdelay $0x3  }
0x9c: {  	v3 =	vshll.u32 v1, $0x10;
	v1 =	vand.u32 $0xFFFF0000, v1  }
0x9d: {  	v2 =	vadd.f32 v3, v2;
	v0 =	vadd.f32 v1, v0;
	_ =	sdelay $0x1  }
0x9e: {  	v1 =	vmax.f32 v2, $0.0e+00;
	v0 =	vmax.f32 v0, $0.0e+00  }
0x9f: {  	[tilespmem:s7+$0xFFFFFF90] =	vst v1  }
0xa0: {  	[tilespmem:s7+$0xFFFFFFD0] =	vst v0;
	v0 =	vld [tilespmem:s7+$0xFFFFFFE0]  }
0xa1: {  	v1 =	vld [tilespmem:s5+$0xFFFFFFE0]  }
0xa2: {  	v2 =	vld [tilespmem:s7+$0xFFFFFFA0];
	_ =	sdelay $0x3  }
0xa3: {  	v3 =	vshll.u32 v1, $0x10;
	v1 =	vand.u32 $0xFFFF0000, v1  }
0xa4: {  	v2 =	vadd.f32 v3, v2;
	v0 =	vadd.f32 v1, v0;
	_ =	sdelay $0x1  }
0xa5: {  	v1 =	vmax.f32 v2, $0.0e+00;
	v0 =	vmax.f32 v0, $0.0e+00  }
0xa6: {  	[tilespmem:s7+$0xFFFFFFA0] =	vst v1;
	v1 =	vld [tilespmem:s7+$0xFFFFFFF0]  }
0xa7: {  	[tilespmem:s7+$0xFFFFFFE0] =	vst v0  }
0xa8: {  	v0 =	vld [tilespmem:s5+$0xFFFFFFF0]  }
0xa9: {  	v2 =	vld [tilespmem:s7+$0xFFFFFFB0];
	_ =	sdelay $0x3  }
0xaa: {  	v3 =	vshll.u32 v0, $0x10;
	v0 =	vand.u32 $0xFFFF0000, v0  }
0xab: {  	v2 =	vadd.f32 v3, v2;
	v0 =	vadd.f32 v0, v1;
	_ =	sdelay $0x1  }
0xac: {  	v1 =	vmax.f32 v2, $0.0e+00;
	v0 =	vmax.f32 v0, $0.0e+00  }
0xad: {  	[tilespmem:s7+$0xFFFFFFB0] =	vst v1  }
0xae: {  	[tilespmem:s7+$0xFFFFFFF0] =	vst v0;
	v0 =	vld [tilespmem:s7+$0x40]  }
0xaf: {  	v1 =	vld [tilespmem:s5+$0x0]  }
0xb0: {  	v2 =	vld [tilespmem:s7+$0x0];
	_ =	sdelay $0x3  }
0xb1: {  	v3 =	vshll.u32 v1, $0x10;
	v1 =	vand.u32 $0xFFFF0000, v1  }
0xb2: {  	v2 =	vadd.f32 v3, v2;
	v0 =	vadd.f32 v1, v0;
	_ =	sdelay $0x1  }
0xb3: {  	v1 =	vmax.f32 v2, $0.0e+00;
	v0 =	vmax.f32 v0, $0.0e+00  }
0xb4: {  	[tilespmem:s7+$0x0] =	vst v1  }
0xb5: {  	[tilespmem:s7+$0x40] =	vst v0;
	v0 =	vld [tilespmem:s7+$0x50]  }
0xb6: {  	v1 =	vld [tilespmem:s5+$0x10]  }
0xb7: {  	v2 =	vld [tilespmem:s7+$0x10];
	_ =	sdelay $0x3  }
0xb8: {  	v3 =	vshll.u32 v1, $0x10;
	v1 =	vand.u32 $0xFFFF0000, v1  }
0xb9: {  	v2 =	vadd.f32 v3, v2;
	v0 =	vadd.f32 v1, v0;
	_ =	sdelay $0x1  }
0xba: {  	v1 =	vmax.f32 v2, $0.0e+00;
	v0 =	vmax.f32 v0, $0.0e+00  }
0xbb: {  	[tilespmem:s7+$0x10] =	vst v1  }
0xbc: {  	[tilespmem:s7+$0x50] =	vst v0;
	v0 =	vld [tilespmem:s7+$0x60]  }
0xbd: {  	v1 =	vld [tilespmem:s5+$0x20]  }
0xbe: {  	v2 =	vld [tilespmem:s7+$0x20];
	_ =	sdelay $0x3  }
0xbf: {  	v3 =	vshll.u32 v1, $0x10;
	v1 =	vand.u32 $0xFFFF0000, v1  }
0xc0: {  	v2 =	vadd.f32 v3, v2;
	v0 =	vadd.f32 v1, v0;
	_ =	sdelay $0x1  }
.Ltmp0:
0xc1: {  	v1 =	vmax.f32 v2, $0.0e+00;
	v0 =	vmax.f32 v0, $0.0e+00;
	(pc) =	sbr.rel @p3 .LBB2_3-.Ltmp0, $4  }
0xc2: {  	[tilespmem:s7+$0x20] =	vst v1  }
0xc3: {  	[tilespmem:s7+$0x60] =	vst v0;
	v0 =	vld [tilespmem:s7+$0x30]  }
0xc4: {  	v1 =	vld [tilespmem:s5+$0x30]  }
0xc5: {  	v2 =	vld [tilespmem:s7+$0x70]  }
0xc6: {  	_ =	sdelay $0x2  }
0xc7: {  	v3 =	vshll.u32 v1, $0x10  }
0xc8: {  	v63 =	vand.u32 $0xFFFF0000, v1;
	v0 =	vadd.f32 v3, v0  }
0xc9: {  	s5 =	smul.u32 $0x140, s13;
	v1 =	vadd.f32 v63, v2  }
0xca: {  	s13 =	smul.u32 $0x50, s23;
	v0 =	vmax.f32 v0, $0.0e+00  }
0xcb: {  	s7 =	sadd.s32 $0x9, s28;
	s5 =	sshrl.u32 s5, $0x2;
	v1 =	vmax.f32 v1, $0.0e+00;
	[tilespmem:s12+$0x30] =	vst v0  }
0xcc: {  	p3 =	sgt.u32 s23, $0x3E;
	s14 =	sadd.s32 s9, s13;
	s5 =	sadd.s32 $0x140, s5;
	[tilespmem:s12+$0x70] =	vst v1  }
0xcd: {  	[spmem:s2] =	stream.indirect.scatter.add.f32 [tilespmem:s11], [sflag:s7], $0x80, s5, s22, $0xb8;
	[tilespmem:$0x1B300] =	vst v63  }
0xce: {  	s5 =	sshll.u32 s14, $0x4;
	s7 =	sadd.s32 @!p3 $0x2, s23  }
0xcf: {  	s28 =	sadd.s32 $0xB, s28;
	s5 =	sadd.s32 s10, s5;
	s13 =	smul.u32 @!p3 $0x50, s7  }
0xd0: {  	[hbm4b:s5+s3] =	stream.linear.scatter [tilespmem:s11], [sflag:s28], $0x2800, $0x38;
	[tilespmem:$0x1B300] =	vst v63  }
0xd1: {  	s5 =	sand.u32 @!p3 $0x3, s7;
	s7 =	sadd.s32 @!p3 s9, s13  }
0xd2: {  	s11 =	smul.u32 @!p3 $0x50, s5;
	s7 =	sshrl.u32 @!p3 s7, $0x3  }
0xd3: {  	s5 =	sadd.s32 @!p3 $0x1, s5;
	s13 =	simm.s32 @!p3 $0x0;
	s12 =	sadd.s32 @!p3 s6, s7  }
0xd4: {  	[tilespmem:s11], [sflag:s5] =	stream.linear.gather @!p3 [hbm4b:s12+s13], $0x50, $0x38;
	[tilespmem:$0x1B300] =	vst v63  }
0xd5: {  	s7 =	sadd.s32 @!p3 s8, s7;
	s11 =	sadd.s32 @!p3 $0x140, s11  }
0xd6: {  	[tilespmem:s11], [sflag:s5] =	stream.linear.gather @!p3 [hbm4b:s7+s13], $0x50, $0x38;
	[tilespmem:$0x1B300] =	vst v63  }
0xd7: {  	p3 =	sne.s32 s26, $0x41  }
.Ltmp1:
0xd8: {  	_ = 	snop;
	(pc) =	sbr.rel @p3 .LBB2_2-.Ltmp1, $2  }
0xd9: {  	_ =	sdelay $0x2  }
0xda: {  	p2 =	por !p2, !p2;
	s23 =	smov.u32 s26  }
0xdb: {  	_ =	swait.ge [sflag:s29], $0x2800  }
0xdc: {  	[sflag:s29] =	ssyncset.done $0x0  }
0xdd: {  	[sflag:s29] =	ssyncadd.s32 $0xFFFFD800  }
0xde: {  	_ =	swait.ge [sflag:s30], $0x2800  }
0xdf: {  	[sflag:s30] =	ssyncset.done $0x0  }
0xe0: {  	[sflag:s30] =	ssyncadd.s32 $0xFFFFD800  }
0xe1: {  	_ =	swait.ge [sflag:s31], $0x2800  }
0xe2: {  	[sflag:s31] =	ssyncset.done $0x0  }
0xe3: {  	[sflag:s31] =	ssyncadd.s32 $0xFFFFD800  }
0xe4: {  	_ =	swait.ge [sflag:s0], $0x2800  }
0xe5: {  	[sflag:s0] =	ssyncset.done $0x0  }
0xe6: {  	[sflag:s0] =	ssyncadd.s32 $0xFFFFD800  }
0xe7: {  	s5 =	simm.s32 @p1 $0x1FCD;
	[bflag:$0x0] =	sbarrier.arrive $0xFFFF  }
0xe8: {  	[hbm:s17], [sflag:s5] =	dma.local @p1 [spmem:s24], $0x1900  }
0xe9: {  	s5 =	simm.s32 @p1 $0xD  }
0xea: {  	s7 =	stileid.u32;
	_ =	swait.ge @p1 [sflag:s5], $0x1900  }
0xeb: {  	s21 =	sadd.s32 $0x1, s21;
	s7 =	sshll.u32 @!p1 s7, $0x6;
	[sflag:s5] =	ssyncset.done @p1 $0x0  }
0xec: {  	p2 =	sne.s32 s21, s18;
	[sflag:s5] =	ssyncadd.s32 @p1 $0xFFFFE700;
	s5 =	sor.u32 @!p1 $0x1C0D, s7  }
0xed: {  	[hbm:s16], [sflag:s5] =	dma.local @!p1 [spmem:s25], $0x2800  }
.Ltmp2:
0xee: {  	_ = 	snop;
	(pc) =	sbr.rel @p2 .LBB2_1-.Ltmp2, $4  }
0xef: {  	s5 =	simm.s32 @!p1 $0xD  }
0xf0: {  	_ =	swait.ge @!p1 [sflag:s5], $0x2800  }
0xf1: {  	[sflag:s5] =	ssyncset.done @!p1 $0x0  }
0xf2: {  	[sflag:s5] =	ssyncadd.s32 @!p1 $0xFFFFD800  }
0xf3: {  	_ =	sfence.sel $0x180000  }
0xf4: {  	[bflag:$0x0] =	sbarrier.arrive $0xFFFF  }
0xf5: {  	_ =	strace $0x90000047  }
0xf6: {  	[bflag:$0x2] =	sbarrier.arrive $0xFFFF  }
0xf7: {  	s0 =	rddreg [dreg:$0x3]  }
0xf8: {  	s0 =	sadd.s32 @!p0 $0x100000, s0  }
0xf9: {  	[sflag:s0] =	ssyncadd.tile.s32 @!p0 $0x1;
	_ =	shalt  }
.Lfunc_end2:
_tile_overlayer_lowered:
.L_overlay_start_2:
0xfa: {  	(tag) =	ssettag $0x2  }
0xfb: {  	s0 =	rddreg [dreg:$0x0];
	s2 =	stileid.u32  }
0xfc: {  	s1 =	rddreg [dreg:$0x1];
	p0 =	sne.s32 s2, $0x0  }
0xfd: {  	s3 =	rddreg [dreg:$0x2];
	[bflag:$0x3] =	sbarrier.arrive $0xFFFF;
	s2 =	simm.s32 @!p0 $0x1C0D  }
0xfe: {  	[timem:s3], [sflag:s2] =	dma.local @!p0 [hbm:s0], s1  }
0xff: {  	s0 =	simm.s32 @!p0 $0xD  }
0x100: {  	_ =	swait.ge @!p0 [sflag:s0], s1  }
0x101: {  	s1 =	ssub.s32 @!p0 $0x0, s1;
	[sflag:s0] =	ssyncset.done @!p0 $0x0  }
0x102: {  	[sflag:s0] =	ssyncadd.s32 @!p0 s1  }
0x103: {  	[bflag:$0x3] =	sbarrier.arrive $0xFFFF  }
0x104: {  	_ =	shalt  }

// kernel: kernel.19.cloned.1.call-start
scs
__scs_entry_jumppad:
0x0: {  	(pc) =	sbr.rel $0x88, $3  }
0x1: {  	(tag) =	ssettag $0x0;
	lr =	simm.s32 $0x1  }
0x2: {  	[smem:$0x3F9A] =	sst lr;
	_ =	strace $0xD0000000  }
0x3: {  	_ = 	snop  }
0x4: {  	_ = 	snop  }
0x5: {  	_ = 	snop  }
0x6: {  	_ = 	snop  }
0x7: {  	_ = 	snop  }
__scs_overlays_trampoline_lowered:
0x8: {  	[smem:$0x3FA9] =	sst s0  }
0x9: {  	[smem:$0x3FAA] =	sst s1  }
0xa: {  	[smem:$0x3FAB] =	sst s2  }
0xb: {  	[smem:$0x3FAC] =	sst s3  }
0xc: {  	[smem:$0x3FAD] =	sst s4  }
0xd: {  	[smem:$0x3FAE] =	sst s5  }
0xe: {  	[smem:$0x3FAF] =	sst s6  }
0xf: {  	[smem:$0x3FB0] =	sst s7  }
0x10: {  	[smem:$0x3FB1] =	sst s8  }
0x11: {  	[smem:$0x3FB2] =	sst s9;
	s0 =	simm.s32 @!p0 $0x0  }
0x12: {  	s1 =	sld [smem:$0x3F98];
	s0 =	simm.s32 @p0 $0x1  }
0x13: {  	[smem:$0x3FB3] =	sst s0;
	s0 =	simm.s32 @!p1 $0x0  }
0x14: {  	s2 =	sld [smem:$0x3F97];
	s0 =	simm.s32 @p1 $0x1  }
0x15: {  	[smem:$0x3FB4] =	sst s0;
	s0 =	simm.s32 @!p2 $0x0  }
0x16: {  	s3 =	sld [smem:$0x3FDB];
	s0 =	simm.s32 @p2 $0x1  }
0x17: {  	s4 =	simm.s32 $0x1BF5;
	[smem:$0x3FB6] =	sst s0  }
0x18: {  	s0 =	sld [smem:$0x3F99];
	_ =	swait.ge [sflag:s4], $0x0  }
0x19: {  	s7 =	sld [smem:$0x3F9A]  }
0x1a: {  	s8 =	sadd.s32 $0xFFFFE003, lr  }
0x1b: {  	s9 =	sadd.s32 $0xFFFFFEF7, lr;
	s5 =	simm.s32 $0xFFFFFFFF;
	p2 =	slt.u32 s8, $0xFFFFF086  }
0x1c: {  	p1 =	slt.u32 s9, $0xF7A;
	s5 =	simm.s32 @!p2 $0x0  }
0x1d: {  	s5 =	simm.s32 @p1 $0x1;
	p0 =	seq.s32 s7, s2  }
0x1e: {  	s7 =	smul.u32 @!p0 $0xF7A, s2;
	p2 =	seq.s32 @!p0 s5, $0x0  }
0x1f: {  	s9 =	smul.u32 $0xF7A, s1;
	s8 =	simm.s32 @!p0 $0x1BF5;
	p2 =	por !p2, p0  }
0x20: {  	[sflag:s8] =	ssyncset.s32 @!p0 $0xFFFFF086;
	s6 =	sadd.s32 @!p0 s3, s7;
	s7 =	simm.s32 @!p0 $0x108  }
0x21: {  	s3 =	sadd.s32 s3, s9;
	s6 =	sadd.s32 @!p0 $0x88, s6;
	s7 =	simm.s32 @p2 $0x1082  }
0x22: {  	[simem:s7], [sflag:s8] =	dma.local @!p0 [hbm:s6], $0xF7A  }
0x23: {  	s9 =	sor.u32 $0xD0000000, s2;
	s6 =	simm.s32 $0x108;
	_ =	swait.ge @!p0 [sflag:s8], $0x0  }
0x24: {  	s3 =	sadd.s32 $0x88, s3;
	s6 =	simm.s32 @!p1 $0x1082;
	[sflag:s4] =	ssyncset.s32 $0xFFFFF086  }
0x25: {  	[simem:s6], [sflag:s4] =	dma.local [hbm:s3], $0xF7A  }
0x26: {  	[smem:$0x3F9A] =	sst s1;
	(tag) =	ssettag s2;
	_ =	strace s9  }
0x27: {  	s1 =	sld [smem:$0x3FAA]  }
0x28: {  	s2 =	sld [smem:$0x3FAB]  }
0x29: {  	s4 =	sld [smem:$0x3FAD]  }
0x2a: {  	p0 =	seq.s32 s5, $0x0;
	s5 =	sld [smem:$0x3FAE]  }
0x2b: {  	s6 =	sld [smem:$0x3FAF]  }
0x2c: {  	s7 =	sld [smem:$0x3FB0]  }
0x2d: {  	s3 =	simm.s32 $0x108;
	s8 =	sld [smem:$0x3FB1]  }
0x2e: {  	s3 =	simm.s32 @!p0 $0x1082;
	s9 =	sld [smem:$0x3FB2]  }
0x2f: {  	lr =	sadd.s32 s0, s3;
	s0 =	sld [smem:$0x3FA9]  }
0x30: {  	s3 =	sld [smem:$0x3FAC]  }
0x31: {  	[smem:$0x3FB5] =	sst s10  }
0x32: {  	s10 =	sld [smem:$0x3FB3];
	_ =	sdelay $0x3  }
0x33: {  	p0 =	seq.s32 s10, $0x1;
	s10 =	sld [smem:$0x3FB5];
	_ =	sdelay $0x3  }
0x34: {  	[smem:$0x3FB5] =	sst s10  }
0x35: {  	s10 =	sld [smem:$0x3FB4];
	_ =	sdelay $0x3  }
0x36: {  	p1 =	seq.s32 s10, $0x1;
	s10 =	sld [smem:$0x3FB5];
	_ =	sdelay $0x3  }
0x37: {  	[smem:$0x3FB5] =	sst s10  }
0x38: {  	s10 =	sld [smem:$0x3FB6]  }
0x39: {  	_ = 	snop;
	(pc) =	sbr.ind lr, $3  }
0x3a: {  	_ = 	snop  }
0x3b: {  	_ = 	snop  }
0x3c: {  	p2 =	seq.s32 s10, $0x1;
	s10 =	sld [smem:$0x3FB5]  }
0x3d: {  	_ =	shalt  }
0x3e: {  	_ =	shalt  }
0x3f: {  	_ =	shalt  }
0x40: {  	_ =	shalt  }
0x41: {  	_ =	shalt  }
0x42: {  	_ =	shalt  }
0x43: {  	_ =	shalt  }
0x44: {  	_ =	shalt  }
0x45: {  	_ =	shalt  }
0x46: {  	_ =	shalt  }
0x47: {  	_ =	shalt  }
0x48: {  	_ =	shalt  }
0x49: {  	_ =	shalt  }
0x4a: {  	_ =	shalt  }
0x4b: {  	_ =	shalt  }
0x4c: {  	_ =	shalt  }
0x4d: {  	_ =	shalt  }
0x4e: {  	_ =	shalt  }
0x4f: {  	_ =	shalt  }
0x50: {  	_ =	shalt  }
0x51: {  	_ =	shalt  }
0x52: {  	_ =	shalt  }
0x53: {  	_ =	shalt  }
0x54: {  	_ =	shalt  }
0x55: {  	_ =	shalt  }
0x56: {  	_ =	shalt  }
0x57: {  	_ =	shalt  }
0x58: {  	_ =	shalt  }
0x59: {  	_ =	shalt  }
0x5a: {  	_ =	shalt  }
0x5b: {  	_ =	shalt  }
0x5c: {  	_ =	shalt  }
0x5d: {  	_ =	shalt  }
0x5e: {  	_ =	shalt  }
0x5f: {  	_ =	shalt  }
0x60: {  	_ =	shalt  }
0x61: {  	_ =	shalt  }
0x62: {  	_ =	shalt  }
0x63: {  	_ =	shalt  }
0x64: {  	_ =	shalt  }
0x65: {  	_ =	shalt  }
0x66: {  	_ =	shalt  }
0x67: {  	_ =	shalt  }
0x68: {  	_ =	shalt  }
0x69: {  	_ =	shalt  }
0x6a: {  	_ =	shalt  }
0x6b: {  	_ =	shalt  }
0x6c: {  	_ =	shalt  }
0x6d: {  	_ =	shalt  }
0x6e: {  	_ =	shalt  }
0x6f: {  	_ =	shalt  }
0x70: {  	_ =	shalt  }
0x71: {  	_ =	shalt  }
0x72: {  	_ =	shalt  }
0x73: {  	_ =	shalt  }
0x74: {  	_ =	shalt  }
0x75: {  	_ =	shalt  }
0x76: {  	_ =	shalt  }
0x77: {  	_ =	shalt  }
0x78: {  	_ =	shalt  }
0x79: {  	_ =	shalt  }
0x7a: {  	_ =	shalt  }
0x7b: {  	_ =	shalt  }
0x7c: {  	_ =	shalt  }
0x7d: {  	_ =	shalt  }
0x7e: {  	_ =	shalt  }
0x7f: {  	_ =	shalt  }
0x80: {  	_ =	shalt  }
0x81: {  	_ =	shalt  }
0x82: {  	_ =	shalt  }
0x83: {  	_ =	shalt  }
0x84: {  	_ =	shalt  }
0x85: {  	_ =	shalt  }
0x86: {  	_ =	shalt  }
0x87: {  	_ =	shalt  }
.Lfunc_end0:
.L_simem_size_0:
called_computation.2_lowered:
.L_overlay_start_0:
0x88: {  	s2 =	sld [smem:$0x3FD9]  }
0x89: {  	s3 =	sld [smem:$0x3FFE];
	_ =	sdelay $0x1  }
0x8a: {  	s1 =	srdreg.scid  }
0x8b: {  	s0 =	sand.u32 $0x1, s1  }
0x8c: {  	s17 =	sshll.u32 s0, $0xA;
	s2 =	sadd.s32 s3, s2  }
0x8d: {  	s2 =	sadd.s32 s2, s17  }
0x8e: {  	[smem:$0x3FC1] =	sst s2  }
0x8f: {  	_ = 	snop  }
0x90: {  	(tm) =	ssettm $0x1  }
0x91: {  	s18 =	sld [smem:$0x3FFB];
	_ =	sdelay $0x3  }
0x92: {  	_ =	strace s18  }
0x93: {  	s2 =	sld [smem:$0x3FFC];
	_ =	sdelay $0x3  }
0x94: {  	_ =	strace s2  }
0x95: {  	s2 =	sld [smem:$0x3FFD];
	_ =	sdelay $0x3  }
0x96: {  	_ =	strace s2  }
0x97: {  	_ =	strace $0x8FFFFFFF  }
0x98: {  	s19 =	sld [smem:$0x3FDB];
	_ =	sdelay $0x1  }
0x99: {  	s20 =	simm.s32 $_scs_section_size  }
0x9a: {  	s4 =	simm.s32 $_size__tile_overlayer_lowered;
	s5 =	simm.s32 $_tile_overlayer_lowered  }
0x9b: {  	s6 =	simm.s32 $0x1BFF;
	s21 =	sshll.u32 s5, $0x1;
	s3 =	sadd.s32 s20, s19  }
0x9c: {  	s22 =	simm.s32 $0x0;
	s4 =	sshll.u32 s4, $0x1;
	s5 =	sadd.s32 s21, s3  }
0x9d: {  	[timem:s22], [sflag:s6] =	dma.local [hbm:s5], s4  }
0x9e: {  	_ =	swait.ge [sflag:s6], s4  }
0x9f: {  	s4 =	ssub.s32 $0x0, s4;
	[sflag:s6] =	ssyncset.done $0x0  }
0xa0: {  	[sflag:s6] =	ssyncadd.s32 s4;
	_ =	sdelay $0x1  }
0xa1: {  	s23 =	simm.s32 $0x1B8B  }
0xa2: {  	_ =	swait.ge [sflag:s23], $0x1  }
0xa3: {  	[sflag:s23] =	ssyncset.done $0x0  }
0xa4: {  	[sflag:s23] =	ssyncadd.s32 $0xFFFFFFFF  }
0xa5: {  	s4 =	sld [smem:$0x0]  }
0xa6: {  	s5 =	sand.u32 $0xFFFFFFFE, s1  }
0xa7: {  	p0 =	sne.s32 s1, s5  }
0xa8: {  	s5 =	sshll.u32 @p0 s5, $0xE  }
0xa9: {  	s5 =	sadd.s32 @p0 $0x11B8D, s5;
	s6 =	sshll.u32 @p0 s4, $0x11  }
0xaa: {  	s5 =	sor.u32 @p0 s6, s5  }
0xab: {  	[sflag:s5] =	ssyncadd.remote.s32 @p0 $0x1;
	_ =	sdelay $0x1  }
0xac: {  	s5 =	simm.s32 @p0 $0x1B8D  }
0xad: {  	_ =	swait.eq @p0 [sflag:s5], $0x1  }
0xae: {  	[sflag:s5] =	ssyncadd.s32 @p0 $0xFFFFFFFF  }
0xaf: {  	s6 =	sshll.u32 @!p0 s1, $0xE  }
0xb0: {  	s6 =	sor.u32 @!p0 $0x4000, s6;
	s5 =	simm.s32 @!p0 $0x1B8D  }
0xb1: {  	s4 =	sshll.u32 @!p0 s4, $0x11;
	s6 =	sadd.s32 @!p0 $0x11B8D, s6;
	_ =	swait.eq @!p0 [sflag:s5], $0x1  }
0xb2: {  	s4 =	sor.u32 @!p0 s4, s6;
	[sflag:s5] =	ssyncadd.s32 @!p0 $0xFFFFFFFF  }
0xb3: {  	s25 =	simm.s32 $0x1B8E;
	s24 =	sld [smem:$0x3FFE];
	[sflag:s4] =	ssyncadd.remote.s32 @!p0 $0x1  }
0xb4: {  	s26 =	simm.s32 $execute0_lowered;
	[smem:$0x3FD2] =	sst s25  }
0xb5: {  	s5 =	sshll.u32 s26, $0x1;
	_ =	strace $0x8000004F;
	[dreg:$0x1] =	wrdreg $0xFFFFFFFF  }
0xb6: {  	s28 =	simm.s32 $_size_execute0_lowered;
	s3 =	sadd.s32 s3, s5;
	[dreg:$0x0] =	wrdreg $0x0  }
0xb7: {  	s5 =	sshll.u32 s28, $0x1;
	[dreg:$0x2] =	wrdreg s3  }
0xb8: {  	[dreg:$0x3] =	wrdreg s5  }
0xb9: {  	[dreg:$0x4] =	wrdreg $0xC0  }
0xba: {  	_ =	task [dreg:s22], $0x5FFFF  }
0xbb: {  	[dreg:$0x1] =	wrdreg $0xFFFFFFFF  }
0xbc: {  	[dreg:$0x0] =	wrdreg $0x60  }
0xbd: {  	[dreg:$0x2] =	wrdreg s24  }
0xbe: {  	[dreg:$0x3] =	wrdreg $0x7A800  }
0xbf: {  	[dreg:$0x4] =	wrdreg $0x9  }
0xc0: {  	_ =	task.clear_ibuf [dreg:s22], $0x5FFFF;
	_ =	strace $0x9000004F  }
0xc1: {  	s29 =	simm.s32 $0x9;
	_ =	strace $0x80000051  }
0xc2: {  	_ =	swait.ge [sflag:s29], $0x1  }
0xc3: {  	[sflag:s29] =	ssyncadd.s32 $0xFFFFFFFF  }
0xc4: {  	_ =	strace $0x90000051  }
0xc5: {  	_ =	sfence  }
0xc6: {  	s30 =	sld [smem:$0x0];
	_ =	sdelay $0x2  }
0xc7: {  	s31 =	sshll.u32 s1, $0xD;
	s1 =	sshrl.u32 s1, $0x2  }
0xc8: {  	s4 =	sand.u32 $0x4000, s31;
	s1 =	sadd.s32 s1, s30  }
0xc9: {  	s0 =	sor.u32 s4, s0;
	s1 =	sshll.u32 s1, $0x11  }
0xca: {  	s0 =	sor.u32 s1, s0  }
0xcb: {  	s0 =	sadd.s32 $0x8F2B, s0  }
0xcc: {  	[sflag:s0] =	ssyncadd.remote.s32 $0x1  }
0xcd: {  	_ =	sfence.sel $0xFFFF  }
0xce: {  	[dreg:$0x0] =	wrdreg $0xFFFFFFFF;
	(pc) =	sbr.abs _section_cstart, $3  }
0xcf: {  	[dreg:$0x1] =	wrdreg $0xFFFFFFFF  }
0xd0: {  	_ =	task.clear_ibuf [dreg:s22], $0x2FFFF;
	_ =	strace $0x9FFFFFFF  }
0xd1: {  	(tm) =	ssettm $0x7FFFFFFF  }
tec
execute0_lowered:
.L_overlay_start_1:
0x0: {  	(tag) =	ssettag $0x1  }
0x1: {  	s0 =	rddreg [dreg:$0x0]  }
0x2: {  	s1 =	rddreg [dreg:$0x1];
	s2 =	simm.s32 $0x0  }
0x3: {  	s3 =	srdreg.scid;
	s20 =	stileid.u32;
	s19 =	simm.s32 $0xB  }
0x4: {  	s21 =	simm.s32 $0x50;
	s28 =	simm.s32 $0x9;
	s29 =	simm.s32 $0xA  }
0x5: {  	[smem:$0x7FF] =	sst s2;
	s4 =	sand.u32 $0x1, s3;
	s3 =	sadd.s32 $0x153A00, s0  }
0x6: {  	s30 =	simm.s32 $0x0;
	s5 =	sadd.s32 $0x2BFC00, s0;
	s6 =	sadd.s32 $0x43EA00, s0  }
0x7: {  	s10 =	sadd.s32 $0x298A00, s0;
	s16 =	smul.u32 $0x14000, s20;
	p0 =	sne.s32 s20, $0x0  }
0x8: {  	p1 =	seq.s32 s20, $0xF;
	_ =	strace $0x80000050;
	s7 =	sshll.u32 s4, $0x4  }
0x9: {  	[dreg:$0x3] =	wrdreg s10;
	s25 =	ssub.s32 $0x2, s4;
	s4 =	smul.u32 $0x138800, s4  }
0xa: {  	s18 =	sshrl.u32 @!p0 s1, $0x3;
	s9 =	sor.u32 s20, s7;
	s7 =	sadd.s32 $0x439E00, s0  }
0xb: {  	s0 =	sadd.s32 $0x3EBC00, s0;
	s11 =	sshrl.u32 s25, $0x1;
	s8 =	smul.u32 $0x12C0, s9  }
0xc: {  	s9 =	smul.u32 $0x9600, s9;
	s10 =	ssub.s32 s25, s11;
	s14 =	sadd.s32 s16, s4  }
0xd: {  	s4 =	sshrl.u32 s4, $0x3;
	s15 =	sshrl.u32 s14, $0x3;
	s17 =	smax.u32 s10, $0x1  }
0xe: {  	s13 =	sshrl.u32 s8, $0x3;
	s12 =	sadd.s32 s5, s9;
	s15 =	sadd.s32 s0, s15  }
0xf: {  	s0 =	sadd.s32 s0, s4;
	s4 =	sadd.s32 s16, s1;
	s26 =	sadd.s32 s6, s13  }
0x10: {  	s11 =	sadd.s32 s7, s13;
	s31 =	sadd.s32 $0xA, s13;
	s16 =	sadd.s32 $0x25800, s0  }
0x11: {  	s0 =	sadd.s32 $0x12C000, s1;
	s25 =	sshrl.u32 @!p1 s4, $0x3;
	[dreg:$0x4] =	wrdreg s26  }
0x12: {  	s13 =	sadd.s32 s6, s31;
	s14 =	sadd.s32 s7, s31;
	s24 =	sshrl.u32 @p1 s0, $0x3  }
.LBB2_1:
0x13: {  	s0 =	simm.s32 @!p0 $0x1C0B;
	s4 =	rddreg [dreg:$0x3]  }
0x14: {  	[spmem:s18], [sflag:s0] =	dma.local @!p0 [hbm:s4], $0x27100  }
0x15: {  	s0 =	simm.s32 @!p0 $0xB  }
0x16: {  	_ =	swait.ge @!p0 [sflag:s0], $0x27100  }
0x17: {  	[sflag:s0] =	ssyncset.done @!p0 $0x0  }
0x18: {  	[sflag:s0] =	ssyncadd.s32 @!p0 $0xFFFD8F00  }
0x19: {  	[bflag:$0x0] =	sbarrier.arrive $0xFFFF  }
0x1a: {  	s10 =	rddreg [dreg:$0x4]  }
0x1b: {  	[tilespmem:s2], [sflag:$0xB] =	stream.linear.gather [hbm4b:s10+s2], $0x50, $0x38;
	[tilespmem:$0x1B300] =	vst v63  }
0x1c: {  	_ =	swait.ge [sflag:s19], $0x50  }
0x1d: {  	[sflag:s19] =	ssyncset.done $0x0  }
0x1e: {  	s20 =	simm.s32 $0x140;
	[sflag:s19] =	ssyncadd.s32 $0xFFFFFFB0  }
0x1f: {  	[tilespmem:s20], [sflag:$0xB] =	stream.linear.gather [hbm4b:s11+s2], $0x50, $0x38;
	[tilespmem:$0x1B300] =	vst v63  }
0x20: {  	_ =	swait.ge [sflag:s19], $0x50  }
0x21: {  	[sflag:s19] =	ssyncset.done $0x0  }
0x22: {  	s22 =	simm.s32 $0x280;
	[sflag:s19] =	ssyncadd.s32 $0xFFFFFFB0  }
0x23: {  	[tilespmem:s22], [sflag:$0x5] =	stream.indirect.gather [hbm4b:s3+s21], $0x80, s2, s21, $0xb8;
	[tilespmem:$0x1B300] =	vst v63  }
0x24: {  	s23 =	simm.s32 $0x5280  }
0x25: {  	[tilespmem:s23], [sflag:$0x7] =	stream.linear.gather [hbm4b:s12+s2], $0x1400, $0x38;
	[tilespmem:$0x1B300] =	vst v63  }
0x26: {  	_ = 	snop  }
0x27: {  	[tilespmem:s21], [sflag:$0x2] =	stream.linear.gather [hbm4b:s13+s2], $0x50, $0x38;
	[tilespmem:$0x1B300] =	vst v63  }
0x28: {  	s26 =	simm.s32 $0x190;
	p2 =	por $0x0, $0x0;
	s31 =	simm.s32 $0x0  }
0x29: {  	[tilespmem:s26], [sflag:$0x2] =	stream.linear.gather [hbm4b:s14+s2], $0x50, $0x38;
	[tilespmem:$0x1B300] =	vst v63  }
.LBB2_2:
0x2a: {  	s0 =	sadd.s32 $0x1, s31;
	p3 =	seq.s32 s31, $0x3B  }
0x2b: {  	s4 =	sand.u32 @!p3 $0x3, s0  }
0x2c: {  	s9 =	sadd.s32 @!p3 $0x1, s4  }
0x2d: {  	_ =	swait.ge @!p3 [sflag:s9], $0x50  }
0x2e: {  	[sflag:s9] =	ssyncset.done @!p3 $0x0  }
0x2f: {  	[sflag:s9] =	ssyncadd.s32 @!p3 $0xFFFFFFB0  }
0x30: {  	p4 =	seq.s32 @!p3 s31, $0x0;
	_ =	swait.ge @!p3 [sflag:s9], $0x50  }
0x31: {  	s10 =	sand.u32 $0x1, s0;
	p4 =	por p4, p3;
	[sflag:s9] =	ssyncset.done @!p3 $0x0  }
0x32: {  	[sflag:s9] =	ssyncadd.s32 @!p3 $0xFFFFFFB0;
	s9 =	sadd.s32 @!p4 $0x9, s10  }
0x33: {  	s20 =	smul.u32 @!p3 $0xA000, s10;
	_ =	swait.ge @!p4 [sflag:s9], $0x2800  }
0x34: {  	s4 =	smul.u32 @!p3 $0x140, s4;
	[sflag:s9] =	ssyncset.done @!p4 $0x0  }
0x35: {  	s22 =	simm.s32 @!p3 $0x50;
	[sflag:s9] =	ssyncadd.s32 @!p4 $0xFFFFD800;
	s9 =	sshrl.u32 @!p3 s20, $0x2  }
0x36: {  	s4 =	sshrl.u32 @!p3 s4, $0x2;
	s20 =	sadd.s32 @!p3 $0x5, s10;
	s9 =	sor.u32 @!p3 $0x280, s9  }
0x37: {  	[tilespmem:s9], [sflag:s20] =	stream.indirect.gather @!p3 [hbm4b:s3+s22], $0x80, s4, s22, $0xb8;
	[tilespmem:$0x1B300] =	vst v63  }
0x38: {  	s4 =	smul.u32 @!p3 $0x50, s0;
	_ =	sdelay $0x1  }
0x39: {  	s9 =	smul.u32 @!p3 $0x5000, s10;
	s4 =	sadd.s32 @!p3 s8, s4  }
0x3a: {  	s20 =	sand.u32 $0x1, s31;
	s4 =	sshll.u32 @!p3 s4, $0x3  }
0x3b: {  	s10 =	sadd.s32 @!p3 $0x7, s10;
	s9 =	sshrl.u32 @!p3 s9, $0x2;
	s4 =	sand.u32 @!p3 $0x1FFFFF80, s4  }
0x3c: {  	s22 =	simm.s32 @!p3 $0x0;
	s9 =	sadd.s32 @!p3 $0x5280, s9;
	s4 =	sadd.s32 @!p3 s5, s4  }
0x3d: {  	[tilespmem:s9], [sflag:s10] =	stream.linear.gather @!p3 [hbm4b:s4+s22], $0x1400, $0x38;
	[tilespmem:$0x1B300] =	vst v63  }
0x3e: {  	s10 =	sadd.s32 $0x5, s20  }
0x3f: {  	s9 =	simm.s32 $0x1;
	_ =	swait.ge [sflag:s10], $0x2800  }
0x40: {  	s9 =	simm.s32 @!p2 $0x0;
	[sflag:s10] =	ssyncset.done $0x0  }
0x41: {  	s23 =	sadd.s32 $0x7, s20;
	s22 =	smul.u32 $0x5000, s9;
	[sflag:s10] =	ssyncadd.s32 $0xFFFFD800  }
0x42: {  	s9 =	smul.u32 $0xA000, s9;
	_ =	swait.ge [sflag:s23], $0x1400  }
0x43: {  	s10 =	sshrl.u32 s22, $0x2;
	[sflag:s23] =	ssyncset.done $0x0  }
0x44: {  	s9 =	sshrl.u32 s9, $0x2;
	s22 =	sadd.s32 $0x52C0, s10;
	[sflag:s23] =	ssyncadd.s32 $0xFFFFEC00  }
0x45: {  	s23 =	sor.u32 $0x300, s9;
	v0 =	vld [tilespmem:s22+$0xFFFFFFC0]  }
0x46: {  	v1 =	vld [tilespmem:s23+$0xFFFFFF80]  }
0x47: {  	v2 =	vld [tilespmem:s23+$0xFFFFFFC0];
	_ =	sdelay $0x2  }
0x48: {  	v3 =	vshll.u32 v0, $0x10  }
0x49: {  	v0 =	vand.u32 $0xFFFF0000, v0;
	v1 =	vadd.f32 v3, v1  }
0x4a: {  	v0 =	vadd.f32 v0, v2  }
0x4b: {  	v1 =	vmax.f32 v1, $0.0e+00  }
0x4c: {  	v0 =	vmax.f32 v0, $0.0e+00;
	[tilespmem:s23+$0xFFFFFF80] =	vst v1  }
0x4d: {  	[tilespmem:s23+$0xFFFFFFC0] =	vst v0  }
0x4e: {  	v0 =	vld [tilespmem:s22+$0xFFFFFFD0]  }
0x4f: {  	v1 =	vld [tilespmem:s23+$0xFFFFFF90]  }
0x50: {  	v2 =	vld [tilespmem:s23+$0xFFFFFFD0];
	_ =	sdelay $0x2  }
0x51: {  	v3 =	vshll.u32 v0, $0x10  }
0x52: {  	v0 =	vand.u32 $0xFFFF0000, v0;
	v1 =	vadd.f32 v3, v1  }
0x53: {  	v0 =	vadd.f32 v0, v2  }
0x54: {  	v1 =	vmax.f32 v1, $0.0e+00  }
0x55: {  	v0 =	vmax.f32 v0, $0.0e+00;
	[tilespmem:s23+$0xFFFFFF90] =	vst v1  }
0x56: {  	[tilespmem:s23+$0xFFFFFFD0] =	vst v0  }
0x57: {  	v0 =	vld [tilespmem:s22+$0xFFFFFFE0]  }
0x58: {  	v1 =	vld [tilespmem:s23+$0xFFFFFFA0]  }
0x59: {  	v2 =	vld [tilespmem:s23+$0xFFFFFFE0];
	_ =	sdelay $0x2  }
0x5a: {  	v3 =	vshll.u32 v0, $0x10  }
0x5b: {  	v0 =	vand.u32 $0xFFFF0000, v0;
	v1 =	vadd.f32 v3, v1  }
0x5c: {  	v0 =	vadd.f32 v0, v2  }
0x5d: {  	v1 =	vmax.f32 v1, $0.0e+00  }
0x5e: {  	v0 =	vmax.f32 v0, $0.0e+00;
	[tilespmem:s23+$0xFFFFFFA0] =	vst v1  }
0x5f: {  	[tilespmem:s23+$0xFFFFFFE0] =	vst v0  }
0x60: {  	v0 =	vld [tilespmem:s22+$0xFFFFFFF0]  }
0x61: {  	v2 =	vld [tilespmem:s23+$0xFFFFFFB0]  }
0x62: {  	v1 =	vld [tilespmem:s23+$0xFFFFFFF0];
	_ =	sdelay $0x2  }
0x63: {  	v3 =	vshll.u32 v0, $0x10  }
0x64: {  	v0 =	vand.u32 $0xFFFF0000, v0;
	v2 =	vadd.f32 v3, v2  }
0x65: {  	v0 =	vadd.f32 v0, v1  }
0x66: {  	v1 =	vmax.f32 v2, $0.0e+00  }
0x67: {  	v0 =	vmax.f32 v0, $0.0e+00;
	[tilespmem:s23+$0xFFFFFFB0] =	vst v1  }
0x68: {  	[tilespmem:s23+$0xFFFFFFF0] =	vst v0  }
0x69: {  	v0 =	vld [tilespmem:s22+$0x0]  }
0x6a: {  	v1 =	vld [tilespmem:s23+$0x0]  }
0x6b: {  	v2 =	vld [tilespmem:s23+$0x40];
	_ =	sdelay $0x2  }
0x6c: {  	v3 =	vshll.u32 v0, $0x10  }
0x6d: {  	v0 =	vand.u32 $0xFFFF0000, v0;
	v1 =	vadd.f32 v3, v1  }
0x6e: {  	v0 =	vadd.f32 v0, v2  }
0x6f: {  	v1 =	vmax.f32 v1, $0.0e+00  }
0x70: {  	v0 =	vmax.f32 v0, $0.0e+00;
	[tilespmem:s23+$0x0] =	vst v1  }
0x71: {  	[tilespmem:s23+$0x40] =	vst v0  }
0x72: {  	v0 =	vld [tilespmem:s22+$0x10]  }
0x73: {  	v1 =	vld [tilespmem:s23+$0x10]  }
0x74: {  	v2 =	vld [tilespmem:s23+$0x50];
	_ =	sdelay $0x2  }
0x75: {  	v3 =	vshll.u32 v0, $0x10  }
0x76: {  	v0 =	vand.u32 $0xFFFF0000, v0;
	v1 =	vadd.f32 v3, v1  }
0x77: {  	v0 =	vadd.f32 v0, v2  }
0x78: {  	v1 =	vmax.f32 v1, $0.0e+00  }
0x79: {  	v0 =	vmax.f32 v0, $0.0e+00;
	[tilespmem:s23+$0x10] =	vst v1  }
0x7a: {  	[tilespmem:s23+$0x50] =	vst v0  }
0x7b: {  	v0 =	vld [tilespmem:s22+$0x20]  }
0x7c: {  	v1 =	vld [tilespmem:s23+$0x20]  }
0x7d: {  	v2 =	vld [tilespmem:s23+$0x60];
	_ =	sdelay $0x2  }
0x7e: {  	v3 =	vshll.u32 v0, $0x10  }
0x7f: {  	v0 =	vand.u32 $0xFFFF0000, v0;
	v1 =	vadd.f32 v3, v1  }
0x80: {  	v0 =	vadd.f32 v0, v2  }
0x81: {  	s26 =	smul.u32 $0xA000, s20;
	v1 =	vmax.f32 v1, $0.0e+00  }
0x82: {  	v0 =	vmax.f32 v0, $0.0e+00;
	[tilespmem:s23+$0x20] =	vst v1  }
0x83: {  	s4 =	sshrl.u32 s26, $0x2;
	v2 =	vld [tilespmem:s23+$0x70];
	[tilespmem:s23+$0x60] =	vst v0  }
0x84: {  	s26 =	sor.u32 $0x280, s4;
	v1 =	vld [tilespmem:s22+$0x30]  }
0x85: {  	s10 =	simm.s32 $0x0;
	s9 =	sand.u32 $0x3, s31;
	s4 =	smov.u32 s23;
	v0 =	vld [tilespmem:s23+$0x30]  }
.LBB2_3:
0x86: {  	s10 =	sadd.s32 $0x2, s10;
	s22 =	sadd.s32 $0x80, s22;
	s23 =	sadd.s32 $0x100, s23  }
0x87: {  	p3 =	slt.u32 s10, $0x4E;
	_ =	sdelay $0x1  }
0x88: {  	v3 =	vshll.u32 v1, $0x10;
	v1 =	vand.u32 $0xFFFF0000, v1  }
0x89: {  	v0 =	vadd.f32 v3, v0;
	v1 =	vadd.f32 v1, v2;
	_ =	sdelay $0x1  }
0x8a: {  	v0 =	vmax.f32 v0, $0.0e+00;
	v1 =	vmax.f32 v1, $0.0e+00  }
0x8b: {  	[tilespmem:s4+$0x30] =	vst v0  }
0x8c: {  	v0 =	vld [tilespmem:s23+$0xFFFFFFC0];
	[tilespmem:s4+$0x70] =	vst v1;
	s4 =	smov.u32 s23  }
0x8d: {  	v1 =	vld [tilespmem:s22+$0xFFFFFFC0]  }
0x8e: {  	v2 =	vld [tilespmem:s23+$0xFFFFFF80];
	_ =	sdelay $0x3  }
0x8f: {  	v3 =	vshll.u32 v1, $0x10;
	v1 =	vand.u32 $0xFFFF0000, v1  }
0x90: {  	v2 =	vadd.f32 v3, v2;
	v0 =	vadd.f32 v1, v0;
	_ =	sdelay $0x1  }
0x91: {  	v1 =	vmax.f32 v2, $0.0e+00;
	v0 =	vmax.f32 v0, $0.0e+00  }
0x92: {  	[tilespmem:s23+$0xFFFFFF80] =	vst v1  }
0x93: {  	[tilespmem:s23+$0xFFFFFFC0] =	vst v0;
	v0 =	vld [tilespmem:s23+$0xFFFFFFD0]  }
0x94: {  	v1 =	vld [tilespmem:s22+$0xFFFFFFD0]  }
0x95: {  	v2 =	vld [tilespmem:s23+$0xFFFFFF90];
	_ =	sdelay $0x3  }
0x96: {  	v3 =	vshll.u32 v1, $0x10;
	v1 =	vand.u32 $0xFFFF0000, v1  }
0x97: {  	v2 =	vadd.f32 v3, v2;
	v0 =	vadd.f32 v1, v0;
	_ =	sdelay $0x1  }
0x98: {  	v1 =	vmax.f32 v2, $0.0e+00;
	v0 =	vmax.f32 v0, $0.0e+00  }
0x99: {  	[tilespmem:s23+$0xFFFFFF90] =	vst v1  }
0x9a: {  	[tilespmem:s23+$0xFFFFFFD0] =	vst v0;
	v0 =	vld [tilespmem:s23+$0xFFFFFFE0]  }
0x9b: {  	v1 =	vld [tilespmem:s22+$0xFFFFFFE0]  }
0x9c: {  	v2 =	vld [tilespmem:s23+$0xFFFFFFA0];
	_ =	sdelay $0x3  }
0x9d: {  	v3 =	vshll.u32 v1, $0x10;
	v1 =	vand.u32 $0xFFFF0000, v1  }
0x9e: {  	v2 =	vadd.f32 v3, v2;
	v0 =	vadd.f32 v1, v0;
	_ =	sdelay $0x1  }
0x9f: {  	v1 =	vmax.f32 v2, $0.0e+00;
	v0 =	vmax.f32 v0, $0.0e+00  }
0xa0: {  	[tilespmem:s23+$0xFFFFFFA0] =	vst v1;
	v1 =	vld [tilespmem:s23+$0xFFFFFFF0]  }
0xa1: {  	[tilespmem:s23+$0xFFFFFFE0] =	vst v0  }
0xa2: {  	v0 =	vld [tilespmem:s22+$0xFFFFFFF0]  }
0xa3: {  	v2 =	vld [tilespmem:s23+$0xFFFFFFB0];
	_ =	sdelay $0x3  }
0xa4: {  	v3 =	vshll.u32 v0, $0x10;
	v0 =	vand.u32 $0xFFFF0000, v0  }
0xa5: {  	v2 =	vadd.f32 v3, v2;
	v0 =	vadd.f32 v0, v1;
	_ =	sdelay $0x1  }
0xa6: {  	v1 =	vmax.f32 v2, $0.0e+00;
	v0 =	vmax.f32 v0, $0.0e+00  }
0xa7: {  	[tilespmem:s23+$0xFFFFFFB0] =	vst v1  }
0xa8: {  	[tilespmem:s23+$0xFFFFFFF0] =	vst v0;
	v0 =	vld [tilespmem:s23+$0x40]  }
0xa9: {  	v1 =	vld [tilespmem:s22+$0x0]  }
0xaa: {  	v2 =	vld [tilespmem:s23+$0x0];
	_ =	sdelay $0x3  }
0xab: {  	v3 =	vshll.u32 v1, $0x10;
	v1 =	vand.u32 $0xFFFF0000, v1  }
0xac: {  	v2 =	vadd.f32 v3, v2;
	v0 =	vadd.f32 v1, v0;
	_ =	sdelay $0x1  }
0xad: {  	v1 =	vmax.f32 v2, $0.0e+00;
	v0 =	vmax.f32 v0, $0.0e+00  }
0xae: {  	[tilespmem:s23+$0x0] =	vst v1  }
0xaf: {  	[tilespmem:s23+$0x40] =	vst v0;
	v0 =	vld [tilespmem:s23+$0x50]  }
0xb0: {  	v1 =	vld [tilespmem:s22+$0x10]  }
0xb1: {  	v2 =	vld [tilespmem:s23+$0x10];
	_ =	sdelay $0x3  }
0xb2: {  	v3 =	vshll.u32 v1, $0x10;
	v1 =	vand.u32 $0xFFFF0000, v1  }
0xb3: {  	v2 =	vadd.f32 v3, v2;
	v0 =	vadd.f32 v1, v0;
	_ =	sdelay $0x1  }
0xb4: {  	v1 =	vmax.f32 v2, $0.0e+00;
	v0 =	vmax.f32 v0, $0.0e+00  }
0xb5: {  	[tilespmem:s23+$0x10] =	vst v1  }
0xb6: {  	[tilespmem:s23+$0x50] =	vst v0;
	v0 =	vld [tilespmem:s23+$0x60]  }
0xb7: {  	v1 =	vld [tilespmem:s22+$0x20]  }
0xb8: {  	v2 =	vld [tilespmem:s23+$0x20];
	_ =	sdelay $0x3  }
0xb9: {  	v3 =	vshll.u32 v1, $0x10;
	v1 =	vand.u32 $0xFFFF0000, v1  }
0xba: {  	v2 =	vadd.f32 v3, v2;
	v0 =	vadd.f32 v1, v0;
	_ =	sdelay $0x1  }
.Ltmp0:
0xbb: {  	v1 =	vmax.f32 v2, $0.0e+00;
	v0 =	vmax.f32 v0, $0.0e+00;
	(pc) =	sbr.rel @p3 .LBB2_3-.Ltmp0, $4  }
0xbc: {  	[tilespmem:s23+$0x20] =	vst v1  }
0xbd: {  	[tilespmem:s23+$0x60] =	vst v0;
	v0 =	vld [tilespmem:s23+$0x30]  }
0xbe: {  	v1 =	vld [tilespmem:s22+$0x30]  }
0xbf: {  	v2 =	vld [tilespmem:s23+$0x70]  }
0xc0: {  	_ =	sdelay $0x2  }
0xc1: {  	v3 =	vshll.u32 v1, $0x10  }
0xc2: {  	p3 =	sgt.u32 s31, $0x39;
	v63 =	vand.u32 $0xFFFF0000, v1;
	v0 =	vadd.f32 v3, v0  }
0xc3: {  	s9 =	smul.u32 $0x140, s9;
	s10 =	sadd.s32 @!p3 $0x2, s31;
	v1 =	vadd.f32 v63, v2  }
0xc4: {  	s23 =	sadd.s32 $0x9, s20;
	s20 =	smul.u32 @!p3 $0x50, s10;
	v0 =	vmax.f32 v0, $0.0e+00  }
0xc5: {  	s9 =	sshrl.u32 s9, $0x2;
	v1 =	vmax.f32 v1, $0.0e+00;
	[tilespmem:s4+$0x30] =	vst v0  }
0xc6: {  	s22 =	sadd.s32 $0x140, s9;
	s9 =	sadd.s32 @!p3 s8, s20;
	[tilespmem:s4+$0x70] =	vst v1;
	s4 =	sand.u32 @!p3 $0x3, s10  }
0xc7: {  	[spmem:s1] =	stream.indirect.scatter.add.f32 [tilespmem:s26], [sflag:s23], $0x80, s22, s21, $0xb8;
	[tilespmem:$0x1B300] =	vst v63  }
0xc8: {  	s9 =	sshrl.u32 @!p3 s9, $0x3;
	s10 =	smul.u32 @!p3 $0x50, s4  }
0xc9: {  	s20 =	sadd.s32 @!p3 s6, s9;
	s4 =	sadd.s32 @!p3 $0x1, s4;
	s22 =	simm.s32 @!p3 $0x0  }
0xca: {  	[tilespmem:s10], [sflag:s4] =	stream.linear.gather @!p3 [hbm4b:s20+s22], $0x50, $0x38;
	[tilespmem:$0x1B300] =	vst v63  }
0xcb: {  	s9 =	sadd.s32 @!p3 s7, s9;
	s10 =	sadd.s32 @!p3 $0x140, s10  }
0xcc: {  	[tilespmem:s10], [sflag:s4] =	stream.linear.gather @!p3 [hbm4b:s9+s22], $0x50, $0x38;
	[tilespmem:$0x1B300] =	vst v63  }
0xcd: {  	p3 =	sne.s32 s0, $0x3C  }
.Ltmp1:
0xce: {  	_ = 	snop;
	(pc) =	sbr.rel @p3 .LBB2_2-.Ltmp1, $2  }
0xcf: {  	_ =	sdelay $0x2  }
0xd0: {  	p2 =	por !p2, !p2;
	s31 =	smov.u32 s0  }
0xd1: {  	_ =	swait.ge [sflag:s28], $0x2800  }
0xd2: {  	[sflag:s28] =	ssyncset.done $0x0  }
0xd3: {  	[sflag:s28] =	ssyncadd.s32 $0xFFFFD800  }
0xd4: {  	_ =	swait.ge [sflag:s29], $0x2800  }
0xd5: {  	[sflag:s29] =	ssyncset.done $0x0  }
0xd6: {  	[sflag:s29] =	ssyncadd.s32 $0xFFFFD800  }
0xd7: {  	s0 =	simm.s32 @p1 $0x1FCB;
	[bflag:$0x0] =	sbarrier.arrive $0xFFFF  }
0xd8: {  	[hbm:s16], [sflag:s0] =	dma.local @p1 [spmem:s24], $0x1900  }
0xd9: {  	s0 =	simm.s32 @p1 $0xB  }
0xda: {  	s4 =	stileid.u32;
	_ =	swait.ge @p1 [sflag:s0], $0x1900  }
0xdb: {  	s30 =	sadd.s32 $0x1, s30;
	s4 =	sshll.u32 @!p1 s4, $0x6;
	[sflag:s0] =	ssyncset.done @p1 $0x0  }
0xdc: {  	p2 =	sne.s32 s30, s17;
	[sflag:s0] =	ssyncadd.s32 @p1 $0xFFFFE700;
	s0 =	sor.u32 @!p1 $0x1C0B, s4  }
0xdd: {  	[hbm:s15], [sflag:s0] =	dma.local @!p1 [spmem:s25], $0x2800  }
.Ltmp2:
0xde: {  	_ = 	snop;
	(pc) =	sbr.rel @p2 .LBB2_1-.Ltmp2, $4  }
0xdf: {  	s0 =	simm.s32 @!p1 $0xB  }
0xe0: {  	_ =	swait.ge @!p1 [sflag:s0], $0x2800  }
0xe1: {  	[sflag:s0] =	ssyncset.done @!p1 $0x0  }
0xe2: {  	[sflag:s0] =	ssyncadd.s32 @!p1 $0xFFFFD800  }
0xe3: {  	_ =	sfence.sel $0x180000  }
0xe4: {  	[bflag:$0x0] =	sbarrier.arrive $0xFFFF  }
0xe5: {  	_ =	strace $0x90000050  }
0xe6: {  	[bflag:$0x2] =	sbarrier.arrive $0xFFFF  }
0xe7: {  	s0 =	rddreg [dreg:$0x2]  }
0xe8: {  	s0 =	sadd.s32 @!p0 $0x100000, s0  }
0xe9: {  	[sflag:s0] =	ssyncadd.tile.s32 @!p0 $0x1;
	_ =	shalt  }
.Lfunc_end2:
_tile_overlayer_lowered:
.L_overlay_start_2:
0xea: {  	(tag) =	ssettag $0x2  }
0xeb: {  	s0 =	rddreg [dreg:$0x0];
	s2 =	stileid.u32  }
0xec: {  	s1 =	rddreg [dreg:$0x1];
	p0 =	sne.s32 s2, $0x0  }
0xed: {  	s3 =	rddreg [dreg:$0x2];
	[bflag:$0x3] =	sbarrier.arrive $0xFFFF;
	s2 =	simm.s32 @!p0 $0x1C0B  }
0xee: {  	[timem:s3], [sflag:s2] =	dma.local @!p0 [hbm:s0], s1  }
0xef: {  	s0 =	simm.s32 @!p0 $0xB  }
0xf0: {  	_ =	swait.ge @!p0 [sflag:s0], s1  }
0xf1: {  	s1 =	ssub.s32 @!p0 $0x0, s1;
	[sflag:s0] =	ssyncset.done @!p0 $0x0  }
0xf2: {  	[sflag:s0] =	ssyncadd.s32 @!p0 s1  }
0xf3: {  	[bflag:$0x3] =	sbarrier.arrive $0xFFFF  }
0xf4: {  	_ =	shalt  }

// kernel: kernel.22.cloned.1.call-start
scs
__scs_entry_jumppad:
0x0: {  	(pc) =	sbr.rel $0x88, $3  }
0x1: {  	(tag) =	ssettag $0x0;
	lr =	simm.s32 $0x1  }
0x2: {  	[smem:$0x3F9A] =	sst lr;
	_ =	strace $0xD0000000  }
0x3: {  	_ = 	snop  }
0x4: {  	_ = 	snop  }
0x5: {  	_ = 	snop  }
0x6: {  	_ = 	snop  }
0x7: {  	_ = 	snop  }
__scs_overlays_trampoline_lowered:
0x8: {  	[smem:$0x3FA9] =	sst s0  }
0x9: {  	[smem:$0x3FAA] =	sst s1  }
0xa: {  	[smem:$0x3FAB] =	sst s2  }
0xb: {  	[smem:$0x3FAC] =	sst s3  }
0xc: {  	[smem:$0x3FAD] =	sst s4  }
0xd: {  	[smem:$0x3FAE] =	sst s5  }
0xe: {  	[smem:$0x3FAF] =	sst s6  }
0xf: {  	[smem:$0x3FB0] =	sst s7  }
0x10: {  	[smem:$0x3FB1] =	sst s8  }
0x11: {  	[smem:$0x3FB2] =	sst s9;
	s0 =	simm.s32 @!p0 $0x0  }
0x12: {  	s1 =	sld [smem:$0x3F98];
	s0 =	simm.s32 @p0 $0x1  }
0x13: {  	[smem:$0x3FB3] =	sst s0;
	s0 =	simm.s32 @!p1 $0x0  }
0x14: {  	s2 =	sld [smem:$0x3F97];
	s0 =	simm.s32 @p1 $0x1  }
0x15: {  	[smem:$0x3FB4] =	sst s0;
	s0 =	simm.s32 @!p2 $0x0  }
0x16: {  	s3 =	sld [smem:$0x3FDB];
	s0 =	simm.s32 @p2 $0x1  }
0x17: {  	s4 =	simm.s32 $0x1BF5;
	[smem:$0x3FB6] =	sst s0  }
0x18: {  	s0 =	sld [smem:$0x3F99];
	_ =	swait.ge [sflag:s4], $0x0  }
0x19: {  	s7 =	sld [smem:$0x3F9A]  }
0x1a: {  	s8 =	sadd.s32 $0xFFFFE003, lr  }
0x1b: {  	s9 =	sadd.s32 $0xFFFFFEF7, lr;
	s5 =	simm.s32 $0xFFFFFFFF;
	p2 =	slt.u32 s8, $0xFFFFF086  }
0x1c: {  	p1 =	slt.u32 s9, $0xF7A;
	s5 =	simm.s32 @!p2 $0x0  }
0x1d: {  	s5 =	simm.s32 @p1 $0x1;
	p0 =	seq.s32 s7, s2  }
0x1e: {  	s7 =	smul.u32 @!p0 $0xF7A, s2;
	p2 =	seq.s32 @!p0 s5, $0x0  }
0x1f: {  	s9 =	smul.u32 $0xF7A, s1;
	s8 =	simm.s32 @!p0 $0x1BF5;
	p2 =	por !p2, p0  }
0x20: {  	[sflag:s8] =	ssyncset.s32 @!p0 $0xFFFFF086;
	s6 =	sadd.s32 @!p0 s3, s7;
	s7 =	simm.s32 @!p0 $0x108  }
0x21: {  	s3 =	sadd.s32 s3, s9;
	s6 =	sadd.s32 @!p0 $0x88, s6;
	s7 =	simm.s32 @p2 $0x1082  }
0x22: {  	[simem:s7], [sflag:s8] =	dma.local @!p0 [hbm:s6], $0xF7A  }
0x23: {  	s9 =	sor.u32 $0xD0000000, s2;
	s6 =	simm.s32 $0x108;
	_ =	swait.ge @!p0 [sflag:s8], $0x0  }
0x24: {  	s3 =	sadd.s32 $0x88, s3;
	s6 =	simm.s32 @!p1 $0x1082;
	[sflag:s4] =	ssyncset.s32 $0xFFFFF086  }
0x25: {  	[simem:s6], [sflag:s4] =	dma.local [hbm:s3], $0xF7A  }
0x26: {  	[smem:$0x3F9A] =	sst s1;
	(tag) =	ssettag s2;
	_ =	strace s9  }
0x27: {  	s1 =	sld [smem:$0x3FAA]  }
0x28: {  	s2 =	sld [smem:$0x3FAB]  }
0x29: {  	s4 =	sld [smem:$0x3FAD]  }
0x2a: {  	p0 =	seq.s32 s5, $0x0;
	s5 =	sld [smem:$0x3FAE]  }
0x2b: {  	s6 =	sld [smem:$0x3FAF]  }
0x2c: {  	s7 =	sld [smem:$0x3FB0]  }
0x2d: {  	s3 =	simm.s32 $0x108;
	s8 =	sld [smem:$0x3FB1]  }
0x2e: {  	s3 =	simm.s32 @!p0 $0x1082;
	s9 =	sld [smem:$0x3FB2]  }
0x2f: {  	lr =	sadd.s32 s0, s3;
	s0 =	sld [smem:$0x3FA9]  }
0x30: {  	s3 =	sld [smem:$0x3FAC]  }
0x31: {  	[smem:$0x3FB5] =	sst s10  }
0x32: {  	s10 =	sld [smem:$0x3FB3];
	_ =	sdelay $0x3  }
0x33: {  	p0 =	seq.s32 s10, $0x1;
	s10 =	sld [smem:$0x3FB5];
	_ =	sdelay $0x3  }
0x34: {  	[smem:$0x3FB5] =	sst s10  }
0x35: {  	s10 =	sld [smem:$0x3FB4];
	_ =	sdelay $0x3  }
0x36: {  	p1 =	seq.s32 s10, $0x1;
	s10 =	sld [smem:$0x3FB5];
	_ =	sdelay $0x3  }
0x37: {  	[smem:$0x3FB5] =	sst s10  }
0x38: {  	s10 =	sld [smem:$0x3FB6]  }
0x39: {  	_ = 	snop;
	(pc) =	sbr.ind lr, $3  }
0x3a: {  	_ = 	snop  }
0x3b: {  	_ = 	snop  }
0x3c: {  	p2 =	seq.s32 s10, $0x1;
	s10 =	sld [smem:$0x3FB5]  }
0x3d: {  	_ =	shalt  }
0x3e: {  	_ =	shalt  }
0x3f: {  	_ =	shalt  }
0x40: {  	_ =	shalt  }
0x41: {  	_ =	shalt  }
0x42: {  	_ =	shalt  }
0x43: {  	_ =	shalt  }
0x44: {  	_ =	shalt  }
0x45: {  	_ =	shalt  }
0x46: {  	_ =	shalt  }
0x47: {  	_ =	shalt  }
0x48: {  	_ =	shalt  }
0x49: {  	_ =	shalt  }
0x4a: {  	_ =	shalt  }
0x4b: {  	_ =	shalt  }
0x4c: {  	_ =	shalt  }
0x4d: {  	_ =	shalt  }
0x4e: {  	_ =	shalt  }
0x4f: {  	_ =	shalt  }
0x50: {  	_ =	shalt  }
0x51: {  	_ =	shalt  }
0x52: {  	_ =	shalt  }
0x53: {  	_ =	shalt  }
0x54: {  	_ =	shalt  }
0x55: {  	_ =	shalt  }
0x56: {  	_ =	shalt  }
0x57: {  	_ =	shalt  }
0x58: {  	_ =	shalt  }
0x59: {  	_ =	shalt  }
0x5a: {  	_ =	shalt  }
0x5b: {  	_ =	shalt  }
0x5c: {  	_ =	shalt  }
0x5d: {  	_ =	shalt  }
0x5e: {  	_ =	shalt  }
0x5f: {  	_ =	shalt  }
0x60: {  	_ =	shalt  }
0x61: {  	_ =	shalt  }
0x62: {  	_ =	shalt  }
0x63: {  	_ =	shalt  }
0x64: {  	_ =	shalt  }
0x65: {  	_ =	shalt  }
0x66: {  	_ =	shalt  }
0x67: {  	_ =	shalt  }
0x68: {  	_ =	shalt  }
0x69: {  	_ =	shalt  }
0x6a: {  	_ =	shalt  }
0x6b: {  	_ =	shalt  }
0x6c: {  	_ =	shalt  }
0x6d: {  	_ =	shalt  }
0x6e: {  	_ =	shalt  }
0x6f: {  	_ =	shalt  }
0x70: {  	_ =	shalt  }
0x71: {  	_ =	shalt  }
0x72: {  	_ =	shalt  }
0x73: {  	_ =	shalt  }
0x74: {  	_ =	shalt  }
0x75: {  	_ =	shalt  }
0x76: {  	_ =	shalt  }
0x77: {  	_ =	shalt  }
0x78: {  	_ =	shalt  }
0x79: {  	_ =	shalt  }
0x7a: {  	_ =	shalt  }
0x7b: {  	_ =	shalt  }
0x7c: {  	_ =	shalt  }
0x7d: {  	_ =	shalt  }
0x7e: {  	_ =	shalt  }
0x7f: {  	_ =	shalt  }
0x80: {  	_ =	shalt  }
0x81: {  	_ =	shalt  }
0x82: {  	_ =	shalt  }
0x83: {  	_ =	shalt  }
0x84: {  	_ =	shalt  }
0x85: {  	_ =	shalt  }
0x86: {  	_ =	shalt  }
0x87: {  	_ =	shalt  }
.Lfunc_end0:
.L_simem_size_0:
called_computation.3_lowered:
.L_overlay_start_0:
0x88: {  	s2 =	sld [smem:$0x3FD9]  }
0x89: {  	s3 =	sld [smem:$0x3FFE];
	_ =	sdelay $0x1  }
0x8a: {  	s1 =	srdreg.scid  }
0x8b: {  	s0 =	sand.u32 $0x1, s1  }
0x8c: {  	s16 =	sshll.u32 s0, $0xA;
	s2 =	sadd.s32 s3, s2  }
0x8d: {  	s2 =	sadd.s32 s2, s16  }
0x8e: {  	[smem:$0x3FC1] =	sst s2  }
0x8f: {  	_ = 	snop  }
0x90: {  	(tm) =	ssettm $0x1  }
0x91: {  	s17 =	sld [smem:$0x3FFB];
	_ =	sdelay $0x3  }
0x92: {  	_ =	strace s17  }
0x93: {  	s2 =	sld [smem:$0x3FFC];
	_ =	sdelay $0x3  }
0x94: {  	_ =	strace s2  }
0x95: {  	s2 =	sld [smem:$0x3FFD];
	_ =	sdelay $0x3  }
0x96: {  	_ =	strace s2  }
0x97: {  	_ =	strace $0x8FFFFFFF  }
0x98: {  	s18 =	sld [smem:$0x3FDB];
	_ =	sdelay $0x1  }
0x99: {  	s19 =	simm.s32 $_scs_section_size  }
0x9a: {  	s4 =	simm.s32 $_size__tile_overlayer_lowered;
	s5 =	simm.s32 $_tile_overlayer_lowered  }
0x9b: {  	s22 =	simm.s32 $0x1BFF;
	s21 =	sshll.u32 s5, $0x1;
	s2 =	sadd.s32 s19, s18  }
0x9c: {  	s6 =	simm.s32 $0x0;
	s20 =	sshll.u32 s4, $0x1;
	s4 =	sadd.s32 s21, s2  }
0x9d: {  	[timem:s6], [sflag:s22] =	dma.local [hbm:s4], s20  }
0x9e: {  	_ =	swait.ge [sflag:s22], s20  }
0x9f: {  	s3 =	ssub.s32 $0x0, s20;
	[sflag:s22] =	ssyncset.done $0x0  }
0xa0: {  	[sflag:s22] =	ssyncadd.s32 s3;
	_ =	sdelay $0x1  }
0xa1: {  	s23 =	simm.s32 $0x1B8B  }
0xa2: {  	_ =	swait.ge [sflag:s23], $0x1  }
0xa3: {  	[sflag:s23] =	ssyncset.done $0x0  }
0xa4: {  	s25 =	simm.s32 $0x1B8E;
	s24 =	sld [smem:$0x3FFE];
	[sflag:s23] =	ssyncadd.s32 $0xFFFFFFFF  }
0xa5: {  	s26 =	simm.s32 $execute0_lowered;
	[smem:$0x3FD2] =	sst s25  }
0xa6: {  	s4 =	sshll.u32 s26, $0x1;
	_ =	strace $0x8000004C;
	[dreg:$0x1] =	wrdreg $0xFFFFFFFF  }
0xa7: {  	s28 =	simm.s32 $_size_execute0_lowered;
	s2 =	sadd.s32 s2, s4;
	[dreg:$0x0] =	wrdreg $0x0  }
0xa8: {  	s4 =	sshll.u32 s28, $0x1;
	[dreg:$0x2] =	wrdreg s2  }
0xa9: {  	[dreg:$0x3] =	wrdreg s4  }
0xaa: {  	[dreg:$0x4] =	wrdreg $0xC0  }
0xab: {  	_ =	task [dreg:s6], $0x5FFFF  }
0xac: {  	[dreg:$0x1] =	wrdreg $0xFFFFFFFF  }
0xad: {  	[dreg:$0x0] =	wrdreg $0x60  }
0xae: {  	[dreg:$0x2] =	wrdreg s24  }
0xaf: {  	[dreg:$0x3] =	wrdreg $0x7A800  }
0xb0: {  	[dreg:$0x4] =	wrdreg $0xA  }
0xb1: {  	_ =	task.clear_ibuf [dreg:s6], $0x5FFFF;
	_ =	strace $0x9000004C  }
0xb2: {  	s29 =	simm.s32 $0xA;
	_ =	strace $0x8000004E  }
0xb3: {  	_ =	swait.ge [sflag:s29], $0x1  }
0xb4: {  	[sflag:s29] =	ssyncadd.s32 $0xFFFFFFFF  }
0xb5: {  	_ =	strace $0x9000004E  }
0xb6: {  	_ =	sfence  }
0xb7: {  	s30 =	sld [smem:$0x0];
	_ =	sdelay $0x2  }
0xb8: {  	s31 =	sshll.u32 s1, $0xD;
	s1 =	sshrl.u32 s1, $0x2  }
0xb9: {  	s3 =	sand.u32 $0x4000, s31;
	s1 =	sadd.s32 s1, s30  }
0xba: {  	s0 =	sor.u32 s3, s0;
	s1 =	sshll.u32 s1, $0x11  }
0xbb: {  	s0 =	sor.u32 s1, s0  }
0xbc: {  	s0 =	sadd.s32 $0x8F2B, s0  }
0xbd: {  	[sflag:s0] =	ssyncadd.remote.s32 $0x1  }
0xbe: {  	_ =	sfence.sel $0xFFFF  }
0xbf: {  	[dreg:$0x0] =	wrdreg $0xFFFFFFFF;
	(pc) =	sbr.abs _section_cstart, $3  }
0xc0: {  	[dreg:$0x1] =	wrdreg $0xFFFFFFFF  }
0xc1: {  	_ =	task.clear_ibuf [dreg:s6], $0x2FFFF;
	_ =	strace $0x9FFFFFFF  }
0xc2: {  	(tm) =	ssettm $0x7FFFFFFF  }
0xc3: {  	_ =	shalt  }
tec
execute0_lowered:
.L_overlay_start_1:
0x0: {  	(tag) =	ssettag $0x1  }
0x1: {  	s0 =	rddreg [dreg:$0x0]  }
0x2: {  	s1 =	rddreg [dreg:$0x1];
	s3 =	srdreg.scid  }
0x3: {  	s2 =	simm.s32 $0x0;
	s20 =	stileid.u32;
	s19 =	simm.s32 $0xB  }
0x4: {  	s21 =	simm.s32 $0x50;
	s28 =	simm.s32 $0x9;
	s29 =	simm.s32 $0xA  }
0x5: {  	s30 =	simm.s32 $0x0;
	s3 =	sand.u32 $0x1, s3;
	[smem:$0x7FF] =	sst s2  }
0x6: {  	s4 =	sadd.s32 $0x153A00, s0;
	s6 =	sadd.s32 $0x9800, s0;
	s8 =	sadd.s32 $0x4600, s0  }
0x7: {  	s10 =	sadd.s32 $0x298A00, s0;
	s16 =	smul.u32 $0x14000, s20;
	p0 =	sne.s32 s20, $0x0  }
0x8: {  	p1 =	seq.s32 s20, $0xF;
	s5 =	sshll.u32 s3, $0x4;
	_ =	strace $0x8000004D  }
0x9: {  	[dreg:$0x3] =	wrdreg s10;
	s25 =	ssub.s32 $0x2, s3;
	s3 =	smul.u32 $0x138800, s3  }
0xa: {  	s18 =	sshrl.u32 @!p0 s1, $0x3;
	s9 =	sor.u32 s20, s5;
	s5 =	sadd.s32 $0xEA00, s0  }
0xb: {  	s0 =	sadd.s32 $0x17AC00, s0;
	s11 =	sshrl.u32 s25, $0x1;
	s7 =	smul.u32 $0x1450, s9  }
0xc: {  	s9 =	smul.u32 $0xA280, s9;
	s10 =	ssub.s32 s25, s11;
	s14 =	sadd.s32 s16, s3  }
0xd: {  	s3 =	sshrl.u32 s3, $0x3;
	s15 =	sshrl.u32 s14, $0x3;
	s17 =	smax.u32 s10, $0x1  }
0xe: {  	s13 =	sshrl.u32 s7, $0x3;
	s12 =	sadd.s32 s5, s9;
	s15 =	sadd.s32 s0, s15  }
0xf: {  	s0 =	sadd.s32 s0, s3;
	s3 =	sadd.s32 s16, s1;
	s26 =	sadd.s32 s6, s13  }
0x10: {  	s11 =	sadd.s32 s8, s13;
	s31 =	sadd.s32 $0xA, s13;
	s16 =	sadd.s32 $0x25800, s0  }
0x11: {  	s0 =	sadd.s32 $0x12C000, s1;
	s25 =	sshrl.u32 @!p1 s3, $0x3;
	[dreg:$0x4] =	wrdreg s26  }
0x12: {  	s13 =	sadd.s32 s6, s31;
	s14 =	sadd.s32 s8, s31;
	s24 =	sshrl.u32 @p1 s0, $0x3  }
.LBB2_1:
0x13: {  	s0 =	simm.s32 @!p0 $0x1C0B;
	s3 =	rddreg [dreg:$0x3]  }
0x14: {  	[spmem:s18], [sflag:s0] =	dma.local @!p0 [hbm:s3], $0x27100  }
0x15: {  	s0 =	simm.s32 @!p0 $0xB  }
0x16: {  	_ =	swait.ge @!p0 [sflag:s0], $0x27100  }
0x17: {  	[sflag:s0] =	ssyncset.done @!p0 $0x0  }
0x18: {  	[sflag:s0] =	ssyncadd.s32 @!p0 $0xFFFD8F00  }
0x19: {  	[bflag:$0x0] =	sbarrier.arrive $0xFFFF  }
0x1a: {  	s10 =	rddreg [dreg:$0x4]  }
0x1b: {  	[tilespmem:s2], [sflag:$0xB] =	stream.linear.gather [hbm4b:s10+s2], $0x50, $0x38;
	[tilespmem:$0x1B300] =	vst v63  }
0x1c: {  	_ =	swait.ge [sflag:s19], $0x50  }
0x1d: {  	[sflag:s19] =	ssyncset.done $0x0  }
0x1e: {  	s20 =	simm.s32 $0x140;
	[sflag:s19] =	ssyncadd.s32 $0xFFFFFFB0  }
0x1f: {  	[tilespmem:s20], [sflag:$0xB] =	stream.linear.gather [hbm4b:s11+s2], $0x50, $0x38;
	[tilespmem:$0x1B300] =	vst v63  }
0x20: {  	_ =	swait.ge [sflag:s19], $0x50  }
0x21: {  	[sflag:s19] =	ssyncset.done $0x0  }
0x22: {  	s22 =	simm.s32 $0x280;
	[sflag:s19] =	ssyncadd.s32 $0xFFFFFFB0  }
0x23: {  	[tilespmem:s22], [sflag:$0x5] =	stream.indirect.gather [hbm4b:s4+s21], $0x80, s2, s21, $0xb8;
	[tilespmem:$0x1B300] =	vst v63  }
0x24: {  	s23 =	simm.s32 $0x5280  }
0x25: {  	[tilespmem:s23], [sflag:$0x7] =	stream.linear.gather [hbm4b:s12+s2], $0x1400, $0x38;
	[tilespmem:$0x1B300] =	vst v63  }
0x26: {  	_ = 	snop  }
0x27: {  	[tilespmem:s21], [sflag:$0x2] =	stream.linear.gather [hbm4b:s13+s2], $0x50, $0x38;
	[tilespmem:$0x1B300] =	vst v63  }
0x28: {  	s26 =	simm.s32 $0x190;
	p2 =	por $0x0, $0x0;
	s31 =	simm.s32 $0x0  }
0x29: {  	[tilespmem:s26], [sflag:$0x2] =	stream.linear.gather [hbm4b:s14+s2], $0x50, $0x38;
	[tilespmem:$0x1B300] =	vst v63  }
.LBB2_2:
0x2a: {  	s0 =	sadd.s32 $0x1, s31;
	p3 =	seq.s32 s31, $0x40  }
0x2b: {  	s3 =	sand.u32 @!p3 $0x3, s0  }
0x2c: {  	s9 =	sadd.s32 @!p3 $0x1, s3  }
0x2d: {  	_ =	swait.ge @!p3 [sflag:s9], $0x50  }
0x2e: {  	[sflag:s9] =	ssyncset.done @!p3 $0x0  }
0x2f: {  	[sflag:s9] =	ssyncadd.s32 @!p3 $0xFFFFFFB0  }
0x30: {  	p4 =	seq.s32 @!p3 s31, $0x0;
	_ =	swait.ge @!p3 [sflag:s9], $0x50  }
0x31: {  	s10 =	sand.u32 $0x1, s0;
	p4 =	por p4, p3;
	[sflag:s9] =	ssyncset.done @!p3 $0x0  }
0x32: {  	[sflag:s9] =	ssyncadd.s32 @!p3 $0xFFFFFFB0;
	s9 =	sadd.s32 @!p4 $0x9, s10  }
0x33: {  	s20 =	smul.u32 @!p3 $0xA000, s10;
	_ =	swait.ge @!p4 [sflag:s9], $0x2800  }
0x34: {  	s3 =	smul.u32 @!p3 $0x140, s3;
	[sflag:s9] =	ssyncset.done @!p4 $0x0  }
0x35: {  	s22 =	simm.s32 @!p3 $0x50;
	[sflag:s9] =	ssyncadd.s32 @!p4 $0xFFFFD800;
	s9 =	sshrl.u32 @!p3 s20, $0x2  }
0x36: {  	s3 =	sshrl.u32 @!p3 s3, $0x2;
	s20 =	sadd.s32 @!p3 $0x5, s10;
	s9 =	sor.u32 @!p3 $0x280, s9  }
0x37: {  	[tilespmem:s9], [sflag:s20] =	stream.indirect.gather @!p3 [hbm4b:s4+s22], $0x80, s3, s22, $0xb8;
	[tilespmem:$0x1B300] =	vst v63  }
0x38: {  	s3 =	smul.u32 @!p3 $0x50, s0;
	_ =	sdelay $0x1  }
0x39: {  	s9 =	smul.u32 @!p3 $0x5000, s10;
	s3 =	sadd.s32 @!p3 s7, s3  }
0x3a: {  	s20 =	sand.u32 $0x1, s31;
	s3 =	sshll.u32 @!p3 s3, $0x3  }
0x3b: {  	s10 =	sadd.s32 @!p3 $0x7, s10;
	s9 =	sshrl.u32 @!p3 s9, $0x2;
	s3 =	sand.u32 @!p3 $0x1FFFFF80, s3  }
0x3c: {  	s22 =	simm.s32 @!p3 $0x0;
	s9 =	sadd.s32 @!p3 $0x5280, s9;
	s3 =	sadd.s32 @!p3 s5, s3  }
0x3d: {  	[tilespmem:s9], [sflag:s10] =	stream.linear.gather @!p3 [hbm4b:s3+s22], $0x1400, $0x38;
	[tilespmem:$0x1B300] =	vst v63  }
0x3e: {  	s10 =	sadd.s32 $0x5, s20  }
0x3f: {  	s9 =	simm.s32 $0x1;
	_ =	swait.ge [sflag:s10], $0x2800  }
0x40: {  	s9 =	simm.s32 @!p2 $0x0;
	[sflag:s10] =	ssyncset.done $0x0  }
0x41: {  	s23 =	sadd.s32 $0x7, s20;
	s22 =	smul.u32 $0x5000, s9;
	[sflag:s10] =	ssyncadd.s32 $0xFFFFD800  }
0x42: {  	s9 =	smul.u32 $0xA000, s9;
	_ =	swait.ge [sflag:s23], $0x1400  }
0x43: {  	s10 =	sshrl.u32 s22, $0x2;
	[sflag:s23] =	ssyncset.done $0x0  }
0x44: {  	s9 =	sshrl.u32 s9, $0x2;
	s22 =	sadd.s32 $0x52C0, s10;
	[sflag:s23] =	ssyncadd.s32 $0xFFFFEC00  }
0x45: {  	s23 =	sor.u32 $0x300, s9;
	v0 =	vld [tilespmem:s22+$0xFFFFFFC0]  }
0x46: {  	v1 =	vld [tilespmem:s23+$0xFFFFFF80]  }
0x47: {  	v2 =	vld [tilespmem:s23+$0xFFFFFFC0];
	_ =	sdelay $0x2  }
0x48: {  	v3 =	vshll.u32 v0, $0x10  }
0x49: {  	v0 =	vand.u32 $0xFFFF0000, v0;
	v1 =	vadd.f32 v3, v1  }
0x4a: {  	v0 =	vadd.f32 v0, v2  }
0x4b: {  	v1 =	vmax.f32 v1, $0.0e+00  }
0x4c: {  	v0 =	vmax.f32 v0, $0.0e+00;
	[tilespmem:s23+$0xFFFFFF80] =	vst v1  }
0x4d: {  	[tilespmem:s23+$0xFFFFFFC0] =	vst v0  }
0x4e: {  	v0 =	vld [tilespmem:s22+$0xFFFFFFD0]  }
0x4f: {  	v1 =	vld [tilespmem:s23+$0xFFFFFF90]  }
0x50: {  	v2 =	vld [tilespmem:s23+$0xFFFFFFD0];
	_ =	sdelay $0x2  }
0x51: {  	v3 =	vshll.u32 v0, $0x10  }
0x52: {  	v0 =	vand.u32 $0xFFFF0000, v0;
	v1 =	vadd.f32 v3, v1  }
0x53: {  	v0 =	vadd.f32 v0, v2  }
0x54: {  	v1 =	vmax.f32 v1, $0.0e+00  }
0x55: {  	v0 =	vmax.f32 v0, $0.0e+00;
	[tilespmem:s23+$0xFFFFFF90] =	vst v1  }
0x56: {  	[tilespmem:s23+$0xFFFFFFD0] =	vst v0  }
0x57: {  	v0 =	vld [tilespmem:s22+$0xFFFFFFE0]  }
0x58: {  	v1 =	vld [tilespmem:s23+$0xFFFFFFA0]  }
0x59: {  	v2 =	vld [tilespmem:s23+$0xFFFFFFE0];
	_ =	sdelay $0x2  }
0x5a: {  	v3 =	vshll.u32 v0, $0x10  }
0x5b: {  	v0 =	vand.u32 $0xFFFF0000, v0;
	v1 =	vadd.f32 v3, v1  }
0x5c: {  	v0 =	vadd.f32 v0, v2  }
0x5d: {  	v1 =	vmax.f32 v1, $0.0e+00  }
0x5e: {  	v0 =	vmax.f32 v0, $0.0e+00;
	[tilespmem:s23+$0xFFFFFFA0] =	vst v1  }
0x5f: {  	[tilespmem:s23+$0xFFFFFFE0] =	vst v0  }
0x60: {  	v0 =	vld [tilespmem:s22+$0xFFFFFFF0]  }
0x61: {  	v2 =	vld [tilespmem:s23+$0xFFFFFFB0]  }
0x62: {  	v1 =	vld [tilespmem:s23+$0xFFFFFFF0];
	_ =	sdelay $0x2  }
0x63: {  	v3 =	vshll.u32 v0, $0x10  }
0x64: {  	v0 =	vand.u32 $0xFFFF0000, v0;
	v2 =	vadd.f32 v3, v2  }
0x65: {  	v0 =	vadd.f32 v0, v1  }
0x66: {  	v1 =	vmax.f32 v2, $0.0e+00  }
0x67: {  	v0 =	vmax.f32 v0, $0.0e+00;
	[tilespmem:s23+$0xFFFFFFB0] =	vst v1  }
0x68: {  	[tilespmem:s23+$0xFFFFFFF0] =	vst v0  }
0x69: {  	v0 =	vld [tilespmem:s22+$0x0]  }
0x6a: {  	v1 =	vld [tilespmem:s23+$0x0]  }
0x6b: {  	v2 =	vld [tilespmem:s23+$0x40];
	_ =	sdelay $0x2  }
0x6c: {  	v3 =	vshll.u32 v0, $0x10  }
0x6d: {  	v0 =	vand.u32 $0xFFFF0000, v0;
	v1 =	vadd.f32 v3, v1  }
0x6e: {  	v0 =	vadd.f32 v0, v2  }
0x6f: {  	v1 =	vmax.f32 v1, $0.0e+00  }
0x70: {  	v0 =	vmax.f32 v0, $0.0e+00;
	[tilespmem:s23+$0x0] =	vst v1  }
0x71: {  	[tilespmem:s23+$0x40] =	vst v0  }
0x72: {  	v0 =	vld [tilespmem:s22+$0x10]  }
0x73: {  	v1 =	vld [tilespmem:s23+$0x10]  }
0x74: {  	v2 =	vld [tilespmem:s23+$0x50];
	_ =	sdelay $0x2  }
0x75: {  	v3 =	vshll.u32 v0, $0x10  }
0x76: {  	v0 =	vand.u32 $0xFFFF0000, v0;
	v1 =	vadd.f32 v3, v1  }
0x77: {  	v0 =	vadd.f32 v0, v2  }
0x78: {  	v1 =	vmax.f32 v1, $0.0e+00  }
0x79: {  	v0 =	vmax.f32 v0, $0.0e+00;
	[tilespmem:s23+$0x10] =	vst v1  }
0x7a: {  	[tilespmem:s23+$0x50] =	vst v0  }
0x7b: {  	v0 =	vld [tilespmem:s22+$0x20]  }
0x7c: {  	v1 =	vld [tilespmem:s23+$0x20]  }
0x7d: {  	v2 =	vld [tilespmem:s23+$0x60];
	_ =	sdelay $0x2  }
0x7e: {  	v3 =	vshll.u32 v0, $0x10  }
0x7f: {  	v0 =	vand.u32 $0xFFFF0000, v0;
	v1 =	vadd.f32 v3, v1  }
0x80: {  	v0 =	vadd.f32 v0, v2  }
0x81: {  	s26 =	smul.u32 $0xA000, s20;
	v1 =	vmax.f32 v1, $0.0e+00  }
0x82: {  	v0 =	vmax.f32 v0, $0.0e+00;
	[tilespmem:s23+$0x20] =	vst v1  }
0x83: {  	s3 =	sshrl.u32 s26, $0x2;
	v2 =	vld [tilespmem:s23+$0x70];
	[tilespmem:s23+$0x60] =	vst v0  }
0x84: {  	s26 =	sor.u32 $0x280, s3;
	v1 =	vld [tilespmem:s22+$0x30]  }
0x85: {  	s10 =	simm.s32 $0x0;
	s9 =	sand.u32 $0x3, s31;
	s3 =	smov.u32 s23;
	v0 =	vld [tilespmem:s23+$0x30]  }
.LBB2_3:
0x86: {  	s10 =	sadd.s32 $0x2, s10;
	s22 =	sadd.s32 $0x80, s22;
	s23 =	sadd.s32 $0x100, s23  }
0x87: {  	p3 =	slt.u32 s10, $0x4E;
	_ =	sdelay $0x1  }
0x88: {  	v3 =	vshll.u32 v1, $0x10;
	v1 =	vand.u32 $0xFFFF0000, v1  }
0x89: {  	v0 =	vadd.f32 v3, v0;
	v1 =	vadd.f32 v1, v2;
	_ =	sdelay $0x1  }
0x8a: {  	v0 =	vmax.f32 v0, $0.0e+00;
	v1 =	vmax.f32 v1, $0.0e+00  }
0x8b: {  	[tilespmem:s3+$0x30] =	vst v0  }
0x8c: {  	v0 =	vld [tilespmem:s23+$0xFFFFFFC0];
	[tilespmem:s3+$0x70] =	vst v1;
	s3 =	smov.u32 s23  }
0x8d: {  	v1 =	vld [tilespmem:s22+$0xFFFFFFC0]  }
0x8e: {  	v2 =	vld [tilespmem:s23+$0xFFFFFF80];
	_ =	sdelay $0x3  }
0x8f: {  	v3 =	vshll.u32 v1, $0x10;
	v1 =	vand.u32 $0xFFFF0000, v1  }
0x90: {  	v2 =	vadd.f32 v3, v2;
	v0 =	vadd.f32 v1, v0;
	_ =	sdelay $0x1  }
0x91: {  	v1 =	vmax.f32 v2, $0.0e+00;
	v0 =	vmax.f32 v0, $0.0e+00  }
0x92: {  	[tilespmem:s23+$0xFFFFFF80] =	vst v1  }
0x93: {  	[tilespmem:s23+$0xFFFFFFC0] =	vst v0;
	v0 =	vld [tilespmem:s23+$0xFFFFFFD0]  }
0x94: {  	v1 =	vld [tilespmem:s22+$0xFFFFFFD0]  }
0x95: {  	v2 =	vld [tilespmem:s23+$0xFFFFFF90];
	_ =	sdelay $0x3  }
0x96: {  	v3 =	vshll.u32 v1, $0x10;
	v1 =	vand.u32 $0xFFFF0000, v1  }
0x97: {  	v2 =	vadd.f32 v3, v2;
	v0 =	vadd.f32 v1, v0;
	_ =	sdelay $0x1  }
0x98: {  	v1 =	vmax.f32 v2, $0.0e+00;
	v0 =	vmax.f32 v0, $0.0e+00  }
0x99: {  	[tilespmem:s23+$0xFFFFFF90] =	vst v1  }
0x9a: {  	[tilespmem:s23+$0xFFFFFFD0] =	vst v0;
	v0 =	vld [tilespmem:s23+$0xFFFFFFE0]  }
0x9b: {  	v1 =	vld [tilespmem:s22+$0xFFFFFFE0]  }
0x9c: {  	v2 =	vld [tilespmem:s23+$0xFFFFFFA0];
	_ =	sdelay $0x3  }
0x9d: {  	v3 =	vshll.u32 v1, $0x10;
	v1 =	vand.u32 $0xFFFF0000, v1  }
0x9e: {  	v2 =	vadd.f32 v3, v2;
	v0 =	vadd.f32 v1, v0;
	_ =	sdelay $0x1  }
0x9f: {  	v1 =	vmax.f32 v2, $0.0e+00;
	v0 =	vmax.f32 v0, $0.0e+00  }
0xa0: {  	[tilespmem:s23+$0xFFFFFFA0] =	vst v1;
	v1 =	vld [tilespmem:s23+$0xFFFFFFF0]  }
0xa1: {  	[tilespmem:s23+$0xFFFFFFE0] =	vst v0  }
0xa2: {  	v0 =	vld [tilespmem:s22+$0xFFFFFFF0]  }
0xa3: {  	v2 =	vld [tilespmem:s23+$0xFFFFFFB0];
	_ =	sdelay $0x3  }
0xa4: {  	v3 =	vshll.u32 v0, $0x10;
	v0 =	vand.u32 $0xFFFF0000, v0  }
0xa5: {  	v2 =	vadd.f32 v3, v2;
	v0 =	vadd.f32 v0, v1;
	_ =	sdelay $0x1  }
0xa6: {  	v1 =	vmax.f32 v2, $0.0e+00;
	v0 =	vmax.f32 v0, $0.0e+00  }
0xa7: {  	[tilespmem:s23+$0xFFFFFFB0] =	vst v1  }
0xa8: {  	[tilespmem:s23+$0xFFFFFFF0] =	vst v0;
	v0 =	vld [tilespmem:s23+$0x40]  }
0xa9: {  	v1 =	vld [tilespmem:s22+$0x0]  }
0xaa: {  	v2 =	vld [tilespmem:s23+$0x0];
	_ =	sdelay $0x3  }
0xab: {  	v3 =	vshll.u32 v1, $0x10;
	v1 =	vand.u32 $0xFFFF0000, v1  }
0xac: {  	v2 =	vadd.f32 v3, v2;
	v0 =	vadd.f32 v1, v0;
	_ =	sdelay $0x1  }
0xad: {  	v1 =	vmax.f32 v2, $0.0e+00;
	v0 =	vmax.f32 v0, $0.0e+00  }
0xae: {  	[tilespmem:s23+$0x0] =	vst v1  }
0xaf: {  	[tilespmem:s23+$0x40] =	vst v0;
	v0 =	vld [tilespmem:s23+$0x50]  }
0xb0: {  	v1 =	vld [tilespmem:s22+$0x10]  }
0xb1: {  	v2 =	vld [tilespmem:s23+$0x10];
	_ =	sdelay $0x3  }
0xb2: {  	v3 =	vshll.u32 v1, $0x10;
	v1 =	vand.u32 $0xFFFF0000, v1  }
0xb3: {  	v2 =	vadd.f32 v3, v2;
	v0 =	vadd.f32 v1, v0;
	_ =	sdelay $0x1  }
0xb4: {  	v1 =	vmax.f32 v2, $0.0e+00;
	v0 =	vmax.f32 v0, $0.0e+00  }
0xb5: {  	[tilespmem:s23+$0x10] =	vst v1  }
0xb6: {  	[tilespmem:s23+$0x50] =	vst v0;
	v0 =	vld [tilespmem:s23+$0x60]  }
0xb7: {  	v1 =	vld [tilespmem:s22+$0x20]  }
0xb8: {  	v2 =	vld [tilespmem:s23+$0x20];
	_ =	sdelay $0x3  }
0xb9: {  	v3 =	vshll.u32 v1, $0x10;
	v1 =	vand.u32 $0xFFFF0000, v1  }
0xba: {  	v2 =	vadd.f32 v3, v2;
	v0 =	vadd.f32 v1, v0;
	_ =	sdelay $0x1  }
.Ltmp0:
0xbb: {  	v1 =	vmax.f32 v2, $0.0e+00;
	v0 =	vmax.f32 v0, $0.0e+00;
	(pc) =	sbr.rel @p3 .LBB2_3-.Ltmp0, $4  }
0xbc: {  	[tilespmem:s23+$0x20] =	vst v1  }
0xbd: {  	[tilespmem:s23+$0x60] =	vst v0;
	v0 =	vld [tilespmem:s23+$0x30]  }
0xbe: {  	v1 =	vld [tilespmem:s22+$0x30]  }
0xbf: {  	v2 =	vld [tilespmem:s23+$0x70]  }
0xc0: {  	_ =	sdelay $0x2  }
0xc1: {  	v3 =	vshll.u32 v1, $0x10  }
0xc2: {  	p3 =	sgt.u32 s31, $0x3E;
	v63 =	vand.u32 $0xFFFF0000, v1;
	v0 =	vadd.f32 v3, v0  }
0xc3: {  	s9 =	smul.u32 $0x140, s9;
	s10 =	sadd.s32 @!p3 $0x2, s31;
	v1 =	vadd.f32 v63, v2  }
0xc4: {  	s23 =	sadd.s32 $0x9, s20;
	s20 =	smul.u32 @!p3 $0x50, s10;
	v0 =	vmax.f32 v0, $0.0e+00  }
0xc5: {  	s9 =	sshrl.u32 s9, $0x2;
	v1 =	vmax.f32 v1, $0.0e+00;
	[tilespmem:s3+$0x30] =	vst v0  }
0xc6: {  	s22 =	sadd.s32 $0x140, s9;
	s9 =	sadd.s32 @!p3 s7, s20;
	[tilespmem:s3+$0x70] =	vst v1;
	s3 =	sand.u32 @!p3 $0x3, s10  }
0xc7: {  	[spmem:s1] =	stream.indirect.scatter.add.f32 [tilespmem:s26], [sflag:s23], $0x80, s22, s21, $0xb8;
	[tilespmem:$0x1B300] =	vst v63  }
0xc8: {  	s9 =	sshrl.u32 @!p3 s9, $0x3;
	s10 =	smul.u32 @!p3 $0x50, s3  }
0xc9: {  	s20 =	sadd.s32 @!p3 s6, s9;
	s3 =	sadd.s32 @!p3 $0x1, s3;
	s22 =	simm.s32 @!p3 $0x0  }
0xca: {  	[tilespmem:s10], [sflag:s3] =	stream.linear.gather @!p3 [hbm4b:s20+s22], $0x50, $0x38;
	[tilespmem:$0x1B300] =	vst v63  }
0xcb: {  	s9 =	sadd.s32 @!p3 s8, s9;
	s10 =	sadd.s32 @!p3 $0x140, s10  }
0xcc: {  	[tilespmem:s10], [sflag:s3] =	stream.linear.gather @!p3 [hbm4b:s9+s22], $0x50, $0x38;
	[tilespmem:$0x1B300] =	vst v63  }
0xcd: {  	p3 =	sne.s32 s0, $0x41  }
.Ltmp1:
0xce: {  	_ = 	snop;
	(pc) =	sbr.rel @p3 .LBB2_2-.Ltmp1, $2  }
0xcf: {  	_ =	sdelay $0x2  }
0xd0: {  	p2 =	por !p2, !p2;
	s31 =	smov.u32 s0  }
0xd1: {  	_ =	swait.ge [sflag:s28], $0x2800  }
0xd2: {  	[sflag:s28] =	ssyncset.done $0x0  }
0xd3: {  	[sflag:s28] =	ssyncadd.s32 $0xFFFFD800  }
0xd4: {  	_ =	swait.ge [sflag:s29], $0x2800  }
0xd5: {  	[sflag:s29] =	ssyncset.done $0x0  }
0xd6: {  	[sflag:s29] =	ssyncadd.s32 $0xFFFFD800  }
0xd7: {  	s0 =	simm.s32 @p1 $0x1FCB;
	[bflag:$0x0] =	sbarrier.arrive $0xFFFF  }
0xd8: {  	[hbm:s16], [sflag:s0] =	dma.local @p1 [spmem:s24], $0x1900  }
0xd9: {  	s0 =	simm.s32 @p1 $0xB  }
0xda: {  	s3 =	stileid.u32;
	_ =	swait.ge @p1 [sflag:s0], $0x1900  }
0xdb: {  	s30 =	sadd.s32 $0x1, s30;
	s3 =	sshll.u32 @!p1 s3, $0x6;
	[sflag:s0] =	ssyncset.done @p1 $0x0  }
0xdc: {  	p2 =	sne.s32 s30, s17;
	[sflag:s0] =	ssyncadd.s32 @p1 $0xFFFFE700;
	s0 =	sor.u32 @!p1 $0x1C0B, s3  }
0xdd: {  	[hbm:s15], [sflag:s0] =	dma.local @!p1 [spmem:s25], $0x2800  }
.Ltmp2:
0xde: {  	_ = 	snop;
	(pc) =	sbr.rel @p2 .LBB2_1-.Ltmp2, $4  }
0xdf: {  	s0 =	simm.s32 @!p1 $0xB  }
0xe0: {  	_ =	swait.ge @!p1 [sflag:s0], $0x2800  }
0xe1: {  	[sflag:s0] =	ssyncset.done @!p1 $0x0  }
0xe2: {  	[sflag:s0] =	ssyncadd.s32 @!p1 $0xFFFFD800  }
0xe3: {  	_ =	sfence.sel $0x180000  }
0xe4: {  	[bflag:$0x0] =	sbarrier.arrive $0xFFFF  }
0xe5: {  	_ =	strace $0x9000004D  }
0xe6: {  	[bflag:$0x2] =	sbarrier.arrive $0xFFFF  }
0xe7: {  	s0 =	rddreg [dreg:$0x2]  }
0xe8: {  	s0 =	sadd.s32 @!p0 $0x100000, s0  }
0xe9: {  	[sflag:s0] =	ssyncadd.tile.s32 @!p0 $0x1;
	_ =	shalt  }
.Lfunc_end2:
_tile_overlayer_lowered:
.L_overlay_start_2:
0xea: {  	(tag) =	ssettag $0x2  }
0xeb: {  	s0 =	rddreg [dreg:$0x0];
	s2 =	stileid.u32  }
0xec: {  	s1 =	rddreg [dreg:$0x1];
	p0 =	sne.s32 s2, $0x0  }
0xed: {  	s3 =	rddreg [dreg:$0x2];
	[bflag:$0x3] =	sbarrier.arrive $0xFFFF;
	s2 =	simm.s32 @!p0 $0x1C0B  }
0xee: {  	[timem:s3], [sflag:s2] =	dma.local @!p0 [hbm:s0], s1  }
0xef: {  	s0 =	simm.s32 @!p0 $0xB  }
0xf0: {  	_ =	swait.ge @!p0 [sflag:s0], s1  }
0xf1: {  	s1 =	ssub.s32 @!p0 $0x0, s1;
	[sflag:s0] =	ssyncset.done @!p0 $0x0  }
0xf2: {  	[sflag:s0] =	ssyncadd.s32 @!p0 s1  }
0xf3: {  	[bflag:$0x3] =	sbarrier.arrive $0xFFFF  }
0xf4: {  	_ =	shalt  }

</sc_bundles>
